<compile_context>
chip_gen: v7x
topology: tpu7x:2x2x1
jax: 0.10.2.dev20260603
libtpu: 0.0.44.dev20260713+nightly
codegen_flags: <defaults>
</compile_context>

<pallas_src>
import functools

import jax
import jax.numpy as jnp
import numpy as np
from jax import lax
from jax.experimental import pallas as pl
from jax.experimental.pallas import tpu as pltpu
from jax.experimental.pallas import tpu_sc as plsc

NC = 2
NS = 16
L = 16

MAGIC = np.float32(1.5 * 2**23)
TABLE_N = 256
ROWS = 8
COLS = 2048
SPLIT = 4096 // COLS
NB = 4
LOOK = 3


CENTER = TABLE_N
JBIAS = np.int32(0x4B400000 - 256)


def _build_sym_table(table_v, t2_v):
    @pl.loop(0, 2 * TABLE_N // L)
    def _b(i):
        k = i * L + lax.iota(jnp.int32, L)
        d = k - np.int32(CENTER)
        a = jnp.minimum(jnp.abs(d), np.int32(TABLE_N - 1))
        t2_v[pl.ds(i * L, L)] = plsc.load_gather(table_v, [a])


def _compute_slab(buf, t2_v):
    @plsc.parallel_loop(0, COLS // L)
    def _vec(i):
        s = pl.ds(i * L, L)
        for r in range(ROWS):
            xv = buf[r, s]
            u = xv * np.float32(2.0**6) + MAGIC
            j = plsc.bitcast(u, jnp.int32) - JBIAS
            idx = jnp.minimum(plsc.bitcast(j, jnp.uint32),
                              np.uint32(2 * TABLE_N - 1))
            tv = plsc.load_gather(t2_v, [plsc.bitcast(idx, jnp.int32)])
            relu = jnp.where(u >= MAGIC, xv, np.float32(0.0))
            buf[r, s] = relu - tv


def _secgelu_body(x_hbm, table_hbm, out_hbm, table_v, t2_v,
                  b0, b1, b2, b3, isem, osem, n_chunks):
    bufs = [b0, b1, b2, b3]
    wid = lax.axis_index("s") * NC + lax.axis_index("c")
    batch = wid // 16
    row0 = (wid % 16) * 512

    def slab(ref, jj, b):
        row = pl.multiple_of(row0 + (jj // SPLIT) * ROWS, ROWS)
        return ref.at[batch, pl.ds(row, ROWS),
                      pl.ds((b % SPLIT) * COLS, COLS)]

    for b in range(LOOK):
        pltpu.async_copy(slab(x_hbm, b, b), bufs[b], isem.at[b])
    pltpu.sync_copy(table_hbm, table_v)
    _build_sym_table(table_v, t2_v)

    @pl.loop(0, n_chunks, step=NB)
    def _ring(j):
        for b in range(NB):
            jj = j + b
            pltpu.make_async_copy(slab(x_hbm, jj, b), bufs[b],
                                  isem.at[b]).wait()
            _compute_slab(bufs[b], t2_v)
            pltpu.async_copy(bufs[b], slab(out_hbm, jj, b), osem.at[b])

            bp = (b + LOOK) % NB

            @pl.when(jj + LOOK < n_chunks)
            def _prefetch():
                @pl.when(jj >= NB - LOOK)
                def _reclaim():
                    pltpu.make_async_copy(
                        bufs[bp], slab(out_hbm, jj + LOOK - NB, bp),
                        osem.at[bp]).wait()

                pltpu.async_copy(slab(x_hbm, jj + LOOK, bp), bufs[bp],
                                 isem.at[bp])

    for b in range(NB):
        jj = n_chunks - NB + b
        pltpu.make_async_copy(bufs[b], slab(out_hbm, jj, b),
                              osem.at[b]).wait()


def kernel(x, table):
    assert x.shape == (2, 8192, 4096) and x.dtype == jnp.float32
    n_chunks = (8192 // 16) // ROWS * SPLIT
    mesh = plsc.VectorSubcoreMesh(
        core_axis_name="c", subcore_axis_name="s",
        num_cores=NC, num_subcores=NS)
    body = functools.partial(_secgelu_body, n_chunks=n_chunks)
    return pl.kernel(
        body,
        out_type=jax.ShapeDtypeStruct(x.shape, jnp.float32),
        mesh=mesh,
        scratch_types=[
            pltpu.VMEM((TABLE_N,), jnp.float32),
            pltpu.VMEM((2 * TABLE_N,), jnp.float32),
            pltpu.VMEM((ROWS, COLS), jnp.float32),
            pltpu.VMEM((ROWS, COLS), jnp.float32),
            pltpu.VMEM((ROWS, COLS), jnp.float32),
            pltpu.VMEM((ROWS, COLS), jnp.float32),
            pltpu.SemaphoreType.DMA((NB,)),
            pltpu.SemaphoreType.DMA((NB,)),
        ],
        compiler_params=pltpu.CompilerParams(needs_layout_passes=False),
        name="secgelu_sc",
    )(x, table)

# --- scband reference (transcript-rebuilt; emitter-appended) ---
"""Pipeline reference for scband-sec-gelu-63711544869214 (READ-ONLY COPY).

The authoritative reference and input builder live on the scoring server;
editing this copy changes nothing except your own understanding.
"""

import jax, jax.numpy as jnp
import numpy as np

TABLE_SCALE_BIT = 6
TABLE_SIZE = 2 ** (TABLE_SCALE_BIT + 2)  # input domain [0, 4) quantized at 2**-f


def _create_gelu_table():
    # table[k] = ReLU(k/scale) - GeLU(k/scale) for k in [0, 4*scale)
    table_scale = 2 ** TABLE_SCALE_BIT
    k = jnp.arange(0, 4 * table_scale, dtype=jnp.float32) / table_scale
    relu = jnp.maximum(k, 0.0)
    gelu = 0.5 * k * (1.0 + jax.lax.erf(k / jnp.float32(np.sqrt(2.0))))
    return relu - gelu


def setup_inputs(seed: int = 0) -> dict:
    key = jax.random.key(seed)
    x = jax.random.normal(key, (2, 8192, 4096), dtype=jnp.float32)
    table = _create_gelu_table()  # precomputed lookup-table 'parameter'
    return {"x": x, "table": table}


def reference(x, table):
    # Faithful plaintext semantics of SecGELU forward (_gelu_forward_cpu):
    #   y = quantize(x) at table_scale_bit precision
    #   d = (y >= 0); p = d*y; a = 2*p - y = |y|
    #   i = (a < table_size); c = i*a + (1-i)*(table_size-1)  (clamp to table)
    #   out = d*x - table[c]   (since ReLU-GeLU is even and zero outside (-4,4))
    y = jnp.round(x * (2 ** TABLE_SCALE_BIT)).astype(jnp.int32)
    d = y >= 0
    p = jnp.where(d, y, 0)
    a = p * 2 - y  # |y|
    c = jnp.where(a < TABLE_SIZE, a, TABLE_SIZE - 1)
    relu_x = jnp.where(d, x, 0.0)
    return relu_x - jnp.take(table, c, axis=0)

if __name__ == "__main__":
    import jax
    _d = setup_inputs()
    print(jax.jit(kernel)(*tuple(_d.values())))

</pallas_src>

<mosaic_0001>
#map = affine_map<(d0, d1) -> (0, 0, 0)>
#map1 = affine_map<(d0, d1) -> (0)>
module attributes {stable_mosaic.version = 14 : i64} {
  func.func @secgelu_sc(%arg0: i32, %arg1: i32, %arg2: memref<2x8192x4096xf32, #tpu.memory_space<hbm>>, %arg3: memref<256xf32, #tpu.memory_space<hbm>>, %arg4: memref<2x8192x4096xf32, #tpu.memory_space<hbm>>, %arg5: memref<256xf32, #tpu.memory_space<vmem>>, %arg6: memref<512xf32, #tpu.memory_space<vmem>>, %arg7: memref<8x2048xf32, #tpu.memory_space<vmem>>, %arg8: memref<8x2048xf32, #tpu.memory_space<vmem>>, %arg9: memref<8x2048xf32, #tpu.memory_space<vmem>>, %arg10: memref<8x2048xf32, #tpu.memory_space<vmem>>, %arg11: memref<4x!tpu.dma_semaphore, #tpu.memory_space<semaphore_mem>>, %arg12: memref<4x!tpu.dma_semaphore, #tpu.memory_space<semaphore_mem>>) attributes {dimension_semantics = [#tpu.dimension_semantics<core_parallel>, #tpu.dimension_semantics<subcore_parallel>], iteration_bounds = array<i64: 2, 16>, scalar_prefetch = 0 : i64, scratch_operands = 8 : i64, tpu.core_type = #tpu.core_type<sc_vector_subcore>, window_params = [{transform_indices = #map}, {transform_indices = #map1}, {transform_indices = #map}]} {
    %mul3A = arith.constant 2 : i32
    %mul3A_0 = arith.muli %arg1, %mul3A : i32
    %add3A = arith.addi %mul3A_0, %arg0 : i32
    %jit3A = arith.constant 16 : i32
    %div3A = arith.divsi %add3A, %jit3A : i32
    %sign3A = arith.constant 0 : i32
    %sign3A_1 = arith.cmpi sgt, %add3A, %sign3A : i32
    %sign3A_2 = arith.extui %sign3A_1 : i1 to i32
    %sign3A_3 = arith.constant 0 : i32
    %sign3A_4 = arith.cmpi slt, %add3A, %sign3A_3 : i32
    %sign3A_5 = arith.extui %sign3A_4 : i1 to i32
    %sign3A_6 = arith.subi %sign3A_2, %sign3A_5 : i32
    %sign3A_7 = arith.constant 0 : i32
    %sign3A_8 = arith.cmpi sgt, %jit3A, %sign3A_7 : i32
    %sign3A_9 = arith.extui %sign3A_8 : i1 to i32
    %sign3A_10 = arith.constant 0 : i32
    %sign3A_11 = arith.cmpi slt, %jit3A, %sign3A_10 : i32
    %sign3A_12 = arith.extui %sign3A_11 : i1 to i32
    %sign3A_13 = arith.subi %sign3A_9, %sign3A_12 : i32
    %ne3A = arith.cmpi ne, %sign3A_6, %sign3A_13 : i32
    %rem3A = arith.remsi %add3A, %jit3A : i32
    %ne3A_14 = arith.constant 0 : i32
    %ne3A_15 = arith.cmpi ne, %rem3A, %ne3A_14 : i32
    %and3A = arith.andi %ne3A, %ne3A_15 : i1
    %sub3A = arith.constant 1 : i32
    %sub3A_16 = arith.subi %div3A, %sub3A : i32
    %select_n3A = arith.select %and3A, %sub3A_16, %div3A : i32
    %jit3A_17 = arith.constant 16 : i32
    %eq3A = arith.constant 0 : i32
    %eq3A_18 = arith.cmpi eq, %jit3A_17, %eq3A : i32
    %jit3A_19 = arith.constant 1 : i32
    %select_n3A_20 = arith.select %eq3A_18, %jit3A_19, %jit3A_17 : i32
    %rem3A_21 = arith.remsi %add3A, %select_n3A_20 : i32
    %ne3A_22 = arith.constant 0 : i32
    %ne3A_23 = arith.cmpi ne, %rem3A_21, %ne3A_22 : i32
    %lt3A = arith.constant 0 : i32
    %lt3A_24 = arith.cmpi slt, %rem3A_21, %lt3A : i32
    %lt3A_25 = arith.constant 0 : i32
    %lt3A_26 = arith.cmpi slt, %select_n3A_20, %lt3A_25 : i32
    %ne3A_27 = arith.xori %lt3A_24, %lt3A_26 : i1
    %and3A_28 = arith.andi %ne3A_27, %ne3A_23 : i1
    %add3A_29 = arith.addi %rem3A_21, %select_n3A_20 : i32
    %select_n3A_30 = arith.select %and3A_28, %add3A_29, %rem3A_21 : i32
    %mul3A_31 = arith.constant 512 : i32
    %mul3A_32 = arith.muli %select_n3A_30, %mul3A_31 : i32
    %add3A_33 = arith.constant 0 : i32
    %add3A_34 = arith.addi %mul3A_32, %add3A_33 : i32
    %multiple_of3A = tpu.assume_multiple %add3A_34, 8 : i32
    %dma_start3A = arith.constant 0 : i32
    %dma_start3A_35 = arith.constant 0 : i32
    %dma_start3A_36 = tpu.memref_slice %arg2[%select_n3A, %multiple_of3A, %dma_start3A_35] : memref<2x8192x4096xf32, #tpu.memory_space<hbm>> -> memref<1x8x2048xf32, #tpu.memory_space<hbm>>
    %dma_start3A_37 = tpu.memref_squeeze %dma_start3A_36 : memref<1x8x2048xf32, #tpu.memory_space<hbm>> -> memref<8x2048xf32, #tpu.memory_space<hbm>>
    %dma_start3A_38 = tpu.memref_slice %arg11[%dma_start3A] : memref<4x!tpu.dma_semaphore, #tpu.memory_space<semaphore_mem>> -> memref<1x!tpu.dma_semaphore, #tpu.memory_space<semaphore_mem>>
    %dma_start3A_39 = tpu.memref_squeeze %dma_start3A_38 : memref<1x!tpu.dma_semaphore, #tpu.memory_space<semaphore_mem>> -> memref<!tpu.dma_semaphore, #tpu.memory_space<semaphore_mem>>
    %dma_start3A_40 = arith.constant 0 : i32
    %dma_start3A_41 = tpu.memref_slice %arg2[%select_n3A, %multiple_of3A, %dma_start3A_40] : memref<2x8192x4096xf32, #tpu.memory_space<hbm>> -> memref<1x8x2048xf32, #tpu.memory_space<hbm>>
    %dma_start3A_42 = tpu.memref_squeeze %dma_start3A_41 : memref<1x8x2048xf32, #tpu.memory_space<hbm>> -> memref<8x2048xf32, #tpu.memory_space<hbm>>
    tpu.enqueue_dma source(%dma_start3A_42 : memref<8x2048xf32, #tpu.memory_space<hbm>>) target(%arg7 : memref<8x2048xf32, #tpu.memory_space<vmem>>) target_semaphore(%dma_start3A_39 : memref<!tpu.dma_semaphore, #tpu.memory_space<semaphore_mem>>)
    %add3A_43 = arith.constant 0 : i32
    %add3A_44 = arith.addi %mul3A_32, %add3A_43 : i32
    %multiple_of3A_45 = tpu.assume_multiple %add3A_44, 8 : i32
    %dma_start3A_46 = arith.constant 1 : i32
    %dma_start3A_47 = arith.constant 2048 : i32
    %dma_start3A_48 = tpu.memref_slice %arg2[%select_n3A, %multiple_of3A_45, %dma_start3A_47] : memref<2x8192x4096xf32, #tpu.memory_space<hbm>> -> memref<1x8x2048xf32, #tpu.memory_space<hbm>>
    %dma_start3A_49 = tpu.memref_squeeze %dma_start3A_48 : memref<1x8x2048xf32, #tpu.memory_space<hbm>> -> memref<8x2048xf32, #tpu.memory_space<hbm>>
    %dma_start3A_50 = tpu.memref_slice %arg11[%dma_start3A_46] : memref<4x!tpu.dma_semaphore, #tpu.memory_space<semaphore_mem>> -> memref<1x!tpu.dma_semaphore, #tpu.memory_space<semaphore_mem>>
    %dma_start3A_51 = tpu.memref_squeeze %dma_start3A_50 : memref<1x!tpu.dma_semaphore, #tpu.memory_space<semaphore_mem>> -> memref<!tpu.dma_semaphore, #tpu.memory_space<semaphore_mem>>
    %dma_start3A_52 = arith.constant 2048 : i32
    %dma_start3A_53 = tpu.memref_slice %arg2[%select_n3A, %multiple_of3A_45, %dma_start3A_52] : memref<2x8192x4096xf32, #tpu.memory_space<hbm>> -> memref<1x8x2048xf32, #tpu.memory_space<hbm>>
    %dma_start3A_54 = tpu.memref_squeeze %dma_start3A_53 : memref<1x8x2048xf32, #tpu.memory_space<hbm>> -> memref<8x2048xf32, #tpu.memory_space<hbm>>
    tpu.enqueue_dma source(%dma_start3A_54 : memref<8x2048xf32, #tpu.memory_space<hbm>>) target(%arg8 : memref<8x2048xf32, #tpu.memory_space<vmem>>) target_semaphore(%dma_start3A_51 : memref<!tpu.dma_semaphore, #tpu.memory_space<semaphore_mem>>)
    %add3A_55 = arith.constant 8 : i32
    %add3A_56 = arith.addi %mul3A_32, %add3A_55 : i32
    %multiple_of3A_57 = tpu.assume_multiple %add3A_56, 8 : i32
    %dma_start3A_58 = arith.constant 2 : i32
    %dma_start3A_59 = arith.constant 0 : i32
    %dma_start3A_60 = tpu.memref_slice %arg2[%select_n3A, %multiple_of3A_57, %dma_start3A_59] : memref<2x8192x4096xf32, #tpu.memory_space<hbm>> -> memref<1x8x2048xf32, #tpu.memory_space<hbm>>
    %dma_start3A_61 = tpu.memref_squeeze %dma_start3A_60 : memref<1x8x2048xf32, #tpu.memory_space<hbm>> -> memref<8x2048xf32, #tpu.memory_space<hbm>>
    %dma_start3A_62 = tpu.memref_slice %arg11[%dma_start3A_58] : memref<4x!tpu.dma_semaphore, #tpu.memory_space<semaphore_mem>> -> memref<1x!tpu.dma_semaphore, #tpu.memory_space<semaphore_mem>>
    %dma_start3A_63 = tpu.memref_squeeze %dma_start3A_62 : memref<1x!tpu.dma_semaphore, #tpu.memory_space<semaphore_mem>> -> memref<!tpu.dma_semaphore, #tpu.memory_space<semaphore_mem>>
    %dma_start3A_64 = arith.constant 0 : i32
    %dma_start3A_65 = tpu.memref_slice %arg2[%select_n3A, %multiple_of3A_57, %dma_start3A_64] : memref<2x8192x4096xf32, #tpu.memory_space<hbm>> -> memref<1x8x2048xf32, #tpu.memory_space<hbm>>
    %dma_start3A_66 = tpu.memref_squeeze %dma_start3A_65 : memref<1x8x2048xf32, #tpu.memory_space<hbm>> -> memref<8x2048xf32, #tpu.memory_space<hbm>>
    tpu.enqueue_dma source(%dma_start3A_66 : memref<8x2048xf32, #tpu.memory_space<hbm>>) target(%arg9 : memref<8x2048xf32, #tpu.memory_space<vmem>>) target_semaphore(%dma_start3A_63 : memref<!tpu.dma_semaphore, #tpu.memory_space<semaphore_mem>>)
    "tpu.region"() ({
      %run_scoped3A = tpu.sem_alloc : memref<!tpu.dma_semaphore, #tpu.memory_space<semaphore_mem>>
      tpu.enqueue_dma source(%arg3 : memref<256xf32, #tpu.memory_space<hbm>>) target(%arg5 : memref<256xf32, #tpu.memory_space<vmem>>) target_semaphore(%run_scoped3A : memref<!tpu.dma_semaphore, #tpu.memory_space<semaphore_mem>>)
      tpu.wait_dma2 semaphore(%run_scoped3A : memref<!tpu.dma_semaphore, #tpu.memory_space<semaphore_mem>>) src(%arg3 : memref<256xf32, #tpu.memory_space<hbm>>) dst(%arg5 : memref<256xf32, #tpu.memory_space<vmem>>)
      tpu.yield
    }) : () -> ()
    %scan3A = arith.constant 0 : i32
    %scan3A_67 = arith.constant 32 : i32
    %scan3A_68 = arith.addi %scan3A, %scan3A_67 : i32
    %scan3A_69 = arith.constant 1 : i32
    scf.for %scan3A_123 = %scan3A to %scan3A_68 step %scan3A_69  : i32 {
      %mul3A_124 = arith.constant 1 : i32
      %mul3A_125 = arith.muli %scan3A_123, %mul3A_124 : i32
      %add3A_126 = arith.constant 0 : i32
      %add3A_127 = arith.addi %add3A_126, %mul3A_125 : i32
      %mul3A_128 = arith.constant 16 : i32
      %mul3A_129 = arith.muli %add3A_127, %mul3A_128 : i32
      %iota3A = tpu.iota {dimensions = array<i32: 0>} : vector<16xi32>
      %add3A_130 = vector.broadcast %mul3A_129 : i32 to vector<16xi32>
      %add3A_131 = arith.addi %add3A_130, %iota3A : vector<16xi32>
      %sub3A_132 = arith.constant 256 : i32
      %sub3A_133 = vector.broadcast %sub3A_132 : i32 to vector<16xi32>
      %sub3A_134 = arith.subi %add3A_131, %sub3A_133 : vector<16xi32>
      %abs3A = math.absi %sub3A_134 : vector<16xi32>
      %min3A = arith.constant 255 : i32
      %min3A_135 = vector.broadcast %min3A : i32 to vector<16xi32>
      %min3A_136 = arith.minsi %abs3A, %min3A_135 : vector<16xi32>
      %gather3A = tpu.vector_load_idx %arg5[%min3A_136] : memref<256xf32, #tpu.memory_space<vmem>>[vector<16xi32>], vector<16xf32>,
      %mul3A_137 = arith.constant 16 : i32
      %mul3A_138 = arith.muli %add3A_127, %mul3A_137 : i32
      %swap3A = arith.index_cast %mul3A_138 : i32 to index
      %swap3A_139 = tpu.vector_load %arg6[%swap3A] {strides = array<i32>} : memref<512xf32, #tpu.memory_space<vmem>>, vector<16xf32>,
      tpu.vector_store %arg6[%swap3A], %gather3A {strides = array<i32>} : memref<512xf32, #tpu.memory_space<vmem>>, vector<16xf32>,
    }
    %scan3A_70 = arith.constant 32 : i32
    %scan3A_71 = arith.constant 0 : i32
    %scan3A_72 = arith.constant 32 : i32
    %scan3A_73 = arith.addi %scan3A_71, %scan3A_72 : i32
    %scan3A_74 = arith.constant 1 : i32
    scf.for %scan3A_123 = %scan3A_71 to %scan3A_73 step %scan3A_74  : i32 {
      %mul3A_124 = arith.constant 4 : i32
      %mul3A_125 = arith.muli %scan3A_123, %mul3A_124 : i32
      %add3A_126 = arith.constant 0 : i32
      %add3A_127 = arith.addi %add3A_126, %mul3A_125 : i32
      %add3A_128 = arith.constant 0 : i32
      %add3A_129 = arith.addi %add3A_127, %add3A_128 : i32
      %jit3A_130 = arith.constant 2 : i32
      %div3A_131 = arith.divsi %add3A_129, %jit3A_130 : i32
      %sign3A_132 = arith.constant 0 : i32
      %sign3A_133 = arith.cmpi sgt, %add3A_129, %sign3A_132 : i32
      %sign3A_134 = arith.extui %sign3A_133 : i1 to i32
      %sign3A_135 = arith.constant 0 : i32
      %sign3A_136 = arith.cmpi slt, %add3A_129, %sign3A_135 : i32
      %sign3A_137 = arith.extui %sign3A_136 : i1 to i32
      %sign3A_138 = arith.subi %sign3A_134, %sign3A_137 : i32
      %sign3A_139 = arith.constant 0 : i32
      %sign3A_140 = arith.cmpi sgt, %jit3A_130, %sign3A_139 : i32
      %sign3A_141 = arith.extui %sign3A_140 : i1 to i32
      %sign3A_142 = arith.constant 0 : i32
      %sign3A_143 = arith.cmpi slt, %jit3A_130, %sign3A_142 : i32
      %sign3A_144 = arith.extui %sign3A_143 : i1 to i32
      %sign3A_145 = arith.subi %sign3A_141, %sign3A_144 : i32
      %ne3A_146 = arith.cmpi ne, %sign3A_138, %sign3A_145 : i32
      %rem3A_147 = arith.remsi %add3A_129, %jit3A_130 : i32
      %ne3A_148 = arith.constant 0 : i32
      %ne3A_149 = arith.cmpi ne, %rem3A_147, %ne3A_148 : i32
      %and3A_150 = arith.andi %ne3A_146, %ne3A_149 : i1
      %sub3A_151 = arith.constant 1 : i32
      %sub3A_152 = arith.subi %div3A_131, %sub3A_151 : i32
      %select_n3A_153 = arith.select %and3A_150, %sub3A_152, %div3A_131 : i32
      %mul3A_154 = arith.constant 8 : i32
      %mul3A_155 = arith.muli %select_n3A_153, %mul3A_154 : i32
      %add3A_156 = arith.addi %mul3A_32, %mul3A_155 : i32
      %multiple_of3A_157 = tpu.assume_multiple %add3A_156, 8 : i32
      %dma_wait3A_158 = arith.constant 0 : i32
      %dma_wait3A_159 = arith.constant 0 : i32
      %dma_wait3A_160 = tpu.memref_slice %arg2[%select_n3A, %multiple_of3A_157, %dma_wait3A_159] : memref<2x8192x4096xf32, #tpu.memory_space<hbm>> -> memref<1x8x2048xf32, #tpu.memory_space<hbm>>
      %dma_wait3A_161 = tpu.memref_squeeze %dma_wait3A_160 : memref<1x8x2048xf32, #tpu.memory_space<hbm>> -> memref<8x2048xf32, #tpu.memory_space<hbm>>
      %dma_wait3A_162 = tpu.memref_slice %arg11[%dma_wait3A_158] : memref<4x!tpu.dma_semaphore, #tpu.memory_space<semaphore_mem>> -> memref<1x!tpu.dma_semaphore, #tpu.memory_space<semaphore_mem>>
      %dma_wait3A_163 = tpu.memref_squeeze %dma_wait3A_162 : memref<1x!tpu.dma_semaphore, #tpu.memory_space<semaphore_mem>> -> memref<!tpu.dma_semaphore, #tpu.memory_space<semaphore_mem>>
      %dma_wait3A_164 = arith.constant 0 : i32
      %dma_wait3A_165 = tpu.memref_slice %arg2[%select_n3A, %multiple_of3A_157, %dma_wait3A_164] : memref<2x8192x4096xf32, #tpu.memory_space<hbm>> -> memref<1x8x2048xf32, #tpu.memory_space<hbm>>
      %dma_wait3A_166 = tpu.memref_squeeze %dma_wait3A_165 : memref<1x8x2048xf32, #tpu.memory_space<hbm>> -> memref<8x2048xf32, #tpu.memory_space<hbm>>
      tpu.wait_dma2 semaphore(%dma_wait3A_163 : memref<!tpu.dma_semaphore, #tpu.memory_space<semaphore_mem>>) src(%dma_wait3A_166 : memref<8x2048xf32, #tpu.memory_space<hbm>>) dst(%arg7 : memref<8x2048xf32, #tpu.memory_space<vmem>>)
      %parallel_loop3A = arith.constant 0 : i32
      %parallel_loop3A_167 = arith.constant 128 : i32
      %parallel_loop3A_168 = arith.constant 1 : i32
      scf.for %parallel_loop3A_469 = %parallel_loop3A to %parallel_loop3A_167 step %parallel_loop3A_168  : i32 {
        %parallel_loop3A_470 = arith.constant 16 : i32
        %parallel_loop3A_471 = arith.muli %parallel_loop3A_469, %parallel_loop3A_470 : i32
        %parallel_loop3A_472 = arith.constant 0 : i32
        %parallel_loop3A_473 = arith.index_cast %parallel_loop3A_472 : i32 to index
        %parallel_loop3A_474 = arith.index_cast %parallel_loop3A_471 : i32 to index
        %parallel_loop3A_475 = tpu.vector_load %arg7[%parallel_loop3A_473, %parallel_loop3A_474] {strides = array<i32>} : memref<8x2048xf32, #tpu.memory_space<vmem>>, vector<16xf32>,
        %parallel_loop3A_476 = arith.constant 6.400000e+01 : f32
        %parallel_loop3A_477 = vector.broadcast %parallel_loop3A_476 : f32 to vector<16xf32>
        %parallel_loop3A_478 = arith.mulf %parallel_loop3A_475, %parallel_loop3A_477 : vector<16xf32>
        %parallel_loop3A_479 = arith.constant 0x4B400000 : f32
        %parallel_loop3A_480 = vector.broadcast %parallel_loop3A_479 : f32 to vector<16xf32>
        %parallel_loop3A_481 = arith.addf %parallel_loop3A_478, %parallel_loop3A_480 : vector<16xf32>
        %parallel_loop3A_482 = vector.bitcast %parallel_loop3A_481 : vector<16xf32> to vector<16xi32>
        %parallel_loop3A_483 = arith.constant 1262485248 : i32
        %parallel_loop3A_484 = vector.broadcast %parallel_loop3A_483 : i32 to vector<16xi32>
        %parallel_loop3A_485 = arith.subi %parallel_loop3A_482, %parallel_loop3A_484 : vector<16xi32>
        %parallel_loop3A_486 = vector.bitcast %parallel_loop3A_485 : vector<16xi32> to vector<16xi32>
        %parallel_loop3A_487 = arith.constant 511 : i32
        %parallel_loop3A_488 = vector.broadcast %parallel_loop3A_487 : i32 to vector<16xi32>
        %parallel_loop3A_489 = arith.minui %parallel_loop3A_486, %parallel_loop3A_488 : vector<16xi32>
        %parallel_loop3A_490 = vector.bitcast %parallel_loop3A_489 : vector<16xi32> to vector<16xi32>
        %parallel_loop3A_491 = tpu.vector_load_idx %arg6[%parallel_loop3A_490] : memref<512xf32, #tpu.memory_space<vmem>>[vector<16xi32>], vector<16xf32>,
        %parallel_loop3A_492 = arith.constant 0x4B400000 : f32
        %parallel_loop3A_493 = vector.broadcast %parallel_loop3A_492 : f32 to vector<16xf32>
        %parallel_loop3A_494 = arith.cmpf oge, %parallel_loop3A_481, %parallel_loop3A_493 : vector<16xf32>
        %parallel_loop3A_495 = arith.constant 0.000000e+00 : f32
        %parallel_loop3A_496 = vector.broadcast %parallel_loop3A_495 : f32 to vector<16xf32>
        %parallel_loop3A_497 = arith.select %parallel_loop3A_494, %parallel_loop3A_475, %parallel_loop3A_496 : vector<16xi1>, vector<16xf32>
        %parallel_loop3A_498 = arith.subf %parallel_loop3A_497, %parallel_loop3A_491 : vector<16xf32>
        %parallel_loop3A_499 = arith.constant 0 : i32
        %parallel_loop3A_500 = arith.index_cast %parallel_loop3A_499 : i32 to index
        %parallel_loop3A_501 = arith.index_cast %parallel_loop3A_471 : i32 to index
        %parallel_loop3A_502 = tpu.vector_load %arg7[%parallel_loop3A_500, %parallel_loop3A_501] {strides = array<i32>} : memref<8x2048xf32, #tpu.memory_space<vmem>>, vector<16xf32>,
        tpu.vector_store %arg7[%parallel_loop3A_500, %parallel_loop3A_501], %parallel_loop3A_498 {strides = array<i32>} : memref<8x2048xf32, #tpu.memory_space<vmem>>, vector<16xf32>,
        %parallel_loop3A_503 = arith.constant 1 : i32
        %parallel_loop3A_504 = arith.index_cast %parallel_loop3A_503 : i32 to index
        %parallel_loop3A_505 = arith.index_cast %parallel_loop3A_471 : i32 to index
        %parallel_loop3A_506 = tpu.vector_load %arg7[%parallel_loop3A_504, %parallel_loop3A_505] {strides = array<i32>} : memref<8x2048xf32, #tpu.memory_space<vmem>>, vector<16xf32>,
        %parallel_loop3A_507 = arith.constant 6.400000e+01 : f32
        %parallel_loop3A_508 = vector.broadcast %parallel_loop3A_507 : f32 to vector<16xf32>
        %parallel_loop3A_509 = arith.mulf %parallel_loop3A_506, %parallel_loop3A_508 : vector<16xf32>
        %parallel_loop3A_510 = arith.constant 0x4B400000 : f32
        %parallel_loop3A_511 = vector.broadcast %parallel_loop3A_510 : f32 to vector<16xf32>
        %parallel_loop3A_512 = arith.addf %parallel_loop3A_509, %parallel_loop3A_511 : vector<16xf32>
        %parallel_loop3A_513 = vector.bitcast %parallel_loop3A_512 : vector<16xf32> to vector<16xi32>
        %parallel_loop3A_514 = arith.constant 1262485248 : i32
        %parallel_loop3A_515 = vector.broadcast %parallel_loop3A_514 : i32 to vector<16xi32>
        %parallel_loop3A_516 = arith.subi %parallel_loop3A_513, %parallel_loop3A_515 : vector<16xi32>
        %parallel_loop3A_517 = vector.bitcast %parallel_loop3A_516 : vector<16xi32> to vector<16xi32>
        %parallel_loop3A_518 = arith.constant 511 : i32
        %parallel_loop3A_519 = vector.broadcast %parallel_loop3A_518 : i32 to vector<16xi32>
        %parallel_loop3A_520 = arith.minui %parallel_loop3A_517, %parallel_loop3A_519 : vector<16xi32>
        %parallel_loop3A_521 = vector.bitcast %parallel_loop3A_520 : vector<16xi32> to vector<16xi32>
        %parallel_loop3A_522 = tpu.vector_load_idx %arg6[%parallel_loop3A_521] : memref<512xf32, #tpu.memory_space<vmem>>[vector<16xi32>], vector<16xf32>,
        %parallel_loop3A_523 = arith.constant 0x4B400000 : f32
        %parallel_loop3A_524 = vector.broadcast %parallel_loop3A_523 : f32 to vector<16xf32>
        %parallel_loop3A_525 = arith.cmpf oge, %parallel_loop3A_512, %parallel_loop3A_524 : vector<16xf32>
        %parallel_loop3A_526 = arith.constant 0.000000e+00 : f32
        %parallel_loop3A_527 = vector.broadcast %parallel_loop3A_526 : f32 to vector<16xf32>
        %parallel_loop3A_528 = arith.select %parallel_loop3A_525, %parallel_loop3A_506, %parallel_loop3A_527 : vector<16xi1>, vector<16xf32>
        %parallel_loop3A_529 = arith.subf %parallel_loop3A_528, %parallel_loop3A_522 : vector<16xf32>
        %parallel_loop3A_530 = arith.constant 1 : i32
        %parallel_loop3A_531 = arith.index_cast %parallel_loop3A_530 : i32 to index
        %parallel_loop3A_532 = arith.index_cast %parallel_loop3A_471 : i32 to index
        %parallel_loop3A_533 = tpu.vector_load %arg7[%parallel_loop3A_531, %parallel_loop3A_532] {strides = array<i32>} : memref<8x2048xf32, #tpu.memory_space<vmem>>, vector<16xf32>,
        tpu.vector_store %arg7[%parallel_loop3A_531, %parallel_loop3A_532], %parallel_loop3A_529 {strides = array<i32>} : memref<8x2048xf32, #tpu.memory_space<vmem>>, vector<16xf32>,
        %parallel_loop3A_534 = arith.constant 2 : i32
        %parallel_loop3A_535 = arith.index_cast %parallel_loop3A_534 : i32 to index
        %parallel_loop3A_536 = arith.index_cast %parallel_loop3A_471 : i32 to index
        %parallel_loop3A_537 = tpu.vector_load %arg7[%parallel_loop3A_535, %parallel_loop3A_536] {strides = array<i32>} : memref<8x2048xf32, #tpu.memory_space<vmem>>, vector<16xf32>,
        %parallel_loop3A_538 = arith.constant 6.400000e+01 : f32
        %parallel_loop3A_539 = vector.broadcast %parallel_loop3A_538 : f32 to vector<16xf32>
        %parallel_loop3A_540 = arith.mulf %parallel_loop3A_537, %parallel_loop3A_539 : vector<16xf32>
        %parallel_loop3A_541 = arith.constant 0x4B400000 : f32
        %parallel_loop3A_542 = vector.broadcast %parallel_loop3A_541 : f32 to vector<16xf32>
        %parallel_loop3A_543 = arith.addf %parallel_loop3A_540, %parallel_loop3A_542 : vector<16xf32>
        %parallel_loop3A_544 = vector.bitcast %parallel_loop3A_543 : vector<16xf32> to vector<16xi32>
        %parallel_loop3A_545 = arith.constant 1262485248 : i32
        %parallel_loop3A_546 = vector.broadcast %parallel_loop3A_545 : i32 to vector<16xi32>
        %parallel_loop3A_547 = arith.subi %parallel_loop3A_544, %parallel_loop3A_546 : vector<16xi32>
        %parallel_loop3A_548 = vector.bitcast %parallel_loop3A_547 : vector<16xi32> to vector<16xi32>
        %parallel_loop3A_549 = arith.constant 511 : i32
        %parallel_loop3A_550 = vector.broadcast %parallel_loop3A_549 : i32 to vector<16xi32>
        %parallel_loop3A_551 = arith.minui %parallel_loop3A_548, %parallel_loop3A_550 : vector<16xi32>
        %parallel_loop3A_552 = vector.bitcast %parallel_loop3A_551 : vector<16xi32> to vector<16xi32>
        %parallel_loop3A_553 = tpu.vector_load_idx %arg6[%parallel_loop3A_552] : memref<512xf32, #tpu.memory_space<vmem>>[vector<16xi32>], vector<16xf32>,
        %parallel_loop3A_554 = arith.constant 0x4B400000 : f32
        %parallel_loop3A_555 = vector.broadcast %parallel_loop3A_554 : f32 to vector<16xf32>
        %parallel_loop3A_556 = arith.cmpf oge, %parallel_loop3A_543, %parallel_loop3A_555 : vector<16xf32>
        %parallel_loop3A_557 = arith.constant 0.000000e+00 : f32
        %parallel_loop3A_558 = vector.broadcast %parallel_loop3A_557 : f32 to vector<16xf32>
        %parallel_loop3A_559 = arith.select %parallel_loop3A_556, %parallel_loop3A_537, %parallel_loop3A_558 : vector<16xi1>, vector<16xf32>
        %parallel_loop3A_560 = arith.subf %parallel_loop3A_559, %parallel_loop3A_553 : vector<16xf32>
        %parallel_loop3A_561 = arith.constant 2 : i32
        %parallel_loop3A_562 = arith.index_cast %parallel_loop3A_561 : i32 to index
        %parallel_loop3A_563 = arith.index_cast %parallel_loop3A_471 : i32 to index
        %parallel_loop3A_564 = tpu.vector_load %arg7[%parallel_loop3A_562, %parallel_loop3A_563] {strides = array<i32>} : memref<8x2048xf32, #tpu.memory_space<vmem>>, vector<16xf32>,
        tpu.vector_store %arg7[%parallel_loop3A_562, %parallel_loop3A_563], %parallel_loop3A_560 {strides = array<i32>} : memref<8x2048xf32, #tpu.memory_space<vmem>>, vector<16xf32>,
        %parallel_loop3A_565 = arith.constant 3 : i32
        %parallel_loop3A_566 = arith.index_cast %parallel_loop3A_565 : i32 to index
        %parallel_loop3A_567 = arith.index_cast %parallel_loop3A_471 : i32 to index
        %parallel_loop3A_568 = tpu.vector_load %arg7[%parallel_loop3A_566, %parallel_loop3A_567] {strides = array<i32>} : memref<8x2048xf32, #tpu.memory_space<vmem>>, vector<16xf32>,
        %parallel_loop3A_569 = arith.constant 6.400000e+01 : f32
        %parallel_loop3A_570 = vector.broadcast %parallel_loop3A_569 : f32 to vector<16xf32>
        %parallel_loop3A_571 = arith.mulf %parallel_loop3A_568, %parallel_loop3A_570 : vector<16xf32>
        %parallel_loop3A_572 = arith.constant 0x4B400000 : f32
        %parallel_loop3A_573 = vector.broadcast %parallel_loop3A_572 : f32 to vector<16xf32>
        %parallel_loop3A_574 = arith.addf %parallel_loop3A_571, %parallel_loop3A_573 : vector<16xf32>
        %parallel_loop3A_575 = vector.bitcast %parallel_loop3A_574 : vector<16xf32> to vector<16xi32>
        %parallel_loop3A_576 = arith.constant 1262485248 : i32
        %parallel_loop3A_577 = vector.broadcast %parallel_loop3A_576 : i32 to vector<16xi32>
        %parallel_loop3A_578 = arith.subi %parallel_loop3A_575, %parallel_loop3A_577 : vector<16xi32>
        %parallel_loop3A_579 = vector.bitcast %parallel_loop3A_578 : vector<16xi32> to vector<16xi32>
        %parallel_loop3A_580 = arith.constant 511 : i32
        %parallel_loop3A_581 = vector.broadcast %parallel_loop3A_580 : i32 to vector<16xi32>
        %parallel_loop3A_582 = arith.minui %parallel_loop3A_579, %parallel_loop3A_581 : vector<16xi32>
        %parallel_loop3A_583 = vector.bitcast %parallel_loop3A_582 : vector<16xi32> to vector<16xi32>
        %parallel_loop3A_584 = tpu.vector_load_idx %arg6[%parallel_loop3A_583] : memref<512xf32, #tpu.memory_space<vmem>>[vector<16xi32>], vector<16xf32>,
        %parallel_loop3A_585 = arith.constant 0x4B400000 : f32
        %parallel_loop3A_586 = vector.broadcast %parallel_loop3A_585 : f32 to vector<16xf32>
        %parallel_loop3A_587 = arith.cmpf oge, %parallel_loop3A_574, %parallel_loop3A_586 : vector<16xf32>
        %parallel_loop3A_588 = arith.constant 0.000000e+00 : f32
        %parallel_loop3A_589 = vector.broadcast %parallel_loop3A_588 : f32 to vector<16xf32>
        %parallel_loop3A_590 = arith.select %parallel_loop3A_587, %parallel_loop3A_568, %parallel_loop3A_589 : vector<16xi1>, vector<16xf32>
        %parallel_loop3A_591 = arith.subf %parallel_loop3A_590, %parallel_loop3A_584 : vector<16xf32>
        %parallel_loop3A_592 = arith.constant 3 : i32
        %parallel_loop3A_593 = arith.index_cast %parallel_loop3A_592 : i32 to index
        %parallel_loop3A_594 = arith.index_cast %parallel_loop3A_471 : i32 to index
        %parallel_loop3A_595 = tpu.vector_load %arg7[%parallel_loop3A_593, %parallel_loop3A_594] {strides = array<i32>} : memref<8x2048xf32, #tpu.memory_space<vmem>>, vector<16xf32>,
        tpu.vector_store %arg7[%parallel_loop3A_593, %parallel_loop3A_594], %parallel_loop3A_591 {strides = array<i32>} : memref<8x2048xf32, #tpu.memory_space<vmem>>, vector<16xf32>,
        %parallel_loop3A_596 = arith.constant 4 : i32
        %parallel_loop3A_597 = arith.index_cast %parallel_loop3A_596 : i32 to index
        %parallel_loop3A_598 = arith.index_cast %parallel_loop3A_471 : i32 to index
        %parallel_loop3A_599 = tpu.vector_load %arg7[%parallel_loop3A_597, %parallel_loop3A_598] {strides = array<i32>} : memref<8x2048xf32, #tpu.memory_space<vmem>>, vector<16xf32>,
        %parallel_loop3A_600 = arith.constant 6.400000e+01 : f32
        %parallel_loop3A_601 = vector.broadcast %parallel_loop3A_600 : f32 to vector<16xf32>
        %parallel_loop3A_602 = arith.mulf %parallel_loop3A_599, %parallel_loop3A_601 : vector<16xf32>
        %parallel_loop3A_603 = arith.constant 0x4B400000 : f32
        %parallel_loop3A_604 = vector.broadcast %parallel_loop3A_603 : f32 to vector<16xf32>
        %parallel_loop3A_605 = arith.addf %parallel_loop3A_602, %parallel_loop3A_604 : vector<16xf32>
        %parallel_loop3A_606 = vector.bitcast %parallel_loop3A_605 : vector<16xf32> to vector<16xi32>
        %parallel_loop3A_607 = arith.constant 1262485248 : i32
        %parallel_loop3A_608 = vector.broadcast %parallel_loop3A_607 : i32 to vector<16xi32>
        %parallel_loop3A_609 = arith.subi %parallel_loop3A_606, %parallel_loop3A_608 : vector<16xi32>
        %parallel_loop3A_610 = vector.bitcast %parallel_loop3A_609 : vector<16xi32> to vector<16xi32>
        %parallel_loop3A_611 = arith.constant 511 : i32
        %parallel_loop3A_612 = vector.broadcast %parallel_loop3A_611 : i32 to vector<16xi32>
        %parallel_loop3A_613 = arith.minui %parallel_loop3A_610, %parallel_loop3A_612 : vector<16xi32>
        %parallel_loop3A_614 = vector.bitcast %parallel_loop3A_613 : vector<16xi32> to vector<16xi32>
        %parallel_loop3A_615 = tpu.vector_load_idx %arg6[%parallel_loop3A_614] : memref<512xf32, #tpu.memory_space<vmem>>[vector<16xi32>], vector<16xf32>,
        %parallel_loop3A_616 = arith.constant 0x4B400000 : f32
        %parallel_loop3A_617 = vector.broadcast %parallel_loop3A_616 : f32 to vector<16xf32>
        %parallel_loop3A_618 = arith.cmpf oge, %parallel_loop3A_605, %parallel_loop3A_617 : vector<16xf32>
        %parallel_loop3A_619 = arith.constant 0.000000e+00 : f32
        %parallel_loop3A_620 = vector.broadcast %parallel_loop3A_619 : f32 to vector<16xf32>
        %parallel_loop3A_621 = arith.select %parallel_loop3A_618, %parallel_loop3A_599, %parallel_loop3A_620 : vector<16xi1>, vector<16xf32>
        %parallel_loop3A_622 = arith.subf %parallel_loop3A_621, %parallel_loop3A_615 : vector<16xf32>
        %parallel_loop3A_623 = arith.constant 4 : i32
        %parallel_loop3A_624 = arith.index_cast %parallel_loop3A_623 : i32 to index
        %parallel_loop3A_625 = arith.index_cast %parallel_loop3A_471 : i32 to index
        %parallel_loop3A_626 = tpu.vector_load %arg7[%parallel_loop3A_624, %parallel_loop3A_625] {strides = array<i32>} : memref<8x2048xf32, #tpu.memory_space<vmem>>, vector<16xf32>,
        tpu.vector_store %arg7[%parallel_loop3A_624, %parallel_loop3A_625], %parallel_loop3A_622 {strides = array<i32>} : memref<8x2048xf32, #tpu.memory_space<vmem>>, vector<16xf32>,
        %parallel_loop3A_627 = arith.constant 5 : i32
        %parallel_loop3A_628 = arith.index_cast %parallel_loop3A_627 : i32 to index
        %parallel_loop3A_629 = arith.index_cast %parallel_loop3A_471 : i32 to index
        %parallel_loop3A_630 = tpu.vector_load %arg7[%parallel_loop3A_628, %parallel_loop3A_629] {strides = array<i32>} : memref<8x2048xf32, #tpu.memory_space<vmem>>, vector<16xf32>,
        %parallel_loop3A_631 = arith.constant 6.400000e+01 : f32
        %parallel_loop3A_632 = vector.broadcast %parallel_loop3A_631 : f32 to vector<16xf32>
        %parallel_loop3A_633 = arith.mulf %parallel_loop3A_630, %parallel_loop3A_632 : vector<16xf32>
        %parallel_loop3A_634 = arith.constant 0x4B400000 : f32
        %parallel_loop3A_635 = vector.broadcast %parallel_loop3A_634 : f32 to vector<16xf32>
        %parallel_loop3A_636 = arith.addf %parallel_loop3A_633, %parallel_loop3A_635 : vector<16xf32>
        %parallel_loop3A_637 = vector.bitcast %parallel_loop3A_636 : vector<16xf32> to vector<16xi32>
        %parallel_loop3A_638 = arith.constant 1262485248 : i32
        %parallel_loop3A_639 = vector.broadcast %parallel_loop3A_638 : i32 to vector<16xi32>
        %parallel_loop3A_640 = arith.subi %parallel_loop3A_637, %parallel_loop3A_639 : vector<16xi32>
        %parallel_loop3A_641 = vector.bitcast %parallel_loop3A_640 : vector<16xi32> to vector<16xi32>
        %parallel_loop3A_642 = arith.constant 511 : i32
        %parallel_loop3A_643 = vector.broadcast %parallel_loop3A_642 : i32 to vector<16xi32>
        %parallel_loop3A_644 = arith.minui %parallel_loop3A_641, %parallel_loop3A_643 : vector<16xi32>
        %parallel_loop3A_645 = vector.bitcast %parallel_loop3A_644 : vector<16xi32> to vector<16xi32>
        %parallel_loop3A_646 = tpu.vector_load_idx %arg6[%parallel_loop3A_645] : memref<512xf32, #tpu.memory_space<vmem>>[vector<16xi32>], vector<16xf32>,
        %parallel_loop3A_647 = arith.constant 0x4B400000 : f32
        %parallel_loop3A_648 = vector.broadcast %parallel_loop3A_647 : f32 to vector<16xf32>
        %parallel_loop3A_649 = arith.cmpf oge, %parallel_loop3A_636, %parallel_loop3A_648 : vector<16xf32>
        %parallel_loop3A_650 = arith.constant 0.000000e+00 : f32
        %parallel_loop3A_651 = vector.broadcast %parallel_loop3A_650 : f32 to vector<16xf32>
        %parallel_loop3A_652 = arith.select %parallel_loop3A_649, %parallel_loop3A_630, %parallel_loop3A_651 : vector<16xi1>, vector<16xf32>
        %parallel_loop3A_653 = arith.subf %parallel_loop3A_652, %parallel_loop3A_646 : vector<16xf32>
        %parallel_loop3A_654 = arith.constant 5 : i32
        %parallel_loop3A_655 = arith.index_cast %parallel_loop3A_654 : i32 to index
        %parallel_loop3A_656 = arith.index_cast %parallel_loop3A_471 : i32 to index
        %parallel_loop3A_657 = tpu.vector_load %arg7[%parallel_loop3A_655, %parallel_loop3A_656] {strides = array<i32>} : memref<8x2048xf32, #tpu.memory_space<vmem>>, vector<16xf32>,
        tpu.vector_store %arg7[%parallel_loop3A_655, %parallel_loop3A_656], %parallel_loop3A_653 {strides = array<i32>} : memref<8x2048xf32, #tpu.memory_space<vmem>>, vector<16xf32>,
        %parallel_loop3A_658 = arith.constant 6 : i32
        %parallel_loop3A_659 = arith.index_cast %parallel_loop3A_658 : i32 to index
        %parallel_loop3A_660 = arith.index_cast %parallel_loop3A_471 : i32 to index
        %parallel_loop3A_661 = tpu.vector_load %arg7[%parallel_loop3A_659, %parallel_loop3A_660] {strides = array<i32>} : memref<8x2048xf32, #tpu.memory_space<vmem>>, vector<16xf32>,
        %parallel_loop3A_662 = arith.constant 6.400000e+01 : f32
        %parallel_loop3A_663 = vector.broadcast %parallel_loop3A_662 : f32 to vector<16xf32>
        %parallel_loop3A_664 = arith.mulf %parallel_loop3A_661, %parallel_loop3A_663 : vector<16xf32>
        %parallel_loop3A_665 = arith.constant 0x4B400000 : f32
        %parallel_loop3A_666 = vector.broadcast %parallel_loop3A_665 : f32 to vector<16xf32>
        %parallel_loop3A_667 = arith.addf %parallel_loop3A_664, %parallel_loop3A_666 : vector<16xf32>
        %parallel_loop3A_668 = vector.bitcast %parallel_loop3A_667 : vector<16xf32> to vector<16xi32>
        %parallel_loop3A_669 = arith.constant 1262485248 : i32
        %parallel_loop3A_670 = vector.broadcast %parallel_loop3A_669 : i32 to vector<16xi32>
        %parallel_loop3A_671 = arith.subi %parallel_loop3A_668, %parallel_loop3A_670 : vector<16xi32>
        %parallel_loop3A_672 = vector.bitcast %parallel_loop3A_671 : vector<16xi32> to vector<16xi32>
        %parallel_loop3A_673 = arith.constant 511 : i32
        %parallel_loop3A_674 = vector.broadcast %parallel_loop3A_673 : i32 to vector<16xi32>
        %parallel_loop3A_675 = arith.minui %parallel_loop3A_672, %parallel_loop3A_674 : vector<16xi32>
        %parallel_loop3A_676 = vector.bitcast %parallel_loop3A_675 : vector<16xi32> to vector<16xi32>
        %parallel_loop3A_677 = tpu.vector_load_idx %arg6[%parallel_loop3A_676] : memref<512xf32, #tpu.memory_space<vmem>>[vector<16xi32>], vector<16xf32>,
        %parallel_loop3A_678 = arith.constant 0x4B400000 : f32
        %parallel_loop3A_679 = vector.broadcast %parallel_loop3A_678 : f32 to vector<16xf32>
        %parallel_loop3A_680 = arith.cmpf oge, %parallel_loop3A_667, %parallel_loop3A_679 : vector<16xf32>
        %parallel_loop3A_681 = arith.constant 0.000000e+00 : f32
        %parallel_loop3A_682 = vector.broadcast %parallel_loop3A_681 : f32 to vector<16xf32>
        %parallel_loop3A_683 = arith.select %parallel_loop3A_680, %parallel_loop3A_661, %parallel_loop3A_682 : vector<16xi1>, vector<16xf32>
        %parallel_loop3A_684 = arith.subf %parallel_loop3A_683, %parallel_loop3A_677 : vector<16xf32>
        %parallel_loop3A_685 = arith.constant 6 : i32
        %parallel_loop3A_686 = arith.index_cast %parallel_loop3A_685 : i32 to index
        %parallel_loop3A_687 = arith.index_cast %parallel_loop3A_471 : i32 to index
        %parallel_loop3A_688 = tpu.vector_load %arg7[%parallel_loop3A_686, %parallel_loop3A_687] {strides = array<i32>} : memref<8x2048xf32, #tpu.memory_space<vmem>>, vector<16xf32>,
        tpu.vector_store %arg7[%parallel_loop3A_686, %parallel_loop3A_687], %parallel_loop3A_684 {strides = array<i32>} : memref<8x2048xf32, #tpu.memory_space<vmem>>, vector<16xf32>,
        %parallel_loop3A_689 = arith.constant 7 : i32
        %parallel_loop3A_690 = arith.index_cast %parallel_loop3A_689 : i32 to index
        %parallel_loop3A_691 = arith.index_cast %parallel_loop3A_471 : i32 to index
        %parallel_loop3A_692 = tpu.vector_load %arg7[%parallel_loop3A_690, %parallel_loop3A_691] {strides = array<i32>} : memref<8x2048xf32, #tpu.memory_space<vmem>>, vector<16xf32>,
        %parallel_loop3A_693 = arith.constant 6.400000e+01 : f32
        %parallel_loop3A_694 = vector.broadcast %parallel_loop3A_693 : f32 to vector<16xf32>
        %parallel_loop3A_695 = arith.mulf %parallel_loop3A_692, %parallel_loop3A_694 : vector<16xf32>
        %parallel_loop3A_696 = arith.constant 0x4B400000 : f32
        %parallel_loop3A_697 = vector.broadcast %parallel_loop3A_696 : f32 to vector<16xf32>
        %parallel_loop3A_698 = arith.addf %parallel_loop3A_695, %parallel_loop3A_697 : vector<16xf32>
        %parallel_loop3A_699 = vector.bitcast %parallel_loop3A_698 : vector<16xf32> to vector<16xi32>
        %parallel_loop3A_700 = arith.constant 1262485248 : i32
        %parallel_loop3A_701 = vector.broadcast %parallel_loop3A_700 : i32 to vector<16xi32>
        %parallel_loop3A_702 = arith.subi %parallel_loop3A_699, %parallel_loop3A_701 : vector<16xi32>
        %parallel_loop3A_703 = vector.bitcast %parallel_loop3A_702 : vector<16xi32> to vector<16xi32>
        %parallel_loop3A_704 = arith.constant 511 : i32
        %parallel_loop3A_705 = vector.broadcast %parallel_loop3A_704 : i32 to vector<16xi32>
        %parallel_loop3A_706 = arith.minui %parallel_loop3A_703, %parallel_loop3A_705 : vector<16xi32>
        %parallel_loop3A_707 = vector.bitcast %parallel_loop3A_706 : vector<16xi32> to vector<16xi32>
        %parallel_loop3A_708 = tpu.vector_load_idx %arg6[%parallel_loop3A_707] : memref<512xf32, #tpu.memory_space<vmem>>[vector<16xi32>], vector<16xf32>,
        %parallel_loop3A_709 = arith.constant 0x4B400000 : f32
        %parallel_loop3A_710 = vector.broadcast %parallel_loop3A_709 : f32 to vector<16xf32>
        %parallel_loop3A_711 = arith.cmpf oge, %parallel_loop3A_698, %parallel_loop3A_710 : vector<16xf32>
        %parallel_loop3A_712 = arith.constant 0.000000e+00 : f32
        %parallel_loop3A_713 = vector.broadcast %parallel_loop3A_712 : f32 to vector<16xf32>
        %parallel_loop3A_714 = arith.select %parallel_loop3A_711, %parallel_loop3A_692, %parallel_loop3A_713 : vector<16xi1>, vector<16xf32>
        %parallel_loop3A_715 = arith.subf %parallel_loop3A_714, %parallel_loop3A_708 : vector<16xf32>
        %parallel_loop3A_716 = arith.constant 7 : i32
        %parallel_loop3A_717 = arith.index_cast %parallel_loop3A_716 : i32 to index
        %parallel_loop3A_718 = arith.index_cast %parallel_loop3A_471 : i32 to index
        %parallel_loop3A_719 = tpu.vector_load %arg7[%parallel_loop3A_717, %parallel_loop3A_718] {strides = array<i32>} : memref<8x2048xf32, #tpu.memory_space<vmem>>, vector<16xf32>,
        tpu.vector_store %arg7[%parallel_loop3A_717, %parallel_loop3A_718], %parallel_loop3A_715 {strides = array<i32>} : memref<8x2048xf32, #tpu.memory_space<vmem>>, vector<16xf32>,
      } {sc.loop_unroll_factor = 1 : i64, sc.parallel_access}
      %jit3A_169 = arith.constant 2 : i32
      %div3A_170 = arith.divsi %add3A_129, %jit3A_169 : i32
      %sign3A_171 = arith.constant 0 : i32
      %sign3A_172 = arith.cmpi sgt, %add3A_129, %sign3A_171 : i32
      %sign3A_173 = arith.extui %sign3A_172 : i1 to i32
      %sign3A_174 = arith.constant 0 : i32
      %sign3A_175 = arith.cmpi slt, %add3A_129, %sign3A_174 : i32
      %sign3A_176 = arith.extui %sign3A_175 : i1 to i32
      %sign3A_177 = arith.subi %sign3A_173, %sign3A_176 : i32
      %sign3A_178 = arith.constant 0 : i32
      %sign3A_179 = arith.cmpi sgt, %jit3A_169, %sign3A_178 : i32
      %sign3A_180 = arith.extui %sign3A_179 : i1 to i32
      %sign3A_181 = arith.constant 0 : i32
      %sign3A_182 = arith.cmpi slt, %jit3A_169, %sign3A_181 : i32
      %sign3A_183 = arith.extui %sign3A_182 : i1 to i32
      %sign3A_184 = arith.subi %sign3A_180, %sign3A_183 : i32
      %ne3A_185 = arith.cmpi ne, %sign3A_177, %sign3A_184 : i32
      %rem3A_186 = arith.remsi %add3A_129, %jit3A_169 : i32
      %ne3A_187 = arith.constant 0 : i32
      %ne3A_188 = arith.cmpi ne, %rem3A_186, %ne3A_187 : i32
      %and3A_189 = arith.andi %ne3A_185, %ne3A_188 : i1
      %sub3A_190 = arith.constant 1 : i32
      %sub3A_191 = arith.subi %div3A_170, %sub3A_190 : i32
      %select_n3A_192 = arith.select %and3A_189, %sub3A_191, %div3A_170 : i32
      %mul3A_193 = arith.constant 8 : i32
      %mul3A_194 = arith.muli %select_n3A_192, %mul3A_193 : i32
      %add3A_195 = arith.addi %mul3A_32, %mul3A_194 : i32
      %multiple_of3A_196 = tpu.assume_multiple %add3A_195, 8 : i32
      %dma_start3A_197 = arith.constant 0 : i32
      %dma_start3A_198 = arith.constant 0 : i32
      %dma_start3A_199 = tpu.memref_slice %arg4[%select_n3A, %multiple_of3A_196, %dma_start3A_198] : memref<2x8192x4096xf32, #tpu.memory_space<hbm>> -> memref<1x8x2048xf32, #tpu.memory_space<hbm>>
      %dma_start3A_200 = tpu.memref_squeeze %dma_start3A_199 : memref<1x8x2048xf32, #tpu.memory_space<hbm>> -> memref<8x2048xf32, #tpu.memory_space<hbm>>
      %dma_start3A_201 = tpu.memref_slice %arg12[%dma_start3A_197] : memref<4x!tpu.dma_semaphore, #tpu.memory_space<semaphore_mem>> -> memref<1x!tpu.dma_semaphore, #tpu.memory_space<semaphore_mem>>
      %dma_start3A_202 = tpu.memref_squeeze %dma_start3A_201 : memref<1x!tpu.dma_semaphore, #tpu.memory_space<semaphore_mem>> -> memref<!tpu.dma_semaphore, #tpu.memory_space<semaphore_mem>>
      %dma_start3A_203 = arith.constant 0 : i32
      %dma_start3A_204 = tpu.memref_slice %arg4[%select_n3A, %multiple_of3A_196, %dma_start3A_203] : memref<2x8192x4096xf32, #tpu.memory_space<hbm>> -> memref<1x8x2048xf32, #tpu.memory_space<hbm>>
      %dma_start3A_205 = tpu.memref_squeeze %dma_start3A_204 : memref<1x8x2048xf32, #tpu.memory_space<hbm>> -> memref<8x2048xf32, #tpu.memory_space<hbm>>
      tpu.enqueue_dma source(%arg7 : memref<8x2048xf32, #tpu.memory_space<vmem>>) target(%dma_start3A_205 : memref<8x2048xf32, #tpu.memory_space<hbm>>) target_semaphore(%dma_start3A_202 : memref<!tpu.dma_semaphore, #tpu.memory_space<semaphore_mem>>)
      %add3A_206 = arith.constant 3 : i32
      %add3A_207 = arith.addi %add3A_129, %add3A_206 : i32
      %lt3A_208 = arith.constant 128 : i32
      %lt3A_209 = arith.cmpi slt, %add3A_207, %lt3A_208 : i32
      %convert_element_type3A = arith.extui %lt3A_209 : i1 to i32
      %cond3A = arith.constant 0 : i32
      %cond3A_210 = arith.cmpi ne, %convert_element_type3A, %cond3A : i32
      scf.if %cond3A_210 {
        %ge3A = arith.constant 1 : i32
        %ge3A_469 = arith.cmpi sge, %add3A_129, %ge3A : i32
        %convert_element_type3A_470 = arith.extui %ge3A_469 : i1 to i32
        %cond3A_471 = arith.constant 0 : i32
        %cond3A_472 = arith.cmpi ne, %convert_element_type3A_470, %cond3A_471 : i32
        scf.if %cond3A_472 {
          %add3A_512 = arith.constant 3 : i32
          %add3A_513 = arith.addi %add3A_129, %add3A_512 : i32
          %sub3A_514 = arith.constant 4 : i32
          %sub3A_515 = arith.subi %add3A_513, %sub3A_514 : i32
          %jit3A_516 = arith.constant 2 : i32
          %div3A_517 = arith.divsi %sub3A_515, %jit3A_516 : i32
          %sign3A_518 = arith.constant 0 : i32
          %sign3A_519 = arith.cmpi sgt, %sub3A_515, %sign3A_518 : i32
          %sign3A_520 = arith.extui %sign3A_519 : i1 to i32
          %sign3A_521 = arith.constant 0 : i32
          %sign3A_522 = arith.cmpi slt, %sub3A_515, %sign3A_521 : i32
          %sign3A_523 = arith.extui %sign3A_522 : i1 to i32
          %sign3A_524 = arith.subi %sign3A_520, %sign3A_523 : i32
          %sign3A_525 = arith.constant 0 : i32
          %sign3A_526 = arith.cmpi sgt, %jit3A_516, %sign3A_525 : i32
          %sign3A_527 = arith.extui %sign3A_526 : i1 to i32
          %sign3A_528 = arith.constant 0 : i32
          %sign3A_529 = arith.cmpi slt, %jit3A_516, %sign3A_528 : i32
          %sign3A_530 = arith.extui %sign3A_529 : i1 to i32
          %sign3A_531 = arith.subi %sign3A_527, %sign3A_530 : i32
          %ne3A_532 = arith.cmpi ne, %sign3A_524, %sign3A_531 : i32
          %rem3A_533 = arith.remsi %sub3A_515, %jit3A_516 : i32
          %ne3A_534 = arith.constant 0 : i32
          %ne3A_535 = arith.cmpi ne, %rem3A_533, %ne3A_534 : i32
          %and3A_536 = arith.andi %ne3A_532, %ne3A_535 : i1
          %sub3A_537 = arith.constant 1 : i32
          %sub3A_538 = arith.subi %div3A_517, %sub3A_537 : i32
          %select_n3A_539 = arith.select %and3A_536, %sub3A_538, %div3A_517 : i32
          %mul3A_540 = arith.constant 8 : i32
          %mul3A_541 = arith.muli %select_n3A_539, %mul3A_540 : i32
          %add3A_542 = arith.addi %mul3A_32, %mul3A_541 : i32
          %multiple_of3A_543 = tpu.assume_multiple %add3A_542, 8 : i32
          %dma_wait3A_544 = arith.constant 3 : i32
          %dma_wait3A_545 = arith.constant 2048 : i32
          %dma_wait3A_546 = tpu.memref_slice %arg4[%select_n3A, %multiple_of3A_543, %dma_wait3A_545] : memref<2x8192x4096xf32, #tpu.memory_space<hbm>> -> memref<1x8x2048xf32, #tpu.memory_space<hbm>>
          %dma_wait3A_547 = tpu.memref_squeeze %dma_wait3A_546 : memref<1x8x2048xf32, #tpu.memory_space<hbm>> -> memref<8x2048xf32, #tpu.memory_space<hbm>>
          %dma_wait3A_548 = tpu.memref_slice %arg12[%dma_wait3A_544] : memref<4x!tpu.dma_semaphore, #tpu.memory_space<semaphore_mem>> -> memref<1x!tpu.dma_semaphore, #tpu.memory_space<semaphore_mem>>
          %dma_wait3A_549 = tpu.memref_squeeze %dma_wait3A_548 : memref<1x!tpu.dma_semaphore, #tpu.memory_space<semaphore_mem>> -> memref<!tpu.dma_semaphore, #tpu.memory_space<semaphore_mem>>
          %dma_wait3A_550 = arith.constant 2048 : i32
          %dma_wait3A_551 = tpu.memref_slice %arg4[%select_n3A, %multiple_of3A_543, %dma_wait3A_550] : memref<2x8192x4096xf32, #tpu.memory_space<hbm>> -> memref<1x8x2048xf32, #tpu.memory_space<hbm>>
          %dma_wait3A_552 = tpu.memref_squeeze %dma_wait3A_551 : memref<1x8x2048xf32, #tpu.memory_space<hbm>> -> memref<8x2048xf32, #tpu.memory_space<hbm>>
          tpu.wait_dma2 semaphore(%dma_wait3A_549 : memref<!tpu.dma_semaphore, #tpu.memory_space<semaphore_mem>>) src(%arg10 : memref<8x2048xf32, #tpu.memory_space<vmem>>) dst(%dma_wait3A_552 : memref<8x2048xf32, #tpu.memory_space<hbm>>)
        } else {
        }
        %add3A_473 = arith.constant 3 : i32
        %add3A_474 = arith.addi %add3A_129, %add3A_473 : i32
        %jit3A_475 = arith.constant 2 : i32
        %div3A_476 = arith.divsi %add3A_474, %jit3A_475 : i32
        %sign3A_477 = arith.constant 0 : i32
        %sign3A_478 = arith.cmpi sgt, %add3A_474, %sign3A_477 : i32
        %sign3A_479 = arith.extui %sign3A_478 : i1 to i32
        %sign3A_480 = arith.constant 0 : i32
        %sign3A_481 = arith.cmpi slt, %add3A_474, %sign3A_480 : i32
        %sign3A_482 = arith.extui %sign3A_481 : i1 to i32
        %sign3A_483 = arith.subi %sign3A_479, %sign3A_482 : i32
        %sign3A_484 = arith.constant 0 : i32
        %sign3A_485 = arith.cmpi sgt, %jit3A_475, %sign3A_484 : i32
        %sign3A_486 = arith.extui %sign3A_485 : i1 to i32
        %sign3A_487 = arith.constant 0 : i32
        %sign3A_488 = arith.cmpi slt, %jit3A_475, %sign3A_487 : i32
        %sign3A_489 = arith.extui %sign3A_488 : i1 to i32
        %sign3A_490 = arith.subi %sign3A_486, %sign3A_489 : i32
        %ne3A_491 = arith.cmpi ne, %sign3A_483, %sign3A_490 : i32
        %rem3A_492 = arith.remsi %add3A_474, %jit3A_475 : i32
        %ne3A_493 = arith.constant 0 : i32
        %ne3A_494 = arith.cmpi ne, %rem3A_492, %ne3A_493 : i32
        %and3A_495 = arith.andi %ne3A_491, %ne3A_494 : i1
        %sub3A_496 = arith.constant 1 : i32
        %sub3A_497 = arith.subi %div3A_476, %sub3A_496 : i32
        %select_n3A_498 = arith.select %and3A_495, %sub3A_497, %div3A_476 : i32
        %mul3A_499 = arith.constant 8 : i32
        %mul3A_500 = arith.muli %select_n3A_498, %mul3A_499 : i32
        %add3A_501 = arith.addi %mul3A_32, %mul3A_500 : i32
        %multiple_of3A_502 = tpu.assume_multiple %add3A_501, 8 : i32
        %dma_start3A_503 = arith.constant 3 : i32
        %dma_start3A_504 = arith.constant 2048 : i32
        %dma_start3A_505 = tpu.memref_slice %arg2[%select_n3A, %multiple_of3A_502, %dma_start3A_504] : memref<2x8192x4096xf32, #tpu.memory_space<hbm>> -> memref<1x8x2048xf32, #tpu.memory_space<hbm>>
        %dma_start3A_506 = tpu.memref_squeeze %dma_start3A_505 : memref<1x8x2048xf32, #tpu.memory_space<hbm>> -> memref<8x2048xf32, #tpu.memory_space<hbm>>
        %dma_start3A_507 = tpu.memref_slice %arg11[%dma_start3A_503] : memref<4x!tpu.dma_semaphore, #tpu.memory_space<semaphore_mem>> -> memref<1x!tpu.dma_semaphore, #tpu.memory_space<semaphore_mem>>
        %dma_start3A_508 = tpu.memref_squeeze %dma_start3A_507 : memref<1x!tpu.dma_semaphore, #tpu.memory_space<semaphore_mem>> -> memref<!tpu.dma_semaphore, #tpu.memory_space<semaphore_mem>>
        %dma_start3A_509 = arith.constant 2048 : i32
        %dma_start3A_510 = tpu.memref_slice %arg2[%select_n3A, %multiple_of3A_502, %dma_start3A_509] : memref<2x8192x4096xf32, #tpu.memory_space<hbm>> -> memref<1x8x2048xf32, #tpu.memory_space<hbm>>
        %dma_start3A_511 = tpu.memref_squeeze %dma_start3A_510 : memref<1x8x2048xf32, #tpu.memory_space<hbm>> -> memref<8x2048xf32, #tpu.memory_space<hbm>>
        tpu.enqueue_dma source(%dma_start3A_511 : memref<8x2048xf32, #tpu.memory_space<hbm>>) target(%arg10 : memref<8x2048xf32, #tpu.memory_space<vmem>>) target_semaphore(%dma_start3A_508 : memref<!tpu.dma_semaphore, #tpu.memory_space<semaphore_mem>>)
      } else {
      }
      %add3A_211 = arith.constant 1 : i32
      %add3A_212 = arith.addi %add3A_127, %add3A_211 : i32
      %jit3A_213 = arith.constant 2 : i32
      %div3A_214 = arith.divsi %add3A_212, %jit3A_213 : i32
      %sign3A_215 = arith.constant 0 : i32
      %sign3A_216 = arith.cmpi sgt, %add3A_212, %sign3A_215 : i32
      %sign3A_217 = arith.extui %sign3A_216 : i1 to i32
      %sign3A_218 = arith.constant 0 : i32
      %sign3A_219 = arith.cmpi slt, %add3A_212, %sign3A_218 : i32
      %sign3A_220 = arith.extui %sign3A_219 : i1 to i32
      %sign3A_221 = arith.subi %sign3A_217, %sign3A_220 : i32
      %sign3A_222 = arith.constant 0 : i32
      %sign3A_223 = arith.cmpi sgt, %jit3A_213, %sign3A_222 : i32
      %sign3A_224 = arith.extui %sign3A_223 : i1 to i32
      %sign3A_225 = arith.constant 0 : i32
      %sign3A_226 = arith.cmpi slt, %jit3A_213, %sign3A_225 : i32
      %sign3A_227 = arith.extui %sign3A_226 : i1 to i32
      %sign3A_228 = arith.subi %sign3A_224, %sign3A_227 : i32
      %ne3A_229 = arith.cmpi ne, %sign3A_221, %sign3A_228 : i32
      %rem3A_230 = arith.remsi %add3A_212, %jit3A_213 : i32
      %ne3A_231 = arith.constant 0 : i32
      %ne3A_232 = arith.cmpi ne, %rem3A_230, %ne3A_231 : i32
      %and3A_233 = arith.andi %ne3A_229, %ne3A_232 : i1
      %sub3A_234 = arith.constant 1 : i32
      %sub3A_235 = arith.subi %div3A_214, %sub3A_234 : i32
      %select_n3A_236 = arith.select %and3A_233, %sub3A_235, %div3A_214 : i32
      %mul3A_237 = arith.constant 8 : i32
      %mul3A_238 = arith.muli %select_n3A_236, %mul3A_237 : i32
      %add3A_239 = arith.addi %mul3A_32, %mul3A_238 : i32
      %multiple_of3A_240 = tpu.assume_multiple %add3A_239, 8 : i32
      %dma_wait3A_241 = arith.constant 1 : i32
      %dma_wait3A_242 = arith.constant 2048 : i32
      %dma_wait3A_243 = tpu.memref_slice %arg2[%select_n3A, %multiple_of3A_240, %dma_wait3A_242] : memref<2x8192x4096xf32, #tpu.memory_space<hbm>> -> memref<1x8x2048xf32, #tpu.memory_space<hbm>>
      %dma_wait3A_244 = tpu.memref_squeeze %dma_wait3A_243 : memref<1x8x2048xf32, #tpu.memory_space<hbm>> -> memref<8x2048xf32, #tpu.memory_space<hbm>>
      %dma_wait3A_245 = tpu.memref_slice %arg11[%dma_wait3A_241] : memref<4x!tpu.dma_semaphore, #tpu.memory_space<semaphore_mem>> -> memref<1x!tpu.dma_semaphore, #tpu.memory_space<semaphore_mem>>
      %dma_wait3A_246 = tpu.memref_squeeze %dma_wait3A_245 : memref<1x!tpu.dma_semaphore, #tpu.memory_space<semaphore_mem>> -> memref<!tpu.dma_semaphore, #tpu.memory_space<semaphore_mem>>
      %dma_wait3A_247 = arith.constant 2048 : i32
      %dma_wait3A_248 = tpu.memref_slice %arg2[%select_n3A, %multiple_of3A_240, %dma_wait3A_247] : memref<2x8192x4096xf32, #tpu.memory_space<hbm>> -> memref<1x8x2048xf32, #tpu.memory_space<hbm>>
      %dma_wait3A_249 = tpu.memref_squeeze %dma_wait3A_248 : memref<1x8x2048xf32, #tpu.memory_space<hbm>> -> memref<8x2048xf32, #tpu.memory_space<hbm>>
      tpu.wait_dma2 semaphore(%dma_wait3A_246 : memref<!tpu.dma_semaphore, #tpu.memory_space<semaphore_mem>>) src(%dma_wait3A_249 : memref<8x2048xf32, #tpu.memory_space<hbm>>) dst(%arg8 : memref<8x2048xf32, #tpu.memory_space<vmem>>)
      %parallel_loop3A_250 = arith.constant 0 : i32
      %parallel_loop3A_251 = arith.constant 128 : i32
      %parallel_loop3A_252 = arith.constant 1 : i32
      scf.for %parallel_loop3A_469 = %parallel_loop3A_250 to %parallel_loop3A_251 step %parallel_loop3A_252  : i32 {
        %parallel_loop3A_470 = arith.constant 16 : i32
        %parallel_loop3A_471 = arith.muli %parallel_loop3A_469, %parallel_loop3A_470 : i32
        %parallel_loop3A_472 = arith.constant 0 : i32
        %parallel_loop3A_473 = arith.index_cast %parallel_loop3A_472 : i32 to index
        %parallel_loop3A_474 = arith.index_cast %parallel_loop3A_471 : i32 to index
        %parallel_loop3A_475 = tpu.vector_load %arg8[%parallel_loop3A_473, %parallel_loop3A_474] {strides = array<i32>} : memref<8x2048xf32, #tpu.memory_space<vmem>>, vector<16xf32>,
        %parallel_loop3A_476 = arith.constant 6.400000e+01 : f32
        %parallel_loop3A_477 = vector.broadcast %parallel_loop3A_476 : f32 to vector<16xf32>
        %parallel_loop3A_478 = arith.mulf %parallel_loop3A_475, %parallel_loop3A_477 : vector<16xf32>
        %parallel_loop3A_479 = arith.constant 0x4B400000 : f32
        %parallel_loop3A_480 = vector.broadcast %parallel_loop3A_479 : f32 to vector<16xf32>
        %parallel_loop3A_481 = arith.addf %parallel_loop3A_478, %parallel_loop3A_480 : vector<16xf32>
        %parallel_loop3A_482 = vector.bitcast %parallel_loop3A_481 : vector<16xf32> to vector<16xi32>
        %parallel_loop3A_483 = arith.constant 1262485248 : i32
        %parallel_loop3A_484 = vector.broadcast %parallel_loop3A_483 : i32 to vector<16xi32>
        %parallel_loop3A_485 = arith.subi %parallel_loop3A_482, %parallel_loop3A_484 : vector<16xi32>
        %parallel_loop3A_486 = vector.bitcast %parallel_loop3A_485 : vector<16xi32> to vector<16xi32>
        %parallel_loop3A_487 = arith.constant 511 : i32
        %parallel_loop3A_488 = vector.broadcast %parallel_loop3A_487 : i32 to vector<16xi32>
        %parallel_loop3A_489 = arith.minui %parallel_loop3A_486, %parallel_loop3A_488 : vector<16xi32>
        %parallel_loop3A_490 = vector.bitcast %parallel_loop3A_489 : vector<16xi32> to vector<16xi32>
        %parallel_loop3A_491 = tpu.vector_load_idx %arg6[%parallel_loop3A_490] : memref<512xf32, #tpu.memory_space<vmem>>[vector<16xi32>], vector<16xf32>,
        %parallel_loop3A_492 = arith.constant 0x4B400000 : f32
        %parallel_loop3A_493 = vector.broadcast %parallel_loop3A_492 : f32 to vector<16xf32>
        %parallel_loop3A_494 = arith.cmpf oge, %parallel_loop3A_481, %parallel_loop3A_493 : vector<16xf32>
        %parallel_loop3A_495 = arith.constant 0.000000e+00 : f32
        %parallel_loop3A_496 = vector.broadcast %parallel_loop3A_495 : f32 to vector<16xf32>
        %parallel_loop3A_497 = arith.select %parallel_loop3A_494, %parallel_loop3A_475, %parallel_loop3A_496 : vector<16xi1>, vector<16xf32>
        %parallel_loop3A_498 = arith.subf %parallel_loop3A_497, %parallel_loop3A_491 : vector<16xf32>
        %parallel_loop3A_499 = arith.constant 0 : i32
        %parallel_loop3A_500 = arith.index_cast %parallel_loop3A_499 : i32 to index
        %parallel_loop3A_501 = arith.index_cast %parallel_loop3A_471 : i32 to index
        %parallel_loop3A_502 = tpu.vector_load %arg8[%parallel_loop3A_500, %parallel_loop3A_501] {strides = array<i32>} : memref<8x2048xf32, #tpu.memory_space<vmem>>, vector<16xf32>,
        tpu.vector_store %arg8[%parallel_loop3A_500, %parallel_loop3A_501], %parallel_loop3A_498 {strides = array<i32>} : memref<8x2048xf32, #tpu.memory_space<vmem>>, vector<16xf32>,
        %parallel_loop3A_503 = arith.constant 1 : i32
        %parallel_loop3A_504 = arith.index_cast %parallel_loop3A_503 : i32 to index
        %parallel_loop3A_505 = arith.index_cast %parallel_loop3A_471 : i32 to index
        %parallel_loop3A_506 = tpu.vector_load %arg8[%parallel_loop3A_504, %parallel_loop3A_505] {strides = array<i32>} : memref<8x2048xf32, #tpu.memory_space<vmem>>, vector<16xf32>,
        %parallel_loop3A_507 = arith.constant 6.400000e+01 : f32
        %parallel_loop3A_508 = vector.broadcast %parallel_loop3A_507 : f32 to vector<16xf32>
        %parallel_loop3A_509 = arith.mulf %parallel_loop3A_506, %parallel_loop3A_508 : vector<16xf32>
        %parallel_loop3A_510 = arith.constant 0x4B400000 : f32
        %parallel_loop3A_511 = vector.broadcast %parallel_loop3A_510 : f32 to vector<16xf32>
        %parallel_loop3A_512 = arith.addf %parallel_loop3A_509, %parallel_loop3A_511 : vector<16xf32>
        %parallel_loop3A_513 = vector.bitcast %parallel_loop3A_512 : vector<16xf32> to vector<16xi32>
        %parallel_loop3A_514 = arith.constant 1262485248 : i32
        %parallel_loop3A_515 = vector.broadcast %parallel_loop3A_514 : i32 to vector<16xi32>
        %parallel_loop3A_516 = arith.subi %parallel_loop3A_513, %parallel_loop3A_515 : vector<16xi32>
        %parallel_loop3A_517 = vector.bitcast %parallel_loop3A_516 : vector<16xi32> to vector<16xi32>
        %parallel_loop3A_518 = arith.constant 511 : i32
        %parallel_loop3A_519 = vector.broadcast %parallel_loop3A_518 : i32 to vector<16xi32>
        %parallel_loop3A_520 = arith.minui %parallel_loop3A_517, %parallel_loop3A_519 : vector<16xi32>
        %parallel_loop3A_521 = vector.bitcast %parallel_loop3A_520 : vector<16xi32> to vector<16xi32>
        %parallel_loop3A_522 = tpu.vector_load_idx %arg6[%parallel_loop3A_521] : memref<512xf32, #tpu.memory_space<vmem>>[vector<16xi32>], vector<16xf32>,
        %parallel_loop3A_523 = arith.constant 0x4B400000 : f32
        %parallel_loop3A_524 = vector.broadcast %parallel_loop3A_523 : f32 to vector<16xf32>
        %parallel_loop3A_525 = arith.cmpf oge, %parallel_loop3A_512, %parallel_loop3A_524 : vector<16xf32>
        %parallel_loop3A_526 = arith.constant 0.000000e+00 : f32
        %parallel_loop3A_527 = vector.broadcast %parallel_loop3A_526 : f32 to vector<16xf32>
        %parallel_loop3A_528 = arith.select %parallel_loop3A_525, %parallel_loop3A_506, %parallel_loop3A_527 : vector<16xi1>, vector<16xf32>
        %parallel_loop3A_529 = arith.subf %parallel_loop3A_528, %parallel_loop3A_522 : vector<16xf32>
        %parallel_loop3A_530 = arith.constant 1 : i32
        %parallel_loop3A_531 = arith.index_cast %parallel_loop3A_530 : i32 to index
        %parallel_loop3A_532 = arith.index_cast %parallel_loop3A_471 : i32 to index
        %parallel_loop3A_533 = tpu.vector_load %arg8[%parallel_loop3A_531, %parallel_loop3A_532] {strides = array<i32>} : memref<8x2048xf32, #tpu.memory_space<vmem>>, vector<16xf32>,
        tpu.vector_store %arg8[%parallel_loop3A_531, %parallel_loop3A_532], %parallel_loop3A_529 {strides = array<i32>} : memref<8x2048xf32, #tpu.memory_space<vmem>>, vector<16xf32>,
        %parallel_loop3A_534 = arith.constant 2 : i32
        %parallel_loop3A_535 = arith.index_cast %parallel_loop3A_534 : i32 to index
        %parallel_loop3A_536 = arith.index_cast %parallel_loop3A_471 : i32 to index
        %parallel_loop3A_537 = tpu.vector_load %arg8[%parallel_loop3A_535, %parallel_loop3A_536] {strides = array<i32>} : memref<8x2048xf32, #tpu.memory_space<vmem>>, vector<16xf32>,
        %parallel_loop3A_538 = arith.constant 6.400000e+01 : f32
        %parallel_loop3A_539 = vector.broadcast %parallel_loop3A_538 : f32 to vector<16xf32>
        %parallel_loop3A_540 = arith.mulf %parallel_loop3A_537, %parallel_loop3A_539 : vector<16xf32>
        %parallel_loop3A_541 = arith.constant 0x4B400000 : f32
        %parallel_loop3A_542 = vector.broadcast %parallel_loop3A_541 : f32 to vector<16xf32>
        %parallel_loop3A_543 = arith.addf %parallel_loop3A_540, %parallel_loop3A_542 : vector<16xf32>
        %parallel_loop3A_544 = vector.bitcast %parallel_loop3A_543 : vector<16xf32> to vector<16xi32>
        %parallel_loop3A_545 = arith.constant 1262485248 : i32
        %parallel_loop3A_546 = vector.broadcast %parallel_loop3A_545 : i32 to vector<16xi32>
        %parallel_loop3A_547 = arith.subi %parallel_loop3A_544, %parallel_loop3A_546 : vector<16xi32>
        %parallel_loop3A_548 = vector.bitcast %parallel_loop3A_547 : vector<16xi32> to vector<16xi32>
        %parallel_loop3A_549 = arith.constant 511 : i32
        %parallel_loop3A_550 = vector.broadcast %parallel_loop3A_549 : i32 to vector<16xi32>
        %parallel_loop3A_551 = arith.minui %parallel_loop3A_548, %parallel_loop3A_550 : vector<16xi32>
        %parallel_loop3A_552 = vector.bitcast %parallel_loop3A_551 : vector<16xi32> to vector<16xi32>
        %parallel_loop3A_553 = tpu.vector_load_idx %arg6[%parallel_loop3A_552] : memref<512xf32, #tpu.memory_space<vmem>>[vector<16xi32>], vector<16xf32>,
        %parallel_loop3A_554 = arith.constant 0x4B400000 : f32
        %parallel_loop3A_555 = vector.broadcast %parallel_loop3A_554 : f32 to vector<16xf32>
        %parallel_loop3A_556 = arith.cmpf oge, %parallel_loop3A_543, %parallel_loop3A_555 : vector<16xf32>
        %parallel_loop3A_557 = arith.constant 0.000000e+00 : f32
        %parallel_loop3A_558 = vector.broadcast %parallel_loop3A_557 : f32 to vector<16xf32>
        %parallel_loop3A_559 = arith.select %parallel_loop3A_556, %parallel_loop3A_537, %parallel_loop3A_558 : vector<16xi1>, vector<16xf32>
        %parallel_loop3A_560 = arith.subf %parallel_loop3A_559, %parallel_loop3A_553 : vector<16xf32>
        %parallel_loop3A_561 = arith.constant 2 : i32
        %parallel_loop3A_562 = arith.index_cast %parallel_loop3A_561 : i32 to index
        %parallel_loop3A_563 = arith.index_cast %parallel_loop3A_471 : i32 to index
        %parallel_loop3A_564 = tpu.vector_load %arg8[%parallel_loop3A_562, %parallel_loop3A_563] {strides = array<i32>} : memref<8x2048xf32, #tpu.memory_space<vmem>>, vector<16xf32>,
        tpu.vector_store %arg8[%parallel_loop3A_562, %parallel_loop3A_563], %parallel_loop3A_560 {strides = array<i32>} : memref<8x2048xf32, #tpu.memory_space<vmem>>, vector<16xf32>,
        %parallel_loop3A_565 = arith.constant 3 : i32
        %parallel_loop3A_566 = arith.index_cast %parallel_loop3A_565 : i32 to index
        %parallel_loop3A_567 = arith.index_cast %parallel_loop3A_471 : i32 to index
        %parallel_loop3A_568 = tpu.vector_load %arg8[%parallel_loop3A_566, %parallel_loop3A_567] {strides = array<i32>} : memref<8x2048xf32, #tpu.memory_space<vmem>>, vector<16xf32>,
        %parallel_loop3A_569 = arith.constant 6.400000e+01 : f32
        %parallel_loop3A_570 = vector.broadcast %parallel_loop3A_569 : f32 to vector<16xf32>
        %parallel_loop3A_571 = arith.mulf %parallel_loop3A_568, %parallel_loop3A_570 : vector<16xf32>
        %parallel_loop3A_572 = arith.constant 0x4B400000 : f32
        %parallel_loop3A_573 = vector.broadcast %parallel_loop3A_572 : f32 to vector<16xf32>
        %parallel_loop3A_574 = arith.addf %parallel_loop3A_571, %parallel_loop3A_573 : vector<16xf32>
        %parallel_loop3A_575 = vector.bitcast %parallel_loop3A_574 : vector<16xf32> to vector<16xi32>
        %parallel_loop3A_576 = arith.constant 1262485248 : i32
        %parallel_loop3A_577 = vector.broadcast %parallel_loop3A_576 : i32 to vector<16xi32>
        %parallel_loop3A_578 = arith.subi %parallel_loop3A_575, %parallel_loop3A_577 : vector<16xi32>
        %parallel_loop3A_579 = vector.bitcast %parallel_loop3A_578 : vector<16xi32> to vector<16xi32>
        %parallel_loop3A_580 = arith.constant 511 : i32
        %parallel_loop3A_581 = vector.broadcast %parallel_loop3A_580 : i32 to vector<16xi32>
        %parallel_loop3A_582 = arith.minui %parallel_loop3A_579, %parallel_loop3A_581 : vector<16xi32>
        %parallel_loop3A_583 = vector.bitcast %parallel_loop3A_582 : vector<16xi32> to vector<16xi32>
        %parallel_loop3A_584 = tpu.vector_load_idx %arg6[%parallel_loop3A_583] : memref<512xf32, #tpu.memory_space<vmem>>[vector<16xi32>], vector<16xf32>,
        %parallel_loop3A_585 = arith.constant 0x4B400000 : f32
        %parallel_loop3A_586 = vector.broadcast %parallel_loop3A_585 : f32 to vector<16xf32>
        %parallel_loop3A_587 = arith.cmpf oge, %parallel_loop3A_574, %parallel_loop3A_586 : vector<16xf32>
        %parallel_loop3A_588 = arith.constant 0.000000e+00 : f32
        %parallel_loop3A_589 = vector.broadcast %parallel_loop3A_588 : f32 to vector<16xf32>
        %parallel_loop3A_590 = arith.select %parallel_loop3A_587, %parallel_loop3A_568, %parallel_loop3A_589 : vector<16xi1>, vector<16xf32>
        %parallel_loop3A_591 = arith.subf %parallel_loop3A_590, %parallel_loop3A_584 : vector<16xf32>
        %parallel_loop3A_592 = arith.constant 3 : i32
        %parallel_loop3A_593 = arith.index_cast %parallel_loop3A_592 : i32 to index
        %parallel_loop3A_594 = arith.index_cast %parallel_loop3A_471 : i32 to index
        %parallel_loop3A_595 = tpu.vector_load %arg8[%parallel_loop3A_593, %parallel_loop3A_594] {strides = array<i32>} : memref<8x2048xf32, #tpu.memory_space<vmem>>, vector<16xf32>,
        tpu.vector_store %arg8[%parallel_loop3A_593, %parallel_loop3A_594], %parallel_loop3A_591 {strides = array<i32>} : memref<8x2048xf32, #tpu.memory_space<vmem>>, vector<16xf32>,
        %parallel_loop3A_596 = arith.constant 4 : i32
        %parallel_loop3A_597 = arith.index_cast %parallel_loop3A_596 : i32 to index
        %parallel_loop3A_598 = arith.index_cast %parallel_loop3A_471 : i32 to index
        %parallel_loop3A_599 = tpu.vector_load %arg8[%parallel_loop3A_597, %parallel_loop3A_598] {strides = array<i32>} : memref<8x2048xf32, #tpu.memory_space<vmem>>, vector<16xf32>,
        %parallel_loop3A_600 = arith.constant 6.400000e+01 : f32
        %parallel_loop3A_601 = vector.broadcast %parallel_loop3A_600 : f32 to vector<16xf32>
        %parallel_loop3A_602 = arith.mulf %parallel_loop3A_599, %parallel_loop3A_601 : vector<16xf32>
        %parallel_loop3A_603 = arith.constant 0x4B400000 : f32
        %parallel_loop3A_604 = vector.broadcast %parallel_loop3A_603 : f32 to vector<16xf32>
        %parallel_loop3A_605 = arith.addf %parallel_loop3A_602, %parallel_loop3A_604 : vector<16xf32>
        %parallel_loop3A_606 = vector.bitcast %parallel_loop3A_605 : vector<16xf32> to vector<16xi32>
        %parallel_loop3A_607 = arith.constant 1262485248 : i32
        %parallel_loop3A_608 = vector.broadcast %parallel_loop3A_607 : i32 to vector<16xi32>
        %parallel_loop3A_609 = arith.subi %parallel_loop3A_606, %parallel_loop3A_608 : vector<16xi32>
        %parallel_loop3A_610 = vector.bitcast %parallel_loop3A_609 : vector<16xi32> to vector<16xi32>
        %parallel_loop3A_611 = arith.constant 511 : i32
        %parallel_loop3A_612 = vector.broadcast %parallel_loop3A_611 : i32 to vector<16xi32>
        %parallel_loop3A_613 = arith.minui %parallel_loop3A_610, %parallel_loop3A_612 : vector<16xi32>
        %parallel_loop3A_614 = vector.bitcast %parallel_loop3A_613 : vector<16xi32> to vector<16xi32>
        %parallel_loop3A_615 = tpu.vector_load_idx %arg6[%parallel_loop3A_614] : memref<512xf32, #tpu.memory_space<vmem>>[vector<16xi32>], vector<16xf32>,
        %parallel_loop3A_616 = arith.constant 0x4B400000 : f32
        %parallel_loop3A_617 = vector.broadcast %parallel_loop3A_616 : f32 to vector<16xf32>
        %parallel_loop3A_618 = arith.cmpf oge, %parallel_loop3A_605, %parallel_loop3A_617 : vector<16xf32>
        %parallel_loop3A_619 = arith.constant 0.000000e+00 : f32
        %parallel_loop3A_620 = vector.broadcast %parallel_loop3A_619 : f32 to vector<16xf32>
        %parallel_loop3A_621 = arith.select %parallel_loop3A_618, %parallel_loop3A_599, %parallel_loop3A_620 : vector<16xi1>, vector<16xf32>
        %parallel_loop3A_622 = arith.subf %parallel_loop3A_621, %parallel_loop3A_615 : vector<16xf32>
        %parallel_loop3A_623 = arith.constant 4 : i32
        %parallel_loop3A_624 = arith.index_cast %parallel_loop3A_623 : i32 to index
        %parallel_loop3A_625 = arith.index_cast %parallel_loop3A_471 : i32 to index
        %parallel_loop3A_626 = tpu.vector_load %arg8[%parallel_loop3A_624, %parallel_loop3A_625] {strides = array<i32>} : memref<8x2048xf32, #tpu.memory_space<vmem>>, vector<16xf32>,
        tpu.vector_store %arg8[%parallel_loop3A_624, %parallel_loop3A_625], %parallel_loop3A_622 {strides = array<i32>} : memref<8x2048xf32, #tpu.memory_space<vmem>>, vector<16xf32>,
        %parallel_loop3A_627 = arith.constant 5 : i32
        %parallel_loop3A_628 = arith.index_cast %parallel_loop3A_627 : i32 to index
        %parallel_loop3A_629 = arith.index_cast %parallel_loop3A_471 : i32 to index
        %parallel_loop3A_630 = tpu.vector_load %arg8[%parallel_loop3A_628, %parallel_loop3A_629] {strides = array<i32>} : memref<8x2048xf32, #tpu.memory_space<vmem>>, vector<16xf32>,
        %parallel_loop3A_631 = arith.constant 6.400000e+01 : f32
        %parallel_loop3A_632 = vector.broadcast %parallel_loop3A_631 : f32 to vector<16xf32>
        %parallel_loop3A_633 = arith.mulf %parallel_loop3A_630, %parallel_loop3A_632 : vector<16xf32>
        %parallel_loop3A_634 = arith.constant 0x4B400000 : f32
        %parallel_loop3A_635 = vector.broadcast %parallel_loop3A_634 : f32 to vector<16xf32>
        %parallel_loop3A_636 = arith.addf %parallel_loop3A_633, %parallel_loop3A_635 : vector<16xf32>
        %parallel_loop3A_637 = vector.bitcast %parallel_loop3A_636 : vector<16xf32> to vector<16xi32>
        %parallel_loop3A_638 = arith.constant 1262485248 : i32
        %parallel_loop3A_639 = vector.broadcast %parallel_loop3A_638 : i32 to vector<16xi32>
        %parallel_loop3A_640 = arith.subi %parallel_loop3A_637, %parallel_loop3A_639 : vector<16xi32>
        %parallel_loop3A_641 = vector.bitcast %parallel_loop3A_640 : vector<16xi32> to vector<16xi32>
        %parallel_loop3A_642 = arith.constant 511 : i32
        %parallel_loop3A_643 = vector.broadcast %parallel_loop3A_642 : i32 to vector<16xi32>
        %parallel_loop3A_644 = arith.minui %parallel_loop3A_641, %parallel_loop3A_643 : vector<16xi32>
        %parallel_loop3A_645 = vector.bitcast %parallel_loop3A_644 : vector<16xi32> to vector<16xi32>
        %parallel_loop3A_646 = tpu.vector_load_idx %arg6[%parallel_loop3A_645] : memref<512xf32, #tpu.memory_space<vmem>>[vector<16xi32>], vector<16xf32>,
        %parallel_loop3A_647 = arith.constant 0x4B400000 : f32
        %parallel_loop3A_648 = vector.broadcast %parallel_loop3A_647 : f32 to vector<16xf32>
        %parallel_loop3A_649 = arith.cmpf oge, %parallel_loop3A_636, %parallel_loop3A_648 : vector<16xf32>
        %parallel_loop3A_650 = arith.constant 0.000000e+00 : f32
        %parallel_loop3A_651 = vector.broadcast %parallel_loop3A_650 : f32 to vector<16xf32>
        %parallel_loop3A_652 = arith.select %parallel_loop3A_649, %parallel_loop3A_630, %parallel_loop3A_651 : vector<16xi1>, vector<16xf32>
        %parallel_loop3A_653 = arith.subf %parallel_loop3A_652, %parallel_loop3A_646 : vector<16xf32>
        %parallel_loop3A_654 = arith.constant 5 : i32
        %parallel_loop3A_655 = arith.index_cast %parallel_loop3A_654 : i32 to index
        %parallel_loop3A_656 = arith.index_cast %parallel_loop3A_471 : i32 to index
        %parallel_loop3A_657 = tpu.vector_load %arg8[%parallel_loop3A_655, %parallel_loop3A_656] {strides = array<i32>} : memref<8x2048xf32, #tpu.memory_space<vmem>>, vector<16xf32>,
        tpu.vector_store %arg8[%parallel_loop3A_655, %parallel_loop3A_656], %parallel_loop3A_653 {strides = array<i32>} : memref<8x2048xf32, #tpu.memory_space<vmem>>, vector<16xf32>,
        %parallel_loop3A_658 = arith.constant 6 : i32
        %parallel_loop3A_659 = arith.index_cast %parallel_loop3A_658 : i32 to index
        %parallel_loop3A_660 = arith.index_cast %parallel_loop3A_471 : i32 to index
        %parallel_loop3A_661 = tpu.vector_load %arg8[%parallel_loop3A_659, %parallel_loop3A_660] {strides = array<i32>} : memref<8x2048xf32, #tpu.memory_space<vmem>>, vector<16xf32>,
        %parallel_loop3A_662 = arith.constant 6.400000e+01 : f32
        %parallel_loop3A_663 = vector.broadcast %parallel_loop3A_662 : f32 to vector<16xf32>
        %parallel_loop3A_664 = arith.mulf %parallel_loop3A_661, %parallel_loop3A_663 : vector<16xf32>
        %parallel_loop3A_665 = arith.constant 0x4B400000 : f32
        %parallel_loop3A_666 = vector.broadcast %parallel_loop3A_665 : f32 to vector<16xf32>
        %parallel_loop3A_667 = arith.addf %parallel_loop3A_664, %parallel_loop3A_666 : vector<16xf32>
        %parallel_loop3A_668 = vector.bitcast %parallel_loop3A_667 : vector<16xf32> to vector<16xi32>
        %parallel_loop3A_669 = arith.constant 1262485248 : i32
        %parallel_loop3A_670 = vector.broadcast %parallel_loop3A_669 : i32 to vector<16xi32>
        %parallel_loop3A_671 = arith.subi %parallel_loop3A_668, %parallel_loop3A_670 : vector<16xi32>
        %parallel_loop3A_672 = vector.bitcast %parallel_loop3A_671 : vector<16xi32> to vector<16xi32>
        %parallel_loop3A_673 = arith.constant 511 : i32
        %parallel_loop3A_674 = vector.broadcast %parallel_loop3A_673 : i32 to vector<16xi32>
        %parallel_loop3A_675 = arith.minui %parallel_loop3A_672, %parallel_loop3A_674 : vector<16xi32>
        %parallel_loop3A_676 = vector.bitcast %parallel_loop3A_675 : vector<16xi32> to vector<16xi32>
        %parallel_loop3A_677 = tpu.vector_load_idx %arg6[%parallel_loop3A_676] : memref<512xf32, #tpu.memory_space<vmem>>[vector<16xi32>], vector<16xf32>,
        %parallel_loop3A_678 = arith.constant 0x4B400000 : f32
        %parallel_loop3A_679 = vector.broadcast %parallel_loop3A_678 : f32 to vector<16xf32>
        %parallel_loop3A_680 = arith.cmpf oge, %parallel_loop3A_667, %parallel_loop3A_679 : vector<16xf32>
        %parallel_loop3A_681 = arith.constant 0.000000e+00 : f32
        %parallel_loop3A_682 = vector.broadcast %parallel_loop3A_681 : f32 to vector<16xf32>
        %parallel_loop3A_683 = arith.select %parallel_loop3A_680, %parallel_loop3A_661, %parallel_loop3A_682 : vector<16xi1>, vector<16xf32>
        %parallel_loop3A_684 = arith.subf %parallel_loop3A_683, %parallel_loop3A_677 : vector<16xf32>
        %parallel_loop3A_685 = arith.constant 6 : i32
        %parallel_loop3A_686 = arith.index_cast %parallel_loop3A_685 : i32 to index
        %parallel_loop3A_687 = arith.index_cast %parallel_loop3A_471 : i32 to index
        %parallel_loop3A_688 = tpu.vector_load %arg8[%parallel_loop3A_686, %parallel_loop3A_687] {strides = array<i32>} : memref<8x2048xf32, #tpu.memory_space<vmem>>, vector<16xf32>,
        tpu.vector_store %arg8[%parallel_loop3A_686, %parallel_loop3A_687], %parallel_loop3A_684 {strides = array<i32>} : memref<8x2048xf32, #tpu.memory_space<vmem>>, vector<16xf32>,
        %parallel_loop3A_689 = arith.constant 7 : i32
        %parallel_loop3A_690 = arith.index_cast %parallel_loop3A_689 : i32 to index
        %parallel_loop3A_691 = arith.index_cast %parallel_loop3A_471 : i32 to index
        %parallel_loop3A_692 = tpu.vector_load %arg8[%parallel_loop3A_690, %parallel_loop3A_691] {strides = array<i32>} : memref<8x2048xf32, #tpu.memory_space<vmem>>, vector<16xf32>,
        %parallel_loop3A_693 = arith.constant 6.400000e+01 : f32
        %parallel_loop3A_694 = vector.broadcast %parallel_loop3A_693 : f32 to vector<16xf32>
        %parallel_loop3A_695 = arith.mulf %parallel_loop3A_692, %parallel_loop3A_694 : vector<16xf32>
        %parallel_loop3A_696 = arith.constant 0x4B400000 : f32
        %parallel_loop3A_697 = vector.broadcast %parallel_loop3A_696 : f32 to vector<16xf32>
        %parallel_loop3A_698 = arith.addf %parallel_loop3A_695, %parallel_loop3A_697 : vector<16xf32>
        %parallel_loop3A_699 = vector.bitcast %parallel_loop3A_698 : vector<16xf32> to vector<16xi32>
        %parallel_loop3A_700 = arith.constant 1262485248 : i32
        %parallel_loop3A_701 = vector.broadcast %parallel_loop3A_700 : i32 to vector<16xi32>
        %parallel_loop3A_702 = arith.subi %parallel_loop3A_699, %parallel_loop3A_701 : vector<16xi32>
        %parallel_loop3A_703 = vector.bitcast %parallel_loop3A_702 : vector<16xi32> to vector<16xi32>
        %parallel_loop3A_704 = arith.constant 511 : i32
        %parallel_loop3A_705 = vector.broadcast %parallel_loop3A_704 : i32 to vector<16xi32>
        %parallel_loop3A_706 = arith.minui %parallel_loop3A_703, %parallel_loop3A_705 : vector<16xi32>
        %parallel_loop3A_707 = vector.bitcast %parallel_loop3A_706 : vector<16xi32> to vector<16xi32>
        %parallel_loop3A_708 = tpu.vector_load_idx %arg6[%parallel_loop3A_707] : memref<512xf32, #tpu.memory_space<vmem>>[vector<16xi32>], vector<16xf32>,
        %parallel_loop3A_709 = arith.constant 0x4B400000 : f32
        %parallel_loop3A_710 = vector.broadcast %parallel_loop3A_709 : f32 to vector<16xf32>
        %parallel_loop3A_711 = arith.cmpf oge, %parallel_loop3A_698, %parallel_loop3A_710 : vector<16xf32>
        %parallel_loop3A_712 = arith.constant 0.000000e+00 : f32
        %parallel_loop3A_713 = vector.broadcast %parallel_loop3A_712 : f32 to vector<16xf32>
        %parallel_loop3A_714 = arith.select %parallel_loop3A_711, %parallel_loop3A_692, %parallel_loop3A_713 : vector<16xi1>, vector<16xf32>
        %parallel_loop3A_715 = arith.subf %parallel_loop3A_714, %parallel_loop3A_708 : vector<16xf32>
        %parallel_loop3A_716 = arith.constant 7 : i32
        %parallel_loop3A_717 = arith.index_cast %parallel_loop3A_716 : i32 to index
        %parallel_loop3A_718 = arith.index_cast %parallel_loop3A_471 : i32 to index
        %parallel_loop3A_719 = tpu.vector_load %arg8[%parallel_loop3A_717, %parallel_loop3A_718] {strides = array<i32>} : memref<8x2048xf32, #tpu.memory_space<vmem>>, vector<16xf32>,
        tpu.vector_store %arg8[%parallel_loop3A_717, %parallel_loop3A_718], %parallel_loop3A_715 {strides = array<i32>} : memref<8x2048xf32, #tpu.memory_space<vmem>>, vector<16xf32>,
      } {sc.loop_unroll_factor = 1 : i64, sc.parallel_access}
      %jit3A_253 = arith.constant 2 : i32
      %div3A_254 = arith.divsi %add3A_212, %jit3A_253 : i32
      %sign3A_255 = arith.constant 0 : i32
      %sign3A_256 = arith.cmpi sgt, %add3A_212, %sign3A_255 : i32
      %sign3A_257 = arith.extui %sign3A_256 : i1 to i32
      %sign3A_258 = arith.constant 0 : i32
      %sign3A_259 = arith.cmpi slt, %add3A_212, %sign3A_258 : i32
      %sign3A_260 = arith.extui %sign3A_259 : i1 to i32
      %sign3A_261 = arith.subi %sign3A_257, %sign3A_260 : i32
      %sign3A_262 = arith.constant 0 : i32
      %sign3A_263 = arith.cmpi sgt, %jit3A_253, %sign3A_262 : i32
      %sign3A_264 = arith.extui %sign3A_263 : i1 to i32
      %sign3A_265 = arith.constant 0 : i32
      %sign3A_266 = arith.cmpi slt, %jit3A_253, %sign3A_265 : i32
      %sign3A_267 = arith.extui %sign3A_266 : i1 to i32
      %sign3A_268 = arith.subi %sign3A_264, %sign3A_267 : i32
      %ne3A_269 = arith.cmpi ne, %sign3A_261, %sign3A_268 : i32
      %rem3A_270 = arith.remsi %add3A_212, %jit3A_253 : i32
      %ne3A_271 = arith.constant 0 : i32
      %ne3A_272 = arith.cmpi ne, %rem3A_270, %ne3A_271 : i32
      %and3A_273 = arith.andi %ne3A_269, %ne3A_272 : i1
      %sub3A_274 = arith.constant 1 : i32
      %sub3A_275 = arith.subi %div3A_254, %sub3A_274 : i32
      %select_n3A_276 = arith.select %and3A_273, %sub3A_275, %div3A_254 : i32
      %mul3A_277 = arith.constant 8 : i32
      %mul3A_278 = arith.muli %select_n3A_276, %mul3A_277 : i32
      %add3A_279 = arith.addi %mul3A_32, %mul3A_278 : i32
      %multiple_of3A_280 = tpu.assume_multiple %add3A_279, 8 : i32
      %dma_start3A_281 = arith.constant 1 : i32
      %dma_start3A_282 = arith.constant 2048 : i32
      %dma_start3A_283 = tpu.memref_slice %arg4[%select_n3A, %multiple_of3A_280, %dma_start3A_282] : memref<2x8192x4096xf32, #tpu.memory_space<hbm>> -> memref<1x8x2048xf32, #tpu.memory_space<hbm>>
      %dma_start3A_284 = tpu.memref_squeeze %dma_start3A_283 : memref<1x8x2048xf32, #tpu.memory_space<hbm>> -> memref<8x2048xf32, #tpu.memory_space<hbm>>
      %dma_start3A_285 = tpu.memref_slice %arg12[%dma_start3A_281] : memref<4x!tpu.dma_semaphore, #tpu.memory_space<semaphore_mem>> -> memref<1x!tpu.dma_semaphore, #tpu.memory_space<semaphore_mem>>
      %dma_start3A_286 = tpu.memref_squeeze %dma_start3A_285 : memref<1x!tpu.dma_semaphore, #tpu.memory_space<semaphore_mem>> -> memref<!tpu.dma_semaphore, #tpu.memory_space<semaphore_mem>>
      %dma_start3A_287 = arith.constant 2048 : i32
      %dma_start3A_288 = tpu.memref_slice %arg4[%select_n3A, %multiple_of3A_280, %dma_start3A_287] : memref<2x8192x4096xf32, #tpu.memory_space<hbm>> -> memref<1x8x2048xf32, #tpu.memory_space<hbm>>
      %dma_start3A_289 = tpu.memref_squeeze %dma_start3A_288 : memref<1x8x2048xf32, #tpu.memory_space<hbm>> -> memref<8x2048xf32, #tpu.memory_space<hbm>>
      tpu.enqueue_dma source(%arg8 : memref<8x2048xf32, #tpu.memory_space<vmem>>) target(%dma_start3A_289 : memref<8x2048xf32, #tpu.memory_space<hbm>>) target_semaphore(%dma_start3A_286 : memref<!tpu.dma_semaphore, #tpu.memory_space<semaphore_mem>>)
      %add3A_290 = arith.constant 3 : i32
      %add3A_291 = arith.addi %add3A_212, %add3A_290 : i32
      %lt3A_292 = arith.constant 128 : i32
      %lt3A_293 = arith.cmpi slt, %add3A_291, %lt3A_292 : i32
      %convert_element_type3A_294 = arith.extui %lt3A_293 : i1 to i32
      %cond3A_295 = arith.constant 0 : i32
      %cond3A_296 = arith.cmpi ne, %convert_element_type3A_294, %cond3A_295 : i32
      scf.if %cond3A_296 {
        %ge3A = arith.constant 1 : i32
        %ge3A_469 = arith.cmpi sge, %add3A_212, %ge3A : i32
        %convert_element_type3A_470 = arith.extui %ge3A_469 : i1 to i32
        %cond3A_471 = arith.constant 0 : i32
        %cond3A_472 = arith.cmpi ne, %convert_element_type3A_470, %cond3A_471 : i32
        scf.if %cond3A_472 {
          %add3A_512 = arith.constant 3 : i32
          %add3A_513 = arith.addi %add3A_212, %add3A_512 : i32
          %sub3A_514 = arith.constant 4 : i32
          %sub3A_515 = arith.subi %add3A_513, %sub3A_514 : i32
          %jit3A_516 = arith.constant 2 : i32
          %div3A_517 = arith.divsi %sub3A_515, %jit3A_516 : i32
          %sign3A_518 = arith.constant 0 : i32
          %sign3A_519 = arith.cmpi sgt, %sub3A_515, %sign3A_518 : i32
          %sign3A_520 = arith.extui %sign3A_519 : i1 to i32
          %sign3A_521 = arith.constant 0 : i32
          %sign3A_522 = arith.cmpi slt, %sub3A_515, %sign3A_521 : i32
          %sign3A_523 = arith.extui %sign3A_522 : i1 to i32
          %sign3A_524 = arith.subi %sign3A_520, %sign3A_523 : i32
          %sign3A_525 = arith.constant 0 : i32
          %sign3A_526 = arith.cmpi sgt, %jit3A_516, %sign3A_525 : i32
          %sign3A_527 = arith.extui %sign3A_526 : i1 to i32
          %sign3A_528 = arith.constant 0 : i32
          %sign3A_529 = arith.cmpi slt, %jit3A_516, %sign3A_528 : i32
          %sign3A_530 = arith.extui %sign3A_529 : i1 to i32
          %sign3A_531 = arith.subi %sign3A_527, %sign3A_530 : i32
          %ne3A_532 = arith.cmpi ne, %sign3A_524, %sign3A_531 : i32
          %rem3A_533 = arith.remsi %sub3A_515, %jit3A_516 : i32
          %ne3A_534 = arith.constant 0 : i32
          %ne3A_535 = arith.cmpi ne, %rem3A_533, %ne3A_534 : i32
          %and3A_536 = arith.andi %ne3A_532, %ne3A_535 : i1
          %sub3A_537 = arith.constant 1 : i32
          %sub3A_538 = arith.subi %div3A_517, %sub3A_537 : i32
          %select_n3A_539 = arith.select %and3A_536, %sub3A_538, %div3A_517 : i32
          %mul3A_540 = arith.constant 8 : i32
          %mul3A_541 = arith.muli %select_n3A_539, %mul3A_540 : i32
          %add3A_542 = arith.addi %mul3A_32, %mul3A_541 : i32
          %multiple_of3A_543 = tpu.assume_multiple %add3A_542, 8 : i32
          %dma_wait3A_544 = arith.constant 0 : i32
          %dma_wait3A_545 = arith.constant 0 : i32
          %dma_wait3A_546 = tpu.memref_slice %arg4[%select_n3A, %multiple_of3A_543, %dma_wait3A_545] : memref<2x8192x4096xf32, #tpu.memory_space<hbm>> -> memref<1x8x2048xf32, #tpu.memory_space<hbm>>
          %dma_wait3A_547 = tpu.memref_squeeze %dma_wait3A_546 : memref<1x8x2048xf32, #tpu.memory_space<hbm>> -> memref<8x2048xf32, #tpu.memory_space<hbm>>
          %dma_wait3A_548 = tpu.memref_slice %arg12[%dma_wait3A_544] : memref<4x!tpu.dma_semaphore, #tpu.memory_space<semaphore_mem>> -> memref<1x!tpu.dma_semaphore, #tpu.memory_space<semaphore_mem>>
          %dma_wait3A_549 = tpu.memref_squeeze %dma_wait3A_548 : memref<1x!tpu.dma_semaphore, #tpu.memory_space<semaphore_mem>> -> memref<!tpu.dma_semaphore, #tpu.memory_space<semaphore_mem>>
          %dma_wait3A_550 = arith.constant 0 : i32
          %dma_wait3A_551 = tpu.memref_slice %arg4[%select_n3A, %multiple_of3A_543, %dma_wait3A_550] : memref<2x8192x4096xf32, #tpu.memory_space<hbm>> -> memref<1x8x2048xf32, #tpu.memory_space<hbm>>
          %dma_wait3A_552 = tpu.memref_squeeze %dma_wait3A_551 : memref<1x8x2048xf32, #tpu.memory_space<hbm>> -> memref<8x2048xf32, #tpu.memory_space<hbm>>
          tpu.wait_dma2 semaphore(%dma_wait3A_549 : memref<!tpu.dma_semaphore, #tpu.memory_space<semaphore_mem>>) src(%arg7 : memref<8x2048xf32, #tpu.memory_space<vmem>>) dst(%dma_wait3A_552 : memref<8x2048xf32, #tpu.memory_space<hbm>>)
        } else {
        }
        %add3A_473 = arith.constant 3 : i32
        %add3A_474 = arith.addi %add3A_212, %add3A_473 : i32
        %jit3A_475 = arith.constant 2 : i32
        %div3A_476 = arith.divsi %add3A_474, %jit3A_475 : i32
        %sign3A_477 = arith.constant 0 : i32
        %sign3A_478 = arith.cmpi sgt, %add3A_474, %sign3A_477 : i32
        %sign3A_479 = arith.extui %sign3A_478 : i1 to i32
        %sign3A_480 = arith.constant 0 : i32
        %sign3A_481 = arith.cmpi slt, %add3A_474, %sign3A_480 : i32
        %sign3A_482 = arith.extui %sign3A_481 : i1 to i32
        %sign3A_483 = arith.subi %sign3A_479, %sign3A_482 : i32
        %sign3A_484 = arith.constant 0 : i32
        %sign3A_485 = arith.cmpi sgt, %jit3A_475, %sign3A_484 : i32
        %sign3A_486 = arith.extui %sign3A_485 : i1 to i32
        %sign3A_487 = arith.constant 0 : i32
        %sign3A_488 = arith.cmpi slt, %jit3A_475, %sign3A_487 : i32
        %sign3A_489 = arith.extui %sign3A_488 : i1 to i32
        %sign3A_490 = arith.subi %sign3A_486, %sign3A_489 : i32
        %ne3A_491 = arith.cmpi ne, %sign3A_483, %sign3A_490 : i32
        %rem3A_492 = arith.remsi %add3A_474, %jit3A_475 : i32
        %ne3A_493 = arith.constant 0 : i32
        %ne3A_494 = arith.cmpi ne, %rem3A_492, %ne3A_493 : i32
        %and3A_495 = arith.andi %ne3A_491, %ne3A_494 : i1
        %sub3A_496 = arith.constant 1 : i32
        %sub3A_497 = arith.subi %div3A_476, %sub3A_496 : i32
        %select_n3A_498 = arith.select %and3A_495, %sub3A_497, %div3A_476 : i32
        %mul3A_499 = arith.constant 8 : i32
        %mul3A_500 = arith.muli %select_n3A_498, %mul3A_499 : i32
        %add3A_501 = arith.addi %mul3A_32, %mul3A_500 : i32
        %multiple_of3A_502 = tpu.assume_multiple %add3A_501, 8 : i32
        %dma_start3A_503 = arith.constant 0 : i32
        %dma_start3A_504 = arith.constant 0 : i32
        %dma_start3A_505 = tpu.memref_slice %arg2[%select_n3A, %multiple_of3A_502, %dma_start3A_504] : memref<2x8192x4096xf32, #tpu.memory_space<hbm>> -> memref<1x8x2048xf32, #tpu.memory_space<hbm>>
        %dma_start3A_506 = tpu.memref_squeeze %dma_start3A_505 : memref<1x8x2048xf32, #tpu.memory_space<hbm>> -> memref<8x2048xf32, #tpu.memory_space<hbm>>
        %dma_start3A_507 = tpu.memref_slice %arg11[%dma_start3A_503] : memref<4x!tpu.dma_semaphore, #tpu.memory_space<semaphore_mem>> -> memref<1x!tpu.dma_semaphore, #tpu.memory_space<semaphore_mem>>
        %dma_start3A_508 = tpu.memref_squeeze %dma_start3A_507 : memref<1x!tpu.dma_semaphore, #tpu.memory_space<semaphore_mem>> -> memref<!tpu.dma_semaphore, #tpu.memory_space<semaphore_mem>>
        %dma_start3A_509 = arith.constant 0 : i32
        %dma_start3A_510 = tpu.memref_slice %arg2[%select_n3A, %multiple_of3A_502, %dma_start3A_509] : memref<2x8192x4096xf32, #tpu.memory_space<hbm>> -> memref<1x8x2048xf32, #tpu.memory_space<hbm>>
        %dma_start3A_511 = tpu.memref_squeeze %dma_start3A_510 : memref<1x8x2048xf32, #tpu.memory_space<hbm>> -> memref<8x2048xf32, #tpu.memory_space<hbm>>
        tpu.enqueue_dma source(%dma_start3A_511 : memref<8x2048xf32, #tpu.memory_space<hbm>>) target(%arg7 : memref<8x2048xf32, #tpu.memory_space<vmem>>) target_semaphore(%dma_start3A_508 : memref<!tpu.dma_semaphore, #tpu.memory_space<semaphore_mem>>)
      } else {
      }
      %add3A_297 = arith.constant 2 : i32
      %add3A_298 = arith.addi %add3A_127, %add3A_297 : i32
      %jit3A_299 = arith.constant 2 : i32
      %div3A_300 = arith.divsi %add3A_298, %jit3A_299 : i32
      %sign3A_301 = arith.constant 0 : i32
      %sign3A_302 = arith.cmpi sgt, %add3A_298, %sign3A_301 : i32
      %sign3A_303 = arith.extui %sign3A_302 : i1 to i32
      %sign3A_304 = arith.constant 0 : i32
      %sign3A_305 = arith.cmpi slt, %add3A_298, %sign3A_304 : i32
      %sign3A_306 = arith.extui %sign3A_305 : i1 to i32
      %sign3A_307 = arith.subi %sign3A_303, %sign3A_306 : i32
      %sign3A_308 = arith.constant 0 : i32
      %sign3A_309 = arith.cmpi sgt, %jit3A_299, %sign3A_308 : i32
      %sign3A_310 = arith.extui %sign3A_309 : i1 to i32
      %sign3A_311 = arith.constant 0 : i32
      %sign3A_312 = arith.cmpi slt, %jit3A_299, %sign3A_311 : i32
      %sign3A_313 = arith.extui %sign3A_312 : i1 to i32
      %sign3A_314 = arith.subi %sign3A_310, %sign3A_313 : i32
      %ne3A_315 = arith.cmpi ne, %sign3A_307, %sign3A_314 : i32
      %rem3A_316 = arith.remsi %add3A_298, %jit3A_299 : i32
      %ne3A_317 = arith.constant 0 : i32
      %ne3A_318 = arith.cmpi ne, %rem3A_316, %ne3A_317 : i32
      %and3A_319 = arith.andi %ne3A_315, %ne3A_318 : i1
      %sub3A_320 = arith.constant 1 : i32
      %sub3A_321 = arith.subi %div3A_300, %sub3A_320 : i32
      %select_n3A_322 = arith.select %and3A_319, %sub3A_321, %div3A_300 : i32
      %mul3A_323 = arith.constant 8 : i32
      %mul3A_324 = arith.muli %select_n3A_322, %mul3A_323 : i32
      %add3A_325 = arith.addi %mul3A_32, %mul3A_324 : i32
      %multiple_of3A_326 = tpu.assume_multiple %add3A_325, 8 : i32
      %dma_wait3A_327 = arith.constant 2 : i32
      %dma_wait3A_328 = arith.constant 0 : i32
      %dma_wait3A_329 = tpu.memref_slice %arg2[%select_n3A, %multiple_of3A_326, %dma_wait3A_328] : memref<2x8192x4096xf32, #tpu.memory_space<hbm>> -> memref<1x8x2048xf32, #tpu.memory_space<hbm>>
      %dma_wait3A_330 = tpu.memref_squeeze %dma_wait3A_329 : memref<1x8x2048xf32, #tpu.memory_space<hbm>> -> memref<8x2048xf32, #tpu.memory_space<hbm>>
      %dma_wait3A_331 = tpu.memref_slice %arg11[%dma_wait3A_327] : memref<4x!tpu.dma_semaphore, #tpu.memory_space<semaphore_mem>> -> memref<1x!tpu.dma_semaphore, #tpu.memory_space<semaphore_mem>>
      %dma_wait3A_332 = tpu.memref_squeeze %dma_wait3A_331 : memref<1x!tpu.dma_semaphore, #tpu.memory_space<semaphore_mem>> -> memref<!tpu.dma_semaphore, #tpu.memory_space<semaphore_mem>>
      %dma_wait3A_333 = arith.constant 0 : i32
      %dma_wait3A_334 = tpu.memref_slice %arg2[%select_n3A, %multiple_of3A_326, %dma_wait3A_333] : memref<2x8192x4096xf32, #tpu.memory_space<hbm>> -> memref<1x8x2048xf32, #tpu.memory_space<hbm>>
      %dma_wait3A_335 = tpu.memref_squeeze %dma_wait3A_334 : memref<1x8x2048xf32, #tpu.memory_space<hbm>> -> memref<8x2048xf32, #tpu.memory_space<hbm>>
      tpu.wait_dma2 semaphore(%dma_wait3A_332 : memref<!tpu.dma_semaphore, #tpu.memory_space<semaphore_mem>>) src(%dma_wait3A_335 : memref<8x2048xf32, #tpu.memory_space<hbm>>) dst(%arg9 : memref<8x2048xf32, #tpu.memory_space<vmem>>)
      %parallel_loop3A_336 = arith.constant 0 : i32
      %parallel_loop3A_337 = arith.constant 128 : i32
      %parallel_loop3A_338 = arith.constant 1 : i32
      scf.for %parallel_loop3A_469 = %parallel_loop3A_336 to %parallel_loop3A_337 step %parallel_loop3A_338  : i32 {
        %parallel_loop3A_470 = arith.constant 16 : i32
        %parallel_loop3A_471 = arith.muli %parallel_loop3A_469, %parallel_loop3A_470 : i32
        %parallel_loop3A_472 = arith.constant 0 : i32
        %parallel_loop3A_473 = arith.index_cast %parallel_loop3A_472 : i32 to index
        %parallel_loop3A_474 = arith.index_cast %parallel_loop3A_471 : i32 to index
        %parallel_loop3A_475 = tpu.vector_load %arg9[%parallel_loop3A_473, %parallel_loop3A_474] {strides = array<i32>} : memref<8x2048xf32, #tpu.memory_space<vmem>>, vector<16xf32>,
        %parallel_loop3A_476 = arith.constant 6.400000e+01 : f32
        %parallel_loop3A_477 = vector.broadcast %parallel_loop3A_476 : f32 to vector<16xf32>
        %parallel_loop3A_478 = arith.mulf %parallel_loop3A_475, %parallel_loop3A_477 : vector<16xf32>
        %parallel_loop3A_479 = arith.constant 0x4B400000 : f32
        %parallel_loop3A_480 = vector.broadcast %parallel_loop3A_479 : f32 to vector<16xf32>
        %parallel_loop3A_481 = arith.addf %parallel_loop3A_478, %parallel_loop3A_480 : vector<16xf32>
        %parallel_loop3A_482 = vector.bitcast %parallel_loop3A_481 : vector<16xf32> to vector<16xi32>
        %parallel_loop3A_483 = arith.constant 1262485248 : i32
        %parallel_loop3A_484 = vector.broadcast %parallel_loop3A_483 : i32 to vector<16xi32>
        %parallel_loop3A_485 = arith.subi %parallel_loop3A_482, %parallel_loop3A_484 : vector<16xi32>
        %parallel_loop3A_486 = vector.bitcast %parallel_loop3A_485 : vector<16xi32> to vector<16xi32>
        %parallel_loop3A_487 = arith.constant 511 : i32
        %parallel_loop3A_488 = vector.broadcast %parallel_loop3A_487 : i32 to vector<16xi32>
        %parallel_loop3A_489 = arith.minui %parallel_loop3A_486, %parallel_loop3A_488 : vector<16xi32>
        %parallel_loop3A_490 = vector.bitcast %parallel_loop3A_489 : vector<16xi32> to vector<16xi32>
        %parallel_loop3A_491 = tpu.vector_load_idx %arg6[%parallel_loop3A_490] : memref<512xf32, #tpu.memory_space<vmem>>[vector<16xi32>], vector<16xf32>,
        %parallel_loop3A_492 = arith.constant 0x4B400000 : f32
        %parallel_loop3A_493 = vector.broadcast %parallel_loop3A_492 : f32 to vector<16xf32>
        %parallel_loop3A_494 = arith.cmpf oge, %parallel_loop3A_481, %parallel_loop3A_493 : vector<16xf32>
        %parallel_loop3A_495 = arith.constant 0.000000e+00 : f32
        %parallel_loop3A_496 = vector.broadcast %parallel_loop3A_495 : f32 to vector<16xf32>
        %parallel_loop3A_497 = arith.select %parallel_loop3A_494, %parallel_loop3A_475, %parallel_loop3A_496 : vector<16xi1>, vector<16xf32>
        %parallel_loop3A_498 = arith.subf %parallel_loop3A_497, %parallel_loop3A_491 : vector<16xf32>
        %parallel_loop3A_499 = arith.constant 0 : i32
        %parallel_loop3A_500 = arith.index_cast %parallel_loop3A_499 : i32 to index
        %parallel_loop3A_501 = arith.index_cast %parallel_loop3A_471 : i32 to index
        %parallel_loop3A_502 = tpu.vector_load %arg9[%parallel_loop3A_500, %parallel_loop3A_501] {strides = array<i32>} : memref<8x2048xf32, #tpu.memory_space<vmem>>, vector<16xf32>,
        tpu.vector_store %arg9[%parallel_loop3A_500, %parallel_loop3A_501], %parallel_loop3A_498 {strides = array<i32>} : memref<8x2048xf32, #tpu.memory_space<vmem>>, vector<16xf32>,
        %parallel_loop3A_503 = arith.constant 1 : i32
        %parallel_loop3A_504 = arith.index_cast %parallel_loop3A_503 : i32 to index
        %parallel_loop3A_505 = arith.index_cast %parallel_loop3A_471 : i32 to index
        %parallel_loop3A_506 = tpu.vector_load %arg9[%parallel_loop3A_504, %parallel_loop3A_505] {strides = array<i32>} : memref<8x2048xf32, #tpu.memory_space<vmem>>, vector<16xf32>,
        %parallel_loop3A_507 = arith.constant 6.400000e+01 : f32
        %parallel_loop3A_508 = vector.broadcast %parallel_loop3A_507 : f32 to vector<16xf32>
        %parallel_loop3A_509 = arith.mulf %parallel_loop3A_506, %parallel_loop3A_508 : vector<16xf32>
        %parallel_loop3A_510 = arith.constant 0x4B400000 : f32
        %parallel_loop3A_511 = vector.broadcast %parallel_loop3A_510 : f32 to vector<16xf32>
        %parallel_loop3A_512 = arith.addf %parallel_loop3A_509, %parallel_loop3A_511 : vector<16xf32>
        %parallel_loop3A_513 = vector.bitcast %parallel_loop3A_512 : vector<16xf32> to vector<16xi32>
        %parallel_loop3A_514 = arith.constant 1262485248 : i32
        %parallel_loop3A_515 = vector.broadcast %parallel_loop3A_514 : i32 to vector<16xi32>
        %parallel_loop3A_516 = arith.subi %parallel_loop3A_513, %parallel_loop3A_515 : vector<16xi32>
        %parallel_loop3A_517 = vector.bitcast %parallel_loop3A_516 : vector<16xi32> to vector<16xi32>
        %parallel_loop3A_518 = arith.constant 511 : i32
        %parallel_loop3A_519 = vector.broadcast %parallel_loop3A_518 : i32 to vector<16xi32>
        %parallel_loop3A_520 = arith.minui %parallel_loop3A_517, %parallel_loop3A_519 : vector<16xi32>
        %parallel_loop3A_521 = vector.bitcast %parallel_loop3A_520 : vector<16xi32> to vector<16xi32>
        %parallel_loop3A_522 = tpu.vector_load_idx %arg6[%parallel_loop3A_521] : memref<512xf32, #tpu.memory_space<vmem>>[vector<16xi32>], vector<16xf32>,
        %parallel_loop3A_523 = arith.constant 0x4B400000 : f32
        %parallel_loop3A_524 = vector.broadcast %parallel_loop3A_523 : f32 to vector<16xf32>
        %parallel_loop3A_525 = arith.cmpf oge, %parallel_loop3A_512, %parallel_loop3A_524 : vector<16xf32>
        %parallel_loop3A_526 = arith.constant 0.000000e+00 : f32
        %parallel_loop3A_527 = vector.broadcast %parallel_loop3A_526 : f32 to vector<16xf32>
        %parallel_loop3A_528 = arith.select %parallel_loop3A_525, %parallel_loop3A_506, %parallel_loop3A_527 : vector<16xi1>, vector<16xf32>
        %parallel_loop3A_529 = arith.subf %parallel_loop3A_528, %parallel_loop3A_522 : vector<16xf32>
        %parallel_loop3A_530 = arith.constant 1 : i32
        %parallel_loop3A_531 = arith.index_cast %parallel_loop3A_530 : i32 to index
        %parallel_loop3A_532 = arith.index_cast %parallel_loop3A_471 : i32 to index
        %parallel_loop3A_533 = tpu.vector_load %arg9[%parallel_loop3A_531, %parallel_loop3A_532] {strides = array<i32>} : memref<8x2048xf32, #tpu.memory_space<vmem>>, vector<16xf32>,
        tpu.vector_store %arg9[%parallel_loop3A_531, %parallel_loop3A_532], %parallel_loop3A_529 {strides = array<i32>} : memref<8x2048xf32, #tpu.memory_space<vmem>>, vector<16xf32>,
        %parallel_loop3A_534 = arith.constant 2 : i32
        %parallel_loop3A_535 = arith.index_cast %parallel_loop3A_534 : i32 to index
        %parallel_loop3A_536 = arith.index_cast %parallel_loop3A_471 : i32 to index
        %parallel_loop3A_537 = tpu.vector_load %arg9[%parallel_loop3A_535, %parallel_loop3A_536] {strides = array<i32>} : memref<8x2048xf32, #tpu.memory_space<vmem>>, vector<16xf32>,
        %parallel_loop3A_538 = arith.constant 6.400000e+01 : f32
        %parallel_loop3A_539 = vector.broadcast %parallel_loop3A_538 : f32 to vector<16xf32>
        %parallel_loop3A_540 = arith.mulf %parallel_loop3A_537, %parallel_loop3A_539 : vector<16xf32>
        %parallel_loop3A_541 = arith.constant 0x4B400000 : f32
        %parallel_loop3A_542 = vector.broadcast %parallel_loop3A_541 : f32 to vector<16xf32>
        %parallel_loop3A_543 = arith.addf %parallel_loop3A_540, %parallel_loop3A_542 : vector<16xf32>
        %parallel_loop3A_544 = vector.bitcast %parallel_loop3A_543 : vector<16xf32> to vector<16xi32>
        %parallel_loop3A_545 = arith.constant 1262485248 : i32
        %parallel_loop3A_546 = vector.broadcast %parallel_loop3A_545 : i32 to vector<16xi32>
        %parallel_loop3A_547 = arith.subi %parallel_loop3A_544, %parallel_loop3A_546 : vector<16xi32>
        %parallel_loop3A_548 = vector.bitcast %parallel_loop3A_547 : vector<16xi32> to vector<16xi32>
        %parallel_loop3A_549 = arith.constant 511 : i32
        %parallel_loop3A_550 = vector.broadcast %parallel_loop3A_549 : i32 to vector<16xi32>
        %parallel_loop3A_551 = arith.minui %parallel_loop3A_548, %parallel_loop3A_550 : vector<16xi32>
        %parallel_loop3A_552 = vector.bitcast %parallel_loop3A_551 : vector<16xi32> to vector<16xi32>
        %parallel_loop3A_553 = tpu.vector_load_idx %arg6[%parallel_loop3A_552] : memref<512xf32, #tpu.memory_space<vmem>>[vector<16xi32>], vector<16xf32>,
        %parallel_loop3A_554 = arith.constant 0x4B400000 : f32
        %parallel_loop3A_555 = vector.broadcast %parallel_loop3A_554 : f32 to vector<16xf32>
        %parallel_loop3A_556 = arith.cmpf oge, %parallel_loop3A_543, %parallel_loop3A_555 : vector<16xf32>
        %parallel_loop3A_557 = arith.constant 0.000000e+00 : f32
        %parallel_loop3A_558 = vector.broadcast %parallel_loop3A_557 : f32 to vector<16xf32>
        %parallel_loop3A_559 = arith.select %parallel_loop3A_556, %parallel_loop3A_537, %parallel_loop3A_558 : vector<16xi1>, vector<16xf32>
        %parallel_loop3A_560 = arith.subf %parallel_loop3A_559, %parallel_loop3A_553 : vector<16xf32>
        %parallel_loop3A_561 = arith.constant 2 : i32
        %parallel_loop3A_562 = arith.index_cast %parallel_loop3A_561 : i32 to index
        %parallel_loop3A_563 = arith.index_cast %parallel_loop3A_471 : i32 to index
        %parallel_loop3A_564 = tpu.vector_load %arg9[%parallel_loop3A_562, %parallel_loop3A_563] {strides = array<i32>} : memref<8x2048xf32, #tpu.memory_space<vmem>>, vector<16xf32>,
        tpu.vector_store %arg9[%parallel_loop3A_562, %parallel_loop3A_563], %parallel_loop3A_560 {strides = array<i32>} : memref<8x2048xf32, #tpu.memory_space<vmem>>, vector<16xf32>,
        %parallel_loop3A_565 = arith.constant 3 : i32
        %parallel_loop3A_566 = arith.index_cast %parallel_loop3A_565 : i32 to index
        %parallel_loop3A_567 = arith.index_cast %parallel_loop3A_471 : i32 to index
        %parallel_loop3A_568 = tpu.vector_load %arg9[%parallel_loop3A_566, %parallel_loop3A_567] {strides = array<i32>} : memref<8x2048xf32, #tpu.memory_space<vmem>>, vector<16xf32>,
        %parallel_loop3A_569 = arith.constant 6.400000e+01 : f32
        %parallel_loop3A_570 = vector.broadcast %parallel_loop3A_569 : f32 to vector<16xf32>
        %parallel_loop3A_571 = arith.mulf %parallel_loop3A_568, %parallel_loop3A_570 : vector<16xf32>
        %parallel_loop3A_572 = arith.constant 0x4B400000 : f32
        %parallel_loop3A_573 = vector.broadcast %parallel_loop3A_572 : f32 to vector<16xf32>
        %parallel_loop3A_574 = arith.addf %parallel_loop3A_571, %parallel_loop3A_573 : vector<16xf32>
        %parallel_loop3A_575 = vector.bitcast %parallel_loop3A_574 : vector<16xf32> to vector<16xi32>
        %parallel_loop3A_576 = arith.constant 1262485248 : i32
        %parallel_loop3A_577 = vector.broadcast %parallel_loop3A_576 : i32 to vector<16xi32>
        %parallel_loop3A_578 = arith.subi %parallel_loop3A_575, %parallel_loop3A_577 : vector<16xi32>
        %parallel_loop3A_579 = vector.bitcast %parallel_loop3A_578 : vector<16xi32> to vector<16xi32>
        %parallel_loop3A_580 = arith.constant 511 : i32
        %parallel_loop3A_581 = vector.broadcast %parallel_loop3A_580 : i32 to vector<16xi32>
        %parallel_loop3A_582 = arith.minui %parallel_loop3A_579, %parallel_loop3A_581 : vector<16xi32>
        %parallel_loop3A_583 = vector.bitcast %parallel_loop3A_582 : vector<16xi32> to vector<16xi32>
        %parallel_loop3A_584 = tpu.vector_load_idx %arg6[%parallel_loop3A_583] : memref<512xf32, #tpu.memory_space<vmem>>[vector<16xi32>], vector<16xf32>,
        %parallel_loop3A_585 = arith.constant 0x4B400000 : f32
        %parallel_loop3A_586 = vector.broadcast %parallel_loop3A_585 : f32 to vector<16xf32>
        %parallel_loop3A_587 = arith.cmpf oge, %parallel_loop3A_574, %parallel_loop3A_586 : vector<16xf32>
        %parallel_loop3A_588 = arith.constant 0.000000e+00 : f32
        %parallel_loop3A_589 = vector.broadcast %parallel_loop3A_588 : f32 to vector<16xf32>
        %parallel_loop3A_590 = arith.select %parallel_loop3A_587, %parallel_loop3A_568, %parallel_loop3A_589 : vector<16xi1>, vector<16xf32>
        %parallel_loop3A_591 = arith.subf %parallel_loop3A_590, %parallel_loop3A_584 : vector<16xf32>
        %parallel_loop3A_592 = arith.constant 3 : i32
        %parallel_loop3A_593 = arith.index_cast %parallel_loop3A_592 : i32 to index
        %parallel_loop3A_594 = arith.index_cast %parallel_loop3A_471 : i32 to index
        %parallel_loop3A_595 = tpu.vector_load %arg9[%parallel_loop3A_593, %parallel_loop3A_594] {strides = array<i32>} : memref<8x2048xf32, #tpu.memory_space<vmem>>, vector<16xf32>,
        tpu.vector_store %arg9[%parallel_loop3A_593, %parallel_loop3A_594], %parallel_loop3A_591 {strides = array<i32>} : memref<8x2048xf32, #tpu.memory_space<vmem>>, vector<16xf32>,
        %parallel_loop3A_596 = arith.constant 4 : i32
        %parallel_loop3A_597 = arith.index_cast %parallel_loop3A_596 : i32 to index
        %parallel_loop3A_598 = arith.index_cast %parallel_loop3A_471 : i32 to index
        %parallel_loop3A_599 = tpu.vector_load %arg9[%parallel_loop3A_597, %parallel_loop3A_598] {strides = array<i32>} : memref<8x2048xf32, #tpu.memory_space<vmem>>, vector<16xf32>,
        %parallel_loop3A_600 = arith.constant 6.400000e+01 : f32
        %parallel_loop3A_601 = vector.broadcast %parallel_loop3A_600 : f32 to vector<16xf32>
        %parallel_loop3A_602 = arith.mulf %parallel_loop3A_599, %parallel_loop3A_601 : vector<16xf32>
        %parallel_loop3A_603 = arith.constant 0x4B400000 : f32
        %parallel_loop3A_604 = vector.broadcast %parallel_loop3A_603 : f32 to vector<16xf32>
        %parallel_loop3A_605 = arith.addf %parallel_loop3A_602, %parallel_loop3A_604 : vector<16xf32>
        %parallel_loop3A_606 = vector.bitcast %parallel_loop3A_605 : vector<16xf32> to vector<16xi32>
        %parallel_loop3A_607 = arith.constant 1262485248 : i32
        %parallel_loop3A_608 = vector.broadcast %parallel_loop3A_607 : i32 to vector<16xi32>
        %parallel_loop3A_609 = arith.subi %parallel_loop3A_606, %parallel_loop3A_608 : vector<16xi32>
        %parallel_loop3A_610 = vector.bitcast %parallel_loop3A_609 : vector<16xi32> to vector<16xi32>
        %parallel_loop3A_611 = arith.constant 511 : i32
        %parallel_loop3A_612 = vector.broadcast %parallel_loop3A_611 : i32 to vector<16xi32>
        %parallel_loop3A_613 = arith.minui %parallel_loop3A_610, %parallel_loop3A_612 : vector<16xi32>
        %parallel_loop3A_614 = vector.bitcast %parallel_loop3A_613 : vector<16xi32> to vector<16xi32>
        %parallel_loop3A_615 = tpu.vector_load_idx %arg6[%parallel_loop3A_614] : memref<512xf32, #tpu.memory_space<vmem>>[vector<16xi32>], vector<16xf32>,
        %parallel_loop3A_616 = arith.constant 0x4B400000 : f32
        %parallel_loop3A_617 = vector.broadcast %parallel_loop3A_616 : f32 to vector<16xf32>
        %parallel_loop3A_618 = arith.cmpf oge, %parallel_loop3A_605, %parallel_loop3A_617 : vector<16xf32>
        %parallel_loop3A_619 = arith.constant 0.000000e+00 : f32
        %parallel_loop3A_620 = vector.broadcast %parallel_loop3A_619 : f32 to vector<16xf32>
        %parallel_loop3A_621 = arith.select %parallel_loop3A_618, %parallel_loop3A_599, %parallel_loop3A_620 : vector<16xi1>, vector<16xf32>
        %parallel_loop3A_622 = arith.subf %parallel_loop3A_621, %parallel_loop3A_615 : vector<16xf32>
        %parallel_loop3A_623 = arith.constant 4 : i32
        %parallel_loop3A_624 = arith.index_cast %parallel_loop3A_623 : i32 to index
        %parallel_loop3A_625 = arith.index_cast %parallel_loop3A_471 : i32 to index
        %parallel_loop3A_626 = tpu.vector_load %arg9[%parallel_loop3A_624, %parallel_loop3A_625] {strides = array<i32>} : memref<8x2048xf32, #tpu.memory_space<vmem>>, vector<16xf32>,
        tpu.vector_store %arg9[%parallel_loop3A_624, %parallel_loop3A_625], %parallel_loop3A_622 {strides = array<i32>} : memref<8x2048xf32, #tpu.memory_space<vmem>>, vector<16xf32>,
        %parallel_loop3A_627 = arith.constant 5 : i32
        %parallel_loop3A_628 = arith.index_cast %parallel_loop3A_627 : i32 to index
        %parallel_loop3A_629 = arith.index_cast %parallel_loop3A_471 : i32 to index
        %parallel_loop3A_630 = tpu.vector_load %arg9[%parallel_loop3A_628, %parallel_loop3A_629] {strides = array<i32>} : memref<8x2048xf32, #tpu.memory_space<vmem>>, vector<16xf32>,
        %parallel_loop3A_631 = arith.constant 6.400000e+01 : f32
        %parallel_loop3A_632 = vector.broadcast %parallel_loop3A_631 : f32 to vector<16xf32>
        %parallel_loop3A_633 = arith.mulf %parallel_loop3A_630, %parallel_loop3A_632 : vector<16xf32>
        %parallel_loop3A_634 = arith.constant 0x4B400000 : f32
        %parallel_loop3A_635 = vector.broadcast %parallel_loop3A_634 : f32 to vector<16xf32>
        %parallel_loop3A_636 = arith.addf %parallel_loop3A_633, %parallel_loop3A_635 : vector<16xf32>
        %parallel_loop3A_637 = vector.bitcast %parallel_loop3A_636 : vector<16xf32> to vector<16xi32>
        %parallel_loop3A_638 = arith.constant 1262485248 : i32
        %parallel_loop3A_639 = vector.broadcast %parallel_loop3A_638 : i32 to vector<16xi32>
        %parallel_loop3A_640 = arith.subi %parallel_loop3A_637, %parallel_loop3A_639 : vector<16xi32>
        %parallel_loop3A_641 = vector.bitcast %parallel_loop3A_640 : vector<16xi32> to vector<16xi32>
        %parallel_loop3A_642 = arith.constant 511 : i32
        %parallel_loop3A_643 = vector.broadcast %parallel_loop3A_642 : i32 to vector<16xi32>
        %parallel_loop3A_644 = arith.minui %parallel_loop3A_641, %parallel_loop3A_643 : vector<16xi32>
        %parallel_loop3A_645 = vector.bitcast %parallel_loop3A_644 : vector<16xi32> to vector<16xi32>
        %parallel_loop3A_646 = tpu.vector_load_idx %arg6[%parallel_loop3A_645] : memref<512xf32, #tpu.memory_space<vmem>>[vector<16xi32>], vector<16xf32>,
        %parallel_loop3A_647 = arith.constant 0x4B400000 : f32
        %parallel_loop3A_648 = vector.broadcast %parallel_loop3A_647 : f32 to vector<16xf32>
        %parallel_loop3A_649 = arith.cmpf oge, %parallel_loop3A_636, %parallel_loop3A_648 : vector<16xf32>
        %parallel_loop3A_650 = arith.constant 0.000000e+00 : f32
        %parallel_loop3A_651 = vector.broadcast %parallel_loop3A_650 : f32 to vector<16xf32>
        %parallel_loop3A_652 = arith.select %parallel_loop3A_649, %parallel_loop3A_630, %parallel_loop3A_651 : vector<16xi1>, vector<16xf32>
        %parallel_loop3A_653 = arith.subf %parallel_loop3A_652, %parallel_loop3A_646 : vector<16xf32>
        %parallel_loop3A_654 = arith.constant 5 : i32
        %parallel_loop3A_655 = arith.index_cast %parallel_loop3A_654 : i32 to index
        %parallel_loop3A_656 = arith.index_cast %parallel_loop3A_471 : i32 to index
        %parallel_loop3A_657 = tpu.vector_load %arg9[%parallel_loop3A_655, %parallel_loop3A_656] {strides = array<i32>} : memref<8x2048xf32, #tpu.memory_space<vmem>>, vector<16xf32>,
        tpu.vector_store %arg9[%parallel_loop3A_655, %parallel_loop3A_656], %parallel_loop3A_653 {strides = array<i32>} : memref<8x2048xf32, #tpu.memory_space<vmem>>, vector<16xf32>,
        %parallel_loop3A_658 = arith.constant 6 : i32
        %parallel_loop3A_659 = arith.index_cast %parallel_loop3A_658 : i32 to index
        %parallel_loop3A_660 = arith.index_cast %parallel_loop3A_471 : i32 to index
        %parallel_loop3A_661 = tpu.vector_load %arg9[%parallel_loop3A_659, %parallel_loop3A_660] {strides = array<i32>} : memref<8x2048xf32, #tpu.memory_space<vmem>>, vector<16xf32>,
        %parallel_loop3A_662 = arith.constant 6.400000e+01 : f32
        %parallel_loop3A_663 = vector.broadcast %parallel_loop3A_662 : f32 to vector<16xf32>
        %parallel_loop3A_664 = arith.mulf %parallel_loop3A_661, %parallel_loop3A_663 : vector<16xf32>
        %parallel_loop3A_665 = arith.constant 0x4B400000 : f32
        %parallel_loop3A_666 = vector.broadcast %parallel_loop3A_665 : f32 to vector<16xf32>
        %parallel_loop3A_667 = arith.addf %parallel_loop3A_664, %parallel_loop3A_666 : vector<16xf32>
        %parallel_loop3A_668 = vector.bitcast %parallel_loop3A_667 : vector<16xf32> to vector<16xi32>
        %parallel_loop3A_669 = arith.constant 1262485248 : i32
        %parallel_loop3A_670 = vector.broadcast %parallel_loop3A_669 : i32 to vector<16xi32>
        %parallel_loop3A_671 = arith.subi %parallel_loop3A_668, %parallel_loop3A_670 : vector<16xi32>
        %parallel_loop3A_672 = vector.bitcast %parallel_loop3A_671 : vector<16xi32> to vector<16xi32>
        %parallel_loop3A_673 = arith.constant 511 : i32
        %parallel_loop3A_674 = vector.broadcast %parallel_loop3A_673 : i32 to vector<16xi32>
        %parallel_loop3A_675 = arith.minui %parallel_loop3A_672, %parallel_loop3A_674 : vector<16xi32>
        %parallel_loop3A_676 = vector.bitcast %parallel_loop3A_675 : vector<16xi32> to vector<16xi32>
        %parallel_loop3A_677 = tpu.vector_load_idx %arg6[%parallel_loop3A_676] : memref<512xf32, #tpu.memory_space<vmem>>[vector<16xi32>], vector<16xf32>,
        %parallel_loop3A_678 = arith.constant 0x4B400000 : f32
        %parallel_loop3A_679 = vector.broadcast %parallel_loop3A_678 : f32 to vector<16xf32>
        %parallel_loop3A_680 = arith.cmpf oge, %parallel_loop3A_667, %parallel_loop3A_679 : vector<16xf32>
        %parallel_loop3A_681 = arith.constant 0.000000e+00 : f32
        %parallel_loop3A_682 = vector.broadcast %parallel_loop3A_681 : f32 to vector<16xf32>
        %parallel_loop3A_683 = arith.select %parallel_loop3A_680, %parallel_loop3A_661, %parallel_loop3A_682 : vector<16xi1>, vector<16xf32>
        %parallel_loop3A_684 = arith.subf %parallel_loop3A_683, %parallel_loop3A_677 : vector<16xf32>
        %parallel_loop3A_685 = arith.constant 6 : i32
        %parallel_loop3A_686 = arith.index_cast %parallel_loop3A_685 : i32 to index
        %parallel_loop3A_687 = arith.index_cast %parallel_loop3A_471 : i32 to index
        %parallel_loop3A_688 = tpu.vector_load %arg9[%parallel_loop3A_686, %parallel_loop3A_687] {strides = array<i32>} : memref<8x2048xf32, #tpu.memory_space<vmem>>, vector<16xf32>,
        tpu.vector_store %arg9[%parallel_loop3A_686, %parallel_loop3A_687], %parallel_loop3A_684 {strides = array<i32>} : memref<8x2048xf32, #tpu.memory_space<vmem>>, vector<16xf32>,
        %parallel_loop3A_689 = arith.constant 7 : i32
        %parallel_loop3A_690 = arith.index_cast %parallel_loop3A_689 : i32 to index
        %parallel_loop3A_691 = arith.index_cast %parallel_loop3A_471 : i32 to index
        %parallel_loop3A_692 = tpu.vector_load %arg9[%parallel_loop3A_690, %parallel_loop3A_691] {strides = array<i32>} : memref<8x2048xf32, #tpu.memory_space<vmem>>, vector<16xf32>,
        %parallel_loop3A_693 = arith.constant 6.400000e+01 : f32
        %parallel_loop3A_694 = vector.broadcast %parallel_loop3A_693 : f32 to vector<16xf32>
        %parallel_loop3A_695 = arith.mulf %parallel_loop3A_692, %parallel_loop3A_694 : vector<16xf32>
        %parallel_loop3A_696 = arith.constant 0x4B400000 : f32
        %parallel_loop3A_697 = vector.broadcast %parallel_loop3A_696 : f32 to vector<16xf32>
        %parallel_loop3A_698 = arith.addf %parallel_loop3A_695, %parallel_loop3A_697 : vector<16xf32>
        %parallel_loop3A_699 = vector.bitcast %parallel_loop3A_698 : vector<16xf32> to vector<16xi32>
        %parallel_loop3A_700 = arith.constant 1262485248 : i32
        %parallel_loop3A_701 = vector.broadcast %parallel_loop3A_700 : i32 to vector<16xi32>
        %parallel_loop3A_702 = arith.subi %parallel_loop3A_699, %parallel_loop3A_701 : vector<16xi32>
        %parallel_loop3A_703 = vector.bitcast %parallel_loop3A_702 : vector<16xi32> to vector<16xi32>
        %parallel_loop3A_704 = arith.constant 511 : i32
        %parallel_loop3A_705 = vector.broadcast %parallel_loop3A_704 : i32 to vector<16xi32>
        %parallel_loop3A_706 = arith.minui %parallel_loop3A_703, %parallel_loop3A_705 : vector<16xi32>
        %parallel_loop3A_707 = vector.bitcast %parallel_loop3A_706 : vector<16xi32> to vector<16xi32>
        %parallel_loop3A_708 = tpu.vector_load_idx %arg6[%parallel_loop3A_707] : memref<512xf32, #tpu.memory_space<vmem>>[vector<16xi32>], vector<16xf32>,
        %parallel_loop3A_709 = arith.constant 0x4B400000 : f32
        %parallel_loop3A_710 = vector.broadcast %parallel_loop3A_709 : f32 to vector<16xf32>
        %parallel_loop3A_711 = arith.cmpf oge, %parallel_loop3A_698, %parallel_loop3A_710 : vector<16xf32>
        %parallel_loop3A_712 = arith.constant 0.000000e+00 : f32
        %parallel_loop3A_713 = vector.broadcast %parallel_loop3A_712 : f32 to vector<16xf32>
        %parallel_loop3A_714 = arith.select %parallel_loop3A_711, %parallel_loop3A_692, %parallel_loop3A_713 : vector<16xi1>, vector<16xf32>
        %parallel_loop3A_715 = arith.subf %parallel_loop3A_714, %parallel_loop3A_708 : vector<16xf32>
        %parallel_loop3A_716 = arith.constant 7 : i32
        %parallel_loop3A_717 = arith.index_cast %parallel_loop3A_716 : i32 to index
        %parallel_loop3A_718 = arith.index_cast %parallel_loop3A_471 : i32 to index
        %parallel_loop3A_719 = tpu.vector_load %arg9[%parallel_loop3A_717, %parallel_loop3A_718] {strides = array<i32>} : memref<8x2048xf32, #tpu.memory_space<vmem>>, vector<16xf32>,
        tpu.vector_store %arg9[%parallel_loop3A_717, %parallel_loop3A_718], %parallel_loop3A_715 {strides = array<i32>} : memref<8x2048xf32, #tpu.memory_space<vmem>>, vector<16xf32>,
      } {sc.loop_unroll_factor = 1 : i64, sc.parallel_access}
      %jit3A_339 = arith.constant 2 : i32
      %div3A_340 = arith.divsi %add3A_298, %jit3A_339 : i32
      %sign3A_341 = arith.constant 0 : i32
      %sign3A_342 = arith.cmpi sgt, %add3A_298, %sign3A_341 : i32
      %sign3A_343 = arith.extui %sign3A_342 : i1 to i32
      %sign3A_344 = arith.constant 0 : i32
      %sign3A_345 = arith.cmpi slt, %add3A_298, %sign3A_344 : i32
      %sign3A_346 = arith.extui %sign3A_345 : i1 to i32
      %sign3A_347 = arith.subi %sign3A_343, %sign3A_346 : i32
      %sign3A_348 = arith.constant 0 : i32
      %sign3A_349 = arith.cmpi sgt, %jit3A_339, %sign3A_348 : i32
      %sign3A_350 = arith.extui %sign3A_349 : i1 to i32
      %sign3A_351 = arith.constant 0 : i32
      %sign3A_352 = arith.cmpi slt, %jit3A_339, %sign3A_351 : i32
      %sign3A_353 = arith.extui %sign3A_352 : i1 to i32
      %sign3A_354 = arith.subi %sign3A_350, %sign3A_353 : i32
      %ne3A_355 = arith.cmpi ne, %sign3A_347, %sign3A_354 : i32
      %rem3A_356 = arith.remsi %add3A_298, %jit3A_339 : i32
      %ne3A_357 = arith.constant 0 : i32
      %ne3A_358 = arith.cmpi ne, %rem3A_356, %ne3A_357 : i32
      %and3A_359 = arith.andi %ne3A_355, %ne3A_358 : i1
      %sub3A_360 = arith.constant 1 : i32
      %sub3A_361 = arith.subi %div3A_340, %sub3A_360 : i32
      %select_n3A_362 = arith.select %and3A_359, %sub3A_361, %div3A_340 : i32
      %mul3A_363 = arith.constant 8 : i32
      %mul3A_364 = arith.muli %select_n3A_362, %mul3A_363 : i32
      %add3A_365 = arith.addi %mul3A_32, %mul3A_364 : i32
      %multiple_of3A_366 = tpu.assume_multiple %add3A_365, 8 : i32
      %dma_start3A_367 = arith.constant 2 : i32
      %dma_start3A_368 = arith.constant 0 : i32
      %dma_start3A_369 = tpu.memref_slice %arg4[%select_n3A, %multiple_of3A_366, %dma_start3A_368] : memref<2x8192x4096xf32, #tpu.memory_space<hbm>> -> memref<1x8x2048xf32, #tpu.memory_space<hbm>>
      %dma_start3A_370 = tpu.memref_squeeze %dma_start3A_369 : memref<1x8x2048xf32, #tpu.memory_space<hbm>> -> memref<8x2048xf32, #tpu.memory_space<hbm>>
      %dma_start3A_371 = tpu.memref_slice %arg12[%dma_start3A_367] : memref<4x!tpu.dma_semaphore, #tpu.memory_space<semaphore_mem>> -> memref<1x!tpu.dma_semaphore, #tpu.memory_space<semaphore_mem>>
      %dma_start3A_372 = tpu.memref_squeeze %dma_start3A_371 : memref<1x!tpu.dma_semaphore, #tpu.memory_space<semaphore_mem>> -> memref<!tpu.dma_semaphore, #tpu.memory_space<semaphore_mem>>
      %dma_start3A_373 = arith.constant 0 : i32
      %dma_start3A_374 = tpu.memref_slice %arg4[%select_n3A, %multiple_of3A_366, %dma_start3A_373] : memref<2x8192x4096xf32, #tpu.memory_space<hbm>> -> memref<1x8x2048xf32, #tpu.memory_space<hbm>>
      %dma_start3A_375 = tpu.memref_squeeze %dma_start3A_374 : memref<1x8x2048xf32, #tpu.memory_space<hbm>> -> memref<8x2048xf32, #tpu.memory_space<hbm>>
      tpu.enqueue_dma source(%arg9 : memref<8x2048xf32, #tpu.memory_space<vmem>>) target(%dma_start3A_375 : memref<8x2048xf32, #tpu.memory_space<hbm>>) target_semaphore(%dma_start3A_372 : memref<!tpu.dma_semaphore, #tpu.memory_space<semaphore_mem>>)
      %add3A_376 = arith.constant 3 : i32
      %add3A_377 = arith.addi %add3A_298, %add3A_376 : i32
      %lt3A_378 = arith.constant 128 : i32
      %lt3A_379 = arith.cmpi slt, %add3A_377, %lt3A_378 : i32
      %convert_element_type3A_380 = arith.extui %lt3A_379 : i1 to i32
      %cond3A_381 = arith.constant 0 : i32
      %cond3A_382 = arith.cmpi ne, %convert_element_type3A_380, %cond3A_381 : i32
      scf.if %cond3A_382 {
        %ge3A = arith.constant 1 : i32
        %ge3A_469 = arith.cmpi sge, %add3A_298, %ge3A : i32
        %convert_element_type3A_470 = arith.extui %ge3A_469 : i1 to i32
        %cond3A_471 = arith.constant 0 : i32
        %cond3A_472 = arith.cmpi ne, %convert_element_type3A_470, %cond3A_471 : i32
        scf.if %cond3A_472 {
          %add3A_512 = arith.constant 3 : i32
          %add3A_513 = arith.addi %add3A_298, %add3A_512 : i32
          %sub3A_514 = arith.constant 4 : i32
          %sub3A_515 = arith.subi %add3A_513, %sub3A_514 : i32
          %jit3A_516 = arith.constant 2 : i32
          %div3A_517 = arith.divsi %sub3A_515, %jit3A_516 : i32
          %sign3A_518 = arith.constant 0 : i32
          %sign3A_519 = arith.cmpi sgt, %sub3A_515, %sign3A_518 : i32
          %sign3A_520 = arith.extui %sign3A_519 : i1 to i32
          %sign3A_521 = arith.constant 0 : i32
          %sign3A_522 = arith.cmpi slt, %sub3A_515, %sign3A_521 : i32
          %sign3A_523 = arith.extui %sign3A_522 : i1 to i32
          %sign3A_524 = arith.subi %sign3A_520, %sign3A_523 : i32
          %sign3A_525 = arith.constant 0 : i32
          %sign3A_526 = arith.cmpi sgt, %jit3A_516, %sign3A_525 : i32
          %sign3A_527 = arith.extui %sign3A_526 : i1 to i32
          %sign3A_528 = arith.constant 0 : i32
          %sign3A_529 = arith.cmpi slt, %jit3A_516, %sign3A_528 : i32
          %sign3A_530 = arith.extui %sign3A_529 : i1 to i32
          %sign3A_531 = arith.subi %sign3A_527, %sign3A_530 : i32
          %ne3A_532 = arith.cmpi ne, %sign3A_524, %sign3A_531 : i32
          %rem3A_533 = arith.remsi %sub3A_515, %jit3A_516 : i32
          %ne3A_534 = arith.constant 0 : i32
          %ne3A_535 = arith.cmpi ne, %rem3A_533, %ne3A_534 : i32
          %and3A_536 = arith.andi %ne3A_532, %ne3A_535 : i1
          %sub3A_537 = arith.constant 1 : i32
          %sub3A_538 = arith.subi %div3A_517, %sub3A_537 : i32
          %select_n3A_539 = arith.select %and3A_536, %sub3A_538, %div3A_517 : i32
          %mul3A_540 = arith.constant 8 : i32
          %mul3A_541 = arith.muli %select_n3A_539, %mul3A_540 : i32
          %add3A_542 = arith.addi %mul3A_32, %mul3A_541 : i32
          %multiple_of3A_543 = tpu.assume_multiple %add3A_542, 8 : i32
          %dma_wait3A_544 = arith.constant 1 : i32
          %dma_wait3A_545 = arith.constant 2048 : i32
          %dma_wait3A_546 = tpu.memref_slice %arg4[%select_n3A, %multiple_of3A_543, %dma_wait3A_545] : memref<2x8192x4096xf32, #tpu.memory_space<hbm>> -> memref<1x8x2048xf32, #tpu.memory_space<hbm>>
          %dma_wait3A_547 = tpu.memref_squeeze %dma_wait3A_546 : memref<1x8x2048xf32, #tpu.memory_space<hbm>> -> memref<8x2048xf32, #tpu.memory_space<hbm>>
          %dma_wait3A_548 = tpu.memref_slice %arg12[%dma_wait3A_544] : memref<4x!tpu.dma_semaphore, #tpu.memory_space<semaphore_mem>> -> memref<1x!tpu.dma_semaphore, #tpu.memory_space<semaphore_mem>>
          %dma_wait3A_549 = tpu.memref_squeeze %dma_wait3A_548 : memref<1x!tpu.dma_semaphore, #tpu.memory_space<semaphore_mem>> -> memref<!tpu.dma_semaphore, #tpu.memory_space<semaphore_mem>>
          %dma_wait3A_550 = arith.constant 2048 : i32
          %dma_wait3A_551 = tpu.memref_slice %arg4[%select_n3A, %multiple_of3A_543, %dma_wait3A_550] : memref<2x8192x4096xf32, #tpu.memory_space<hbm>> -> memref<1x8x2048xf32, #tpu.memory_space<hbm>>
          %dma_wait3A_552 = tpu.memref_squeeze %dma_wait3A_551 : memref<1x8x2048xf32, #tpu.memory_space<hbm>> -> memref<8x2048xf32, #tpu.memory_space<hbm>>
          tpu.wait_dma2 semaphore(%dma_wait3A_549 : memref<!tpu.dma_semaphore, #tpu.memory_space<semaphore_mem>>) src(%arg8 : memref<8x2048xf32, #tpu.memory_space<vmem>>) dst(%dma_wait3A_552 : memref<8x2048xf32, #tpu.memory_space<hbm>>)
        } else {
        }
        %add3A_473 = arith.constant 3 : i32
        %add3A_474 = arith.addi %add3A_298, %add3A_473 : i32
        %jit3A_475 = arith.constant 2 : i32
        %div3A_476 = arith.divsi %add3A_474, %jit3A_475 : i32
        %sign3A_477 = arith.constant 0 : i32
        %sign3A_478 = arith.cmpi sgt, %add3A_474, %sign3A_477 : i32
        %sign3A_479 = arith.extui %sign3A_478 : i1 to i32
        %sign3A_480 = arith.constant 0 : i32
        %sign3A_481 = arith.cmpi slt, %add3A_474, %sign3A_480 : i32
        %sign3A_482 = arith.extui %sign3A_481 : i1 to i32
        %sign3A_483 = arith.subi %sign3A_479, %sign3A_482 : i32
        %sign3A_484 = arith.constant 0 : i32
        %sign3A_485 = arith.cmpi sgt, %jit3A_475, %sign3A_484 : i32
        %sign3A_486 = arith.extui %sign3A_485 : i1 to i32
        %sign3A_487 = arith.constant 0 : i32
        %sign3A_488 = arith.cmpi slt, %jit3A_475, %sign3A_487 : i32
        %sign3A_489 = arith.extui %sign3A_488 : i1 to i32
        %sign3A_490 = arith.subi %sign3A_486, %sign3A_489 : i32
        %ne3A_491 = arith.cmpi ne, %sign3A_483, %sign3A_490 : i32
        %rem3A_492 = arith.remsi %add3A_474, %jit3A_475 : i32
        %ne3A_493 = arith.constant 0 : i32
        %ne3A_494 = arith.cmpi ne, %rem3A_492, %ne3A_493 : i32
        %and3A_495 = arith.andi %ne3A_491, %ne3A_494 : i1
        %sub3A_496 = arith.constant 1 : i32
        %sub3A_497 = arith.subi %div3A_476, %sub3A_496 : i32
        %select_n3A_498 = arith.select %and3A_495, %sub3A_497, %div3A_476 : i32
        %mul3A_499 = arith.constant 8 : i32
        %mul3A_500 = arith.muli %select_n3A_498, %mul3A_499 : i32
        %add3A_501 = arith.addi %mul3A_32, %mul3A_500 : i32
        %multiple_of3A_502 = tpu.assume_multiple %add3A_501, 8 : i32
        %dma_start3A_503 = arith.constant 1 : i32
        %dma_start3A_504 = arith.constant 2048 : i32
        %dma_start3A_505 = tpu.memref_slice %arg2[%select_n3A, %multiple_of3A_502, %dma_start3A_504] : memref<2x8192x4096xf32, #tpu.memory_space<hbm>> -> memref<1x8x2048xf32, #tpu.memory_space<hbm>>
        %dma_start3A_506 = tpu.memref_squeeze %dma_start3A_505 : memref<1x8x2048xf32, #tpu.memory_space<hbm>> -> memref<8x2048xf32, #tpu.memory_space<hbm>>
        %dma_start3A_507 = tpu.memref_slice %arg11[%dma_start3A_503] : memref<4x!tpu.dma_semaphore, #tpu.memory_space<semaphore_mem>> -> memref<1x!tpu.dma_semaphore, #tpu.memory_space<semaphore_mem>>
        %dma_start3A_508 = tpu.memref_squeeze %dma_start3A_507 : memref<1x!tpu.dma_semaphore, #tpu.memory_space<semaphore_mem>> -> memref<!tpu.dma_semaphore, #tpu.memory_space<semaphore_mem>>
        %dma_start3A_509 = arith.constant 2048 : i32
        %dma_start3A_510 = tpu.memref_slice %arg2[%select_n3A, %multiple_of3A_502, %dma_start3A_509] : memref<2x8192x4096xf32, #tpu.memory_space<hbm>> -> memref<1x8x2048xf32, #tpu.memory_space<hbm>>
        %dma_start3A_511 = tpu.memref_squeeze %dma_start3A_510 : memref<1x8x2048xf32, #tpu.memory_space<hbm>> -> memref<8x2048xf32, #tpu.memory_space<hbm>>
        tpu.enqueue_dma source(%dma_start3A_511 : memref<8x2048xf32, #tpu.memory_space<hbm>>) target(%arg8 : memref<8x2048xf32, #tpu.memory_space<vmem>>) target_semaphore(%dma_start3A_508 : memref<!tpu.dma_semaphore, #tpu.memory_space<semaphore_mem>>)
      } else {
      }
      %add3A_383 = arith.constant 3 : i32
      %add3A_384 = arith.addi %add3A_127, %add3A_383 : i32
      %jit3A_385 = arith.constant 2 : i32
      %div3A_386 = arith.divsi %add3A_384, %jit3A_385 : i32
      %sign3A_387 = arith.constant 0 : i32
      %sign3A_388 = arith.cmpi sgt, %add3A_384, %sign3A_387 : i32
      %sign3A_389 = arith.extui %sign3A_388 : i1 to i32
      %sign3A_390 = arith.constant 0 : i32
      %sign3A_391 = arith.cmpi slt, %add3A_384, %sign3A_390 : i32
      %sign3A_392 = arith.extui %sign3A_391 : i1 to i32
      %sign3A_393 = arith.subi %sign3A_389, %sign3A_392 : i32
      %sign3A_394 = arith.constant 0 : i32
      %sign3A_395 = arith.cmpi sgt, %jit3A_385, %sign3A_394 : i32
      %sign3A_396 = arith.extui %sign3A_395 : i1 to i32
      %sign3A_397 = arith.constant 0 : i32
      %sign3A_398 = arith.cmpi slt, %jit3A_385, %sign3A_397 : i32
      %sign3A_399 = arith.extui %sign3A_398 : i1 to i32
      %sign3A_400 = arith.subi %sign3A_396, %sign3A_399 : i32
      %ne3A_401 = arith.cmpi ne, %sign3A_393, %sign3A_400 : i32
      %rem3A_402 = arith.remsi %add3A_384, %jit3A_385 : i32
      %ne3A_403 = arith.constant 0 : i32
      %ne3A_404 = arith.cmpi ne, %rem3A_402, %ne3A_403 : i32
      %and3A_405 = arith.andi %ne3A_401, %ne3A_404 : i1
      %sub3A_406 = arith.constant 1 : i32
      %sub3A_407 = arith.subi %div3A_386, %sub3A_406 : i32
      %select_n3A_408 = arith.select %and3A_405, %sub3A_407, %div3A_386 : i32
      %mul3A_409 = arith.constant 8 : i32
      %mul3A_410 = arith.muli %select_n3A_408, %mul3A_409 : i32
      %add3A_411 = arith.addi %mul3A_32, %mul3A_410 : i32
      %multiple_of3A_412 = tpu.assume_multiple %add3A_411, 8 : i32
      %dma_wait3A_413 = arith.constant 3 : i32
      %dma_wait3A_414 = arith.constant 2048 : i32
      %dma_wait3A_415 = tpu.memref_slice %arg2[%select_n3A, %multiple_of3A_412, %dma_wait3A_414] : memref<2x8192x4096xf32, #tpu.memory_space<hbm>> -> memref<1x8x2048xf32, #tpu.memory_space<hbm>>
      %dma_wait3A_416 = tpu.memref_squeeze %dma_wait3A_415 : memref<1x8x2048xf32, #tpu.memory_space<hbm>> -> memref<8x2048xf32, #tpu.memory_space<hbm>>
      %dma_wait3A_417 = tpu.memref_slice %arg11[%dma_wait3A_413] : memref<4x!tpu.dma_semaphore, #tpu.memory_space<semaphore_mem>> -> memref<1x!tpu.dma_semaphore, #tpu.memory_space<semaphore_mem>>
      %dma_wait3A_418 = tpu.memref_squeeze %dma_wait3A_417 : memref<1x!tpu.dma_semaphore, #tpu.memory_space<semaphore_mem>> -> memref<!tpu.dma_semaphore, #tpu.memory_space<semaphore_mem>>
      %dma_wait3A_419 = arith.constant 2048 : i32
      %dma_wait3A_420 = tpu.memref_slice %arg2[%select_n3A, %multiple_of3A_412, %dma_wait3A_419] : memref<2x8192x4096xf32, #tpu.memory_space<hbm>> -> memref<1x8x2048xf32, #tpu.memory_space<hbm>>
      %dma_wait3A_421 = tpu.memref_squeeze %dma_wait3A_420 : memref<1x8x2048xf32, #tpu.memory_space<hbm>> -> memref<8x2048xf32, #tpu.memory_space<hbm>>
      tpu.wait_dma2 semaphore(%dma_wait3A_418 : memref<!tpu.dma_semaphore, #tpu.memory_space<semaphore_mem>>) src(%dma_wait3A_421 : memref<8x2048xf32, #tpu.memory_space<hbm>>) dst(%arg10 : memref<8x2048xf32, #tpu.memory_space<vmem>>)
      %parallel_loop3A_422 = arith.constant 0 : i32
      %parallel_loop3A_423 = arith.constant 128 : i32
      %parallel_loop3A_424 = arith.constant 1 : i32
      scf.for %parallel_loop3A_469 = %parallel_loop3A_422 to %parallel_loop3A_423 step %parallel_loop3A_424  : i32 {
        %parallel_loop3A_470 = arith.constant 16 : i32
        %parallel_loop3A_471 = arith.muli %parallel_loop3A_469, %parallel_loop3A_470 : i32
        %parallel_loop3A_472 = arith.constant 0 : i32
        %parallel_loop3A_473 = arith.index_cast %parallel_loop3A_472 : i32 to index
        %parallel_loop3A_474 = arith.index_cast %parallel_loop3A_471 : i32 to index
        %parallel_loop3A_475 = tpu.vector_load %arg10[%parallel_loop3A_473, %parallel_loop3A_474] {strides = array<i32>} : memref<8x2048xf32, #tpu.memory_space<vmem>>, vector<16xf32>,
        %parallel_loop3A_476 = arith.constant 6.400000e+01 : f32
        %parallel_loop3A_477 = vector.broadcast %parallel_loop3A_476 : f32 to vector<16xf32>
        %parallel_loop3A_478 = arith.mulf %parallel_loop3A_475, %parallel_loop3A_477 : vector<16xf32>
        %parallel_loop3A_479 = arith.constant 0x4B400000 : f32
        %parallel_loop3A_480 = vector.broadcast %parallel_loop3A_479 : f32 to vector<16xf32>
        %parallel_loop3A_481 = arith.addf %parallel_loop3A_478, %parallel_loop3A_480 : vector<16xf32>
        %parallel_loop3A_482 = vector.bitcast %parallel_loop3A_481 : vector<16xf32> to vector<16xi32>
        %parallel_loop3A_483 = arith.constant 1262485248 : i32
        %parallel_loop3A_484 = vector.broadcast %parallel_loop3A_483 : i32 to vector<16xi32>
        %parallel_loop3A_485 = arith.subi %parallel_loop3A_482, %parallel_loop3A_484 : vector<16xi32>
        %parallel_loop3A_486 = vector.bitcast %parallel_loop3A_485 : vector<16xi32> to vector<16xi32>
        %parallel_loop3A_487 = arith.constant 511 : i32
        %parallel_loop3A_488 = vector.broadcast %parallel_loop3A_487 : i32 to vector<16xi32>
        %parallel_loop3A_489 = arith.minui %parallel_loop3A_486, %parallel_loop3A_488 : vector<16xi32>
        %parallel_loop3A_490 = vector.bitcast %parallel_loop3A_489 : vector<16xi32> to vector<16xi32>
        %parallel_loop3A_491 = tpu.vector_load_idx %arg6[%parallel_loop3A_490] : memref<512xf32, #tpu.memory_space<vmem>>[vector<16xi32>], vector<16xf32>,
        %parallel_loop3A_492 = arith.constant 0x4B400000 : f32
        %parallel_loop3A_493 = vector.broadcast %parallel_loop3A_492 : f32 to vector<16xf32>
        %parallel_loop3A_494 = arith.cmpf oge, %parallel_loop3A_481, %parallel_loop3A_493 : vector<16xf32>
        %parallel_loop3A_495 = arith.constant 0.000000e+00 : f32
        %parallel_loop3A_496 = vector.broadcast %parallel_loop3A_495 : f32 to vector<16xf32>
        %parallel_loop3A_497 = arith.select %parallel_loop3A_494, %parallel_loop3A_475, %parallel_loop3A_496 : vector<16xi1>, vector<16xf32>
        %parallel_loop3A_498 = arith.subf %parallel_loop3A_497, %parallel_loop3A_491 : vector<16xf32>
        %parallel_loop3A_499 = arith.constant 0 : i32
        %parallel_loop3A_500 = arith.index_cast %parallel_loop3A_499 : i32 to index
        %parallel_loop3A_501 = arith.index_cast %parallel_loop3A_471 : i32 to index
        %parallel_loop3A_502 = tpu.vector_load %arg10[%parallel_loop3A_500, %parallel_loop3A_501] {strides = array<i32>} : memref<8x2048xf32, #tpu.memory_space<vmem>>, vector<16xf32>,
        tpu.vector_store %arg10[%parallel_loop3A_500, %parallel_loop3A_501], %parallel_loop3A_498 {strides = array<i32>} : memref<8x2048xf32, #tpu.memory_space<vmem>>, vector<16xf32>,
        %parallel_loop3A_503 = arith.constant 1 : i32
        %parallel_loop3A_504 = arith.index_cast %parallel_loop3A_503 : i32 to index
        %parallel_loop3A_505 = arith.index_cast %parallel_loop3A_471 : i32 to index
        %parallel_loop3A_506 = tpu.vector_load %arg10[%parallel_loop3A_504, %parallel_loop3A_505] {strides = array<i32>} : memref<8x2048xf32, #tpu.memory_space<vmem>>, vector<16xf32>,
        %parallel_loop3A_507 = arith.constant 6.400000e+01 : f32
        %parallel_loop3A_508 = vector.broadcast %parallel_loop3A_507 : f32 to vector<16xf32>
        %parallel_loop3A_509 = arith.mulf %parallel_loop3A_506, %parallel_loop3A_508 : vector<16xf32>
        %parallel_loop3A_510 = arith.constant 0x4B400000 : f32
        %parallel_loop3A_511 = vector.broadcast %parallel_loop3A_510 : f32 to vector<16xf32>
        %parallel_loop3A_512 = arith.addf %parallel_loop3A_509, %parallel_loop3A_511 : vector<16xf32>
        %parallel_loop3A_513 = vector.bitcast %parallel_loop3A_512 : vector<16xf32> to vector<16xi32>
        %parallel_loop3A_514 = arith.constant 1262485248 : i32
        %parallel_loop3A_515 = vector.broadcast %parallel_loop3A_514 : i32 to vector<16xi32>
        %parallel_loop3A_516 = arith.subi %parallel_loop3A_513, %parallel_loop3A_515 : vector<16xi32>
        %parallel_loop3A_517 = vector.bitcast %parallel_loop3A_516 : vector<16xi32> to vector<16xi32>
        %parallel_loop3A_518 = arith.constant 511 : i32
        %parallel_loop3A_519 = vector.broadcast %parallel_loop3A_518 : i32 to vector<16xi32>
        %parallel_loop3A_520 = arith.minui %parallel_loop3A_517, %parallel_loop3A_519 : vector<16xi32>
        %parallel_loop3A_521 = vector.bitcast %parallel_loop3A_520 : vector<16xi32> to vector<16xi32>
        %parallel_loop3A_522 = tpu.vector_load_idx %arg6[%parallel_loop3A_521] : memref<512xf32, #tpu.memory_space<vmem>>[vector<16xi32>], vector<16xf32>,
        %parallel_loop3A_523 = arith.constant 0x4B400000 : f32
        %parallel_loop3A_524 = vector.broadcast %parallel_loop3A_523 : f32 to vector<16xf32>
        %parallel_loop3A_525 = arith.cmpf oge, %parallel_loop3A_512, %parallel_loop3A_524 : vector<16xf32>
        %parallel_loop3A_526 = arith.constant 0.000000e+00 : f32
        %parallel_loop3A_527 = vector.broadcast %parallel_loop3A_526 : f32 to vector<16xf32>
        %parallel_loop3A_528 = arith.select %parallel_loop3A_525, %parallel_loop3A_506, %parallel_loop3A_527 : vector<16xi1>, vector<16xf32>
        %parallel_loop3A_529 = arith.subf %parallel_loop3A_528, %parallel_loop3A_522 : vector<16xf32>
        %parallel_loop3A_530 = arith.constant 1 : i32
        %parallel_loop3A_531 = arith.index_cast %parallel_loop3A_530 : i32 to index
        %parallel_loop3A_532 = arith.index_cast %parallel_loop3A_471 : i32 to index
        %parallel_loop3A_533 = tpu.vector_load %arg10[%parallel_loop3A_531, %parallel_loop3A_532] {strides = array<i32>} : memref<8x2048xf32, #tpu.memory_space<vmem>>, vector<16xf32>,
        tpu.vector_store %arg10[%parallel_loop3A_531, %parallel_loop3A_532], %parallel_loop3A_529 {strides = array<i32>} : memref<8x2048xf32, #tpu.memory_space<vmem>>, vector<16xf32>,
        %parallel_loop3A_534 = arith.constant 2 : i32
        %parallel_loop3A_535 = arith.index_cast %parallel_loop3A_534 : i32 to index
        %parallel_loop3A_536 = arith.index_cast %parallel_loop3A_471 : i32 to index
        %parallel_loop3A_537 = tpu.vector_load %arg10[%parallel_loop3A_535, %parallel_loop3A_536] {strides = array<i32>} : memref<8x2048xf32, #tpu.memory_space<vmem>>, vector<16xf32>,
        %parallel_loop3A_538 = arith.constant 6.400000e+01 : f32
        %parallel_loop3A_539 = vector.broadcast %parallel_loop3A_538 : f32 to vector<16xf32>
        %parallel_loop3A_540 = arith.mulf %parallel_loop3A_537, %parallel_loop3A_539 : vector<16xf32>
        %parallel_loop3A_541 = arith.constant 0x4B400000 : f32
        %parallel_loop3A_542 = vector.broadcast %parallel_loop3A_541 : f32 to vector<16xf32>
        %parallel_loop3A_543 = arith.addf %parallel_loop3A_540, %parallel_loop3A_542 : vector<16xf32>
        %parallel_loop3A_544 = vector.bitcast %parallel_loop3A_543 : vector<16xf32> to vector<16xi32>
        %parallel_loop3A_545 = arith.constant 1262485248 : i32
        %parallel_loop3A_546 = vector.broadcast %parallel_loop3A_545 : i32 to vector<16xi32>
        %parallel_loop3A_547 = arith.subi %parallel_loop3A_544, %parallel_loop3A_546 : vector<16xi32>
        %parallel_loop3A_548 = vector.bitcast %parallel_loop3A_547 : vector<16xi32> to vector<16xi32>
        %parallel_loop3A_549 = arith.constant 511 : i32
        %parallel_loop3A_550 = vector.broadcast %parallel_loop3A_549 : i32 to vector<16xi32>
        %parallel_loop3A_551 = arith.minui %parallel_loop3A_548, %parallel_loop3A_550 : vector<16xi32>
        %parallel_loop3A_552 = vector.bitcast %parallel_loop3A_551 : vector<16xi32> to vector<16xi32>
        %parallel_loop3A_553 = tpu.vector_load_idx %arg6[%parallel_loop3A_552] : memref<512xf32, #tpu.memory_space<vmem>>[vector<16xi32>], vector<16xf32>,
        %parallel_loop3A_554 = arith.constant 0x4B400000 : f32
        %parallel_loop3A_555 = vector.broadcast %parallel_loop3A_554 : f32 to vector<16xf32>
        %parallel_loop3A_556 = arith.cmpf oge, %parallel_loop3A_543, %parallel_loop3A_555 : vector<16xf32>
        %parallel_loop3A_557 = arith.constant 0.000000e+00 : f32
        %parallel_loop3A_558 = vector.broadcast %parallel_loop3A_557 : f32 to vector<16xf32>
        %parallel_loop3A_559 = arith.select %parallel_loop3A_556, %parallel_loop3A_537, %parallel_loop3A_558 : vector<16xi1>, vector<16xf32>
        %parallel_loop3A_560 = arith.subf %parallel_loop3A_559, %parallel_loop3A_553 : vector<16xf32>
        %parallel_loop3A_561 = arith.constant 2 : i32
        %parallel_loop3A_562 = arith.index_cast %parallel_loop3A_561 : i32 to index
        %parallel_loop3A_563 = arith.index_cast %parallel_loop3A_471 : i32 to index
        %parallel_loop3A_564 = tpu.vector_load %arg10[%parallel_loop3A_562, %parallel_loop3A_563] {strides = array<i32>} : memref<8x2048xf32, #tpu.memory_space<vmem>>, vector<16xf32>,
        tpu.vector_store %arg10[%parallel_loop3A_562, %parallel_loop3A_563], %parallel_loop3A_560 {strides = array<i32>} : memref<8x2048xf32, #tpu.memory_space<vmem>>, vector<16xf32>,
        %parallel_loop3A_565 = arith.constant 3 : i32
        %parallel_loop3A_566 = arith.index_cast %parallel_loop3A_565 : i32 to index
        %parallel_loop3A_567 = arith.index_cast %parallel_loop3A_471 : i32 to index
        %parallel_loop3A_568 = tpu.vector_load %arg10[%parallel_loop3A_566, %parallel_loop3A_567] {strides = array<i32>} : memref<8x2048xf32, #tpu.memory_space<vmem>>, vector<16xf32>,
        %parallel_loop3A_569 = arith.constant 6.400000e+01 : f32
        %parallel_loop3A_570 = vector.broadcast %parallel_loop3A_569 : f32 to vector<16xf32>
        %parallel_loop3A_571 = arith.mulf %parallel_loop3A_568, %parallel_loop3A_570 : vector<16xf32>
        %parallel_loop3A_572 = arith.constant 0x4B400000 : f32
        %parallel_loop3A_573 = vector.broadcast %parallel_loop3A_572 : f32 to vector<16xf32>
        %parallel_loop3A_574 = arith.addf %parallel_loop3A_571, %parallel_loop3A_573 : vector<16xf32>
        %parallel_loop3A_575 = vector.bitcast %parallel_loop3A_574 : vector<16xf32> to vector<16xi32>
        %parallel_loop3A_576 = arith.constant 1262485248 : i32
        %parallel_loop3A_577 = vector.broadcast %parallel_loop3A_576 : i32 to vector<16xi32>
        %parallel_loop3A_578 = arith.subi %parallel_loop3A_575, %parallel_loop3A_577 : vector<16xi32>
        %parallel_loop3A_579 = vector.bitcast %parallel_loop3A_578 : vector<16xi32> to vector<16xi32>
        %parallel_loop3A_580 = arith.constant 511 : i32
        %parallel_loop3A_581 = vector.broadcast %parallel_loop3A_580 : i32 to vector<16xi32>
        %parallel_loop3A_582 = arith.minui %parallel_loop3A_579, %parallel_loop3A_581 : vector<16xi32>
        %parallel_loop3A_583 = vector.bitcast %parallel_loop3A_582 : vector<16xi32> to vector<16xi32>
        %parallel_loop3A_584 = tpu.vector_load_idx %arg6[%parallel_loop3A_583] : memref<512xf32, #tpu.memory_space<vmem>>[vector<16xi32>], vector<16xf32>,
        %parallel_loop3A_585 = arith.constant 0x4B400000 : f32
        %parallel_loop3A_586 = vector.broadcast %parallel_loop3A_585 : f32 to vector<16xf32>
        %parallel_loop3A_587 = arith.cmpf oge, %parallel_loop3A_574, %parallel_loop3A_586 : vector<16xf32>
        %parallel_loop3A_588 = arith.constant 0.000000e+00 : f32
        %parallel_loop3A_589 = vector.broadcast %parallel_loop3A_588 : f32 to vector<16xf32>
        %parallel_loop3A_590 = arith.select %parallel_loop3A_587, %parallel_loop3A_568, %parallel_loop3A_589 : vector<16xi1>, vector<16xf32>
        %parallel_loop3A_591 = arith.subf %parallel_loop3A_590, %parallel_loop3A_584 : vector<16xf32>
        %parallel_loop3A_592 = arith.constant 3 : i32
        %parallel_loop3A_593 = arith.index_cast %parallel_loop3A_592 : i32 to index
        %parallel_loop3A_594 = arith.index_cast %parallel_loop3A_471 : i32 to index
        %parallel_loop3A_595 = tpu.vector_load %arg10[%parallel_loop3A_593, %parallel_loop3A_594] {strides = array<i32>} : memref<8x2048xf32, #tpu.memory_space<vmem>>, vector<16xf32>,
        tpu.vector_store %arg10[%parallel_loop3A_593, %parallel_loop3A_594], %parallel_loop3A_591 {strides = array<i32>} : memref<8x2048xf32, #tpu.memory_space<vmem>>, vector<16xf32>,
        %parallel_loop3A_596 = arith.constant 4 : i32
        %parallel_loop3A_597 = arith.index_cast %parallel_loop3A_596 : i32 to index
        %parallel_loop3A_598 = arith.index_cast %parallel_loop3A_471 : i32 to index
        %parallel_loop3A_599 = tpu.vector_load %arg10[%parallel_loop3A_597, %parallel_loop3A_598] {strides = array<i32>} : memref<8x2048xf32, #tpu.memory_space<vmem>>, vector<16xf32>,
        %parallel_loop3A_600 = arith.constant 6.400000e+01 : f32
        %parallel_loop3A_601 = vector.broadcast %parallel_loop3A_600 : f32 to vector<16xf32>
        %parallel_loop3A_602 = arith.mulf %parallel_loop3A_599, %parallel_loop3A_601 : vector<16xf32>
        %parallel_loop3A_603 = arith.constant 0x4B400000 : f32
        %parallel_loop3A_604 = vector.broadcast %parallel_loop3A_603 : f32 to vector<16xf32>
        %parallel_loop3A_605 = arith.addf %parallel_loop3A_602, %parallel_loop3A_604 : vector<16xf32>
        %parallel_loop3A_606 = vector.bitcast %parallel_loop3A_605 : vector<16xf32> to vector<16xi32>
        %parallel_loop3A_607 = arith.constant 1262485248 : i32
        %parallel_loop3A_608 = vector.broadcast %parallel_loop3A_607 : i32 to vector<16xi32>
        %parallel_loop3A_609 = arith.subi %parallel_loop3A_606, %parallel_loop3A_608 : vector<16xi32>
        %parallel_loop3A_610 = vector.bitcast %parallel_loop3A_609 : vector<16xi32> to vector<16xi32>
        %parallel_loop3A_611 = arith.constant 511 : i32
        %parallel_loop3A_612 = vector.broadcast %parallel_loop3A_611 : i32 to vector<16xi32>
        %parallel_loop3A_613 = arith.minui %parallel_loop3A_610, %parallel_loop3A_612 : vector<16xi32>
        %parallel_loop3A_614 = vector.bitcast %parallel_loop3A_613 : vector<16xi32> to vector<16xi32>
        %parallel_loop3A_615 = tpu.vector_load_idx %arg6[%parallel_loop3A_614] : memref<512xf32, #tpu.memory_space<vmem>>[vector<16xi32>], vector<16xf32>,
        %parallel_loop3A_616 = arith.constant 0x4B400000 : f32
        %parallel_loop3A_617 = vector.broadcast %parallel_loop3A_616 : f32 to vector<16xf32>
        %parallel_loop3A_618 = arith.cmpf oge, %parallel_loop3A_605, %parallel_loop3A_617 : vector<16xf32>
        %parallel_loop3A_619 = arith.constant 0.000000e+00 : f32
        %parallel_loop3A_620 = vector.broadcast %parallel_loop3A_619 : f32 to vector<16xf32>
        %parallel_loop3A_621 = arith.select %parallel_loop3A_618, %parallel_loop3A_599, %parallel_loop3A_620 : vector<16xi1>, vector<16xf32>
        %parallel_loop3A_622 = arith.subf %parallel_loop3A_621, %parallel_loop3A_615 : vector<16xf32>
        %parallel_loop3A_623 = arith.constant 4 : i32
        %parallel_loop3A_624 = arith.index_cast %parallel_loop3A_623 : i32 to index
        %parallel_loop3A_625 = arith.index_cast %parallel_loop3A_471 : i32 to index
        %parallel_loop3A_626 = tpu.vector_load %arg10[%parallel_loop3A_624, %parallel_loop3A_625] {strides = array<i32>} : memref<8x2048xf32, #tpu.memory_space<vmem>>, vector<16xf32>,
        tpu.vector_store %arg10[%parallel_loop3A_624, %parallel_loop3A_625], %parallel_loop3A_622 {strides = array<i32>} : memref<8x2048xf32, #tpu.memory_space<vmem>>, vector<16xf32>,
        %parallel_loop3A_627 = arith.constant 5 : i32
        %parallel_loop3A_628 = arith.index_cast %parallel_loop3A_627 : i32 to index
        %parallel_loop3A_629 = arith.index_cast %parallel_loop3A_471 : i32 to index
        %parallel_loop3A_630 = tpu.vector_load %arg10[%parallel_loop3A_628, %parallel_loop3A_629] {strides = array<i32>} : memref<8x2048xf32, #tpu.memory_space<vmem>>, vector<16xf32>,
        %parallel_loop3A_631 = arith.constant 6.400000e+01 : f32
        %parallel_loop3A_632 = vector.broadcast %parallel_loop3A_631 : f32 to vector<16xf32>
        %parallel_loop3A_633 = arith.mulf %parallel_loop3A_630, %parallel_loop3A_632 : vector<16xf32>
        %parallel_loop3A_634 = arith.constant 0x4B400000 : f32
        %parallel_loop3A_635 = vector.broadcast %parallel_loop3A_634 : f32 to vector<16xf32>
        %parallel_loop3A_636 = arith.addf %parallel_loop3A_633, %parallel_loop3A_635 : vector<16xf32>
        %parallel_loop3A_637 = vector.bitcast %parallel_loop3A_636 : vector<16xf32> to vector<16xi32>
        %parallel_loop3A_638 = arith.constant 1262485248 : i32
        %parallel_loop3A_639 = vector.broadcast %parallel_loop3A_638 : i32 to vector<16xi32>
        %parallel_loop3A_640 = arith.subi %parallel_loop3A_637, %parallel_loop3A_639 : vector<16xi32>
        %parallel_loop3A_641 = vector.bitcast %parallel_loop3A_640 : vector<16xi32> to vector<16xi32>
        %parallel_loop3A_642 = arith.constant 511 : i32
        %parallel_loop3A_643 = vector.broadcast %parallel_loop3A_642 : i32 to vector<16xi32>
        %parallel_loop3A_644 = arith.minui %parallel_loop3A_641, %parallel_loop3A_643 : vector<16xi32>
        %parallel_loop3A_645 = vector.bitcast %parallel_loop3A_644 : vector<16xi32> to vector<16xi32>
        %parallel_loop3A_646 = tpu.vector_load_idx %arg6[%parallel_loop3A_645] : memref<512xf32, #tpu.memory_space<vmem>>[vector<16xi32>], vector<16xf32>,
        %parallel_loop3A_647 = arith.constant 0x4B400000 : f32
        %parallel_loop3A_648 = vector.broadcast %parallel_loop3A_647 : f32 to vector<16xf32>
        %parallel_loop3A_649 = arith.cmpf oge, %parallel_loop3A_636, %parallel_loop3A_648 : vector<16xf32>
        %parallel_loop3A_650 = arith.constant 0.000000e+00 : f32
        %parallel_loop3A_651 = vector.broadcast %parallel_loop3A_650 : f32 to vector<16xf32>
        %parallel_loop3A_652 = arith.select %parallel_loop3A_649, %parallel_loop3A_630, %parallel_loop3A_651 : vector<16xi1>, vector<16xf32>
        %parallel_loop3A_653 = arith.subf %parallel_loop3A_652, %parallel_loop3A_646 : vector<16xf32>
        %parallel_loop3A_654 = arith.constant 5 : i32
        %parallel_loop3A_655 = arith.index_cast %parallel_loop3A_654 : i32 to index
        %parallel_loop3A_656 = arith.index_cast %parallel_loop3A_471 : i32 to index
        %parallel_loop3A_657 = tpu.vector_load %arg10[%parallel_loop3A_655, %parallel_loop3A_656] {strides = array<i32>} : memref<8x2048xf32, #tpu.memory_space<vmem>>, vector<16xf32>,
        tpu.vector_store %arg10[%parallel_loop3A_655, %parallel_loop3A_656], %parallel_loop3A_653 {strides = array<i32>} : memref<8x2048xf32, #tpu.memory_space<vmem>>, vector<16xf32>,
        %parallel_loop3A_658 = arith.constant 6 : i32
        %parallel_loop3A_659 = arith.index_cast %parallel_loop3A_658 : i32 to index
        %parallel_loop3A_660 = arith.index_cast %parallel_loop3A_471 : i32 to index
        %parallel_loop3A_661 = tpu.vector_load %arg10[%parallel_loop3A_659, %parallel_loop3A_660] {strides = array<i32>} : memref<8x2048xf32, #tpu.memory_space<vmem>>, vector<16xf32>,
        %parallel_loop3A_662 = arith.constant 6.400000e+01 : f32
        %parallel_loop3A_663 = vector.broadcast %parallel_loop3A_662 : f32 to vector<16xf32>
        %parallel_loop3A_664 = arith.mulf %parallel_loop3A_661, %parallel_loop3A_663 : vector<16xf32>
        %parallel_loop3A_665 = arith.constant 0x4B400000 : f32
        %parallel_loop3A_666 = vector.broadcast %parallel_loop3A_665 : f32 to vector<16xf32>
        %parallel_loop3A_667 = arith.addf %parallel_loop3A_664, %parallel_loop3A_666 : vector<16xf32>
        %parallel_loop3A_668 = vector.bitcast %parallel_loop3A_667 : vector<16xf32> to vector<16xi32>
        %parallel_loop3A_669 = arith.constant 1262485248 : i32
        %parallel_loop3A_670 = vector.broadcast %parallel_loop3A_669 : i32 to vector<16xi32>
        %parallel_loop3A_671 = arith.subi %parallel_loop3A_668, %parallel_loop3A_670 : vector<16xi32>
        %parallel_loop3A_672 = vector.bitcast %parallel_loop3A_671 : vector<16xi32> to vector<16xi32>
        %parallel_loop3A_673 = arith.constant 511 : i32
        %parallel_loop3A_674 = vector.broadcast %parallel_loop3A_673 : i32 to vector<16xi32>
        %parallel_loop3A_675 = arith.minui %parallel_loop3A_672, %parallel_loop3A_674 : vector<16xi32>
        %parallel_loop3A_676 = vector.bitcast %parallel_loop3A_675 : vector<16xi32> to vector<16xi32>
        %parallel_loop3A_677 = tpu.vector_load_idx %arg6[%parallel_loop3A_676] : memref<512xf32, #tpu.memory_space<vmem>>[vector<16xi32>], vector<16xf32>,
        %parallel_loop3A_678 = arith.constant 0x4B400000 : f32
        %parallel_loop3A_679 = vector.broadcast %parallel_loop3A_678 : f32 to vector<16xf32>
        %parallel_loop3A_680 = arith.cmpf oge, %parallel_loop3A_667, %parallel_loop3A_679 : vector<16xf32>
        %parallel_loop3A_681 = arith.constant 0.000000e+00 : f32
        %parallel_loop3A_682 = vector.broadcast %parallel_loop3A_681 : f32 to vector<16xf32>
        %parallel_loop3A_683 = arith.select %parallel_loop3A_680, %parallel_loop3A_661, %parallel_loop3A_682 : vector<16xi1>, vector<16xf32>
        %parallel_loop3A_684 = arith.subf %parallel_loop3A_683, %parallel_loop3A_677 : vector<16xf32>
        %parallel_loop3A_685 = arith.constant 6 : i32
        %parallel_loop3A_686 = arith.index_cast %parallel_loop3A_685 : i32 to index
        %parallel_loop3A_687 = arith.index_cast %parallel_loop3A_471 : i32 to index
        %parallel_loop3A_688 = tpu.vector_load %arg10[%parallel_loop3A_686, %parallel_loop3A_687] {strides = array<i32>} : memref<8x2048xf32, #tpu.memory_space<vmem>>, vector<16xf32>,
        tpu.vector_store %arg10[%parallel_loop3A_686, %parallel_loop3A_687], %parallel_loop3A_684 {strides = array<i32>} : memref<8x2048xf32, #tpu.memory_space<vmem>>, vector<16xf32>,
        %parallel_loop3A_689 = arith.constant 7 : i32
        %parallel_loop3A_690 = arith.index_cast %parallel_loop3A_689 : i32 to index
        %parallel_loop3A_691 = arith.index_cast %parallel_loop3A_471 : i32 to index
        %parallel_loop3A_692 = tpu.vector_load %arg10[%parallel_loop3A_690, %parallel_loop3A_691] {strides = array<i32>} : memref<8x2048xf32, #tpu.memory_space<vmem>>, vector<16xf32>,
        %parallel_loop3A_693 = arith.constant 6.400000e+01 : f32
        %parallel_loop3A_694 = vector.broadcast %parallel_loop3A_693 : f32 to vector<16xf32>
        %parallel_loop3A_695 = arith.mulf %parallel_loop3A_692, %parallel_loop3A_694 : vector<16xf32>
        %parallel_loop3A_696 = arith.constant 0x4B400000 : f32
        %parallel_loop3A_697 = vector.broadcast %parallel_loop3A_696 : f32 to vector<16xf32>
        %parallel_loop3A_698 = arith.addf %parallel_loop3A_695, %parallel_loop3A_697 : vector<16xf32>
        %parallel_loop3A_699 = vector.bitcast %parallel_loop3A_698 : vector<16xf32> to vector<16xi32>
        %parallel_loop3A_700 = arith.constant 1262485248 : i32
        %parallel_loop3A_701 = vector.broadcast %parallel_loop3A_700 : i32 to vector<16xi32>
        %parallel_loop3A_702 = arith.subi %parallel_loop3A_699, %parallel_loop3A_701 : vector<16xi32>
        %parallel_loop3A_703 = vector.bitcast %parallel_loop3A_702 : vector<16xi32> to vector<16xi32>
        %parallel_loop3A_704 = arith.constant 511 : i32
        %parallel_loop3A_705 = vector.broadcast %parallel_loop3A_704 : i32 to vector<16xi32>
        %parallel_loop3A_706 = arith.minui %parallel_loop3A_703, %parallel_loop3A_705 : vector<16xi32>
        %parallel_loop3A_707 = vector.bitcast %parallel_loop3A_706 : vector<16xi32> to vector<16xi32>
        %parallel_loop3A_708 = tpu.vector_load_idx %arg6[%parallel_loop3A_707] : memref<512xf32, #tpu.memory_space<vmem>>[vector<16xi32>], vector<16xf32>,
        %parallel_loop3A_709 = arith.constant 0x4B400000 : f32
        %parallel_loop3A_710 = vector.broadcast %parallel_loop3A_709 : f32 to vector<16xf32>
        %parallel_loop3A_711 = arith.cmpf oge, %parallel_loop3A_698, %parallel_loop3A_710 : vector<16xf32>
        %parallel_loop3A_712 = arith.constant 0.000000e+00 : f32
        %parallel_loop3A_713 = vector.broadcast %parallel_loop3A_712 : f32 to vector<16xf32>
        %parallel_loop3A_714 = arith.select %parallel_loop3A_711, %parallel_loop3A_692, %parallel_loop3A_713 : vector<16xi1>, vector<16xf32>
        %parallel_loop3A_715 = arith.subf %parallel_loop3A_714, %parallel_loop3A_708 : vector<16xf32>
        %parallel_loop3A_716 = arith.constant 7 : i32
        %parallel_loop3A_717 = arith.index_cast %parallel_loop3A_716 : i32 to index
        %parallel_loop3A_718 = arith.index_cast %parallel_loop3A_471 : i32 to index
        %parallel_loop3A_719 = tpu.vector_load %arg10[%parallel_loop3A_717, %parallel_loop3A_718] {strides = array<i32>} : memref<8x2048xf32, #tpu.memory_space<vmem>>, vector<16xf32>,
        tpu.vector_store %arg10[%parallel_loop3A_717, %parallel_loop3A_718], %parallel_loop3A_715 {strides = array<i32>} : memref<8x2048xf32, #tpu.memory_space<vmem>>, vector<16xf32>,
      } {sc.loop_unroll_factor = 1 : i64, sc.parallel_access}
      %jit3A_425 = arith.constant 2 : i32
      %div3A_426 = arith.divsi %add3A_384, %jit3A_425 : i32
      %sign3A_427 = arith.constant 0 : i32
      %sign3A_428 = arith.cmpi sgt, %add3A_384, %sign3A_427 : i32
      %sign3A_429 = arith.extui %sign3A_428 : i1 to i32
      %sign3A_430 = arith.constant 0 : i32
      %sign3A_431 = arith.cmpi slt, %add3A_384, %sign3A_430 : i32
      %sign3A_432 = arith.extui %sign3A_431 : i1 to i32
      %sign3A_433 = arith.subi %sign3A_429, %sign3A_432 : i32
      %sign3A_434 = arith.constant 0 : i32
      %sign3A_435 = arith.cmpi sgt, %jit3A_425, %sign3A_434 : i32
      %sign3A_436 = arith.extui %sign3A_435 : i1 to i32
      %sign3A_437 = arith.constant 0 : i32
      %sign3A_438 = arith.cmpi slt, %jit3A_425, %sign3A_437 : i32
      %sign3A_439 = arith.extui %sign3A_438 : i1 to i32
      %sign3A_440 = arith.subi %sign3A_436, %sign3A_439 : i32
      %ne3A_441 = arith.cmpi ne, %sign3A_433, %sign3A_440 : i32
      %rem3A_442 = arith.remsi %add3A_384, %jit3A_425 : i32
      %ne3A_443 = arith.constant 0 : i32
      %ne3A_444 = arith.cmpi ne, %rem3A_442, %ne3A_443 : i32
      %and3A_445 = arith.andi %ne3A_441, %ne3A_444 : i1
      %sub3A_446 = arith.constant 1 : i32
      %sub3A_447 = arith.subi %div3A_426, %sub3A_446 : i32
      %select_n3A_448 = arith.select %and3A_445, %sub3A_447, %div3A_426 : i32
      %mul3A_449 = arith.constant 8 : i32
      %mul3A_450 = arith.muli %select_n3A_448, %mul3A_449 : i32
      %add3A_451 = arith.addi %mul3A_32, %mul3A_450 : i32
      %multiple_of3A_452 = tpu.assume_multiple %add3A_451, 8 : i32
      %dma_start3A_453 = arith.constant 3 : i32
      %dma_start3A_454 = arith.constant 2048 : i32
      %dma_start3A_455 = tpu.memref_slice %arg4[%select_n3A, %multiple_of3A_452, %dma_start3A_454] : memref<2x8192x4096xf32, #tpu.memory_space<hbm>> -> memref<1x8x2048xf32, #tpu.memory_space<hbm>>
      %dma_start3A_456 = tpu.memref_squeeze %dma_start3A_455 : memref<1x8x2048xf32, #tpu.memory_space<hbm>> -> memref<8x2048xf32, #tpu.memory_space<hbm>>
      %dma_start3A_457 = tpu.memref_slice %arg12[%dma_start3A_453] : memref<4x!tpu.dma_semaphore, #tpu.memory_space<semaphore_mem>> -> memref<1x!tpu.dma_semaphore, #tpu.memory_space<semaphore_mem>>
      %dma_start3A_458 = tpu.memref_squeeze %dma_start3A_457 : memref<1x!tpu.dma_semaphore, #tpu.memory_space<semaphore_mem>> -> memref<!tpu.dma_semaphore, #tpu.memory_space<semaphore_mem>>
      %dma_start3A_459 = arith.constant 2048 : i32
      %dma_start3A_460 = tpu.memref_slice %arg4[%select_n3A, %multiple_of3A_452, %dma_start3A_459] : memref<2x8192x4096xf32, #tpu.memory_space<hbm>> -> memref<1x8x2048xf32, #tpu.memory_space<hbm>>
      %dma_start3A_461 = tpu.memref_squeeze %dma_start3A_460 : memref<1x8x2048xf32, #tpu.memory_space<hbm>> -> memref<8x2048xf32, #tpu.memory_space<hbm>>
      tpu.enqueue_dma source(%arg10 : memref<8x2048xf32, #tpu.memory_space<vmem>>) target(%dma_start3A_461 : memref<8x2048xf32, #tpu.memory_space<hbm>>) target_semaphore(%dma_start3A_458 : memref<!tpu.dma_semaphore, #tpu.memory_space<semaphore_mem>>)
      %add3A_462 = arith.constant 3 : i32
      %add3A_463 = arith.addi %add3A_384, %add3A_462 : i32
      %lt3A_464 = arith.constant 128 : i32
      %lt3A_465 = arith.cmpi slt, %add3A_463, %lt3A_464 : i32
      %convert_element_type3A_466 = arith.extui %lt3A_465 : i1 to i32
      %cond3A_467 = arith.constant 0 : i32
      %cond3A_468 = arith.cmpi ne, %convert_element_type3A_466, %cond3A_467 : i32
      scf.if %cond3A_468 {
        %ge3A = arith.constant 1 : i32
        %ge3A_469 = arith.cmpi sge, %add3A_384, %ge3A : i32
        %convert_element_type3A_470 = arith.extui %ge3A_469 : i1 to i32
        %cond3A_471 = arith.constant 0 : i32
        %cond3A_472 = arith.cmpi ne, %convert_element_type3A_470, %cond3A_471 : i32
        scf.if %cond3A_472 {
          %add3A_512 = arith.constant 3 : i32
          %add3A_513 = arith.addi %add3A_384, %add3A_512 : i32
          %sub3A_514 = arith.constant 4 : i32
          %sub3A_515 = arith.subi %add3A_513, %sub3A_514 : i32
          %jit3A_516 = arith.constant 2 : i32
          %div3A_517 = arith.divsi %sub3A_515, %jit3A_516 : i32
          %sign3A_518 = arith.constant 0 : i32
          %sign3A_519 = arith.cmpi sgt, %sub3A_515, %sign3A_518 : i32
          %sign3A_520 = arith.extui %sign3A_519 : i1 to i32
          %sign3A_521 = arith.constant 0 : i32
          %sign3A_522 = arith.cmpi slt, %sub3A_515, %sign3A_521 : i32
          %sign3A_523 = arith.extui %sign3A_522 : i1 to i32
          %sign3A_524 = arith.subi %sign3A_520, %sign3A_523 : i32
          %sign3A_525 = arith.constant 0 : i32
          %sign3A_526 = arith.cmpi sgt, %jit3A_516, %sign3A_525 : i32
          %sign3A_527 = arith.extui %sign3A_526 : i1 to i32
          %sign3A_528 = arith.constant 0 : i32
          %sign3A_529 = arith.cmpi slt, %jit3A_516, %sign3A_528 : i32
          %sign3A_530 = arith.extui %sign3A_529 : i1 to i32
          %sign3A_531 = arith.subi %sign3A_527, %sign3A_530 : i32
          %ne3A_532 = arith.cmpi ne, %sign3A_524, %sign3A_531 : i32
          %rem3A_533 = arith.remsi %sub3A_515, %jit3A_516 : i32
          %ne3A_534 = arith.constant 0 : i32
          %ne3A_535 = arith.cmpi ne, %rem3A_533, %ne3A_534 : i32
          %and3A_536 = arith.andi %ne3A_532, %ne3A_535 : i1
          %sub3A_537 = arith.constant 1 : i32
          %sub3A_538 = arith.subi %div3A_517, %sub3A_537 : i32
          %select_n3A_539 = arith.select %and3A_536, %sub3A_538, %div3A_517 : i32
          %mul3A_540 = arith.constant 8 : i32
          %mul3A_541 = arith.muli %select_n3A_539, %mul3A_540 : i32
          %add3A_542 = arith.addi %mul3A_32, %mul3A_541 : i32
          %multiple_of3A_543 = tpu.assume_multiple %add3A_542, 8 : i32
          %dma_wait3A_544 = arith.constant 2 : i32
          %dma_wait3A_545 = arith.constant 0 : i32
          %dma_wait3A_546 = tpu.memref_slice %arg4[%select_n3A, %multiple_of3A_543, %dma_wait3A_545] : memref<2x8192x4096xf32, #tpu.memory_space<hbm>> -> memref<1x8x2048xf32, #tpu.memory_space<hbm>>
          %dma_wait3A_547 = tpu.memref_squeeze %dma_wait3A_546 : memref<1x8x2048xf32, #tpu.memory_space<hbm>> -> memref<8x2048xf32, #tpu.memory_space<hbm>>
          %dma_wait3A_548 = tpu.memref_slice %arg12[%dma_wait3A_544] : memref<4x!tpu.dma_semaphore, #tpu.memory_space<semaphore_mem>> -> memref<1x!tpu.dma_semaphore, #tpu.memory_space<semaphore_mem>>
          %dma_wait3A_549 = tpu.memref_squeeze %dma_wait3A_548 : memref<1x!tpu.dma_semaphore, #tpu.memory_space<semaphore_mem>> -> memref<!tpu.dma_semaphore, #tpu.memory_space<semaphore_mem>>
          %dma_wait3A_550 = arith.constant 0 : i32
          %dma_wait3A_551 = tpu.memref_slice %arg4[%select_n3A, %multiple_of3A_543, %dma_wait3A_550] : memref<2x8192x4096xf32, #tpu.memory_space<hbm>> -> memref<1x8x2048xf32, #tpu.memory_space<hbm>>
          %dma_wait3A_552 = tpu.memref_squeeze %dma_wait3A_551 : memref<1x8x2048xf32, #tpu.memory_space<hbm>> -> memref<8x2048xf32, #tpu.memory_space<hbm>>
          tpu.wait_dma2 semaphore(%dma_wait3A_549 : memref<!tpu.dma_semaphore, #tpu.memory_space<semaphore_mem>>) src(%arg9 : memref<8x2048xf32, #tpu.memory_space<vmem>>) dst(%dma_wait3A_552 : memref<8x2048xf32, #tpu.memory_space<hbm>>)
        } else {
        }
        %add3A_473 = arith.constant 3 : i32
        %add3A_474 = arith.addi %add3A_384, %add3A_473 : i32
        %jit3A_475 = arith.constant 2 : i32
        %div3A_476 = arith.divsi %add3A_474, %jit3A_475 : i32
        %sign3A_477 = arith.constant 0 : i32
        %sign3A_478 = arith.cmpi sgt, %add3A_474, %sign3A_477 : i32
        %sign3A_479 = arith.extui %sign3A_478 : i1 to i32
        %sign3A_480 = arith.constant 0 : i32
        %sign3A_481 = arith.cmpi slt, %add3A_474, %sign3A_480 : i32
        %sign3A_482 = arith.extui %sign3A_481 : i1 to i32
        %sign3A_483 = arith.subi %sign3A_479, %sign3A_482 : i32
        %sign3A_484 = arith.constant 0 : i32
        %sign3A_485 = arith.cmpi sgt, %jit3A_475, %sign3A_484 : i32
        %sign3A_486 = arith.extui %sign3A_485 : i1 to i32
        %sign3A_487 = arith.constant 0 : i32
        %sign3A_488 = arith.cmpi slt, %jit3A_475, %sign3A_487 : i32
        %sign3A_489 = arith.extui %sign3A_488 : i1 to i32
        %sign3A_490 = arith.subi %sign3A_486, %sign3A_489 : i32
        %ne3A_491 = arith.cmpi ne, %sign3A_483, %sign3A_490 : i32
        %rem3A_492 = arith.remsi %add3A_474, %jit3A_475 : i32
        %ne3A_493 = arith.constant 0 : i32
        %ne3A_494 = arith.cmpi ne, %rem3A_492, %ne3A_493 : i32
        %and3A_495 = arith.andi %ne3A_491, %ne3A_494 : i1
        %sub3A_496 = arith.constant 1 : i32
        %sub3A_497 = arith.subi %div3A_476, %sub3A_496 : i32
        %select_n3A_498 = arith.select %and3A_495, %sub3A_497, %div3A_476 : i32
        %mul3A_499 = arith.constant 8 : i32
        %mul3A_500 = arith.muli %select_n3A_498, %mul3A_499 : i32
        %add3A_501 = arith.addi %mul3A_32, %mul3A_500 : i32
        %multiple_of3A_502 = tpu.assume_multiple %add3A_501, 8 : i32
        %dma_start3A_503 = arith.constant 2 : i32
        %dma_start3A_504 = arith.constant 0 : i32
        %dma_start3A_505 = tpu.memref_slice %arg2[%select_n3A, %multiple_of3A_502, %dma_start3A_504] : memref<2x8192x4096xf32, #tpu.memory_space<hbm>> -> memref<1x8x2048xf32, #tpu.memory_space<hbm>>
        %dma_start3A_506 = tpu.memref_squeeze %dma_start3A_505 : memref<1x8x2048xf32, #tpu.memory_space<hbm>> -> memref<8x2048xf32, #tpu.memory_space<hbm>>
        %dma_start3A_507 = tpu.memref_slice %arg11[%dma_start3A_503] : memref<4x!tpu.dma_semaphore, #tpu.memory_space<semaphore_mem>> -> memref<1x!tpu.dma_semaphore, #tpu.memory_space<semaphore_mem>>
        %dma_start3A_508 = tpu.memref_squeeze %dma_start3A_507 : memref<1x!tpu.dma_semaphore, #tpu.memory_space<semaphore_mem>> -> memref<!tpu.dma_semaphore, #tpu.memory_space<semaphore_mem>>
        %dma_start3A_509 = arith.constant 0 : i32
        %dma_start3A_510 = tpu.memref_slice %arg2[%select_n3A, %multiple_of3A_502, %dma_start3A_509] : memref<2x8192x4096xf32, #tpu.memory_space<hbm>> -> memref<1x8x2048xf32, #tpu.memory_space<hbm>>
        %dma_start3A_511 = tpu.memref_squeeze %dma_start3A_510 : memref<1x8x2048xf32, #tpu.memory_space<hbm>> -> memref<8x2048xf32, #tpu.memory_space<hbm>>
        tpu.enqueue_dma source(%dma_start3A_511 : memref<8x2048xf32, #tpu.memory_space<hbm>>) target(%arg9 : memref<8x2048xf32, #tpu.memory_space<vmem>>) target_semaphore(%dma_start3A_508 : memref<!tpu.dma_semaphore, #tpu.memory_space<semaphore_mem>>)
      } else {
      }
    }
    %scan3A_75 = arith.constant 32 : i32
    %add3A_76 = arith.constant 496 : i32
    %add3A_77 = arith.addi %mul3A_32, %add3A_76 : i32
    %multiple_of3A_78 = tpu.assume_multiple %add3A_77, 8 : i32
    %dma_wait3A = arith.constant 0 : i32
    %dma_wait3A_79 = arith.constant 0 : i32
    %dma_wait3A_80 = tpu.memref_slice %arg4[%select_n3A, %multiple_of3A_78, %dma_wait3A_79] : memref<2x8192x4096xf32, #tpu.memory_space<hbm>> -> memref<1x8x2048xf32, #tpu.memory_space<hbm>>
    %dma_wait3A_81 = tpu.memref_squeeze %dma_wait3A_80 : memref<1x8x2048xf32, #tpu.memory_space<hbm>> -> memref<8x2048xf32, #tpu.memory_space<hbm>>
    %dma_wait3A_82 = tpu.memref_slice %arg12[%dma_wait3A] : memref<4x!tpu.dma_semaphore, #tpu.memory_space<semaphore_mem>> -> memref<1x!tpu.dma_semaphore, #tpu.memory_space<semaphore_mem>>
    %dma_wait3A_83 = tpu.memref_squeeze %dma_wait3A_82 : memref<1x!tpu.dma_semaphore, #tpu.memory_space<semaphore_mem>> -> memref<!tpu.dma_semaphore, #tpu.memory_space<semaphore_mem>>
    %dma_wait3A_84 = arith.constant 0 : i32
    %dma_wait3A_85 = tpu.memref_slice %arg4[%select_n3A, %multiple_of3A_78, %dma_wait3A_84] : memref<2x8192x4096xf32, #tpu.memory_space<hbm>> -> memref<1x8x2048xf32, #tpu.memory_space<hbm>>
    %dma_wait3A_86 = tpu.memref_squeeze %dma_wait3A_85 : memref<1x8x2048xf32, #tpu.memory_space<hbm>> -> memref<8x2048xf32, #tpu.memory_space<hbm>>
    tpu.wait_dma2 semaphore(%dma_wait3A_83 : memref<!tpu.dma_semaphore, #tpu.memory_space<semaphore_mem>>) src(%arg7 : memref<8x2048xf32, #tpu.memory_space<vmem>>) dst(%dma_wait3A_86 : memref<8x2048xf32, #tpu.memory_space<hbm>>)
    %add3A_87 = arith.constant 496 : i32
    %add3A_88 = arith.addi %mul3A_32, %add3A_87 : i32
    %multiple_of3A_89 = tpu.assume_multiple %add3A_88, 8 : i32
    %dma_wait3A_90 = arith.constant 1 : i32
    %dma_wait3A_91 = arith.constant 2048 : i32
    %dma_wait3A_92 = tpu.memref_slice %arg4[%select_n3A, %multiple_of3A_89, %dma_wait3A_91] : memref<2x8192x4096xf32, #tpu.memory_space<hbm>> -> memref<1x8x2048xf32, #tpu.memory_space<hbm>>
    %dma_wait3A_93 = tpu.memref_squeeze %dma_wait3A_92 : memref<1x8x2048xf32, #tpu.memory_space<hbm>> -> memref<8x2048xf32, #tpu.memory_space<hbm>>
    %dma_wait3A_94 = tpu.memref_slice %arg12[%dma_wait3A_90] : memref<4x!tpu.dma_semaphore, #tpu.memory_space<semaphore_mem>> -> memref<1x!tpu.dma_semaphore, #tpu.memory_space<semaphore_mem>>
    %dma_wait3A_95 = tpu.memref_squeeze %dma_wait3A_94 : memref<1x!tpu.dma_semaphore, #tpu.memory_space<semaphore_mem>> -> memref<!tpu.dma_semaphore, #tpu.memory_space<semaphore_mem>>
    %dma_wait3A_96 = arith.constant 2048 : i32
    %dma_wait3A_97 = tpu.memref_slice %arg4[%select_n3A, %multiple_of3A_89, %dma_wait3A_96] : memref<2x8192x4096xf32, #tpu.memory_space<hbm>> -> memref<1x8x2048xf32, #tpu.memory_space<hbm>>
    %dma_wait3A_98 = tpu.memref_squeeze %dma_wait3A_97 : memref<1x8x2048xf32, #tpu.memory_space<hbm>> -> memref<8x2048xf32, #tpu.memory_space<hbm>>
    tpu.wait_dma2 semaphore(%dma_wait3A_95 : memref<!tpu.dma_semaphore, #tpu.memory_space<semaphore_mem>>) src(%arg8 : memref<8x2048xf32, #tpu.memory_space<vmem>>) dst(%dma_wait3A_98 : memref<8x2048xf32, #tpu.memory_space<hbm>>)
    %add3A_99 = arith.constant 504 : i32
    %add3A_100 = arith.addi %mul3A_32, %add3A_99 : i32
    %multiple_of3A_101 = tpu.assume_multiple %add3A_100, 8 : i32
    %dma_wait3A_102 = arith.constant 2 : i32
    %dma_wait3A_103 = arith.constant 0 : i32
    %dma_wait3A_104 = tpu.memref_slice %arg4[%select_n3A, %multiple_of3A_101, %dma_wait3A_103] : memref<2x8192x4096xf32, #tpu.memory_space<hbm>> -> memref<1x8x2048xf32, #tpu.memory_space<hbm>>
    %dma_wait3A_105 = tpu.memref_squeeze %dma_wait3A_104 : memref<1x8x2048xf32, #tpu.memory_space<hbm>> -> memref<8x2048xf32, #tpu.memory_space<hbm>>
    %dma_wait3A_106 = tpu.memref_slice %arg12[%dma_wait3A_102] : memref<4x!tpu.dma_semaphore, #tpu.memory_space<semaphore_mem>> -> memref<1x!tpu.dma_semaphore, #tpu.memory_space<semaphore_mem>>
    %dma_wait3A_107 = tpu.memref_squeeze %dma_wait3A_106 : memref<1x!tpu.dma_semaphore, #tpu.memory_space<semaphore_mem>> -> memref<!tpu.dma_semaphore, #tpu.memory_space<semaphore_mem>>
    %dma_wait3A_108 = arith.constant 0 : i32
    %dma_wait3A_109 = tpu.memref_slice %arg4[%select_n3A, %multiple_of3A_101, %dma_wait3A_108] : memref<2x8192x4096xf32, #tpu.memory_space<hbm>> -> memref<1x8x2048xf32, #tpu.memory_space<hbm>>
    %dma_wait3A_110 = tpu.memref_squeeze %dma_wait3A_109 : memref<1x8x2048xf32, #tpu.memory_space<hbm>> -> memref<8x2048xf32, #tpu.memory_space<hbm>>
    tpu.wait_dma2 semaphore(%dma_wait3A_107 : memref<!tpu.dma_semaphore, #tpu.memory_space<semaphore_mem>>) src(%arg9 : memref<8x2048xf32, #tpu.memory_space<vmem>>) dst(%dma_wait3A_110 : memref<8x2048xf32, #tpu.memory_space<hbm>>)
    %add3A_111 = arith.constant 504 : i32
    %add3A_112 = arith.addi %mul3A_32, %add3A_111 : i32
    %multiple_of3A_113 = tpu.assume_multiple %add3A_112, 8 : i32
    %dma_wait3A_114 = arith.constant 3 : i32
    %dma_wait3A_115 = arith.constant 2048 : i32
    %dma_wait3A_116 = tpu.memref_slice %arg4[%select_n3A, %multiple_of3A_113, %dma_wait3A_115] : memref<2x8192x4096xf32, #tpu.memory_space<hbm>> -> memref<1x8x2048xf32, #tpu.memory_space<hbm>>
    %dma_wait3A_117 = tpu.memref_squeeze %dma_wait3A_116 : memref<1x8x2048xf32, #tpu.memory_space<hbm>> -> memref<8x2048xf32, #tpu.memory_space<hbm>>
    %dma_wait3A_118 = tpu.memref_slice %arg12[%dma_wait3A_114] : memref<4x!tpu.dma_semaphore, #tpu.memory_space<semaphore_mem>> -> memref<1x!tpu.dma_semaphore, #tpu.memory_space<semaphore_mem>>
    %dma_wait3A_119 = tpu.memref_squeeze %dma_wait3A_118 : memref<1x!tpu.dma_semaphore, #tpu.memory_space<semaphore_mem>> -> memref<!tpu.dma_semaphore, #tpu.memory_space<semaphore_mem>>
    %dma_wait3A_120 = arith.constant 2048 : i32
    %dma_wait3A_121 = tpu.memref_slice %arg4[%select_n3A, %multiple_of3A_113, %dma_wait3A_120] : memref<2x8192x4096xf32, #tpu.memory_space<hbm>> -> memref<1x8x2048xf32, #tpu.memory_space<hbm>>
    %dma_wait3A_122 = tpu.memref_squeeze %dma_wait3A_121 : memref<1x8x2048xf32, #tpu.memory_space<hbm>> -> memref<8x2048xf32, #tpu.memory_space<hbm>>
    tpu.wait_dma2 semaphore(%dma_wait3A_119 : memref<!tpu.dma_semaphore, #tpu.memory_space<semaphore_mem>>) src(%arg10 : memref<8x2048xf32, #tpu.memory_space<vmem>>) dst(%dma_wait3A_122 : memref<8x2048xf32, #tpu.memory_space<hbm>>)
    return
  }
}

</mosaic_0001>

<sc_bundles>
// kernel: secgelu_sc.3.cloned.1.call-start
scs
__scs_entry_jumppad:
0x0: {  	(pc) =	sbr.rel $0x88, $3  }
0x1: {  	(tag) =	ssettag $0x0;
	lr =	simm.s32 $0x1  }
0x2: {  	[smem:$0x3F9F] =	sst lr;
	_ =	strace $0xD0000000  }
0x3: {  	_ = 	snop  }
0x4: {  	_ = 	snop  }
0x5: {  	_ = 	snop  }
0x6: {  	_ = 	snop  }
0x7: {  	_ = 	snop  }
__scs_overlays_trampoline_lowered:
0x8: {  	[smem:$0x3FAE] =	sst s0  }
0x9: {  	[smem:$0x3FAF] =	sst s1  }
0xa: {  	[smem:$0x3FB0] =	sst s2  }
0xb: {  	[smem:$0x3FB1] =	sst s3  }
0xc: {  	[smem:$0x3FB2] =	sst s4  }
0xd: {  	[smem:$0x3FB3] =	sst s5  }
0xe: {  	[smem:$0x3FB4] =	sst s6  }
0xf: {  	[smem:$0x3FB5] =	sst s7  }
0x10: {  	[smem:$0x3FB6] =	sst s8  }
0x11: {  	[smem:$0x3FB7] =	sst s9;
	s0 =	simm.s32 @!p0 $0x0  }
0x12: {  	s1 =	sld [smem:$0x3F9D];
	s0 =	simm.s32 @p0 $0x1  }
0x13: {  	[smem:$0x3FB8] =	sst s0;
	s0 =	simm.s32 @!p1 $0x0  }
0x14: {  	s2 =	sld [smem:$0x3F9C];
	s0 =	simm.s32 @p1 $0x1  }
0x15: {  	[smem:$0x3FB9] =	sst s0;
	s0 =	simm.s32 @!p2 $0x0  }
0x16: {  	s3 =	sld [smem:$0x3FDB];
	s0 =	simm.s32 @p2 $0x1  }
0x17: {  	s4 =	simm.s32 $0x1BF5;
	[smem:$0x3FBB] =	sst s0  }
0x18: {  	s0 =	sld [smem:$0x3F9E];
	_ =	swait.ge [sflag:s4], $0x0  }
0x19: {  	s7 =	sld [smem:$0x3F9F]  }
0x1a: {  	s8 =	sadd.s32 $0xFFFFE003, lr  }
0x1b: {  	s9 =	sadd.s32 $0xFFFFFEF7, lr;
	s5 =	simm.s32 $0xFFFFFFFF;
	p2 =	slt.u32 s8, $0xFFFFF086  }
0x1c: {  	p1 =	slt.u32 s9, $0xF7A;
	s5 =	simm.s32 @!p2 $0x0  }
0x1d: {  	s5 =	simm.s32 @p1 $0x1;
	p0 =	seq.s32 s7, s2  }
0x1e: {  	s7 =	smul.u32 @!p0 $0xF7A, s2;
	p2 =	seq.s32 @!p0 s5, $0x0  }
0x1f: {  	s9 =	smul.u32 $0xF7A, s1;
	s8 =	simm.s32 @!p0 $0x1BF5;
	p2 =	por !p2, p0  }
0x20: {  	[sflag:s8] =	ssyncset.s32 @!p0 $0xFFFFF086;
	s6 =	sadd.s32 @!p0 s3, s7;
	s7 =	simm.s32 @!p0 $0x108  }
0x21: {  	s3 =	sadd.s32 s3, s9;
	s6 =	sadd.s32 @!p0 $0x88, s6;
	s7 =	simm.s32 @p2 $0x1082  }
0x22: {  	[simem:s7], [sflag:s8] =	dma.local @!p0 [hbm:s6], $0xF7A  }
0x23: {  	s9 =	sor.u32 $0xD0000000, s2;
	s6 =	simm.s32 $0x108;
	_ =	swait.ge @!p0 [sflag:s8], $0x0  }
0x24: {  	s3 =	sadd.s32 $0x88, s3;
	s6 =	simm.s32 @!p1 $0x1082;
	[sflag:s4] =	ssyncset.s32 $0xFFFFF086  }
0x25: {  	[simem:s6], [sflag:s4] =	dma.local [hbm:s3], $0xF7A  }
0x26: {  	[smem:$0x3F9F] =	sst s1;
	(tag) =	ssettag s2;
	_ =	strace s9  }
0x27: {  	s1 =	sld [smem:$0x3FAF]  }
0x28: {  	s2 =	sld [smem:$0x3FB0]  }
0x29: {  	s4 =	sld [smem:$0x3FB2]  }
0x2a: {  	p0 =	seq.s32 s5, $0x0;
	s5 =	sld [smem:$0x3FB3]  }
0x2b: {  	s6 =	sld [smem:$0x3FB4]  }
0x2c: {  	s7 =	sld [smem:$0x3FB5]  }
0x2d: {  	s3 =	simm.s32 $0x108;
	s8 =	sld [smem:$0x3FB6]  }
0x2e: {  	s3 =	simm.s32 @!p0 $0x1082;
	s9 =	sld [smem:$0x3FB7]  }
0x2f: {  	lr =	sadd.s32 s0, s3;
	s0 =	sld [smem:$0x3FAE]  }
0x30: {  	s3 =	sld [smem:$0x3FB1]  }
0x31: {  	[smem:$0x3FBA] =	sst s10  }
0x32: {  	s10 =	sld [smem:$0x3FB8];
	_ =	sdelay $0x3  }
0x33: {  	p0 =	seq.s32 s10, $0x1;
	s10 =	sld [smem:$0x3FBA];
	_ =	sdelay $0x3  }
0x34: {  	[smem:$0x3FBA] =	sst s10  }
0x35: {  	s10 =	sld [smem:$0x3FB9];
	_ =	sdelay $0x3  }
0x36: {  	p1 =	seq.s32 s10, $0x1;
	s10 =	sld [smem:$0x3FBA];
	_ =	sdelay $0x3  }
0x37: {  	[smem:$0x3FBA] =	sst s10  }
0x38: {  	s10 =	sld [smem:$0x3FBB]  }
0x39: {  	_ = 	snop;
	(pc) =	sbr.ind lr, $3  }
0x3a: {  	_ = 	snop  }
0x3b: {  	_ = 	snop  }
0x3c: {  	p2 =	seq.s32 s10, $0x1;
	s10 =	sld [smem:$0x3FBA]  }
0x3d: {  	_ =	shalt  }
0x3e: {  	_ =	shalt  }
0x3f: {  	_ =	shalt  }
0x40: {  	_ =	shalt  }
0x41: {  	_ =	shalt  }
0x42: {  	_ =	shalt  }
0x43: {  	_ =	shalt  }
0x44: {  	_ =	shalt  }
0x45: {  	_ =	shalt  }
0x46: {  	_ =	shalt  }
0x47: {  	_ =	shalt  }
0x48: {  	_ =	shalt  }
0x49: {  	_ =	shalt  }
0x4a: {  	_ =	shalt  }
0x4b: {  	_ =	shalt  }
0x4c: {  	_ =	shalt  }
0x4d: {  	_ =	shalt  }
0x4e: {  	_ =	shalt  }
0x4f: {  	_ =	shalt  }
0x50: {  	_ =	shalt  }
0x51: {  	_ =	shalt  }
0x52: {  	_ =	shalt  }
0x53: {  	_ =	shalt  }
0x54: {  	_ =	shalt  }
0x55: {  	_ =	shalt  }
0x56: {  	_ =	shalt  }
0x57: {  	_ =	shalt  }
0x58: {  	_ =	shalt  }
0x59: {  	_ =	shalt  }
0x5a: {  	_ =	shalt  }
0x5b: {  	_ =	shalt  }
0x5c: {  	_ =	shalt  }
0x5d: {  	_ =	shalt  }
0x5e: {  	_ =	shalt  }
0x5f: {  	_ =	shalt  }
0x60: {  	_ =	shalt  }
0x61: {  	_ =	shalt  }
0x62: {  	_ =	shalt  }
0x63: {  	_ =	shalt  }
0x64: {  	_ =	shalt  }
0x65: {  	_ =	shalt  }
0x66: {  	_ =	shalt  }
0x67: {  	_ =	shalt  }
0x68: {  	_ =	shalt  }
0x69: {  	_ =	shalt  }
0x6a: {  	_ =	shalt  }
0x6b: {  	_ =	shalt  }
0x6c: {  	_ =	shalt  }
0x6d: {  	_ =	shalt  }
0x6e: {  	_ =	shalt  }
0x6f: {  	_ =	shalt  }
0x70: {  	_ =	shalt  }
0x71: {  	_ =	shalt  }
0x72: {  	_ =	shalt  }
0x73: {  	_ =	shalt  }
0x74: {  	_ =	shalt  }
0x75: {  	_ =	shalt  }
0x76: {  	_ =	shalt  }
0x77: {  	_ =	shalt  }
0x78: {  	_ =	shalt  }
0x79: {  	_ =	shalt  }
0x7a: {  	_ =	shalt  }
0x7b: {  	_ =	shalt  }
0x7c: {  	_ =	shalt  }
0x7d: {  	_ =	shalt  }
0x7e: {  	_ =	shalt  }
0x7f: {  	_ =	shalt  }
0x80: {  	_ =	shalt  }
0x81: {  	_ =	shalt  }
0x82: {  	_ =	shalt  }
0x83: {  	_ =	shalt  }
0x84: {  	_ =	shalt  }
0x85: {  	_ =	shalt  }
0x86: {  	_ =	shalt  }
0x87: {  	_ =	shalt  }
.Lfunc_end0:
.L_simem_size_0:
called_computation_lowered:
.L_overlay_start_0:
0x88: {  	s2 =	sld [smem:$0x3FD9]  }
0x89: {  	s3 =	sld [smem:$0x3FFE];
	_ =	sdelay $0x1  }
0x8a: {  	s1 =	srdreg.scid  }
0x8b: {  	s0 =	sand.u32 $0x1, s1  }
0x8c: {  	s18 =	sshll.u32 s0, $0xA;
	s2 =	sadd.s32 s3, s2  }
0x8d: {  	s2 =	sadd.s32 s2, s18  }
0x8e: {  	[smem:$0x3FC6] =	sst s2  }
0x8f: {  	_ = 	snop  }
0x90: {  	s2 =	sld [smem:$0x3FC9]  }
0x91: {  	s19 =	sld [smem:$0x3FC8]  }
0x92: {  	s4 =	sld [smem:$0x3FD0];
	(tm) =	ssettm $0x1  }
0x93: {  	s5 =	sld [smem:$0x3FFB];
	_ =	sdelay $0x3  }
0x94: {  	_ =	strace s5  }
0x95: {  	s5 =	sld [smem:$0x3FFC];
	_ =	sdelay $0x3  }
0x96: {  	_ =	strace s5  }
0x97: {  	s5 =	sld [smem:$0x3FFD];
	_ =	sdelay $0x3  }
0x98: {  	_ =	strace s5  }
0x99: {  	_ =	strace $0x8FFFFFFF  }
0x9a: {  	s20 =	sld [smem:$0x3FDB];
	_ =	sdelay $0x1  }
0x9b: {  	s6 =	simm.s32 $_scs_section_size  }
0x9c: {  	s7 =	simm.s32 $_size__tile_overlayer_lowered;
	s8 =	simm.s32 $_tile_overlayer_lowered  }
0x9d: {  	s23 =	simm.s32 $0x1BFF;
	s22 =	sshll.u32 s8, $0x1;
	s5 =	sadd.s32 s6, s20  }
0x9e: {  	s9 =	simm.s32 $0x0;
	s21 =	sshll.u32 s7, $0x1;
	s7 =	sadd.s32 s22, s5  }
0x9f: {  	[timem:s9], [sflag:s23] =	dma.local [hbm:s7], s21  }
0xa0: {  	_ =	swait.ge [sflag:s23], s21  }
0xa1: {  	s6 =	ssub.s32 $0x0, s21;
	[sflag:s23] =	ssyncset.done $0x0  }
0xa2: {  	[sflag:s23] =	ssyncadd.s32 s6;
	_ =	sdelay $0x1  }
0xa3: {  	s24 =	simm.s32 $0x1B8B  }
0xa4: {  	_ =	swait.ge [sflag:s24], $0x1  }
0xa5: {  	[sflag:s24] =	ssyncset.done $0x0  }
0xa6: {  	s25 =	simm.s32 $0x1B8E;
	[sflag:s24] =	ssyncadd.s32 $0xFFFFFFFF  }
0xa7: {  	s26 =	simm.s32 $execute0_lowered;
	[smem:$0x3FD2] =	sst s25  }
0xa8: {  	s6 =	sshll.u32 s26, $0x1;
	_ =	strace $0x80000046;
	[dreg:$0x1] =	wrdreg $0xFFFFFFFF  }
0xa9: {  	s28 =	simm.s32 $_size_execute0_lowered;
	s5 =	sadd.s32 s5, s6;
	[dreg:$0x0] =	wrdreg $0x0  }
0xaa: {  	s6 =	sshll.u32 s28, $0x1;
	[dreg:$0x2] =	wrdreg s5  }
0xab: {  	[dreg:$0x3] =	wrdreg s6  }
0xac: {  	[dreg:$0x4] =	wrdreg $0xC0  }
0xad: {  	_ =	task [dreg:s9], $0x5FFFF  }
0xae: {  	[dreg:$0x1] =	wrdreg $0xFFFFFFFF  }
0xaf: {  	[dreg:$0x0] =	wrdreg $0x60  }
0xb0: {  	[dreg:$0x2] =	wrdreg s2  }
0xb1: {  	[dreg:$0x3] =	wrdreg s19  }
0xb2: {  	[dreg:$0x4] =	wrdreg s4  }
0xb3: {  	[dreg:$0x5] =	wrdreg $0x9  }
0xb4: {  	_ =	task.clear_ibuf [dreg:s9], $0x6FFFF;
	_ =	strace $0x90000046  }
0xb5: {  	s29 =	simm.s32 $0x9;
	_ =	strace $0x80000048  }
0xb6: {  	_ =	swait.ge [sflag:s29], $0x1  }
0xb7: {  	[sflag:s29] =	ssyncadd.s32 $0xFFFFFFFF  }
0xb8: {  	_ =	strace $0x90000048  }
0xb9: {  	_ =	sfence  }
0xba: {  	s30 =	sld [smem:$0x0];
	_ =	sdelay $0x2  }
0xbb: {  	s31 =	sshll.u32 s1, $0xD;
	s1 =	sshrl.u32 s1, $0x2  }
0xbc: {  	s3 =	sand.u32 $0x4000, s31;
	s1 =	sadd.s32 s1, s30  }
0xbd: {  	s0 =	sor.u32 s3, s0;
	s1 =	sshll.u32 s1, $0x11  }
0xbe: {  	s0 =	sor.u32 s1, s0  }
0xbf: {  	s0 =	sadd.s32 $0x8F2B, s0  }
0xc0: {  	[sflag:s0] =	ssyncadd.remote.s32 $0x1  }
0xc1: {  	_ =	sfence.sel $0xFFFF  }
0xc2: {  	[dreg:$0x0] =	wrdreg $0xFFFFFFFF;
	(pc) =	sbr.abs _section_cstart, $3  }
0xc3: {  	[dreg:$0x1] =	wrdreg $0xFFFFFFFF  }
0xc4: {  	_ =	task.clear_ibuf [dreg:s9], $0x2FFFF;
	_ =	strace $0x9FFFFFFF  }
0xc5: {  	(tm) =	ssettm $0x7FFFFFFF  }
tec
execute0_lowered:
.L_overlay_start_1:
0x0: {  	(tag) =	ssettag $0x1  }
0x1: {  	s3 =	rddreg [dreg:$0x0]  }
0x2: {  	s2 =	stileid.u32;
	s4 =	rddreg [dreg:$0x2]  }
0x3: {  	s0 =	srdreg.scid;
	s5 =	simm.s32 $0x0;
	s22 =	simm.s32 $0x8300  }
0x4: {  	s20 =	simm.s32 $0x1;
	s21 =	simm.s32 $0x100;
	s23 =	simm.s32 $0x2  }
0x5: {  	s1 =	sshll.u32 s2, $0x1;
	s0 =	sand.u32 $0x1, s0;
	s2 =	sshll.u32 s2, $0x16  }
0x6: {  	[smem:$0x7FF] =	sst s5;
	s7 =	sadd.s32 $0x800, s3;
	s1 =	sand.u32 $0xE, s1  }
0x7: {  	s28 =	sadd.s32 $0x800, s4;
	s2 =	sand.u32 $0x2000000, s2;
	s1 =	sor.u32 s0, s1  }
0x8: {  	_ =	strace $0x80000047;
	[dreg:$0x5] =	wrdreg s7;
	s1 =	sshll.u32 s1, $0x15  }
0x9: {  	[dreg:$0xa] =	wrdreg s28;
	s0 =	ssub.s32 $0x2, s0;
	s6 =	sor.u32 s2, s1  }
0xa: {  	s24 =	sshrl.u32 s0, $0x1;
	s26 =	sor.u32 $0x8000, s6;
	[dreg:$0x4] =	wrdreg s6  }
0xb: {  	s0 =	ssub.s32 s0, s24;
	s30 =	sor.u32 $0x10000, s6;
	[dreg:$0x9] =	wrdreg s26  }
0xc: {  	s2 =	sshrl.u32 s6, $0x3;
	s31 =	sor.u32 $0x18000, s6;
	[dreg:$0xb] =	wrdreg s30  }
.Ltmp0:
0xd: {  	s0 =	smax.u32 s0, $0x1;
	[dreg:$0xc] =	wrdreg s31;
	(pc) =	sbr.rel .LBB2_1-.Ltmp0, $4  }
0xe: {  	s25 =	sadd.s32 s3, s2;
	s2 =	sadd.s32 s2, s7;
	[dreg:$0xd] =	wrdreg s0  }
0xf: {  	s29 =	simm.s32 $0x7;
	s12 =	simm.s32 $0x0;
	[dreg:$0x7] =	wrdreg s2  }
0x10: {  	v0 =	vlaneseq.u32;
	s24 =	simm.s32 $0x3;
	[dreg:$0x6] =	wrdreg s25;
	s1 =	sadd.s32 $0x1000, s25  }
0x11: {  	v0 =	vor.u32 $0xFFFFFF00, v0;
	s25 =	simm.s32 $0x4;
	s2 =	simm.s32 $0x0;
	[dreg:$0x8] =	wrdreg s1  }
.LBB2_26:
0x12: {  	s0 =	simm.s32 $0x5  }
0x13: {  	_ =	swait.ge [sflag:s0], $0x4000  }
0x14: {  	[sflag:s0] =	ssyncset.done $0x0  }
0x15: {  	s30 =	simm.s32 $0x6;
	[sflag:s0] =	ssyncadd.s32 $0xFFFFC000  }
0x16: {  	_ =	swait.ge [sflag:s30], $0x4000  }
0x17: {  	[sflag:s30] =	ssyncset.done $0x0  }
0x18: {  	[sflag:s30] =	ssyncadd.s32 $0xFFFFC000  }
0x19: {  	_ =	swait.ge [sflag:s29], $0x4000  }
0x1a: {  	[sflag:s29] =	ssyncset.done $0x0  }
0x1b: {  	s1 =	simm.s32 $0x8;
	[sflag:s29] =	ssyncadd.s32 $0xFFFFC000  }
0x1c: {  	_ =	swait.ge [sflag:s1], $0x4000  }
0x1d: {  	s2 =	rddreg [dreg:$0xe]  }
0x1e: {  	s31 =	rddreg [dreg:$0xd];
	s2 =	sadd.s32 $0x1, s2  }
0x1f: {  	p0 =	sne.s32 s2, s31  }
.Ltmp1:
0x20: {  	_ = 	snop;
	(pc) =	sbr.rel @!p0 .LBB2_27-.Ltmp1, $3  }
0x21: {  	_ =	sdelay $0x1  }
0x22: {  	[sflag:s1] =	ssyncset.done $0x0  }
0x23: {  	[sflag:s1] =	ssyncadd.s32 $0xFFFFC000  }
.LBB2_1:
0x24: {  	s0 =	rddreg [dreg:$0x6];
	s1 =	simm.s32 $0x300  }
0x25: {  	[tilespmem:s1], [sflag:$0x1] =	stream.linear.gather [hbm4b:s0+s5], $0x4000, $0x38;
	[tilespmem:$0x10300] =	vst v63  }
0x26: {  	v1 =	vadd.s32 s5, v0;
	s17 =	rddreg [dreg:$0x7];
	s18 =	simm.s32 $0x4300  }
0x27: {  	v2 =	vsub.s32 $0x0, v1;
	[tilespmem:s18], [sflag:$0x2] =	stream.linear.gather [hbm4b:s17+s5], $0x4000, $0x38;
	[tilespmem:$0x10300] =	vst v63  }
0x28: {  	s19 =	rddreg [dreg:$0x8];
	v1 =	vmin.u32 v1, v2  }
0x29: {  	vm0 =	vlt.s32 v1, $0xFF;
	[tilespmem:s22], [sflag:$0x3] =	stream.linear.gather [hbm4b:s19+s5], $0x4000, $0x38;
	[tilespmem:$0x10300] =	vst v63  }
0x2a: {  	s26 =	simm.s32 $0x10;
	s28 =	rddreg [dreg:$0x1];
	s30 =	simm.s32 $0x9;
	v1 =	vnsel vm0, $0xFF, v1  }
0x2b: {  	[tilespmem:s5], [sflag:$0x9] =	stream.linear.gather [hbm4b:s28+s5], $0x100, $0x38;
	[tilespmem:$0x10300] =	vst v63  }
0x2c: {  	v2 =	vadd.s32 s26, v0;
	_ =	swait.ge [sflag:s30], $0x100  }
0x2d: {  	v3 =	vsub.s32 $0x0, v2;
	[sflag:s30] =	ssyncset.done $0x0  }
0x2e: {  	v2 =	vmin.u32 v2, v3;
	[sflag:s30] =	ssyncadd.s32 $0xFFFFFF00  }
0x2f: {  	vm15 =	vlt.s32 v2, $0xFF;
	v1 =	vld.idx.msk [tilespmem:v1+s5+$0x0], $0xffff  }
0x30: {  	v2 =	vnsel vm15, $0xFF, v2;
	_ =	sdelay $0x1  }
0x31: {  	s31 =	simm.s32 $0x20  }
0x32: {  	s1 =	simm.s32 $0x30;
	s0 =	simm.s32 $0x100;
	v3 =	vadd.s32 s31, v0  }
.LBB2_2:
0x33: {  	p0 =	sne.s32 s1, $0x1F0;
	v4 =	vsub.s32 $0x0, v3;
	[tilespmem:s0+$0x0] =	vst v1  }
0x34: {  	v3 =	vmin.u32 v3, v4;
	v1 =	vld.idx.msk [tilespmem:v2+s12+$0x0], $0xffff  }
.Ltmp2:
0x35: {  	vm0 =	vlt.s32 v3, $0xFF;
	(pc) =	sbr.rel @p0 .LBB2_2-.Ltmp2, $2  }
0x36: {  	v2 =	vnsel vm0, $0xFF, v3;
	_ =	sdelay $0x2  }
0x37: {  	s0 =	sadd.s32 $0x10, s0;
	v3 =	vadd.s32 s1, v0;
	s1 =	sadd.s32 $0x10, s1  }
0x38: {  	_ =	sdelay $0x1  }
0x39: {  	v4 =	vsub.s32 $0x0, v3  }
0x3a: {  	[tilespmem:s0+$0x0] =	vst v1;
	v1 =	vmin.u32 v3, v4  }
0x3b: {  	v2 =	vld.idx.msk [tilespmem:v2+s12+$0x0], $0xffff;
	vm0 =	vlt.s32 v1, $0xFF  }
0x3c: {  	v1 =	vnsel vm0, $0xFF, v1;
	_ =	sdelay $0x2  }
0x3d: {  	s31 =	sadd.s32 $0x10, s0  }
0x3e: {  	[tilespmem:s31+$0x0] =	vst v2  }
0x3f: {  	v1 =	vld.idx.msk [tilespmem:v1+s12+$0x0], $0xffff;
	_ =	sdelay $0x3  }
0x40: {  	s0 =	sadd.s32 $0x10, s31  }
0x41: {  	[dreg:$0xe] =	wrdreg s2;
	[tilespmem:s0+$0x0] =	vst v1;
	s0 =	simm.s32 $0x0  }
.LBB2_4:
0x42: {  	p5 =	por $0x1, $0x1  }
.Ltmp3:
0x43: {  	_ = 	snop;
	(pc) =	sbr.rel @!p5 .LBB2_5-.Ltmp3, $4  }
0x44: {  	_ =	swait.ge [sflag:s20], $0x4000;
	s1 =	sand.u32 $0x70, s12;
	s2 =	sand.u32 $0x3C00, s12  }
0x45: {  	p0 =	por $0x0, $0x0;
	p1 =	por $0x0, $0x0;
	[sflag:s20] =	ssyncset.done $0x0  }
0x46: {  	p2 =	por $0x0, $0x0;
	s10 =	sor.u32 s1, s2;
	[sflag:s20] =	ssyncadd.s32 $0xFFFFC000  }
0x47: {  	p3 =	por $0x0, $0x0;
	p4 =	por $0x0, $0x0;
	s1 =	simm.s32 $0x10;
	v3 =	vld [tilespmem:s10+$0x300]  }
0x48: {  	_ =	sdelay $0x3  }
0x49: {  	v2 =	vmul.f32 $6.400000000e+01, v3  }
0x4a: {  	v1 =	vld [tilespmem:s10+$0x380]  }
0x4b: {  	v2 =	vadd.f32 $1.258291200e+07, v2;
	_ =	sdelay $0x1  }
0x4c: {  	v4 =	vadd.s32 $0xB4C00100, v2  }
0x4d: {  	v44 =	vld [tilespmem:s10+$0x400];
	p5 =	por $0x1, $0x1;
	v4 =	vmin.u32 v4, $0x1FF  }
.Ltmp4:
0x4e: {  	s15 =	simm.s32 $0x80;
	v5 =	vmul.f32 $6.400000000e+01, v1;
	(pc) =	sbr.rel @!p5 .LBB2_7-.Ltmp4, $4  }
0x4f: {  	s1 =	sand.u32 $0x70, s1;
	s2 =	sand.u32 $0x3C00, s15  }
0x50: {  	s17 =	sor.u32 s1, s2;
	v15 =	vadd.f32 $1.258291200e+07, v5  }
0x51: {  	v37 =	vld [tilespmem:s17+$0x300]  }
0x52: {  	p0 =	por $0x1, $0x1;
	s1 =	simm.s32 $0x20;
	v24 =	vmul.f32 $6.400000000e+01, v44;
	vm3 =	vge.f32 v2, $1.258291200e+07;
	v45 =	vadd.s32 $0xB4C00100, v15;
	v36 =	vld.idx.msk [tilespmem:v4+s21+$0x0], $0xffff  }
0x53: {  	_ =	sdelay $0x1  }
0x54: {  	v2 =	vmin.u32 v45, $0x1FF  }
0x55: {  	v3 =	vnsel vm3, $0x0, v3  }
0x56: {  	v3 =	vsub.f32 v3, v36  }
0x57: {  	v30 =	vld [tilespmem:s10+$0x480]  }
0x58: {  	v42 =	vld [tilespmem:s17+$0x380];
	[tilespmem:s10+$0x300] =	vst v3  }
0x59: {  	v4 =	vld.idx.msk [tilespmem:v2+s21+$0x0], $0xffff;
	v2 =	vmul.f32 $6.400000000e+01, v37  }
0x5a: {  	v5 =	vadd.f32 $1.258291200e+07, v24  }
0x5b: {  	v6 =	vadd.f32 $1.258291200e+07, v2  }
0x5c: {  	vm0 =	vge.f32 v15, $1.258291200e+07;
	v7 =	vadd.s32 $0xB4C00100, v5  }
0x5d: {  	v1 =	vnsel vm0, $0x0, v1;
	v7 =	vmin.u32 v7, $0x1FF;
	v3 =	vld [tilespmem:s10+$0x500];
	v8 =	vadd.s32 $0xB4C00100, v6  }
0x5e: {  	s8 =	simm.s32 $0x100;
	p5 =	por $0x1, $0x1;
	v9 =	vmul.f32 $6.400000000e+01, v42;
	v10 =	vmul.f32 $6.400000000e+01, v30;
	v2 =	vld [tilespmem:s17+$0x400];
	v8 =	vmin.u32 v8, $0x1FF  }
.Ltmp5:
0x5f: {  	s1 =	sand.u32 $0x70, s1;
	s2 =	sand.u32 $0x3C00, s8;
	v1 =	vsub.f32 v1, v4;
	(pc) =	sbr.rel @!p5 .LBB2_9-.Ltmp5, $4  }
0x60: {  	s7 =	sor.u32 s1, s2;
	v15 =	vadd.f32 $1.258291200e+07, v9;
	v39 =	vadd.f32 $1.258291200e+07, v10  }
0x61: {  	v4 =	vld [tilespmem:s7+$0x300];
	[tilespmem:s10+$0x380] =	vst v1  }
0x62: {  	vm4 =	vge.f32 v5, $1.258291200e+07;
	v46 =	vadd.s32 $0xB4C00100, v39;
	v45 =	vadd.s32 $0xB4C00100, v15;
	v43 =	vld.idx.msk [tilespmem:v7+s21+$0x0], $0xffff  }
0x63: {  	p1 =	por $0x1, $0x1;
	s1 =	simm.s32 $0x30;
	v35 =	vmul.f32 $6.400000000e+01, v3;
	vm3 =	vge.f32 v6, $1.258291200e+07;
	v24 =	vmul.f32 $6.400000000e+01, v2;
	v36 =	vld.idx.msk [tilespmem:v8+s21+$0x0], $0xffff  }
0x64: {  	_ = 	snop  }
0x65: {  	v6 =	vmin.u32 v46, $0x1FF  }
0x66: {  	v7 =	vmin.u32 v45, $0x1FF;
	v5 =	vnsel vm4, $0x0, v44  }
0x67: {  	v8 =	vnsel vm3, $0x0, v37;
	v9 =	vsub.f32 v5, v43  }
0x68: {  	v10 =	vld [tilespmem:s17+$0x480];
	v8 =	vsub.f32 v8, v36  }
0x69: {  	v5 =	vld [tilespmem:s10+$0x580];
	[tilespmem:s10+$0x400] =	vst v9  }
0x6a: {  	[tilespmem:s17+$0x300] =	vst v8;
	v6 =	vld.idx.msk [tilespmem:v6+s21+$0x0], $0xffff  }
0x6b: {  	v13 =	vadd.f32 $1.258291200e+07, v24;
	v14 =	vadd.f32 $1.258291200e+07, v35;
	v8 =	vmul.f32 $6.400000000e+01, v4;
	v9 =	vld.idx.msk [tilespmem:v7+s21+$0x0], $0xffff  }
0x6c: {  	vm0 =	vge.f32 v39, $1.258291200e+07;
	vm1 =	vge.f32 v15, $1.258291200e+07;
	v7 =	vld [tilespmem:s7+$0x380]  }
0x6d: {  	v11 =	vadd.s32 $0xB4C00100, v13;
	v12 =	vadd.s32 $0xB4C00100, v14;
	v16 =	vadd.f32 $1.258291200e+07, v8  }
0x6e: {  	v17 =	vld [tilespmem:s7+$0x400];
	v18 =	vnsel vm0, $0x0, v30;
	v12 =	vmin.u32 v12, $0x1FF;
	v19 =	vmin.u32 v11, $0x1FF  }
0x6f: {  	v1 =	vld [tilespmem:s10+$0x600];
	s9 =	simm.s32 $0x180;
	v11 =	vnsel vm1, $0x0, v42;
	v22 =	vmul.f32 $6.400000000e+01, v10;
	v15 =	vadd.s32 $0xB4C00100, v16  }
0x70: {  	s1 =	sand.u32 $0x70, s1;
	p5 =	por $0x1, $0x1;
	s2 =	sand.u32 $0x3C00, s9;
	v8 =	vld [tilespmem:s17+$0x500];
	v20 =	vmin.u32 v15, $0x1FF;
	v6 =	vsub.f32 v18, v6;
	v15 =	vmul.f32 $6.400000000e+01, v5  }
.Ltmp6:
0x71: {  	s18 =	sor.u32 s1, s2;
	v39 =	vadd.f32 $1.258291200e+07, v22;
	v18 =	vmul.f32 $6.400000000e+01, v7;
	v21 =	vsub.f32 v11, v9;
	(pc) =	sbr.rel @!p5 .LBB2_11-.Ltmp6, $4  }
0x72: {  	v37 =	vld [tilespmem:s18+$0x300];
	vm0 =	vge.f32 v14, $1.258291200e+07;
	vm4 =	vge.f32 v13, $1.258291200e+07;
	[tilespmem:s10+$0x480] =	vst v6;
	v9 =	vadd.f32 $1.258291200e+07, v15  }
0x73: {  	v24 =	vmul.f32 $6.400000000e+01, v17;
	v46 =	vadd.s32 $0xB4C00100, v39;
	v15 =	vadd.f32 $1.258291200e+07, v18;
	[tilespmem:s17+$0x380] =	vst v21;
	v12 =	vld.idx.msk [tilespmem:v12+s21+$0x0], $0xffff  }
0x74: {  	vm3 =	vge.f32 v16, $1.258291200e+07;
	v11 =	vmul.f32 $6.400000000e+01, v1;
	v43 =	vld.idx.msk [tilespmem:v19+s21+$0x0], $0xffff;
	v6 =	vadd.s32 $0xB4C00100, v9  }
0x75: {  	p2 =	por $0x1, $0x1;
	s2 =	simm.s32 $0x40;
	v35 =	vmul.f32 $6.400000000e+01, v8;
	v36 =	vld.idx.msk [tilespmem:v20+s21+$0x0], $0xffff;
	v45 =	vadd.s32 $0xB4C00100, v15;
	v14 =	vmin.u32 v6, $0x1FF  }
0x76: {  	_ = 	snop  }
0x77: {  	v6 =	vmin.u32 v46, $0x1FF;
	v13 =	vnsel vm0, $0x0, v3;
	v16 =	vmin.u32 v45, $0x1FF;
	v21 =	vld [tilespmem:s17+$0x580]  }
0x78: {  	v2 =	vnsel vm4, $0x0, v2;
	v4 =	vnsel vm3, $0x0, v4;
	v27 =	vld [tilespmem:s7+$0x480];
	v18 =	vsub.f32 v13, v12  }
0x79: {  	v19 =	vadd.f32 $1.258291200e+07, v11;
	vm1 =	vge.f32 v39, $1.258291200e+07;
	v20 =	vld [tilespmem:s7+$0x500];
	v2 =	vsub.f32 v2, v43  }
0x7a: {  	vm2 =	vge.f32 v9, $1.258291200e+07;
	v42 =	vld [tilespmem:s18+$0x380];
	v22 =	vadd.f32 $1.258291200e+07, v35;
	v4 =	vsub.f32 v4, v36;
	[tilespmem:s10+$0x500] =	vst v18  }
0x7b: {  	vm3 =	vge.f32 v15, $1.258291200e+07;
	v10 =	vnsel vm1, $0x0, v10;
	[tilespmem:s17+$0x400] =	vst v2;
	v18 =	vld.idx.msk [tilespmem:v14+s21+$0x0], $0xffff;
	v2 =	vmul.f32 $6.400000000e+01, v37  }
0x7c: {  	v7 =	vnsel vm3, $0x0, v7;
	vm4 =	vge.f32 v19, $1.258291200e+07;
	vm1 =	vge.f32 v22, $1.258291200e+07;
	[tilespmem:s7+$0x300] =	vst v4;
	v4 =	vld.idx.msk [tilespmem:v6+s21+$0x0], $0xffff  }
0x7d: {  	v6 =	vadd.f32 $1.258291200e+07, v24;
	v16 =	vld.idx.msk [tilespmem:v16+s21+$0x0], $0xffff;
	v23 =	vadd.f32 $1.258291200e+07, v2;
	v2 =	vadd.s32 $0xB4C00100, v19  }
0x7e: {  	v13 =	vld [tilespmem:s17+$0x600];
	v32 =	vmul.f32 $6.400000000e+01, v20;
	v24 =	vadd.s32 $0xB4C00100, v22;
	v29 =	vmin.u32 v2, $0x1FF  }
0x7f: {  	s1 =	simm.s32 $0x200;
	v30 =	vmin.u32 v24, $0x1FF;
	v24 =	vnsel vm2, $0x0, v5;
	v15 =	vadd.s32 $0xB4C00100, v6  }
0x80: {  	s2 =	sand.u32 $0x70, s2;
	s3 =	sand.u32 $0x3C00, s1;
	v2 =	vld [tilespmem:s18+$0x400];
	v25 =	vadd.s32 $0xB4C00100, v23;
	v31 =	vmin.u32 v15, $0x1FF;
	v15 =	vsub.f32 v24, v18  }
0x81: {  	p5 =	por $0x1, $0x1;
	s3 =	sor.u32 s2, s3;
	v18 =	vmin.u32 v25, $0x1FF;
	v4 =	vsub.f32 v10, v4;
	v10 =	vmul.f32 $6.400000000e+01, v21  }
.Ltmp7:
0x82: {  	v51 =	vld [tilespmem:s3+$0x300];
	v24 =	vmul.f32 $6.400000000e+01, v42;
	v25 =	vmul.f32 $6.400000000e+01, v27;
	v16 =	vsub.f32 v7, v16;
	[tilespmem:s10+$0x580] =	vst v15;
	(pc) =	sbr.rel @!p5 .LBB2_13-.Ltmp7, $4  }
0x83: {  	v26 =	vmul.f32 $6.400000000e+01, v13;
	vm2 =	vge.f32 v6, $1.258291200e+07;
	v28 =	vadd.f32 $1.258291200e+07, v10;
	[tilespmem:s17+$0x480] =	vst v4;
	v7 =	vld.idx.msk [tilespmem:v29+s21+$0x0], $0xffff  }
0x84: {  	vm3 =	vge.f32 v23, $1.258291200e+07;
	v15 =	vadd.f32 $1.258291200e+07, v24;
	v33 =	vadd.f32 $1.258291200e+07, v25;
	[tilespmem:s7+$0x380] =	vst v16;
	v25 =	vld.idx.msk [tilespmem:v30+s21+$0x0], $0xffff  }
0x85: {  	v24 =	vmul.f32 $6.400000000e+01, v2;
	v10 =	vnsel vm4, $0x0, v1;
	v4 =	vadd.s32 $0xB4C00100, v28;
	v34 =	vld.idx.msk [tilespmem:v31+s21+$0x0], $0xffff  }
0x86: {  	s11 =	sand.u32 $0x7, s12;
	p3 =	por $0x1, $0x1;
	s2 =	simm.s32 $0x50;
	v29 =	vadd.s32 $0xB4C00100, v33;
	v45 =	vadd.s32 $0xB4C00100, v15;
	v36 =	vld.idx.msk [tilespmem:v18+s21+$0x0], $0xffff;
	v31 =	vmin.u32 v4, $0x1FF  }
0x87: {  	_ = 	snop  }
0x88: {  	v4 =	vnsel vm1, $0x0, v8;
	s6 =	sshll.u32 s11, $0x4;
	v18 =	vsub.f32 v10, v7  }
0x89: {  	s6 =	sadd.s32 $0x0, s6;
	v4 =	vsub.f32 v4, v25  }
0x8a: {  	v6 =	vmin.u32 v29, $0x1FF;
	v19 =	vmin.u32 v45, $0x1FF;
	v16 =	vld [tilespmem:s7+$0x600];
	s26 =	sor.u32 $0x380, s6;
	[tilespmem:s10+$0x600] =	vst v18  }
0x8b: {  	v22 =	vnsel vm2, $0x0, v17;
	v60 =	vadd.f32 $1.258291200e+07, v26;
	v38 =	vadd.f32 $1.258291200e+07, v24;
	[tilespmem:s17+$0x500] =	vst v4;
	v4 =	vld [tilespmem:s26+$0x300]  }
0x8c: {  	v23 =	vnsel vm3, $0x0, v37;
	v40 =	vld [tilespmem:s7+$0x580];
	v44 =	vadd.f32 $1.258291200e+07, v32;
	v22 =	vsub.f32 v22, v34  }
0x8d: {  	vm3 =	vge.f32 v33, $1.258291200e+07;
	v30 =	vld [tilespmem:s18+$0x480];
	v18 =	vmul.f32 $6.400000000e+01, v51;
	v23 =	vsub.f32 v23, v36  }
0x8e: {  	vm4 =	vge.f32 v28, $1.258291200e+07;
	vm5 =	vge.f32 v15, $1.258291200e+07;
	v41 =	vnsel vm3, $0x0, v27;
	[tilespmem:s7+$0x400] =	vst v22;
	v24 =	vld.idx.msk [tilespmem:v31+s21+$0x0], $0xffff  }
0x8f: {  	v43 =	vnsel vm4, $0x0, v21;
	v61 =	vadd.f32 $1.258291200e+07, v18;
	[tilespmem:s18+$0x300] =	vst v23;
	v18 =	vld.idx.msk [tilespmem:v6+s21+$0x0], $0xffff;
	v6 =	vadd.s32 $0xB4C00100, v60  }
0x90: {  	v15 =	vadd.s32 $0xB4C00100, v38;
	v19 =	vld.idx.msk [tilespmem:v19+s21+$0x0], $0xffff;
	v39 =	vmin.u32 v6, $0x1FF;
	v6 =	vmul.f32 $6.400000000e+01, v4  }
0x91: {  	v52 =	vld [tilespmem:s3+$0x380];
	vm6 =	vge.f32 v60, $1.258291200e+07;
	v46 =	vmin.u32 v15, $0x1FF;
	v23 =	vadd.s32 $0xB4C00100, v44  }
0x92: {  	s22 =	simm.s32 $0x280;
	v22 =	vld [tilespmem:s18+$0x500];
	v35 =	vadd.s32 $0xB4C00100, v61;
	v23 =	vmin.u32 v23, $0x1FF;
	v6 =	vadd.f32 $1.258291200e+07, v6  }
0x93: {  	s2 =	sand.u32 $0x70, s2;
	s19 =	sand.u32 $0x3C00, s22;
	v63 =	vmul.f32 $6.400000000e+01, v30;
	v50 =	vmin.u32 v35, $0x1FF;
	v15 =	vsub.f32 v43, v24  }
0x94: {  	v37 =	vld [tilespmem:s3+$0x400];
	s6 =	sor.u32 s2, s19;
	v24 =	vnsel vm5, $0x0, v42;
	v18 =	vsub.f32 v41, v18;
	v62 =	vadd.s32 $0xB4C00100, v6  }
0x95: {  	p5 =	por $0x1, $0x1;
	v41 =	vld [tilespmem:s6+$0x300];
	v19 =	vsub.f32 v24, v19;
	v24 =	vmul.f32 $6.400000000e+01, v40;
	[tilespmem:s17+$0x580] =	vst v15;
	v53 =	vmin.u32 v62, $0x1FF  }
.Ltmp8:
0x96: {  	vm4 =	vge.f32 v38, $1.258291200e+07;
	v49 =	vmul.f32 $6.400000000e+01, v16;
	v15 =	vmul.f32 $6.400000000e+01, v52;
	[tilespmem:s7+$0x480] =	vst v18;
	v18 =	vld.idx.msk [tilespmem:v39+s21+$0x0], $0xffff;
	(pc) =	sbr.rel @!p5 .LBB2_15-.Ltmp8, $4  }
0x97: {  	vm3 =	vge.f32 v61, $1.258291200e+07;
	v35 =	vmul.f32 $6.400000000e+01, v22;
	v48 =	vadd.f32 $1.258291200e+07, v24;
	[tilespmem:s18+$0x380] =	vst v19;
	v47 =	vld.idx.msk [tilespmem:v23+s21+$0x0], $0xffff  }
0x98: {  	s14 =	simm.s32 $0x1;
	p4 =	por $0x1, $0x1;
	vm5 =	vge.f32 v44, $1.258291200e+07;
	v39 =	vadd.f32 $1.258291200e+07, v63;
	v15 =	vadd.f32 $1.258291200e+07, v15;
	v43 =	vld.idx.msk [tilespmem:v46+s21+$0x0], $0xffff  }
0x99: {  	s28 =	simm.s32 $0x80;
	s16 =	simm.s32 $0x100;
	s30 =	smov.u32 s7;
	v36 =	vld.idx.msk [tilespmem:v50+s21+$0x0], $0xffff;
	v24 =	vmul.f32 $6.400000000e+01, v37;
	v23 =	vnsel vm6, $0x0, v13;
	v19 =	vadd.s32 $0xB4C00100, v48  }
0x9a: {  	s31 =	sand.u32 $0x7, s14;
	s2 =	simm.s32 $0x60;
	s19 =	smov.u32 s17;
	v38 =	vmovc v20;
	v46 =	vadd.s32 $0xB4C00100, v39;
	v45 =	vadd.s32 $0xB4C00100, v15;
	v50 =	vmin.u32 v19, $0x1FF;
	v19 =	vld.idx.msk [tilespmem:v53+s21+$0x0], $0xffff  }
.LBB2_16:
0x9b: {  	p5 =	sne.s32 s2, $0x7F0;
	v42 =	vmin.u32 v46, $0x1FF;
	v44 =	vnsel vm5, $0x0, v38;
	s13 =	sshll.u32 s31, $0x4;
	v18 =	vsub.f32 v23, v18;
	v38 =	vmovc v22  }
0x9c: {  	v22 =	vmin.u32 v45, $0x1FF;
	v23 =	vnsel vm4, $0x0, v2;
	v2 =	vmovc v37;
	v53 =	vld [tilespmem:s18+$0x600];
	v44 =	vsub.f32 v44, v47;
	s13 =	sadd.s32 s13, s28;
	s28 =	smov.u32 s16;
	s16 =	smov.u32 s9  }
0x9d: {  	v37 =	vmul.f32 $6.400000000e+01, v41;
	v45 =	vnsel vm3, $0x0, v51;
	v51 =	vmovc v41;
	v23 =	vsub.f32 v23, v43;
	s9 =	smov.u32 s1;
	s1 =	smov.u32 s22;
	v43 =	vld [tilespmem:s18+$0x580];
	[tilespmem:s19+$0x600] =	vst v18;
	s13 =	sor.u32 $0x380, s13  }
0x9e: {  	vm3 =	vge.f32 v6, $1.258291200e+07;
	v18 =	vsub.f32 v45, v36;
	s19 =	smov.u32 s30;
	[tilespmem:s30+$0x500] =	vst v44;
	v44 =	vadd.f32 $1.258291200e+07, v49;
	v36 =	vld [tilespmem:s13+$0x300];
	s30 =	smov.u32 s18;
	s18 =	smov.u32 s3  }
0x9f: {  	v4 =	vnsel vm3, $0x0, v4;
	v45 =	vadd.f32 $1.258291200e+07, v24;
	s3 =	smov.u32 s6;
	[tilespmem:s30+$0x400] =	vst v23;
	v23 =	vadd.f32 $1.258291200e+07, v35;
	v6 =	vld.idx.msk [tilespmem:v50+s21+$0x0], $0xffff  }
0xa0: {  	v46 =	vadd.f32 $1.258291200e+07, v37;
	v37 =	vsub.f32 v4, v19;
	[tilespmem:s18+$0x300] =	vst v18;
	v18 =	vld.idx.msk [tilespmem:v42+s21+$0x0], $0xffff  }
0xa1: {  	vm4 =	vge.f32 v48, $1.258291200e+07;
	vm3 =	vge.f32 v39, $1.258291200e+07;
	v19 =	vld.idx.msk [tilespmem:v22+s21+$0x0], $0xffff;
	v22 =	vadd.s32 $0xB4C00100, v44  }
0xa2: {  	vm5 =	vge.f32 v15, $1.258291200e+07;
	v15 =	vadd.s32 $0xB4C00100, v45;
	v35 =	vadd.s32 $0xB4C00100, v23;
	v24 =	vld [tilespmem:s18+$0x480];
	[tilespmem:s26+$0x300] =	vst v37;
	s26 =	smov.u32 s13  }
0xa3: {  	v39 =	vadd.s32 $0xB4C00100, v46;
	v47 =	vmin.u32 v22, $0x1FF;
	v42 =	vld [tilespmem:s3+$0x380];
	v41 =	vmul.f32 $6.400000000e+01, v36;
	v4 =	vmovc v36  }
0xa4: {  	s22 =	sadd.s32 $0x80, s22;
	v30 =	vnsel vm3, $0x0, v30;
	v36 =	vmin.u32 v35, $0x1FF;
	v35 =	vnsel vm4, $0x0, v40;
	v40 =	vmovc v43;
	v22 =	vld [tilespmem:s18+$0x500]  }
0xa5: {  	s6 =	sand.u32 $0x70, s2;
	s13 =	sand.u32 $0x3C00, s22;
	v43 =	vmin.u32 v15, $0x1FF;
	v15 =	vsub.f32 v35, v6;
	v37 =	vld [tilespmem:s3+$0x400];
	v6 =	vadd.f32 $1.258291200e+07, v41  }
0xa6: {  	v50 =	vmin.u32 v39, $0x1FF;
	s6 =	sor.u32 s6, s13;
	v35 =	vnsel vm5, $0x0, v52;
	v18 =	vsub.f32 v30, v18  }
0xa7: {  	v39 =	vmul.f32 $6.400000000e+01, v40;
	v19 =	vsub.f32 v35, v19;
	v41 =	vld [tilespmem:s6+$0x300];
	[tilespmem:s19+$0x580] =	vst v15;
	v15 =	vadd.s32 $0xB4C00100, v6;
	v30 =	vmovc v24  }
0xa8: {  	v24 =	vmul.f32 $6.400000000e+01, v42;
	v54 =	vmul.f32 $6.400000000e+01, v30;
	[tilespmem:s30+$0x480] =	vst v18;
	v18 =	vld.idx.msk [tilespmem:v47+s21+$0x0], $0xffff;
	v55 =	vmin.u32 v15, $0x1FF;
	v52 =	vmovc v42  }
.Ltmp9:
0xa9: {  	v49 =	vmul.f32 $6.400000000e+01, v53;
	v48 =	vadd.f32 $1.258291200e+07, v39;
	[tilespmem:s18+$0x380] =	vst v19;
	v35 =	vmul.f32 $6.400000000e+01, v22;
	v47 =	vld.idx.msk [tilespmem:v36+s21+$0x0], $0xffff;
	(pc) =	sbr.rel @p5 .LBB2_16-.Ltmp9, $4  }
0xaa: {  	v15 =	vadd.f32 $1.258291200e+07, v24;
	v24 =	vmul.f32 $6.400000000e+01, v37;
	v43 =	vld.idx.msk [tilespmem:v43+s21+$0x0], $0xffff;
	v39 =	vadd.f32 $1.258291200e+07, v54  }
0xab: {  	vm6 =	vge.f32 v44, $1.258291200e+07;
	vm5 =	vge.f32 v23, $1.258291200e+07;
	v19 =	vadd.s32 $0xB4C00100, v48;
	v36 =	vld.idx.msk [tilespmem:v50+s21+$0x0], $0xffff  }
0xac: {  	s14 =	sadd.s32 $0x1, s14;
	vm3 =	vge.f32 v46, $1.258291200e+07;
	vm4 =	vge.f32 v45, $1.258291200e+07;
	v46 =	vadd.s32 $0xB4C00100, v39  }
0xad: {  	s31 =	sand.u32 $0x7, s14;
	s2 =	sadd.s32 $0x10, s2;
	v23 =	vnsel vm6, $0x0, v16;
	v16 =	vmovc v53;
	v50 =	vmin.u32 v19, $0x1FF;
	v45 =	vadd.s32 $0xB4C00100, v15;
	v19 =	vld.idx.msk [tilespmem:v55+s21+$0x0], $0xffff  }
0xae: {  	s2 =	smov.u32 s18;
	s13 =	smov.u32 s9  }
0xaf: {  	v44 =	vmovc v2;
	v2 =	vmov v37;
	v37 =	vmov v51;
	s9 =	smov.u32 s22;
	s22 =	smov.u32 s3;
	s18 =	smov.u32 s6;
	v42 =	vmov v52  }
.LBB2_18:
0xb0: {  	v51 =	vmul.f32 $6.400000000e+01, v41;
	_ =	sdelay $0x1  }
0xb1: {  	v51 =	vadd.f32 $1.258291200e+07, v51  }
0xb2: {  	v52 =	vld [tilespmem:s18+$0x380]  }
0xb3: {  	v53 =	vadd.s32 $0xB4C00100, v51  }
0xb4: {  	v53 =	vmin.u32 v53, $0x1FF;
	_ =	sdelay $0x2  }
0xb5: {  	v45 =	vmin.u32 @p0 v45, $0x1FF;
	v54 =	vmul.f32 $6.400000000e+01, v52  }
0xb6: {  	v37 =	vnsel @p0 vm3, $0x0, v37;
	v38 =	vnsel @p2 vm5, $0x0, v38;
	v44 =	vnsel @p1 vm4, $0x0, v44;
	v58 =	vld [tilespmem:s18+$0x400]  }
0xb7: {  	vm4 =	vge.f32 @p1 v39, $1.258291200e+07;
	v37 =	vsub.f32 @p0 v37, v36;
	v54 =	vadd.f32 $1.258291200e+07, v54;
	v53 =	vld.idx.msk [tilespmem:v53+s21+$0x0], $0xffff  }
0xb8: {  	s3 =	smov.u32 @p0 s22;
	vm5 =	vge.f32 @p2 v48, $1.258291200e+07;
	v2 =	vpsel p0, v2, v17;
	v38 =	vsub.f32 @p2 v38, v47  }
0xb9: {  	v43 =	vsub.f32 @p1 v44, v43;
	[tilespmem:s3+$0x300] =	vst @p0 v37;
	v37 =	vmin.u32 @p1 v46, $0x1FF;
	v46 =	vld @p0 [tilespmem:s3+$0x480];
	v59 =	vadd.s32 $0xB4C00100, v54  }
0xba: {  	[tilespmem:s30+$0x500] =	vst @p2 v38;
	v38 =	vadd.f32 @p0 $1.258291200e+07, v24;
	vm3 =	vge.f32 v51, $1.258291200e+07;
	v44 =	vld.idx.msk @p0 [tilespmem:v45+s21+$0x0], $0xffff;
	v45 =	vmin.u32 v59, $0x1FF  }
0xbb: {  	v63 =	vld [tilespmem:s18+$0x480];
	v8 =	vpsel p1, v22, v8;
	v24 =	vadd.f32 @p2 $1.258291200e+07, v49;
	v60 =	vnsel vm3, $0x0, v41  }
0xbc: {  	v49 =	vld.idx.msk @p2 [tilespmem:v50+s21+$0x0], $0xffff;
	v39 =	vadd.s32 @p0 $0xB4C00100, v38;
	v62 =	vmul.f32 $6.400000000e+01, v58;
	v61 =	vsub.f32 v60, v53  }
0xbd: {  	v30 =	vnsel @p1 vm4, $0x0, v30;
	[tilespmem:s2+$0x400] =	vst @p1 v43;
	v41 =	vld @p1 [tilespmem:s2+$0x580];
	vm3 =	vge.f32 @p0 v15, $1.258291200e+07;
	v15 =	vmin.u32 @p0 v39, $0x1FF  }
0xbe: {  	v50 =	vadd.f32 @p1 $1.258291200e+07, v35;
	v39 =	vadd.f32 $1.258291200e+07, v62;
	v43 =	vld.idx.msk @p1 [tilespmem:v37+s21+$0x0], $0xffff;
	v37 =	vnsel @p0 vm3, $0x0, v42;
	[tilespmem:s18+$0x300] =	vst v61  }
0xbf: {  	v35 =	vnsel @p2 vm5, $0x0, v40;
	v42 =	vadd.s32 @p2 $0xB4C00100, v24;
	v40 =	vsub.f32 @p0 v37, v44;
	v44 =	vmovc @p0 v46;
	v45 =	vld.idx.msk [tilespmem:v45+s21+$0x0], $0xffff  }
0xc0: {  	vm3 =	vge.f32 v54, $1.258291200e+07;
	v51 =	vadd.s32 $0xB4C00100, v39;
	v48 =	vmul.f32 @p0 $6.400000000e+01, v44  }
0xc1: {  	v54 =	vmul.f32 $6.400000000e+01, v63;
	v46 =	vadd.s32 @p1 $0xB4C00100, v50;
	v37 =	vsub.f32 @p2 v35, v49;
	[tilespmem:s3+$0x380] =	vst @p0 v40  }
0xc2: {  	v35 =	vmin.u32 @p2 v42, $0x1FF;
	v40 =	vmin.u32 v51, $0x1FF;
	v15 =	vld.idx.msk @p0 [tilespmem:v15+s21+$0x0], $0xffff;
	v42 =	vadd.f32 @p0 $1.258291200e+07, v48  }
0xc3: {  	v21 =	vpsel p1, v41, v21;
	v30 =	vsub.f32 @p1 v30, v43;
	v43 =	vld @p0 [tilespmem:s3+$0x500];
	v53 =	vnsel vm3, $0x0, v52  }
0xc4: {  	v36 =	vld @p1 [tilespmem:s2+$0x600];
	vm3 =	vge.f32 @p0 v38, $1.258291200e+07;
	v38 =	vadd.s32 @p0 $0xB4C00100, v42;
	v45 =	vsub.f32 v53, v45  }
0xc5: {  	v17 =	vld [tilespmem:s18+$0x500];
	v46 =	vmin.u32 @p1 v46, $0x1FF;
	v27 =	vpsel p0, v44, v27;
	v29 =	vpsel p0, v38, v29  }
0xc6: {  	v59 =	vld [tilespmem:s18+$0x580];
	v48 =	vmul.f32 @p1 $6.400000000e+01, v41;
	vm2 =	vmmov @p0 vm3;
	v29 =	vmin.u32 @p0 v29, $0x1FF;
	[tilespmem:s18+$0x380] =	vst v45  }
0xc7: {  	v38 =	vadd.f32 $1.258291200e+07, v54;
	v2 =	vnsel @p0 vm2, $0x0, v2;
	v34 =	vpsel p0, v15, v34;
	v40 =	vld.idx.msk [tilespmem:v40+s21+$0x0], $0xffff  }
0xc8: {  	s7 =	smov.u32 @p0 s3;
	v48 =	vadd.f32 @p1 $1.258291200e+07, v48;
	v2 =	vsub.f32 @p0 v2, v34;
	v45 =	vmul.f32 @p0 $6.400000000e+01, v43  }
0xc9: {  	s6 =	smov.u32 @p0 s7;
	[tilespmem:s2+$0x480] =	vst @p1 v30;
	v30 =	vmul.f32 @p1 $6.400000000e+01, v36;
	v33 =	vpsel p0, v42, v33;
	v15 =	vld @p0 [tilespmem:s7+$0x600];
	v55 =	vadd.s32 $0xB4C00100, v38  }
0xca: {  	vm3 =	vge.f32 v39, $1.258291200e+07;
	v34 =	vld @p0 [tilespmem:s7+$0x580];
	v56 =	vmin.u32 v55, $0x1FF;
	[tilespmem:s6+$0x400] =	vst @p0 v2;
	v32 =	vpsel p0, v45, v32  }
0xcb: {  	v62 =	vmul.f32 $6.400000000e+01, v59;
	v57 =	vnsel vm3, $0x0, v58;
	v29 =	vld.idx.msk @p0 [tilespmem:v29+s21+$0x0], $0xffff;
	v32 =	vadd.f32 @p0 $1.258291200e+07, v32  }
0xcc: {  	vm2 =	vge.f32 @p1 v50, $1.258291200e+07;
	v58 =	vmul.f32 $6.400000000e+01, v17;
	v40 =	vsub.f32 v57, v40  }
0xcd: {  	v26 =	vpsel p1, v30, v26;
	v28 =	vpsel p1, v48, v28;
	v42 =	vadd.s32 @p0 $0xB4C00100, v32  }
0xce: {  	v46 =	vld.idx.msk @p1 [tilespmem:v46+s21+$0x0], $0xffff;
	vm1 =	vmmov @p1 vm2;
	vm2 =	vge.f32 @p0 v33, $1.258291200e+07;
	v33 =	vmin.u32 @p0 v42, $0x1FF;
	[tilespmem:s18+$0x400] =	vst v40  }
0xcf: {  	v20 =	vpsel p0, v43, v20;
	v22 =	vnsel @p0 vm2, $0x0, v27;
	v27 =	vadd.f32 $1.258291200e+07, v58;
	v39 =	vld.idx.msk [tilespmem:v56+s21+$0x0], $0xffff  }
0xd0: {  	vm2 =	vge.f32 v38, $1.258291200e+07;
	v8 =	vnsel @p1 vm1, $0x0, v8;
	v22 =	vsub.f32 @p0 v22, v29  }
0xd1: {  	v3 =	vpsel p0, v20, v3;
	v60 =	vadd.s32 $0xB4C00100, v27;
	v29 =	vmul.f32 @p0 $6.400000000e+01, v34  }
0xd2: {  	v61 =	vnsel vm2, $0x0, v63;
	v2 =	vadd.s32 @p1 $0xB4C00100, v48;
	[tilespmem:s6+$0x480] =	vst @p0 v22;
	v22 =	vmin.u32 v60, $0x1FF  }
0xd3: {  	v25 =	vpsel p1, v46, v25;
	v47 =	vmin.u32 @p1 v2, $0x1FF;
	v29 =	vadd.f32 @p0 $1.258291200e+07, v29;
	v30 =	vld.idx.msk @p0 [tilespmem:v33+s21+$0x0], $0xffff  }
0xd4: {  	v8 =	vsub.f32 @p1 v8, v25;
	v31 =	vpsel p1, v47, v31;
	v25 =	vsub.f32 v61, v39  }
0xd5: {  	v20 =	vadd.f32 $1.258291200e+07, v62;
	vm1 =	vge.f32 @p0 v32, $1.258291200e+07;
	v32 =	vadd.s32 @p0 $0xB4C00100, v29  }
0xd6: {  	s17 =	smov.u32 @p1 s2;
	v2 =	vld [tilespmem:s18+$0x600];
	vm0 =	vmmov @p0 vm1;
	vm1 =	vge.f32 v27, $1.258291200e+07;
	v32 =	vmin.u32 @p0 v32, $0x1FF;
	[tilespmem:s18+$0x480] =	vst v25  }
0xd7: {  	[tilespmem:s17+$0x500] =	vst @p1 v8;
	v9 =	vpsel p0, v29, v9;
	v3 =	vnsel @p0 vm0, $0x0, v3;
	v8 =	vpsel p0, v32, v14;
	v14 =	vld.idx.msk [tilespmem:v22+s21+$0x0], $0xffff  }
0xd8: {  	v12 =	vpsel p0, v30, v12;
	v22 =	vadd.f32 @p1 $1.258291200e+07, v26;
	v26 =	vmul.f32 @p0 $6.400000000e+01, v15  }
0xd9: {  	vm0 =	vge.f32 @p1 v28, $1.258291200e+07;
	v25 =	vld.idx.msk @p1 [tilespmem:v31+s21+$0x0], $0xffff;
	v3 =	vsub.f32 @p0 v3, v12;
	v12 =	vadd.s32 $0xB4C00100, v20  }
0xda: {  	s3 =	smov.u32 s10;
	s10 =	smov.u32 @p0 s6;
	v12 =	vmin.u32 v12, $0x1FF;
	v27 =	vadd.s32 @p1 $0xB4C00100, v22;
	v11 =	vpsel p0, v26, v11  }
0xdb: {  	[tilespmem:s10+$0x500] =	vst @p0 v3;
	v3 =	vnsel vm1, $0x0, v17;
	v17 =	vnsel @p1 vm0, $0x0, v21;
	v21 =	vmul.f32 $6.400000000e+01, v2  }
0xdc: {  	s6 =	sadd.s32 @p3 $0x1, s14;
	s14 =	smov.u32 @p2 s30;
	v11 =	vadd.f32 @p0 $1.258291200e+07, v11;
	v8 =	vld.idx.msk @p0 [tilespmem:v8+s21+$0x0], $0xffff;
	v3 =	vsub.f32 v3, v14;
	v14 =	vmin.u32 @p1 v27, $0x1FF  }
0xdd: {  	s15 =	smov.u32 @p1 s13;
	s8 =	smov.u32 @p0 s1;
	s13 =	smov.u32 s12;
	[tilespmem:s14+$0x580] =	vst @p2 v37;
	vm0 =	vge.f32 @p0 v9, $1.258291200e+07  }
0xde: {  	s13 =	smov.u32 @p0 s8;
	s7 =	smov.u32 s12;
	v17 =	vsub.f32 @p1 v17, v25;
	v9 =	vadd.f32 $1.258291200e+07, v21;
	v21 =	vld.idx.msk @p2 [tilespmem:v35+s21+$0x0], $0xffff;
	v25 =	vadd.s32 @p0 $0xB4C00100, v11;
	[tilespmem:s18+$0x500] =	vst v3  }
0xdf: {  	s8 =	smov.u32 s12;
	s2 =	sshll.u32 @p3 s31, $0x4;
	v5 =	vpsel p0, v34, v5;
	s7 =	smov.u32 @p3 s6;
	v3 =	vmin.u32 @p0 v25, $0x1FF;
	v12 =	vld.idx.msk [tilespmem:v12+s21+$0x0], $0xffff  }
0xe0: {  	s2 =	sadd.s32 @p3 s2, s28;
	s6 =	smov.u32 @p2 s16;
	s16 =	sand.u32 @p2 $0x7, s7;
	vm1 =	vge.f32 v20, $1.258291200e+07;
	v5 =	vnsel @p0 vm0, $0x0, v5;
	[tilespmem:s17+$0x580] =	vst @p1 v17  }
0xe1: {  	s1 =	sadd.s32 @p2 $0x1, s7;
	s11 =	smov.u32 @p2 s16;
	s16 =	smov.u32 s12;
	vm0 =	vge.f32 @p2 v24, $1.258291200e+07;
	v5 =	vsub.f32 @p0 v5, v8;
	v8 =	vadd.s32 $0xB4C00100, v9;
	v14 =	vld.idx.msk @p1 [tilespmem:v14+s21+$0x0], $0xffff  }
0xe2: {  	s7 =	smov.u32 @p0 s10;
	s16 =	smov.u32 @p2 s6;
	s6 =	smov.u32 s12;
	v16 =	vnsel @p2 vm0, $0x0, v16;
	vm0 =	vge.f32 @p1 v22, $1.258291200e+07;
	v8 =	vmin.u32 v8, $0x1FF  }
0xe3: {  	s2 =	sor.u32 @p3 $0x380, s2;
	s3 =	smov.u32 @p2 s14;
	s6 =	smov.u32 @p2 s1;
	v10 =	vpsel p2, v16, v10;
	v17 =	vsub.f32 @p3 v23, v18;
	v18 =	vmovc @p1 v36;
	[tilespmem:s7+$0x580] =	vst @p0 v5;
	v5 =	vnsel vm1, $0x0, v59  }
0xe4: {  	s14 =	smov.u32 @p1 s17;
	s10 =	sshll.u32 @p2 s11, $0x4;
	s11 =	sand.u32 @p1 $0x7, s6;
	v13 =	vpsel p1, v18, v13;
	v7 =	vpsel p2, v21, v7;
	v3 =	vld.idx.msk @p0 [tilespmem:v3+s21+$0x0], $0xffff;
	v5 =	vsub.f32 v5, v12  }
0xe5: {  	s6 =	sadd.s32 @p1 $0x1, s6;
	s1 =	sadd.s32 @p2 s10, s16;
	s10 =	smov.u32 @p1 s15;
	v7 =	vsub.f32 @p2 v10, v7;
	v12 =	vnsel @p1 vm0, $0x0, v13  }
0xe6: {  	s11 =	smov.u32 @p1 s11;
	s8 =	smov.u32 @p1 s6;
	s6 =	smov.u32 @p0 s13;
	v10 =	vmov @p0 v15;
	v12 =	vpsel p1, v12, v0;
	[tilespmem:s18+$0x580] =	vst v5;
	v5 =	vpsel p1, v14, v0  }
0xe7: {  	s1 =	sor.u32 @p2 $0x380, s1;
	s10 =	smov.u32 @p1 s10;
	s11 =	sshll.u32 @p1 s11, $0x4;
	[tilespmem:s19+$0x600] =	vst @p3 v17;
	v1 =	vpsel p0, v10, v1;
	vm0 =	vge.f32 @p0 v11, $1.258291200e+07;
	v8 =	vld.idx.msk [tilespmem:v8+s21+$0x0], $0xffff;
	v5 =	vsub.f32 @p1 v12, v5  }
0xe8: {  	[tilespmem:s3+$0x600] =	vst @p2 v7;
	s3 =	sadd.s32 @p1 s11, s10;
	s10 =	sand.u32 @p0 $0x7, s8;
	s8 =	sadd.s32 @p0 $0x1, s8;
	v13 =	vld @p3 [tilespmem:s2+$0x300];
	v1 =	vnsel @p0 vm0, $0x0, v1  }
0xe9: {  	s11 =	smov.u32 s12;
	v7 =	vld @p2 [tilespmem:s1+$0x300];
	s3 =	sor.u32 @p1 $0x380, s3;
	s10 =	smov.u32 @p0 s10;
	v1 =	vpsel p0, v1, v0;
	v3 =	vpsel p0, v3, v0;
	[tilespmem:s14+$0x600] =	vst @p1 v5  }
0xea: {  	s6 =	smov.u32 @p0 s6;
	s11 =	smov.u32 @p0 s8;
	s10 =	sshll.u32 @p0 s10, $0x4;
	vm0 =	vge.f32 v9, $1.258291200e+07;
	v1 =	vsub.f32 @p0 v1, v3;
	v3 =	vld @p1 [tilespmem:s3+$0x300]  }
0xeb: {  	s7 =	smov.u32 @p0 s7;
	s8 =	sand.u32 $0x7, s11;
	s6 =	sadd.s32 @p0 s10, s6;
	v2 =	vnsel vm0, $0x0, v2  }
0xec: {  	s10 =	sshll.u32 s8, $0x4;
	[tilespmem:s7+$0x600] =	vst @p0 v1;
	s7 =	sor.u32 @p0 $0x380, s6;
	v1 =	vsub.f32 v2, v8  }
0xed: {  	v5 =	vmul.f32 @p3 $6.400000000e+01, v13;
	s6 =	sadd.s32 s10, s9;
	v2 =	vld @p0 [tilespmem:s7+$0x300]  }
0xee: {  	v8 =	vmul.f32 @p2 $6.400000000e+01, v7;
	s6 =	sor.u32 $0x380, s6;
	[tilespmem:s18+$0x600] =	vst v1  }
0xef: {  	v5 =	vadd.f32 @p3 $1.258291200e+07, v5;
	v1 =	vld [tilespmem:s6+$0x300];
	v10 =	vmul.f32 @p1 $6.400000000e+01, v3  }
0xf0: {  	v8 =	vadd.f32 @p2 $1.258291200e+07, v8  }
0xf1: {  	v9 =	vadd.s32 @p3 $0xB4C00100, v5;
	v10 =	vadd.f32 @p1 $1.258291200e+07, v10  }
0xf2: {  	v9 =	vmin.u32 @p3 v9, $0x1FF;
	v11 =	vadd.s32 @p2 $0xB4C00100, v8;
	v12 =	vmul.f32 @p0 $6.400000000e+01, v2  }
0xf3: {  	v11 =	vmin.u32 @p2 v11, $0x1FF;
	v14 =	vadd.s32 @p1 $0xB4C00100, v10  }
0xf4: {  	v12 =	vadd.f32 @p0 $1.258291200e+07, v12;
	v15 =	vmul.f32 $6.400000000e+01, v1;
	v14 =	vmin.u32 @p1 v14, $0x1FF;
	_ =	sdelay $0x1  }
0xf5: {  	v16 =	vadd.s32 @p0 $0xB4C00100, v12;
	v15 =	vadd.f32 $1.258291200e+07, v15  }
0xf6: {  	vm0 =	vge.f32 @p4 v6, $1.258291200e+07;
	v9 =	vld.idx.msk @p3 [tilespmem:v9+s21+$0x0], $0xffff;
	v16 =	vmin.u32 @p0 v16, $0x1FF  }
0xf7: {  	v4 =	vnsel @p4 vm0, $0x0, v4;
	v5 =	vpsel p3, v5, v0;
	v6 =	vld.idx.msk @p2 [tilespmem:v11+s21+$0x0], $0xffff;
	v11 =	vadd.s32 $0xB4C00100, v15  }
0xf8: {  	v4 =	vsub.f32 @p4 v4, v19;
	vm0 =	vge.f32 @p3 v5, $1.258291200e+07;
	v11 =	vmin.u32 v11, $0x1FF;
	v5 =	vld.idx.msk @p1 [tilespmem:v14+s21+$0x0], $0xffff  }
0xf9: {  	v13 =	vpsel p3, v13, v0;
	v7 =	vpsel p2, v7, v0;
	v8 =	vpsel p2, v8, v0  }
0xfa: {  	v13 =	vnsel @p3 vm0, $0x0, v13;
	v3 =	vpsel p1, v3, v0;
	vm0 =	vge.f32 @p2 v8, $1.258291200e+07  }
0xfb: {  	v7 =	vnsel @p2 vm0, $0x0, v7;
	v10 =	vpsel p1, v10, v0;
	v9 =	vpsel p3, v9, v0;
	v8 =	vld.idx.msk @p0 [tilespmem:v16+s21+$0x0], $0xffff  }
0xfc: {  	vm0 =	vge.f32 @p1 v10, $1.258291200e+07;
	v9 =	vsub.f32 @p3 v13, v9;
	v6 =	vpsel p2, v6, v0  }
0xfd: {  	s2 =	smov.u32 @p3 s2;
	[tilespmem:s26+$0x300] =	vst @p4 v4;
	v3 =	vnsel @p1 vm0, $0x0, v3;
	v6 =	vsub.f32 @p2 v7, v6;
	v7 =	vld.idx.msk [tilespmem:v11+s21+$0x0], $0xffff;
	v5 =	vpsel p1, v5, v0  }
0xfe: {  	s1 =	smov.u32 @p2 s1;
	v10 =	vpsel p0, v12, v0;
	[tilespmem:s2+$0x300] =	vst @p3 v9;
	s2 =	smov.u32 @p1 s3;
	v3 =	vsub.f32 @p1 v3, v5  }
0xff: {  	v2 =	vpsel p0, v2, v0;
	vm0 =	vge.f32 @p0 v10, $1.258291200e+07;
	[tilespmem:s1+$0x300] =	vst @p2 v6;
	s1 =	smov.u32 @p1 s2  }
0x100: {  	v2 =	vnsel @p0 vm0, $0x0, v2;
	vm0 =	vge.f32 v15, $1.258291200e+07;
	v4 =	vpsel p0, v8, v0;
	[tilespmem:s1+$0x300] =	vst @p1 v3  }
0x101: {  	v1 =	vnsel vm0, $0x0, v1;
	s3 =	sshll.u32 s0, $0x10;
	s2 =	smov.u32 @p0 s7;
	v2 =	vsub.f32 @p0 v2, v4;
	s11 =	rddreg [dreg:$0x4]  }
0x102: {  	s1 =	smov.u32 @p0 s2;
	v1 =	vsub.f32 v1, v7;
	s2 =	sor.u32 s11, s3  }
0x103: {  	[tilespmem:s1+$0x300] =	vst @p0 v2;
	p0 =	seq.s32 s0, $0x0;
	s10 =	sshrl.u32 s2, $0x3  }
0x104: {  	s14 =	simm.s32 $0x300;
	s1 =	simm.s32 @!p0 $0x8;
	[tilespmem:s6+$0x300] =	vst v1;
	s13 =	sadd.s32 s4, s10  }
0x105: {  	[hbm4b:s13+s5] =	stream.linear.scatter [tilespmem:s14], [sflag:$0x5], $0x4000, $0x38;
	[tilespmem:$0x10300] =	vst v63  }
0x106: {  	s15 =	rddreg [dreg:$0x9];
	_ =	swait.ge @!p0 [sflag:s1], $0x4000  }
0x107: {  	s2 =	sadd.s32 s15, s3;
	[sflag:s1] =	ssyncset.done @!p0 $0x0  }
0x108: {  	s2 =	sshrl.u32 s2, $0x3;
	[sflag:s1] =	ssyncadd.s32 @!p0 $0xFFFFC000  }
0x109: {  	s9 =	sor.u32 $0x800, s2;
	s30 =	rddreg [dreg:$0x0]  }
0x10a: {  	s31 =	simm.s32 $0xC300;
	s13 =	simm.s32 $0x0;
	s16 =	sadd.s32 s30, s9  }
0x10b: {  	[tilespmem:s31], [sflag:$0x4] =	stream.linear.gather [hbm4b:s16+s13], $0x4000, $0x38;
	[tilespmem:$0x10300] =	vst v63  }
0x10c: {  	_ =	swait.ge [sflag:s23], $0x4000  }
0x10d: {  	s17 =	sand.u32 $0x70, s13;
	s18 =	sand.u32 $0x3C00, s13;
	[sflag:s23] =	ssyncset.done $0x0  }
0x10e: {  	s6 =	sor.u32 s17, s18;
	[sflag:s23] =	ssyncadd.s32 $0xFFFFC000  }
0x10f: {  	v1 =	vld [tilespmem:s6+$0x4300];
	_ =	sdelay $0x4  }
0x110: {  	v2 =	vmul.f32 $6.400000000e+01, v1;
	_ =	sdelay $0x1  }
0x111: {  	v2 =	vadd.f32 $1.258291200e+07, v2  }
0x112: {  	v3 =	vld [tilespmem:s6+$0x4380]  }
0x113: {  	v4 =	vadd.s32 $0xB4C00100, v2  }
0x114: {  	v4 =	vmin.u32 v4, $0x1FF  }
0x115: {  	s19 =	simm.s32 $0x10;
	s8 =	simm.s32 $0x80  }
0x116: {  	s22 =	sand.u32 $0x3C00, s8;
	s1 =	sand.u32 $0x70, s19  }
0x117: {  	s1 =	sor.u32 s1, s22;
	v6 =	vld [tilespmem:s6+$0x4400];
	v5 =	vmul.f32 $6.400000000e+01, v3  }
0x118: {  	v7 =	vld [tilespmem:s1+$0x4300]  }
0x119: {  	v5 =	vadd.f32 $1.258291200e+07, v5;
	v4 =	vld.idx.msk [tilespmem:v4+s21+$0x0], $0xffff;
	_ =	sdelay $0x1  }
0x11a: {  	v8 =	vadd.s32 $0xB4C00100, v5  }
0x11b: {  	vm0 =	vge.f32 v2, $1.258291200e+07;
	v2 =	vmin.u32 v8, $0x1FF  }
0x11c: {  	v1 =	vnsel vm0, $0x0, v1  }
0x11d: {  	v8 =	vmul.f32 $6.400000000e+01, v7;
	v1 =	vsub.f32 v1, v4;
	v4 =	vmul.f32 $6.400000000e+01, v6;
	_ =	sdelay $0x1  }
0x11e: {  	[tilespmem:s6+$0x4300] =	vst v1;
	v1 =	vadd.f32 $1.258291200e+07, v4;
	v4 =	vadd.f32 $1.258291200e+07, v8  }
0x11f: {  	v2 =	vld.idx.msk [tilespmem:v2+s21+$0x0], $0xffff  }
0x120: {  	vm0 =	vge.f32 v5, $1.258291200e+07;
	v8 =	vld [tilespmem:s6+$0x4480];
	v5 =	vadd.s32 $0xB4C00100, v4  }
0x121: {  	v10 =	vld [tilespmem:s1+$0x4380];
	v9 =	vadd.s32 $0xB4C00100, v1;
	v5 =	vmin.u32 v5, $0x1FF  }
0x122: {  	s26 =	simm.s32 $0x20;
	s16 =	simm.s32 $0x100;
	v9 =	vmin.u32 v9, $0x1FF  }
0x123: {  	s2 =	sand.u32 $0x70, s26;
	s28 =	sand.u32 $0x3C00, s16;
	v3 =	vnsel vm0, $0x0, v3  }
0x124: {  	s15 =	sor.u32 s2, s28;
	v2 =	vsub.f32 v3, v2  }
0x125: {  	v14 =	vld [tilespmem:s15+$0x4300];
	v3 =	vmul.f32 $6.400000000e+01, v8  }
0x126: {  	v11 =	vmul.f32 $6.400000000e+01, v10;
	[tilespmem:s6+$0x4380] =	vst v2;
	v5 =	vld.idx.msk [tilespmem:v5+s21+$0x0], $0xffff  }
0x127: {  	v3 =	vadd.f32 $1.258291200e+07, v3;
	v2 =	vld.idx.msk [tilespmem:v9+s21+$0x0], $0xffff  }
0x128: {  	v9 =	vadd.f32 $1.258291200e+07, v11;
	v11 =	vld [tilespmem:s6+$0x4500]  }
0x129: {  	v13 =	vld [tilespmem:s1+$0x4400];
	vm0 =	vge.f32 v1, $1.258291200e+07;
	vm1 =	vge.f32 v4, $1.258291200e+07;
	v12 =	vadd.s32 $0xB4C00100, v3  }
0x12a: {  	v4 =	vnsel vm0, $0x0, v6;
	v1 =	vadd.s32 $0xB4C00100, v9;
	v12 =	vmin.u32 v12, $0x1FF  }
0x12b: {  	v6 =	vnsel vm1, $0x0, v7;
	v7 =	vmul.f32 $6.400000000e+01, v14;
	v1 =	vmin.u32 v1, $0x1FF  }
0x12c: {  	v2 =	vsub.f32 v4, v2  }
0x12d: {  	v7 =	vadd.f32 $1.258291200e+07, v7;
	v4 =	vsub.f32 v6, v5;
	v5 =	vmul.f32 $6.400000000e+01, v11  }
0x12e: {  	v6 =	vld [tilespmem:s6+$0x4580];
	[tilespmem:s6+$0x4400] =	vst v2;
	v2 =	vmul.f32 $6.400000000e+01, v13  }
0x12f: {  	v16 =	vadd.s32 $0xB4C00100, v7;
	[tilespmem:s1+$0x4300] =	vst v4;
	v5 =	vadd.f32 $1.258291200e+07, v5;
	v4 =	vld.idx.msk [tilespmem:v12+s21+$0x0], $0xffff  }
0x130: {  	v16 =	vmin.u32 v16, $0x1FF;
	v1 =	vld.idx.msk [tilespmem:v1+s21+$0x0], $0xffff;
	v2 =	vadd.f32 $1.258291200e+07, v2  }
0x131: {  	vm0 =	vge.f32 v3, $1.258291200e+07;
	v12 =	vld [tilespmem:s1+$0x4480];
	v3 =	vadd.s32 $0xB4C00100, v5  }
0x132: {  	v15 =	vld [tilespmem:s15+$0x4380];
	vm1 =	vge.f32 v9, $1.258291200e+07;
	v3 =	vmin.u32 v3, $0x1FF;
	v9 =	vadd.s32 $0xB4C00100, v2  }
0x133: {  	v8 =	vnsel vm0, $0x0, v8;
	v9 =	vmin.u32 v9, $0x1FF  }
0x134: {  	v17 =	vld [tilespmem:s6+$0x4600];
	v10 =	vnsel vm1, $0x0, v10;
	v4 =	vsub.f32 v8, v4  }
0x135: {  	v16 =	vld.idx.msk [tilespmem:v16+s21+$0x0], $0xffff;
	v1 =	vsub.f32 v10, v1;
	v8 =	vmul.f32 $6.400000000e+01, v6  }
0x136: {  	v10 =	vld [tilespmem:s1+$0x4500];
	v19 =	vmul.f32 $6.400000000e+01, v12;
	[tilespmem:s6+$0x4480] =	vst v4  }
0x137: {  	s11 =	simm.s32 $0x30;
	s17 =	simm.s32 $0x180;
	v18 =	vmul.f32 $6.400000000e+01, v15;
	[tilespmem:s1+$0x4380] =	vst v1;
	v1 =	vld.idx.msk [tilespmem:v3+s21+$0x0], $0xffff;
	v3 =	vadd.f32 $1.258291200e+07, v8  }
0x138: {  	s14 =	sand.u32 $0x3C00, s17;
	s2 =	sand.u32 $0x70, s11;
	vm1 =	vge.f32 v7, $1.258291200e+07;
	v8 =	vld.idx.msk [tilespmem:v9+s21+$0x0], $0xffff;
	v9 =	vadd.f32 $1.258291200e+07, v19  }
0x139: {  	s7 =	sor.u32 s2, s14;
	vm0 =	vge.f32 v5, $1.258291200e+07;
	v4 =	vadd.f32 $1.258291200e+07, v18;
	v18 =	vld [tilespmem:s15+$0x4400];
	v5 =	vadd.s32 $0xB4C00100, v3  }
0x13a: {  	vm2 =	vge.f32 v2, $1.258291200e+07;
	v19 =	vld [tilespmem:s7+$0x4300];
	v2 =	vadd.s32 $0xB4C00100, v9;
	v5 =	vmin.u32 v5, $0x1FF  }
0x13b: {  	v11 =	vnsel vm0, $0x0, v11;
	v7 =	vadd.s32 $0xB4C00100, v4;
	v2 =	vmin.u32 v2, $0x1FF  }
0x13c: {  	v13 =	vnsel vm2, $0x0, v13;
	v20 =	vmin.u32 v7, $0x1FF;
	v1 =	vsub.f32 v11, v1  }
0x13d: {  	v11 =	vnsel vm1, $0x0, v14;
	v8 =	vsub.f32 v13, v8;
	v13 =	vmul.f32 $6.400000000e+01, v17  }
0x13e: {  	v14 =	vld [tilespmem:s1+$0x4580];
	v11 =	vsub.f32 v11, v16;
	v16 =	vmul.f32 $6.400000000e+01, v18;
	[tilespmem:s6+$0x4500] =	vst v1  }
0x13f: {  	v1 =	vmul.f32 $6.400000000e+01, v10;
	[tilespmem:s1+$0x4400] =	vst v8;
	v5 =	vld.idx.msk [tilespmem:v5+s21+$0x0], $0xffff;
	v8 =	vmul.f32 $6.400000000e+01, v19;
	v13 =	vadd.f32 $1.258291200e+07, v13  }
0x140: {  	vm2 =	vge.f32 v4, $1.258291200e+07;
	[tilespmem:s15+$0x4300] =	vst v11;
	v11 =	vadd.f32 $1.258291200e+07, v16;
	v2 =	vld.idx.msk [tilespmem:v2+s21+$0x0], $0xffff  }
0x141: {  	v1 =	vadd.f32 $1.258291200e+07, v1;
	v16 =	vld.idx.msk [tilespmem:v20+s21+$0x0], $0xffff;
	v20 =	vadd.f32 $1.258291200e+07, v8;
	v8 =	vadd.s32 $0xB4C00100, v13  }
0x142: {  	v21 =	vld [tilespmem:s7+$0x4380];
	vm0 =	vge.f32 v9, $1.258291200e+07;
	vm1 =	vge.f32 v3, $1.258291200e+07;
	v23 =	vmin.u32 v8, $0x1FF  }
0x143: {  	v3 =	vld [tilespmem:s15+$0x4480];
	v6 =	vnsel vm1, $0x0, v6;
	v9 =	vadd.s32 $0xB4C00100, v11;
	v4 =	vadd.s32 $0xB4C00100, v1  }
0x144: {  	v8 =	vnsel vm0, $0x0, v12;
	v12 =	vmin.u32 v4, $0x1FF;
	v5 =	vsub.f32 v6, v5  }
0x145: {  	v7 =	vld [tilespmem:s1+$0x4600];
	v9 =	vmin.u32 v9, $0x1FF;
	v2 =	vsub.f32 v8, v2  }
0x146: {  	v15 =	vnsel vm2, $0x0, v15;
	v24 =	vmul.f32 $6.400000000e+01, v14;
	v22 =	vadd.s32 $0xB4C00100, v20;
	v4 =	vld [tilespmem:s15+$0x4500];
	[tilespmem:s6+$0x4580] =	vst v5  }
0x147: {  	vm1 =	vge.f32 v13, $1.258291200e+07;
	v22 =	vmin.u32 v22, $0x1FF;
	v15 =	vsub.f32 v15, v16;
	[tilespmem:s1+$0x4480] =	vst v2;
	v2 =	vld.idx.msk [tilespmem:v23+s21+$0x0], $0xffff  }
0x148: {  	s18 =	simm.s32 $0x40;
	s11 =	simm.s32 $0x200;
	v6 =	vld [tilespmem:s7+$0x4400];
	v16 =	vmul.f32 $6.400000000e+01, v3;
	v5 =	vmul.f32 $6.400000000e+01, v21;
	v23 =	vadd.f32 $1.258291200e+07, v24  }
0x149: {  	s2 =	sand.u32 $0x70, s18;
	s19 =	sand.u32 $0x3C00, s11;
	vm3 =	vge.f32 v11, $1.258291200e+07;
	vm0 =	vge.f32 v1, $1.258291200e+07;
	vm2 =	vge.f32 v20, $1.258291200e+07;
	[tilespmem:s15+$0x4380] =	vst v15;
	v12 =	vld.idx.msk [tilespmem:v12+s21+$0x0], $0xffff  }
0x14a: {  	s19 =	sor.u32 s2, s19;
	v16 =	vadd.f32 $1.258291200e+07, v16;
	v24 =	vadd.f32 $1.258291200e+07, v5;
	v5 =	vld.idx.msk [tilespmem:v9+s21+$0x0], $0xffff;
	v1 =	vadd.s32 $0xB4C00100, v23  }
0x14b: {  	s22 =	sand.u32 $0x7, s13;
	v8 =	vld [tilespmem:s19+$0x4300];
	v15 =	vmul.f32 $6.400000000e+01, v7;
	v20 =	vmin.u32 v1, $0x1FF;
	v1 =	vnsel vm1, $0x0, v17  }
0x14c: {  	s2 =	sshll.u32 s22, $0x4;
	v10 =	vnsel vm0, $0x0, v10;
	v9 =	vld.idx.msk [tilespmem:v22+s21+$0x0], $0xffff;
	v11 =	vadd.s32 $0xB4C00100, v16;
	v1 =	vsub.f32 v1, v2  }
0x14d: {  	s2 =	sadd.s32 $0x0, s2;
	v25 =	vadd.f32 $1.258291200e+07, v15;
	v13 =	vadd.s32 $0xB4C00100, v24;
	v11 =	vmin.u32 v11, $0x1FF  }
0x14e: {  	s14 =	sor.u32 $0x380, s2;
	v17 =	vnsel vm3, $0x0, v18;
	v18 =	vnsel vm2, $0x0, v19;
	v10 =	vsub.f32 v10, v12;
	[tilespmem:s6+$0x4600] =	vst v1  }
0x14f: {  	v19 =	vmul.f32 $6.400000000e+01, v4;
	v13 =	vmin.u32 v13, $0x1FF;
	v17 =	vsub.f32 v17, v5;
	v1 =	vld [tilespmem:s14+$0x4300]  }
0x150: {  	vm0 =	vge.f32 v16, $1.258291200e+07;
	v22 =	vmul.f32 $6.400000000e+01, v8;
	v12 =	vmul.f32 $6.400000000e+01, v6;
	v5 =	vld [tilespmem:s15+$0x4580];
	[tilespmem:s1+$0x4500] =	vst v10  }
0x151: {  	vm1 =	vge.f32 v23, $1.258291200e+07;
	vm2 =	vge.f32 v24, $1.258291200e+07;
	v9 =	vsub.f32 v18, v9;
	[tilespmem:s15+$0x4400] =	vst v17;
	v10 =	vld.idx.msk [tilespmem:v20+s21+$0x0], $0xffff  }
0x152: {  	vm3 =	vge.f32 v25, $1.258291200e+07;
	v27 =	vadd.f32 $1.258291200e+07, v19;
	v26 =	vadd.f32 $1.258291200e+07, v12;
	v12 =	vld.idx.msk [tilespmem:v11+s21+$0x0], $0xffff  }
0x153: {  	v28 =	vadd.f32 $1.258291200e+07, v22;
	v22 =	vnsel vm0, $0x0, v3;
	v3 =	vnsel vm1, $0x0, v14;
	[tilespmem:s7+$0x4300] =	vst v9;
	v9 =	vld [tilespmem:s7+$0x4480]  }
0x154: {  	v17 =	vadd.s32 $0xB4C00100, v27;
	v11 =	vadd.s32 $0xB4C00100, v25;
	v15 =	vld.idx.msk [tilespmem:v13+s21+$0x0], $0xffff;
	v20 =	vmul.f32 $6.400000000e+01, v1  }
0x155: {  	v18 =	vadd.s32 $0xB4C00100, v28;
	v23 =	vmin.u32 v17, $0x1FF;
	v13 =	vld [tilespmem:s19+$0x4380];
	v19 =	vmin.u32 v11, $0x1FF  }
0x156: {  	s26 =	simm.s32 $0x50;
	s13 =	simm.s32 $0x280;
	v17 =	vld [tilespmem:s19+$0x4400];
	v16 =	vadd.s32 $0xB4C00100, v26;
	v10 =	vsub.f32 v3, v10;
	v3 =	vadd.f32 $1.258291200e+07, v20  }
0x157: {  	s28 =	sand.u32 $0x3C00, s13;
	s2 =	sand.u32 $0x70, s26;
	v11 =	vld [tilespmem:s7+$0x4500];
	v14 =	vmin.u32 v16, $0x1FF;
	v16 =	vmin.u32 v18, $0x1FF;
	v18 =	vnsel vm2, $0x0, v21  }
0x158: {  	s26 =	sor.u32 s2, s28;
	v2 =	vld [tilespmem:s15+$0x4600];
	v12 =	vsub.f32 v22, v12;
	v29 =	vmul.f32 $6.400000000e+01, v9;
	v20 =	vadd.s32 $0xB4C00100, v3  }
0x159: {  	v22 =	vld [tilespmem:s26+$0x4300];
	v18 =	vsub.f32 v18, v15;
	v15 =	vmul.f32 $6.400000000e+01, v5;
	[tilespmem:s1+$0x4580] =	vst v10;
	v63 =	vmin.u32 v20, $0x1FF  }
0x15a: {  	vm0 =	vge.f32 v27, $1.258291200e+07;
	vm1 =	vge.f32 v26, $1.258291200e+07;
	v21 =	vmul.f32 $6.400000000e+01, v13;
	[tilespmem:s15+$0x4480] =	vst v12;
	v10 =	vld.idx.msk [tilespmem:v19+s21+$0x0], $0xffff  }
0x15b: {  	vm2 =	vge.f32 v28, $1.258291200e+07;
	v12 =	vadd.f32 $1.258291200e+07, v15;
	[tilespmem:s7+$0x4380] =	vst v18;
	v18 =	vadd.f32 $1.258291200e+07, v29;
	v20 =	vld.idx.msk [tilespmem:v23+s21+$0x0], $0xffff  }
0x15c: {  	v24 =	vmul.f32 $6.400000000e+01, v17;
	v19 =	vmul.f32 $6.400000000e+01, v11;
	v21 =	vadd.f32 $1.258291200e+07, v21;
	v23 =	vld.idx.msk [tilespmem:v14+s21+$0x0], $0xffff  }
0x15d: {  	s6 =	simm.s32 $0x1;
	v25 =	vld.idx.msk [tilespmem:v16+s21+$0x0], $0xffff;
	v15 =	vmul.f32 $6.400000000e+01, v2;
	v14 =	vadd.s32 $0xB4C00100, v12;
	v26 =	vadd.s32 $0xB4C00100, v18  }
0x15e: {  	s2 =	simm.s32 $0x60;
	s18 =	sand.u32 $0x7, s6;
	v27 =	vadd.s32 $0xB4C00100, v21;
	v16 =	vmin.u32 v14, $0x1FF;
	v14 =	vnsel vm3, $0x0, v7;
	v7 =	vld.idx.msk [tilespmem:v63+s21+$0x0], $0xffff  }
.LBB2_19:
0x15f: {  	p0 =	sne.s32 s2, $0x7F0;
	v26 =	vmin.u32 v26, $0x1FF;
	v28 =	vnsel vm0, $0x0, v4;
	s18 =	sshll.u32 s18, $0x4;
	v10 =	vsub.f32 v14, v10;
	v4 =	vmovc v11  }
0x160: {  	v11 =	vmin.u32 v27, $0x1FF;
	v14 =	vnsel vm1, $0x0, v6;
	v6 =	vmovc v17;
	v29 =	vld [tilespmem:s7+$0x4600];
	v20 =	vsub.f32 v28, v20;
	s18 =	sadd.s32 s18, s8;
	s8 =	smov.u32 s16;
	s16 =	smov.u32 s17  }
0x161: {  	v17 =	vmul.f32 $6.400000000e+01, v22;
	v27 =	vnsel vm2, $0x0, v8;
	v8 =	vmovc v22;
	v14 =	vsub.f32 v14, v23;
	s17 =	smov.u32 s11;
	s11 =	smov.u32 s13;
	v23 =	vld [tilespmem:s7+$0x4580];
	[tilespmem:s1+$0x4600] =	vst v10;
	s18 =	sor.u32 $0x380, s18  }
0x162: {  	vm0 =	vge.f32 v3, $1.258291200e+07;
	v10 =	vsub.f32 v27, v25;
	v27 =	vadd.f32 $1.258291200e+07, v15;
	s1 =	smov.u32 s15;
	[tilespmem:s15+$0x4500] =	vst v20;
	v15 =	vld [tilespmem:s18+$0x4300];
	s15 =	smov.u32 s7;
	s7 =	smov.u32 s19  }
0x163: {  	v28 =	vadd.f32 $1.258291200e+07, v24;
	v1 =	vnsel vm0, $0x0, v1;
	s19 =	smov.u32 s26;
	[tilespmem:s15+$0x4400] =	vst v14;
	v14 =	vadd.f32 $1.258291200e+07, v19;
	v3 =	vld.idx.msk [tilespmem:v16+s21+$0x0], $0xffff  }
0x164: {  	v16 =	vadd.f32 $1.258291200e+07, v17;
	v24 =	vsub.f32 v1, v7;
	[tilespmem:s7+$0x4300] =	vst v10;
	v10 =	vld.idx.msk [tilespmem:v26+s21+$0x0], $0xffff  }
0x165: {  	vm1 =	vge.f32 v12, $1.258291200e+07;
	vm0 =	vge.f32 v18, $1.258291200e+07;
	v7 =	vld.idx.msk [tilespmem:v11+s21+$0x0], $0xffff;
	v11 =	vadd.s32 $0xB4C00100, v27  }
0x166: {  	vm2 =	vge.f32 v21, $1.258291200e+07;
	v12 =	vadd.s32 $0xB4C00100, v28;
	v17 =	vadd.s32 $0xB4C00100, v14;
	v18 =	vld [tilespmem:s7+$0x4480];
	[tilespmem:s14+$0x4300] =	vst v24;
	s14 =	smov.u32 s18  }
0x167: {  	v19 =	vadd.s32 $0xB4C00100, v16;
	v21 =	vmin.u32 v11, $0x1FF;
	v20 =	vld [tilespmem:s19+$0x4380];
	v22 =	vmul.f32 $6.400000000e+01, v15;
	v1 =	vmovc v15  }
0x168: {  	s13 =	sadd.s32 $0x80, s13;
	v9 =	vnsel vm0, $0x0, v9;
	v24 =	vnsel vm1, $0x0, v5;
	v5 =	vmovc v23;
	v15 =	vmin.u32 v17, $0x1FF;
	v11 =	vld [tilespmem:s7+$0x4500]  }
0x169: {  	s22 =	sand.u32 $0x3C00, s13;
	s18 =	sand.u32 $0x70, s2;
	v23 =	vmin.u32 v12, $0x1FF;
	v12 =	vsub.f32 v24, v3;
	v17 =	vld [tilespmem:s19+$0x4400];
	v3 =	vadd.f32 $1.258291200e+07, v22  }
0x16a: {  	v25 =	vmin.u32 v19, $0x1FF;
	v19 =	vnsel vm2, $0x0, v13;
	s26 =	sor.u32 s18, s22;
	v10 =	vsub.f32 v9, v10  }
0x16b: {  	v24 =	vmul.f32 $6.400000000e+01, v5;
	v7 =	vsub.f32 v19, v7;
	v22 =	vld [tilespmem:s26+$0x4300];
	[tilespmem:s1+$0x4580] =	vst v12;
	v12 =	vadd.s32 $0xB4C00100, v3;
	v9 =	vmovc v18  }
0x16c: {  	v18 =	vmul.f32 $6.400000000e+01, v20;
	v26 =	vmul.f32 $6.400000000e+01, v9;
	[tilespmem:s15+$0x4480] =	vst v10;
	v10 =	vld.idx.msk [tilespmem:v21+s21+$0x0], $0xffff;
	v30 =	vmin.u32 v12, $0x1FF;
	v13 =	vmovc v20  }
.Ltmp10:
0x16d: {  	v12 =	vadd.f32 $1.258291200e+07, v24;
	[tilespmem:s7+$0x4380] =	vst v7;
	v19 =	vmul.f32 $6.400000000e+01, v11;
	v20 =	vld.idx.msk [tilespmem:v15+s21+$0x0], $0xffff;
	v15 =	vmul.f32 $6.400000000e+01, v29;
	(pc) =	sbr.rel @p0 .LBB2_19-.Ltmp10, $4  }
0x16e: {  	v21 =	vadd.f32 $1.258291200e+07, v18;
	v24 =	vmul.f32 $6.400000000e+01, v17;
	v23 =	vld.idx.msk [tilespmem:v23+s21+$0x0], $0xffff;
	v18 =	vadd.f32 $1.258291200e+07, v26  }
0x16f: {  	vm3 =	vge.f32 v27, $1.258291200e+07;
	vm0 =	vge.f32 v14, $1.258291200e+07;
	v7 =	vadd.s32 $0xB4C00100, v12;
	v25 =	vld.idx.msk [tilespmem:v25+s21+$0x0], $0xffff  }
0x170: {  	s6 =	sadd.s32 $0x1, s6;
	vm2 =	vge.f32 v16, $1.258291200e+07;
	vm1 =	vge.f32 v28, $1.258291200e+07;
	v26 =	vadd.s32 $0xB4C00100, v18  }
0x171: {  	v14 =	vnsel vm3, $0x0, v2;
	v2 =	vmovc v29;
	s2 =	sadd.s32 $0x10, s2;
	s18 =	sand.u32 $0x7, s6;
	v16 =	vmin.u32 v7, $0x1FF;
	v27 =	vadd.s32 $0xB4C00100, v21;
	v7 =	vld.idx.msk [tilespmem:v30+s21+$0x0], $0xffff  }
0x172: {  	v28 =	vmul.f32 $6.400000000e+01, v22;
	_ =	sdelay $0x1  }
0x173: {  	v28 =	vadd.f32 $1.258291200e+07, v28  }
0x174: {  	v29 =	vld [tilespmem:s26+$0x4380]  }
0x175: {  	v30 =	vadd.s32 $0xB4C00100, v28  }
0x176: {  	v30 =	vmin.u32 v30, $0x1FF;
	_ =	sdelay $0x2  }
0x177: {  	v31 =	vmul.f32 $6.400000000e+01, v29  }
0x178: {  	v27 =	vmin.u32 v27, $0x1FF  }
0x179: {  	v8 =	vnsel vm2, $0x0, v8;
	v31 =	vadd.f32 $1.258291200e+07, v31;
	v30 =	vld.idx.msk [tilespmem:v30+s21+$0x0], $0xffff  }
0x17a: {  	v8 =	vsub.f32 v8, v25;
	v25 =	vld [tilespmem:s26+$0x4400]  }
0x17b: {  	v32 =	vadd.s32 $0xB4C00100, v31  }
0x17c: {  	[tilespmem:s19+$0x4300] =	vst v8;
	vm2 =	vge.f32 v28, $1.258291200e+07;
	v8 =	vmin.u32 v32, $0x1FF  }
0x17d: {  	v24 =	vadd.f32 $1.258291200e+07, v24;
	v27 =	vld.idx.msk [tilespmem:v27+s21+$0x0], $0xffff;
	v22 =	vnsel vm2, $0x0, v22  }
0x17e: {  	v22 =	vsub.f32 v22, v30  }
0x17f: {  	v52 =	vadd.s32 $0xB4C00100, v24;
	v53 =	vmul.f32 $6.400000000e+01, v25  }
0x180: {  	v28 =	vld [tilespmem:s19+$0x4480];
	vm2 =	vge.f32 v21, $1.258291200e+07;
	v21 =	vmin.u32 v52, $0x1FF;
	[tilespmem:s26+$0x4300] =	vst v22  }
0x181: {  	v13 =	vnsel vm2, $0x0, v13;
	v22 =	vadd.f32 $1.258291200e+07, v53;
	v54 =	vld.idx.msk [tilespmem:v8+s21+$0x0], $0xffff  }
0x182: {  	v8 =	vsub.f32 v13, v27;
	v13 =	vld [tilespmem:s26+$0x4480]  }
0x183: {  	v33 =	vadd.s32 $0xB4C00100, v22  }
0x184: {  	vm2 =	vge.f32 v31, $1.258291200e+07;
	[tilespmem:s19+$0x4380] =	vst v8;
	v56 =	vmin.u32 v33, $0x1FF  }
0x185: {  	v55 =	vmul.f32 $6.400000000e+01, v28;
	v29 =	vnsel vm2, $0x0, v29;
	v21 =	vld.idx.msk [tilespmem:v21+s21+$0x0], $0xffff  }
0x186: {  	v29 =	vsub.f32 v29, v54  }
0x187: {  	v6 =	vnsel vm1, $0x0, v6;
	v32 =	vadd.f32 $1.258291200e+07, v55;
	v34 =	vmul.f32 $6.400000000e+01, v13  }
0x188: {  	v26 =	vmin.u32 v26, $0x1FF;
	v23 =	vsub.f32 v6, v23;
	vm1 =	vge.f32 v24, $1.258291200e+07;
	v27 =	vld [tilespmem:s19+$0x4500];
	[tilespmem:s26+$0x4380] =	vst v29  }
0x189: {  	v17 =	vnsel vm1, $0x0, v17;
	v57 =	vadd.s32 $0xB4C00100, v32;
	v59 =	vadd.f32 $1.258291200e+07, v34;
	v29 =	vld.idx.msk [tilespmem:v56+s21+$0x0], $0xffff  }
0x18a: {  	v58 =	vld [tilespmem:s26+$0x4500];
	v30 =	vmin.u32 v57, $0x1FF;
	v17 =	vsub.f32 v17, v21  }
0x18b: {  	[tilespmem:s7+$0x4400] =	vst v23;
	v23 =	vadd.s32 $0xB4C00100, v59  }
0x18c: {  	v24 =	vld [tilespmem:s7+$0x4580];
	vm1 =	vge.f32 v22, $1.258291200e+07;
	[tilespmem:s19+$0x4400] =	vst v17;
	v17 =	vmin.u32 v23, $0x1FF  }
0x18d: {  	v19 =	vadd.f32 $1.258291200e+07, v19;
	v26 =	vld.idx.msk [tilespmem:v26+s21+$0x0], $0xffff;
	v23 =	vnsel vm1, $0x0, v25  }
0x18e: {  	v4 =	vnsel vm0, $0x0, v4;
	v25 =	vmul.f32 $6.400000000e+01, v27;
	v23 =	vsub.f32 v23, v29  }
0x18f: {  	vm1 =	vge.f32 v18, $1.258291200e+07;
	v18 =	vadd.s32 $0xB4C00100, v19;
	v22 =	vld.idx.msk [tilespmem:v30+s21+$0x0], $0xffff;
	v29 =	vmul.f32 $6.400000000e+01, v58  }
0x190: {  	v4 =	vsub.f32 v4, v20;
	v21 =	vld [tilespmem:s19+$0x4580];
	v18 =	vmin.u32 v18, $0x1FF;
	v25 =	vadd.f32 $1.258291200e+07, v25;
	[tilespmem:s26+$0x4400] =	vst v23  }
0x191: {  	v9 =	vnsel vm1, $0x0, v9;
	vm1 =	vge.f32 v32, $1.258291200e+07;
	v23 =	vadd.f32 $1.258291200e+07, v29;
	v17 =	vld.idx.msk [tilespmem:v17+s21+$0x0], $0xffff  }
0x192: {  	v61 =	vld [tilespmem:s26+$0x4580];
	v9 =	vsub.f32 v9, v26;
	v26 =	vmul.f32 $6.400000000e+01, v24;
	v29 =	vadd.s32 $0xB4C00100, v25  }
0x193: {  	v28 =	vnsel vm1, $0x0, v28;
	v29 =	vmin.u32 v29, $0x1FF;
	v62 =	vadd.s32 $0xB4C00100, v23  }
0x194: {  	v6 =	vld [tilespmem:s19+$0x4600];
	vm1 =	vge.f32 v59, $1.258291200e+07;
	[tilespmem:s7+$0x4480] =	vst v9;
	v9 =	vsub.f32 v28, v22;
	v22 =	vmin.u32 v62, $0x1FF  }
0x195: {  	[tilespmem:s15+$0x4500] =	vst v4;
	v13 =	vnsel vm1, $0x0, v13;
	v26 =	vadd.f32 $1.258291200e+07, v26;
	v18 =	vld.idx.msk [tilespmem:v18+s21+$0x0], $0xffff  }
0x196: {  	v16 =	vld.idx.msk [tilespmem:v16+s21+$0x0], $0xffff;
	v13 =	vsub.f32 v13, v17;
	v17 =	vmul.f32 $6.400000000e+01, v21  }
0x197: {  	vm0 =	vge.f32 v19, $1.258291200e+07;
	v8 =	vld [tilespmem:s7+$0x4600];
	v19 =	vadd.s32 $0xB4C00100, v26;
	[tilespmem:s19+$0x4480] =	vst v9;
	v9 =	vmul.f32 $6.400000000e+01, v61  }
0x198: {  	[tilespmem:s26+$0x4480] =	vst v13;
	v13 =	vadd.f32 $1.258291200e+07, v15;
	v15 =	vmin.u32 v19, $0x1FF;
	v19 =	vld.idx.msk [tilespmem:v29+s21+$0x0], $0xffff;
	v17 =	vadd.f32 $1.258291200e+07, v17  }
0x199: {  	v11 =	vnsel vm0, $0x0, v11;
	vm1 =	vge.f32 v12, $1.258291200e+07;
	v9 =	vadd.f32 $1.258291200e+07, v9;
	v12 =	vld.idx.msk [tilespmem:v22+s21+$0x0], $0xffff  }
0x19a: {  	v60 =	vld [tilespmem:s26+$0x4600];
	vm0 =	vge.f32 v25, $1.258291200e+07;
	v11 =	vsub.f32 v11, v18;
	v18 =	vadd.s32 $0xB4C00100, v17  }
0x19b: {  	v5 =	vnsel vm1, $0x0, v5;
	v20 =	vadd.s32 $0xB4C00100, v9;
	v18 =	vmin.u32 v18, $0x1FF  }
0x19c: {  	[tilespmem:s7+$0x4500] =	vst v11;
	v11 =	vnsel vm0, $0x0, v27;
	vm0 =	vge.f32 v23, $1.258291200e+07;
	v20 =	vmin.u32 v20, $0x1FF  }
0x19d: {  	v22 =	vmul.f32 $6.400000000e+01, v8;
	v15 =	vld.idx.msk [tilespmem:v15+s21+$0x0], $0xffff;
	v11 =	vsub.f32 v11, v19;
	v19 =	vnsel vm0, $0x0, v58  }
0x19e: {  	v5 =	vsub.f32 v5, v16;
	v23 =	vmul.f32 $6.400000000e+01, v6;
	v12 =	vsub.f32 v19, v12  }
0x19f: {  	v4 =	vadd.s32 $0xB4C00100, v13;
	v19 =	vadd.f32 $1.258291200e+07, v22;
	[tilespmem:s19+$0x4500] =	vst v11;
	v11 =	vmul.f32 $6.400000000e+01, v60  }
0x1a0: {  	v16 =	vadd.f32 $1.258291200e+07, v23;
	v4 =	vmin.u32 v4, $0x1FF;
	vm0 =	vge.f32 v26, $1.258291200e+07;
	v18 =	vld.idx.msk [tilespmem:v18+s21+$0x0], $0xffff;
	[tilespmem:s26+$0x4500] =	vst v12  }
0x1a1: {  	v22 =	vnsel vm0, $0x0, v24;
	v12 =	vadd.s32 $0xB4C00100, v19;
	v11 =	vadd.f32 $1.258291200e+07, v11;
	v20 =	vld.idx.msk [tilespmem:v20+s21+$0x0], $0xffff  }
0x1a2: {  	v12 =	vmin.u32 v12, $0x1FF;
	v15 =	vsub.f32 v22, v15;
	v22 =	vadd.s32 $0xB4C00100, v16  }
0x1a3: {  	vm0 =	vge.f32 v17, $1.258291200e+07;
	v17 =	vmin.u32 v22, $0x1FF;
	v22 =	vadd.s32 $0xB4C00100, v11  }
0x1a4: {  	v21 =	vnsel vm0, $0x0, v21;
	vm0 =	vge.f32 v9, $1.258291200e+07;
	v9 =	vmin.u32 v22, $0x1FF  }
0x1a5: {  	[tilespmem:s15+$0x4580] =	vst v5;
	v5 =	vsub.f32 v21, v18;
	v18 =	vnsel vm0, $0x0, v61  }
0x1a6: {  	v4 =	vld.idx.msk [tilespmem:v4+s21+$0x0], $0xffff;
	[tilespmem:s7+$0x4580] =	vst v15;
	v15 =	vsub.f32 v18, v20  }
0x1a7: {  	s6 =	sadd.s32 $0x1, s6;
	v12 =	vld.idx.msk [tilespmem:v12+s21+$0x0], $0xffff;
	[tilespmem:s19+$0x4580] =	vst v5  }
0x1a8: {  	s2 =	sshll.u32 s18, $0x4;
	s22 =	sand.u32 $0x7, s6;
	v5 =	vld.idx.msk [tilespmem:v17+s21+$0x0], $0xffff;
	[tilespmem:s26+$0x4580] =	vst v15  }
0x1a9: {  	s2 =	sadd.s32 s2, s8;
	s22 =	sshll.u32 s22, $0x4;
	vm0 =	vge.f32 v13, $1.258291200e+07;
	v9 =	vld.idx.msk [tilespmem:v9+s21+$0x0], $0xffff  }
0x1aa: {  	v10 =	vsub.f32 v14, v10;
	s18 =	sadd.s32 $0x1, s6;
	s2 =	sor.u32 $0x380, s2;
	s8 =	sadd.s32 s22, s16;
	v2 =	vnsel vm0, $0x0, v2;
	vm0 =	vge.f32 v19, $1.258291200e+07  }
0x1ab: {  	s22 =	sand.u32 $0x7, s18;
	s16 =	sadd.s32 $0x1, s18;
	s6 =	sor.u32 $0x380, s8;
	v2 =	vsub.f32 v2, v4;
	v4 =	vnsel vm0, $0x0, v8;
	vm0 =	vge.f32 v16, $1.258291200e+07  }
0x1ac: {  	[tilespmem:s1+$0x4600] =	vst v10;
	s8 =	sshll.u32 s22, $0x4;
	s18 =	sand.u32 $0x7, s16;
	s16 =	sadd.s32 $0x1, s16;
	v6 =	vnsel vm0, $0x0, v6;
	vm0 =	vge.f32 v11, $1.258291200e+07;
	v4 =	vsub.f32 v4, v12  }
0x1ad: {  	s1 =	sadd.s32 s8, s17;
	s8 =	sshll.u32 s18, $0x4;
	s22 =	sand.u32 $0x7, s16;
	v8 =	vld [tilespmem:s2+$0x4300];
	[tilespmem:s15+$0x4600] =	vst v2;
	v2 =	vsub.f32 v6, v5;
	v5 =	vnsel vm0, $0x0, v60  }
0x1ae: {  	s1 =	sor.u32 $0x380, s1;
	s11 =	sadd.s32 s8, s11;
	s16 =	sshll.u32 s22, $0x4;
	v6 =	vld [tilespmem:s6+$0x4300];
	[tilespmem:s7+$0x4600] =	vst v4;
	v4 =	vsub.f32 v5, v9  }
0x1af: {  	s8 =	sadd.s32 s16, s13;
	s7 =	sor.u32 $0x380, s11;
	v5 =	vld [tilespmem:s1+$0x4300];
	[tilespmem:s19+$0x4600] =	vst v2  }
0x1b0: {  	s8 =	sor.u32 $0x380, s8;
	v2 =	vld [tilespmem:s7+$0x4300];
	[tilespmem:s26+$0x4600] =	vst v4  }
0x1b1: {  	v4 =	vld [tilespmem:s8+$0x4300]  }
0x1b2: {  	v9 =	vmul.f32 $6.400000000e+01, v8  }
0x1b3: {  	v10 =	vmul.f32 $6.400000000e+01, v6  }
0x1b4: {  	v9 =	vadd.f32 $1.258291200e+07, v9;
	v11 =	vmul.f32 $6.400000000e+01, v5  }
0x1b5: {  	v10 =	vadd.f32 $1.258291200e+07, v10;
	v12 =	vmul.f32 $6.400000000e+01, v2  }
0x1b6: {  	v13 =	vadd.s32 $0xB4C00100, v9;
	v11 =	vadd.f32 $1.258291200e+07, v11;
	v14 =	vmul.f32 $6.400000000e+01, v4  }
0x1b7: {  	v13 =	vmin.u32 v13, $0x1FF;
	v15 =	vadd.s32 $0xB4C00100, v10;
	v12 =	vadd.f32 $1.258291200e+07, v12  }
0x1b8: {  	v15 =	vmin.u32 v15, $0x1FF;
	v16 =	vadd.s32 $0xB4C00100, v11;
	v14 =	vadd.f32 $1.258291200e+07, v14  }
0x1b9: {  	v16 =	vmin.u32 v16, $0x1FF;
	v17 =	vadd.s32 $0xB4C00100, v12  }
0x1ba: {  	v17 =	vmin.u32 v17, $0x1FF;
	v18 =	vadd.s32 $0xB4C00100, v14  }
0x1bb: {  	v18 =	vmin.u32 v18, $0x1FF  }
0x1bc: {  	v13 =	vld.idx.msk [tilespmem:v13+s21+$0x0], $0xffff  }
0x1bd: {  	v15 =	vld.idx.msk [tilespmem:v15+s21+$0x0], $0xffff  }
0x1be: {  	vm0 =	vge.f32 v3, $1.258291200e+07;
	v3 =	vld.idx.msk [tilespmem:v16+s21+$0x0], $0xffff  }
0x1bf: {  	v1 =	vnsel vm0, $0x0, v1;
	vm0 =	vge.f32 v9, $1.258291200e+07;
	v9 =	vld.idx.msk [tilespmem:v17+s21+$0x0], $0xffff  }
0x1c0: {  	v1 =	vsub.f32 v1, v7;
	v7 =	vnsel vm0, $0x0, v8;
	vm0 =	vge.f32 v10, $1.258291200e+07;
	v8 =	vld.idx.msk [tilespmem:v18+s21+$0x0], $0xffff  }
0x1c1: {  	v6 =	vnsel vm0, $0x0, v6;
	vm0 =	vge.f32 v11, $1.258291200e+07;
	v7 =	vsub.f32 v7, v13  }
0x1c2: {  	[tilespmem:s14+$0x4300] =	vst v1;
	v5 =	vnsel vm0, $0x0, v5;
	vm0 =	vge.f32 v12, $1.258291200e+07;
	v1 =	vsub.f32 v6, v15  }
0x1c3: {  	v2 =	vnsel vm0, $0x0, v2;
	vm0 =	vge.f32 v14, $1.258291200e+07;
	[tilespmem:s2+$0x4300] =	vst v7;
	v3 =	vsub.f32 v5, v3  }
0x1c4: {  	[tilespmem:s6+$0x4300] =	vst v1;
	v1 =	vsub.f32 v2, v9;
	v2 =	vnsel vm0, $0x0, v4  }
0x1c5: {  	[tilespmem:s1+$0x4300] =	vst v3;
	v2 =	vsub.f32 v2, v8  }
0x1c6: {  	[tilespmem:s7+$0x4300] =	vst v1  }
0x1c7: {  	[tilespmem:s8+$0x4300] =	vst v2  }
0x1c8: {  	s1 =	rddreg [dreg:$0xa]  }
0x1c9: {  	p0 =	seq.s32 s0, $0x1F;
	s17 =	simm.s32 $0x4300;
	s1 =	sadd.s32 s10, s1  }
0x1ca: {  	[hbm4b:s1+s5] =	stream.linear.scatter [tilespmem:s17], [sflag:$0x6], $0x4000, $0x38;
	[tilespmem:$0x10300] =	vst v63  }
0x1cb: {  	s1 =	simm.s32 @!p0 $0x5  }
0x1cc: {  	_ =	swait.ge @!p0 [sflag:s1], $0x4000  }
0x1cd: {  	s2 =	rddreg [dreg:$0xb]  }
0x1ce: {  	[sflag:s1] =	ssyncset.done @!p0 $0x0;
	s2 =	sadd.s32 @!p0 s3, s2  }
0x1cf: {  	[sflag:s1] =	ssyncadd.s32 @!p0 $0xFFFFC000;
	s1 =	sshrl.u32 @!p0 s2, $0x3  }
0x1d0: {  	s6 =	simm.s32 @!p0 $0x0;
	s7 =	simm.s32 @!p0 $0x300;
	s2 =	sadd.s32 @!p0 s30, s1  }
0x1d1: {  	[tilespmem:s7], [sflag:$0x1] =	stream.linear.gather @!p0 [hbm4b:s2+s6], $0x4000, $0x38;
	[tilespmem:$0x10300] =	vst v63  }
0x1d2: {  	s13 =	simm.s32 $0x0;
	_ =	swait.ge [sflag:s24], $0x4000  }
0x1d3: {  	s18 =	sand.u32 $0x70, s13;
	s19 =	sand.u32 $0x3C00, s13;
	[sflag:s24] =	ssyncset.done $0x0  }
0x1d4: {  	s6 =	sor.u32 s18, s19;
	[sflag:s24] =	ssyncadd.s32 $0xFFFFC000  }
0x1d5: {  	v1 =	vld [tilespmem:s6+$0x8300];
	_ =	sdelay $0x4  }
0x1d6: {  	v2 =	vmul.f32 $6.400000000e+01, v1;
	_ =	sdelay $0x1  }
0x1d7: {  	v2 =	vadd.f32 $1.258291200e+07, v2  }
0x1d8: {  	v3 =	vld [tilespmem:s6+$0x8380]  }
0x1d9: {  	v4 =	vadd.s32 $0xB4C00100, v2  }
0x1da: {  	v4 =	vmin.u32 v4, $0x1FF  }
0x1db: {  	s22 =	simm.s32 $0x10;
	s15 =	simm.s32 $0x80  }
0x1dc: {  	s26 =	sand.u32 $0x3C00, s15;
	s2 =	sand.u32 $0x70, s22  }
0x1dd: {  	s8 =	sor.u32 s2, s26;
	v6 =	vld [tilespmem:s6+$0x8400];
	v5 =	vmul.f32 $6.400000000e+01, v3  }
0x1de: {  	v7 =	vld [tilespmem:s8+$0x8300]  }
0x1df: {  	v5 =	vadd.f32 $1.258291200e+07, v5;
	v4 =	vld.idx.msk [tilespmem:v4+s21+$0x0], $0xffff;
	_ =	sdelay $0x1  }
0x1e0: {  	v8 =	vadd.s32 $0xB4C00100, v5  }
0x1e1: {  	vm0 =	vge.f32 v2, $1.258291200e+07;
	v2 =	vmin.u32 v8, $0x1FF  }
0x1e2: {  	v1 =	vnsel vm0, $0x0, v1  }
0x1e3: {  	v8 =	vmul.f32 $6.400000000e+01, v7;
	v1 =	vsub.f32 v1, v4;
	v4 =	vmul.f32 $6.400000000e+01, v6;
	_ =	sdelay $0x1  }
0x1e4: {  	[tilespmem:s6+$0x8300] =	vst v1;
	v1 =	vadd.f32 $1.258291200e+07, v4;
	v4 =	vadd.f32 $1.258291200e+07, v8  }
0x1e5: {  	v2 =	vld.idx.msk [tilespmem:v2+s21+$0x0], $0xffff  }
0x1e6: {  	vm0 =	vge.f32 v5, $1.258291200e+07;
	v8 =	vld [tilespmem:s6+$0x8480];
	v5 =	vadd.s32 $0xB4C00100, v4  }
0x1e7: {  	v10 =	vld [tilespmem:s8+$0x8380];
	v9 =	vadd.s32 $0xB4C00100, v1;
	v5 =	vmin.u32 v5, $0x1FF  }
0x1e8: {  	s17 =	simm.s32 $0x100;
	s7 =	simm.s32 $0x20;
	v9 =	vmin.u32 v9, $0x1FF  }
0x1e9: {  	s11 =	sand.u32 $0x3C00, s17;
	s2 =	sand.u32 $0x70, s7;
	v3 =	vnsel vm0, $0x0, v3  }
0x1ea: {  	s16 =	sor.u32 s2, s11;
	v2 =	vsub.f32 v3, v2  }
0x1eb: {  	v14 =	vld [tilespmem:s16+$0x8300];
	v3 =	vmul.f32 $6.400000000e+01, v8  }
0x1ec: {  	v11 =	vmul.f32 $6.400000000e+01, v10;
	[tilespmem:s6+$0x8380] =	vst v2;
	v5 =	vld.idx.msk [tilespmem:v5+s21+$0x0], $0xffff  }
0x1ed: {  	v3 =	vadd.f32 $1.258291200e+07, v3;
	v2 =	vld.idx.msk [tilespmem:v9+s21+$0x0], $0xffff  }
0x1ee: {  	v9 =	vadd.f32 $1.258291200e+07, v11;
	v11 =	vld [tilespmem:s6+$0x8500]  }
0x1ef: {  	v13 =	vld [tilespmem:s8+$0x8400];
	vm0 =	vge.f32 v1, $1.258291200e+07;
	vm1 =	vge.f32 v4, $1.258291200e+07;
	v12 =	vadd.s32 $0xB4C00100, v3  }
0x1f0: {  	v4 =	vnsel vm0, $0x0, v6;
	v1 =	vadd.s32 $0xB4C00100, v9;
	v12 =	vmin.u32 v12, $0x1FF  }
0x1f1: {  	v6 =	vnsel vm1, $0x0, v7;
	v7 =	vmul.f32 $6.400000000e+01, v14;
	v1 =	vmin.u32 v1, $0x1FF  }
0x1f2: {  	v2 =	vsub.f32 v4, v2  }
0x1f3: {  	v7 =	vadd.f32 $1.258291200e+07, v7;
	v4 =	vsub.f32 v6, v5;
	v5 =	vmul.f32 $6.400000000e+01, v11  }
0x1f4: {  	v6 =	vld [tilespmem:s6+$0x8580];
	[tilespmem:s6+$0x8400] =	vst v2;
	v2 =	vmul.f32 $6.400000000e+01, v13  }
0x1f5: {  	v16 =	vadd.s32 $0xB4C00100, v7;
	[tilespmem:s8+$0x8300] =	vst v4;
	v5 =	vadd.f32 $1.258291200e+07, v5;
	v4 =	vld.idx.msk [tilespmem:v12+s21+$0x0], $0xffff  }
0x1f6: {  	v16 =	vmin.u32 v16, $0x1FF;
	v1 =	vld.idx.msk [tilespmem:v1+s21+$0x0], $0xffff;
	v2 =	vadd.f32 $1.258291200e+07, v2  }
0x1f7: {  	vm0 =	vge.f32 v3, $1.258291200e+07;
	v12 =	vld [tilespmem:s8+$0x8480];
	v3 =	vadd.s32 $0xB4C00100, v5  }
0x1f8: {  	v15 =	vld [tilespmem:s16+$0x8380];
	vm1 =	vge.f32 v9, $1.258291200e+07;
	v3 =	vmin.u32 v3, $0x1FF;
	v9 =	vadd.s32 $0xB4C00100, v2  }
0x1f9: {  	v8 =	vnsel vm0, $0x0, v8;
	v9 =	vmin.u32 v9, $0x1FF  }
0x1fa: {  	v17 =	vld [tilespmem:s6+$0x8600];
	v10 =	vnsel vm1, $0x0, v10;
	v4 =	vsub.f32 v8, v4  }
0x1fb: {  	v16 =	vld.idx.msk [tilespmem:v16+s21+$0x0], $0xffff;
	v1 =	vsub.f32 v10, v1;
	v8 =	vmul.f32 $6.400000000e+01, v6  }
0x1fc: {  	v10 =	vld [tilespmem:s8+$0x8500];
	v19 =	vmul.f32 $6.400000000e+01, v12;
	[tilespmem:s6+$0x8480] =	vst v4  }
0x1fd: {  	s14 =	simm.s32 $0x30;
	s19 =	simm.s32 $0x180;
	v18 =	vmul.f32 $6.400000000e+01, v15;
	[tilespmem:s8+$0x8380] =	vst v1;
	v1 =	vld.idx.msk [tilespmem:v3+s21+$0x0], $0xffff;
	v3 =	vadd.f32 $1.258291200e+07, v8  }
0x1fe: {  	s18 =	sand.u32 $0x3C00, s19;
	s2 =	sand.u32 $0x70, s14;
	vm1 =	vge.f32 v7, $1.258291200e+07;
	v8 =	vld.idx.msk [tilespmem:v9+s21+$0x0], $0xffff;
	v9 =	vadd.f32 $1.258291200e+07, v19  }
0x1ff: {  	s7 =	sor.u32 s2, s18;
	vm0 =	vge.f32 v5, $1.258291200e+07;
	v4 =	vadd.f32 $1.258291200e+07, v18;
	v18 =	vld [tilespmem:s16+$0x8400];
	v5 =	vadd.s32 $0xB4C00100, v3  }
0x200: {  	vm2 =	vge.f32 v2, $1.258291200e+07;
	v19 =	vld [tilespmem:s7+$0x8300];
	v2 =	vadd.s32 $0xB4C00100, v9;
	v5 =	vmin.u32 v5, $0x1FF  }
0x201: {  	v11 =	vnsel vm0, $0x0, v11;
	v7 =	vadd.s32 $0xB4C00100, v4;
	v2 =	vmin.u32 v2, $0x1FF  }
0x202: {  	v13 =	vnsel vm2, $0x0, v13;
	v20 =	vmin.u32 v7, $0x1FF;
	v1 =	vsub.f32 v11, v1  }
0x203: {  	v11 =	vnsel vm1, $0x0, v14;
	v8 =	vsub.f32 v13, v8;
	v13 =	vmul.f32 $6.400000000e+01, v17  }
0x204: {  	v14 =	vld [tilespmem:s8+$0x8580];
	v11 =	vsub.f32 v11, v16;
	v16 =	vmul.f32 $6.400000000e+01, v18;
	[tilespmem:s6+$0x8500] =	vst v1  }
0x205: {  	v1 =	vmul.f32 $6.400000000e+01, v10;
	[tilespmem:s8+$0x8400] =	vst v8;
	v5 =	vld.idx.msk [tilespmem:v5+s21+$0x0], $0xffff;
	v8 =	vmul.f32 $6.400000000e+01, v19;
	v13 =	vadd.f32 $1.258291200e+07, v13  }
0x206: {  	vm2 =	vge.f32 v4, $1.258291200e+07;
	[tilespmem:s16+$0x8300] =	vst v11;
	v11 =	vadd.f32 $1.258291200e+07, v16;
	v2 =	vld.idx.msk [tilespmem:v2+s21+$0x0], $0xffff  }
0x207: {  	v1 =	vadd.f32 $1.258291200e+07, v1;
	v16 =	vld.idx.msk [tilespmem:v20+s21+$0x0], $0xffff;
	v20 =	vadd.f32 $1.258291200e+07, v8;
	v8 =	vadd.s32 $0xB4C00100, v13  }
0x208: {  	v21 =	vld [tilespmem:s7+$0x8380];
	vm0 =	vge.f32 v9, $1.258291200e+07;
	vm1 =	vge.f32 v3, $1.258291200e+07;
	v23 =	vmin.u32 v8, $0x1FF  }
0x209: {  	v3 =	vld [tilespmem:s16+$0x8480];
	v6 =	vnsel vm1, $0x0, v6;
	v9 =	vadd.s32 $0xB4C00100, v11;
	v4 =	vadd.s32 $0xB4C00100, v1  }
0x20a: {  	v8 =	vnsel vm0, $0x0, v12;
	v12 =	vmin.u32 v4, $0x1FF;
	v5 =	vsub.f32 v6, v5  }
0x20b: {  	v7 =	vld [tilespmem:s8+$0x8600];
	v9 =	vmin.u32 v9, $0x1FF;
	v2 =	vsub.f32 v8, v2  }
0x20c: {  	v15 =	vnsel vm2, $0x0, v15;
	v24 =	vmul.f32 $6.400000000e+01, v14;
	v22 =	vadd.s32 $0xB4C00100, v20;
	v4 =	vld [tilespmem:s16+$0x8500];
	[tilespmem:s6+$0x8580] =	vst v5  }
0x20d: {  	vm1 =	vge.f32 v13, $1.258291200e+07;
	v22 =	vmin.u32 v22, $0x1FF;
	v15 =	vsub.f32 v15, v16;
	[tilespmem:s8+$0x8480] =	vst v2;
	v2 =	vld.idx.msk [tilespmem:v23+s21+$0x0], $0xffff  }
0x20e: {  	s22 =	simm.s32 $0x40;
	s11 =	simm.s32 $0x200;
	v6 =	vld [tilespmem:s7+$0x8400];
	v16 =	vmul.f32 $6.400000000e+01, v3;
	v5 =	vmul.f32 $6.400000000e+01, v21;
	v23 =	vadd.f32 $1.258291200e+07, v24  }
0x20f: {  	s2 =	sand.u32 $0x70, s22;
	s26 =	sand.u32 $0x3C00, s11;
	vm3 =	vge.f32 v11, $1.258291200e+07;
	vm0 =	vge.f32 v1, $1.258291200e+07;
	vm2 =	vge.f32 v20, $1.258291200e+07;
	[tilespmem:s16+$0x8380] =	vst v15;
	v12 =	vld.idx.msk [tilespmem:v12+s21+$0x0], $0xffff  }
0x210: {  	s26 =	sor.u32 s2, s26;
	v16 =	vadd.f32 $1.258291200e+07, v16;
	v24 =	vadd.f32 $1.258291200e+07, v5;
	v5 =	vld.idx.msk [tilespmem:v9+s21+$0x0], $0xffff;
	v1 =	vadd.s32 $0xB4C00100, v23  }
0x211: {  	s14 =	sand.u32 $0x7, s13;
	v8 =	vld [tilespmem:s26+$0x8300];
	v15 =	vmul.f32 $6.400000000e+01, v7;
	v20 =	vmin.u32 v1, $0x1FF;
	v1 =	vnsel vm1, $0x0, v17  }
0x212: {  	s2 =	sshll.u32 s14, $0x4;
	v10 =	vnsel vm0, $0x0, v10;
	v9 =	vld.idx.msk [tilespmem:v22+s21+$0x0], $0xffff;
	v11 =	vadd.s32 $0xB4C00100, v16;
	v1 =	vsub.f32 v1, v2  }
0x213: {  	s2 =	sadd.s32 $0x0, s2;
	v25 =	vadd.f32 $1.258291200e+07, v15;
	v13 =	vadd.s32 $0xB4C00100, v24;
	v11 =	vmin.u32 v11, $0x1FF  }
0x214: {  	s14 =	sor.u32 $0x380, s2;
	v17 =	vnsel vm3, $0x0, v18;
	v18 =	vnsel vm2, $0x0, v19;
	v10 =	vsub.f32 v10, v12;
	[tilespmem:s6+$0x8600] =	vst v1  }
0x215: {  	v19 =	vmul.f32 $6.400000000e+01, v4;
	v13 =	vmin.u32 v13, $0x1FF;
	v17 =	vsub.f32 v17, v5;
	v1 =	vld [tilespmem:s14+$0x8300]  }
0x216: {  	vm0 =	vge.f32 v16, $1.258291200e+07;
	v22 =	vmul.f32 $6.400000000e+01, v8;
	v12 =	vmul.f32 $6.400000000e+01, v6;
	v5 =	vld [tilespmem:s16+$0x8580];
	[tilespmem:s8+$0x8500] =	vst v10  }
0x217: {  	vm1 =	vge.f32 v23, $1.258291200e+07;
	vm2 =	vge.f32 v24, $1.258291200e+07;
	v9 =	vsub.f32 v18, v9;
	[tilespmem:s16+$0x8400] =	vst v17;
	v10 =	vld.idx.msk [tilespmem:v20+s21+$0x0], $0xffff  }
0x218: {  	vm3 =	vge.f32 v25, $1.258291200e+07;
	v27 =	vadd.f32 $1.258291200e+07, v19;
	v26 =	vadd.f32 $1.258291200e+07, v12;
	v12 =	vld.idx.msk [tilespmem:v11+s21+$0x0], $0xffff  }
0x219: {  	v28 =	vadd.f32 $1.258291200e+07, v22;
	v22 =	vnsel vm0, $0x0, v3;
	v3 =	vnsel vm1, $0x0, v14;
	[tilespmem:s7+$0x8300] =	vst v9;
	v9 =	vld [tilespmem:s7+$0x8480]  }
0x21a: {  	v17 =	vadd.s32 $0xB4C00100, v27;
	v11 =	vadd.s32 $0xB4C00100, v25;
	v15 =	vld.idx.msk [tilespmem:v13+s21+$0x0], $0xffff;
	v20 =	vmul.f32 $6.400000000e+01, v1  }
0x21b: {  	v18 =	vadd.s32 $0xB4C00100, v28;
	v23 =	vmin.u32 v17, $0x1FF;
	v13 =	vld [tilespmem:s26+$0x8380];
	v19 =	vmin.u32 v11, $0x1FF  }
0x21c: {  	s13 =	simm.s32 $0x280;
	s18 =	simm.s32 $0x50;
	v17 =	vld [tilespmem:s26+$0x8400];
	v16 =	vadd.s32 $0xB4C00100, v26;
	v10 =	vsub.f32 v3, v10;
	v3 =	vadd.f32 $1.258291200e+07, v20  }
0x21d: {  	s22 =	sand.u32 $0x3C00, s13;
	s2 =	sand.u32 $0x70, s18;
	v11 =	vld [tilespmem:s7+$0x8500];
	v14 =	vmin.u32 v16, $0x1FF;
	v16 =	vmin.u32 v18, $0x1FF;
	v18 =	vnsel vm2, $0x0, v21  }
0x21e: {  	s28 =	sor.u32 s2, s22;
	v2 =	vld [tilespmem:s16+$0x8600];
	v12 =	vsub.f32 v22, v12;
	v29 =	vmul.f32 $6.400000000e+01, v9;
	v20 =	vadd.s32 $0xB4C00100, v3  }
0x21f: {  	v22 =	vld [tilespmem:s28+$0x8300];
	v18 =	vsub.f32 v18, v15;
	v15 =	vmul.f32 $6.400000000e+01, v5;
	[tilespmem:s8+$0x8580] =	vst v10;
	v63 =	vmin.u32 v20, $0x1FF  }
0x220: {  	vm0 =	vge.f32 v27, $1.258291200e+07;
	vm1 =	vge.f32 v26, $1.258291200e+07;
	v21 =	vmul.f32 $6.400000000e+01, v13;
	[tilespmem:s16+$0x8480] =	vst v12;
	v10 =	vld.idx.msk [tilespmem:v19+s21+$0x0], $0xffff  }
0x221: {  	vm2 =	vge.f32 v28, $1.258291200e+07;
	v12 =	vadd.f32 $1.258291200e+07, v15;
	[tilespmem:s7+$0x8380] =	vst v18;
	v18 =	vadd.f32 $1.258291200e+07, v29;
	v20 =	vld.idx.msk [tilespmem:v23+s21+$0x0], $0xffff  }
0x222: {  	v24 =	vmul.f32 $6.400000000e+01, v17;
	v19 =	vmul.f32 $6.400000000e+01, v11;
	v21 =	vadd.f32 $1.258291200e+07, v21;
	v23 =	vld.idx.msk [tilespmem:v14+s21+$0x0], $0xffff  }
0x223: {  	s6 =	simm.s32 $0x1;
	v25 =	vld.idx.msk [tilespmem:v16+s21+$0x0], $0xffff;
	v15 =	vmul.f32 $6.400000000e+01, v2;
	v14 =	vadd.s32 $0xB4C00100, v12;
	v26 =	vadd.s32 $0xB4C00100, v18  }
0x224: {  	s2 =	simm.s32 $0x60;
	s18 =	sand.u32 $0x7, s6;
	v27 =	vadd.s32 $0xB4C00100, v21;
	v16 =	vmin.u32 v14, $0x1FF;
	v14 =	vnsel vm3, $0x0, v7;
	v7 =	vld.idx.msk [tilespmem:v63+s21+$0x0], $0xffff  }
.LBB2_21:
0x225: {  	p1 =	sne.s32 s2, $0x7F0;
	v26 =	vmin.u32 v26, $0x1FF;
	v28 =	vnsel vm0, $0x0, v4;
	s18 =	sshll.u32 s18, $0x4;
	v10 =	vsub.f32 v14, v10;
	v4 =	vmovc v11  }
0x226: {  	v11 =	vmin.u32 v27, $0x1FF;
	v14 =	vnsel vm1, $0x0, v6;
	v6 =	vmovc v17;
	v29 =	vld [tilespmem:s7+$0x8600];
	v20 =	vsub.f32 v28, v20;
	s18 =	sadd.s32 s18, s15;
	s15 =	smov.u32 s17;
	s17 =	smov.u32 s19  }
0x227: {  	v17 =	vmul.f32 $6.400000000e+01, v22;
	v27 =	vnsel vm2, $0x0, v8;
	v8 =	vmovc v22;
	v14 =	vsub.f32 v14, v23;
	s19 =	smov.u32 s11;
	s11 =	smov.u32 s13;
	v23 =	vld [tilespmem:s7+$0x8580];
	[tilespmem:s8+$0x8600] =	vst v10;
	s18 =	sor.u32 $0x380, s18  }
0x228: {  	vm0 =	vge.f32 v3, $1.258291200e+07;
	v10 =	vsub.f32 v27, v25;
	v27 =	vadd.f32 $1.258291200e+07, v15;
	s8 =	smov.u32 s16;
	[tilespmem:s16+$0x8500] =	vst v20;
	v15 =	vld [tilespmem:s18+$0x8300];
	s16 =	smov.u32 s7;
	s7 =	smov.u32 s26  }
0x229: {  	v28 =	vadd.f32 $1.258291200e+07, v24;
	v1 =	vnsel vm0, $0x0, v1;
	s26 =	smov.u32 s28;
	[tilespmem:s16+$0x8400] =	vst v14;
	v14 =	vadd.f32 $1.258291200e+07, v19;
	v3 =	vld.idx.msk [tilespmem:v16+s21+$0x0], $0xffff  }
0x22a: {  	v16 =	vadd.f32 $1.258291200e+07, v17;
	v24 =	vsub.f32 v1, v7;
	[tilespmem:s7+$0x8300] =	vst v10;
	v10 =	vld.idx.msk [tilespmem:v26+s21+$0x0], $0xffff  }
0x22b: {  	vm1 =	vge.f32 v12, $1.258291200e+07;
	vm0 =	vge.f32 v18, $1.258291200e+07;
	v7 =	vld.idx.msk [tilespmem:v11+s21+$0x0], $0xffff;
	v11 =	vadd.s32 $0xB4C00100, v27  }
0x22c: {  	vm2 =	vge.f32 v21, $1.258291200e+07;
	v12 =	vadd.s32 $0xB4C00100, v28;
	v17 =	vadd.s32 $0xB4C00100, v14;
	v18 =	vld [tilespmem:s7+$0x8480];
	[tilespmem:s14+$0x8300] =	vst v24;
	s14 =	smov.u32 s18  }
0x22d: {  	v19 =	vadd.s32 $0xB4C00100, v16;
	v21 =	vmin.u32 v11, $0x1FF;
	v20 =	vld [tilespmem:s26+$0x8380];
	v22 =	vmul.f32 $6.400000000e+01, v15;
	v1 =	vmovc v15  }
0x22e: {  	s13 =	sadd.s32 $0x80, s13;
	v9 =	vnsel vm0, $0x0, v9;
	v24 =	vnsel vm1, $0x0, v5;
	v5 =	vmovc v23;
	v15 =	vmin.u32 v17, $0x1FF;
	v11 =	vld [tilespmem:s7+$0x8500]  }
0x22f: {  	s22 =	sand.u32 $0x3C00, s13;
	s18 =	sand.u32 $0x70, s2;
	v23 =	vmin.u32 v12, $0x1FF;
	v12 =	vsub.f32 v24, v3;
	v17 =	vld [tilespmem:s26+$0x8400];
	v3 =	vadd.f32 $1.258291200e+07, v22  }
0x230: {  	v25 =	vmin.u32 v19, $0x1FF;
	v19 =	vnsel vm2, $0x0, v13;
	s28 =	sor.u32 s18, s22;
	v10 =	vsub.f32 v9, v10  }
0x231: {  	v24 =	vmul.f32 $6.400000000e+01, v5;
	v7 =	vsub.f32 v19, v7;
	v22 =	vld [tilespmem:s28+$0x8300];
	[tilespmem:s8+$0x8580] =	vst v12;
	v12 =	vadd.s32 $0xB4C00100, v3;
	v9 =	vmovc v18  }
0x232: {  	v18 =	vmul.f32 $6.400000000e+01, v20;
	v26 =	vmul.f32 $6.400000000e+01, v9;
	[tilespmem:s16+$0x8480] =	vst v10;
	v10 =	vld.idx.msk [tilespmem:v21+s21+$0x0], $0xffff;
	v30 =	vmin.u32 v12, $0x1FF;
	v13 =	vmovc v20  }
.Ltmp11:
0x233: {  	v12 =	vadd.f32 $1.258291200e+07, v24;
	[tilespmem:s7+$0x8380] =	vst v7;
	v19 =	vmul.f32 $6.400000000e+01, v11;
	v20 =	vld.idx.msk [tilespmem:v15+s21+$0x0], $0xffff;
	v15 =	vmul.f32 $6.400000000e+01, v29;
	(pc) =	sbr.rel @p1 .LBB2_21-.Ltmp11, $4  }
0x234: {  	v21 =	vadd.f32 $1.258291200e+07, v18;
	v24 =	vmul.f32 $6.400000000e+01, v17;
	v23 =	vld.idx.msk [tilespmem:v23+s21+$0x0], $0xffff;
	v18 =	vadd.f32 $1.258291200e+07, v26  }
0x235: {  	vm3 =	vge.f32 v27, $1.258291200e+07;
	vm0 =	vge.f32 v14, $1.258291200e+07;
	v7 =	vadd.s32 $0xB4C00100, v12;
	v25 =	vld.idx.msk [tilespmem:v25+s21+$0x0], $0xffff  }
0x236: {  	s6 =	sadd.s32 $0x1, s6;
	vm2 =	vge.f32 v16, $1.258291200e+07;
	vm1 =	vge.f32 v28, $1.258291200e+07;
	v26 =	vadd.s32 $0xB4C00100, v18  }
0x237: {  	v14 =	vnsel vm3, $0x0, v2;
	v2 =	vmovc v29;
	s2 =	sadd.s32 $0x10, s2;
	s18 =	sand.u32 $0x7, s6;
	v16 =	vmin.u32 v7, $0x1FF;
	v27 =	vadd.s32 $0xB4C00100, v21;
	v7 =	vld.idx.msk [tilespmem:v30+s21+$0x0], $0xffff  }
0x238: {  	v28 =	vmul.f32 $6.400000000e+01, v22;
	_ =	sdelay $0x1  }
0x239: {  	v28 =	vadd.f32 $1.258291200e+07, v28  }
0x23a: {  	v29 =	vld [tilespmem:s28+$0x8380]  }
0x23b: {  	v30 =	vadd.s32 $0xB4C00100, v28  }
0x23c: {  	v30 =	vmin.u32 v30, $0x1FF;
	_ =	sdelay $0x2  }
0x23d: {  	v31 =	vmul.f32 $6.400000000e+01, v29  }
0x23e: {  	v27 =	vmin.u32 v27, $0x1FF  }
0x23f: {  	v8 =	vnsel vm2, $0x0, v8;
	v31 =	vadd.f32 $1.258291200e+07, v31;
	v30 =	vld.idx.msk [tilespmem:v30+s21+$0x0], $0xffff  }
0x240: {  	v8 =	vsub.f32 v8, v25;
	v25 =	vld [tilespmem:s28+$0x8400]  }
0x241: {  	v32 =	vadd.s32 $0xB4C00100, v31  }
0x242: {  	[tilespmem:s26+$0x8300] =	vst v8;
	vm2 =	vge.f32 v28, $1.258291200e+07;
	v8 =	vmin.u32 v32, $0x1FF  }
0x243: {  	v24 =	vadd.f32 $1.258291200e+07, v24;
	v27 =	vld.idx.msk [tilespmem:v27+s21+$0x0], $0xffff;
	v22 =	vnsel vm2, $0x0, v22  }
0x244: {  	v22 =	vsub.f32 v22, v30  }
0x245: {  	v52 =	vadd.s32 $0xB4C00100, v24;
	v53 =	vmul.f32 $6.400000000e+01, v25  }
0x246: {  	v28 =	vld [tilespmem:s26+$0x8480];
	vm2 =	vge.f32 v21, $1.258291200e+07;
	v21 =	vmin.u32 v52, $0x1FF;
	[tilespmem:s28+$0x8300] =	vst v22  }
0x247: {  	v13 =	vnsel vm2, $0x0, v13;
	v22 =	vadd.f32 $1.258291200e+07, v53;
	v54 =	vld.idx.msk [tilespmem:v8+s21+$0x0], $0xffff  }
0x248: {  	v8 =	vsub.f32 v13, v27;
	v13 =	vld [tilespmem:s28+$0x8480]  }
0x249: {  	v33 =	vadd.s32 $0xB4C00100, v22  }
0x24a: {  	vm2 =	vge.f32 v31, $1.258291200e+07;
	[tilespmem:s26+$0x8380] =	vst v8;
	v56 =	vmin.u32 v33, $0x1FF  }
0x24b: {  	v55 =	vmul.f32 $6.400000000e+01, v28;
	v29 =	vnsel vm2, $0x0, v29;
	v21 =	vld.idx.msk [tilespmem:v21+s21+$0x0], $0xffff  }
0x24c: {  	v29 =	vsub.f32 v29, v54  }
0x24d: {  	v6 =	vnsel vm1, $0x0, v6;
	v32 =	vadd.f32 $1.258291200e+07, v55;
	v34 =	vmul.f32 $6.400000000e+01, v13  }
0x24e: {  	v26 =	vmin.u32 v26, $0x1FF;
	v23 =	vsub.f32 v6, v23;
	vm1 =	vge.f32 v24, $1.258291200e+07;
	v27 =	vld [tilespmem:s26+$0x8500];
	[tilespmem:s28+$0x8380] =	vst v29  }
0x24f: {  	v17 =	vnsel vm1, $0x0, v17;
	v57 =	vadd.s32 $0xB4C00100, v32;
	v59 =	vadd.f32 $1.258291200e+07, v34;
	v29 =	vld.idx.msk [tilespmem:v56+s21+$0x0], $0xffff  }
0x250: {  	v58 =	vld [tilespmem:s28+$0x8500];
	v30 =	vmin.u32 v57, $0x1FF;
	v17 =	vsub.f32 v17, v21  }
0x251: {  	[tilespmem:s7+$0x8400] =	vst v23;
	v23 =	vadd.s32 $0xB4C00100, v59  }
0x252: {  	v24 =	vld [tilespmem:s7+$0x8580];
	vm1 =	vge.f32 v22, $1.258291200e+07;
	[tilespmem:s26+$0x8400] =	vst v17;
	v17 =	vmin.u32 v23, $0x1FF  }
0x253: {  	v19 =	vadd.f32 $1.258291200e+07, v19;
	v26 =	vld.idx.msk [tilespmem:v26+s21+$0x0], $0xffff;
	v23 =	vnsel vm1, $0x0, v25  }
0x254: {  	v4 =	vnsel vm0, $0x0, v4;
	v25 =	vmul.f32 $6.400000000e+01, v27;
	v23 =	vsub.f32 v23, v29  }
0x255: {  	vm1 =	vge.f32 v18, $1.258291200e+07;
	v18 =	vadd.s32 $0xB4C00100, v19;
	v22 =	vld.idx.msk [tilespmem:v30+s21+$0x0], $0xffff;
	v29 =	vmul.f32 $6.400000000e+01, v58  }
0x256: {  	v4 =	vsub.f32 v4, v20;
	v21 =	vld [tilespmem:s26+$0x8580];
	v18 =	vmin.u32 v18, $0x1FF;
	v25 =	vadd.f32 $1.258291200e+07, v25;
	[tilespmem:s28+$0x8400] =	vst v23  }
0x257: {  	v9 =	vnsel vm1, $0x0, v9;
	vm1 =	vge.f32 v32, $1.258291200e+07;
	v23 =	vadd.f32 $1.258291200e+07, v29;
	v17 =	vld.idx.msk [tilespmem:v17+s21+$0x0], $0xffff  }
0x258: {  	v61 =	vld [tilespmem:s28+$0x8580];
	v9 =	vsub.f32 v9, v26;
	v26 =	vmul.f32 $6.400000000e+01, v24;
	v29 =	vadd.s32 $0xB4C00100, v25  }
0x259: {  	v28 =	vnsel vm1, $0x0, v28;
	v29 =	vmin.u32 v29, $0x1FF;
	v62 =	vadd.s32 $0xB4C00100, v23  }
0x25a: {  	v6 =	vld [tilespmem:s26+$0x8600];
	vm1 =	vge.f32 v59, $1.258291200e+07;
	[tilespmem:s7+$0x8480] =	vst v9;
	v9 =	vsub.f32 v28, v22;
	v22 =	vmin.u32 v62, $0x1FF  }
0x25b: {  	[tilespmem:s16+$0x8500] =	vst v4;
	v13 =	vnsel vm1, $0x0, v13;
	v26 =	vadd.f32 $1.258291200e+07, v26;
	v18 =	vld.idx.msk [tilespmem:v18+s21+$0x0], $0xffff  }
0x25c: {  	v16 =	vld.idx.msk [tilespmem:v16+s21+$0x0], $0xffff;
	v13 =	vsub.f32 v13, v17;
	v17 =	vmul.f32 $6.400000000e+01, v21  }
0x25d: {  	vm0 =	vge.f32 v19, $1.258291200e+07;
	v8 =	vld [tilespmem:s7+$0x8600];
	v19 =	vadd.s32 $0xB4C00100, v26;
	[tilespmem:s26+$0x8480] =	vst v9;
	v9 =	vmul.f32 $6.400000000e+01, v61  }
0x25e: {  	[tilespmem:s28+$0x8480] =	vst v13;
	v13 =	vadd.f32 $1.258291200e+07, v15;
	v15 =	vmin.u32 v19, $0x1FF;
	v19 =	vld.idx.msk [tilespmem:v29+s21+$0x0], $0xffff;
	v17 =	vadd.f32 $1.258291200e+07, v17  }
0x25f: {  	v11 =	vnsel vm0, $0x0, v11;
	vm1 =	vge.f32 v12, $1.258291200e+07;
	v9 =	vadd.f32 $1.258291200e+07, v9;
	v12 =	vld.idx.msk [tilespmem:v22+s21+$0x0], $0xffff  }
0x260: {  	v60 =	vld [tilespmem:s28+$0x8600];
	vm0 =	vge.f32 v25, $1.258291200e+07;
	v11 =	vsub.f32 v11, v18;
	v18 =	vadd.s32 $0xB4C00100, v17  }
0x261: {  	v5 =	vnsel vm1, $0x0, v5;
	v20 =	vadd.s32 $0xB4C00100, v9;
	v18 =	vmin.u32 v18, $0x1FF  }
0x262: {  	[tilespmem:s7+$0x8500] =	vst v11;
	v11 =	vnsel vm0, $0x0, v27;
	vm0 =	vge.f32 v23, $1.258291200e+07;
	v20 =	vmin.u32 v20, $0x1FF  }
0x263: {  	v22 =	vmul.f32 $6.400000000e+01, v8;
	v15 =	vld.idx.msk [tilespmem:v15+s21+$0x0], $0xffff;
	v11 =	vsub.f32 v11, v19;
	v19 =	vnsel vm0, $0x0, v58  }
0x264: {  	v5 =	vsub.f32 v5, v16;
	v23 =	vmul.f32 $6.400000000e+01, v6;
	v12 =	vsub.f32 v19, v12  }
0x265: {  	v4 =	vadd.s32 $0xB4C00100, v13;
	v19 =	vadd.f32 $1.258291200e+07, v22;
	[tilespmem:s26+$0x8500] =	vst v11;
	v11 =	vmul.f32 $6.400000000e+01, v60  }
0x266: {  	v16 =	vadd.f32 $1.258291200e+07, v23;
	v4 =	vmin.u32 v4, $0x1FF;
	vm0 =	vge.f32 v26, $1.258291200e+07;
	v18 =	vld.idx.msk [tilespmem:v18+s21+$0x0], $0xffff;
	[tilespmem:s28+$0x8500] =	vst v12  }
0x267: {  	v22 =	vnsel vm0, $0x0, v24;
	v12 =	vadd.s32 $0xB4C00100, v19;
	v11 =	vadd.f32 $1.258291200e+07, v11;
	v20 =	vld.idx.msk [tilespmem:v20+s21+$0x0], $0xffff  }
0x268: {  	v12 =	vmin.u32 v12, $0x1FF;
	v15 =	vsub.f32 v22, v15;
	v22 =	vadd.s32 $0xB4C00100, v16  }
0x269: {  	vm0 =	vge.f32 v17, $1.258291200e+07;
	v17 =	vmin.u32 v22, $0x1FF;
	v22 =	vadd.s32 $0xB4C00100, v11  }
0x26a: {  	v21 =	vnsel vm0, $0x0, v21;
	vm0 =	vge.f32 v9, $1.258291200e+07;
	v9 =	vmin.u32 v22, $0x1FF  }
0x26b: {  	[tilespmem:s16+$0x8580] =	vst v5;
	v5 =	vsub.f32 v21, v18;
	v18 =	vnsel vm0, $0x0, v61  }
0x26c: {  	v4 =	vld.idx.msk [tilespmem:v4+s21+$0x0], $0xffff;
	[tilespmem:s7+$0x8580] =	vst v15;
	v15 =	vsub.f32 v18, v20  }
0x26d: {  	s6 =	sadd.s32 $0x1, s6;
	v12 =	vld.idx.msk [tilespmem:v12+s21+$0x0], $0xffff;
	[tilespmem:s26+$0x8580] =	vst v5  }
0x26e: {  	s2 =	sshll.u32 s18, $0x4;
	s22 =	sand.u32 $0x7, s6;
	v5 =	vld.idx.msk [tilespmem:v17+s21+$0x0], $0xffff;
	[tilespmem:s28+$0x8580] =	vst v15  }
0x26f: {  	s2 =	sadd.s32 s2, s15;
	s22 =	sshll.u32 s22, $0x4;
	vm0 =	vge.f32 v13, $1.258291200e+07;
	v9 =	vld.idx.msk [tilespmem:v9+s21+$0x0], $0xffff  }
0x270: {  	v10 =	vsub.f32 v14, v10;
	s18 =	sadd.s32 $0x1, s6;
	s2 =	sor.u32 $0x380, s2;
	s15 =	sadd.s32 s22, s17;
	v2 =	vnsel vm0, $0x0, v2;
	vm0 =	vge.f32 v19, $1.258291200e+07  }
0x271: {  	s22 =	sand.u32 $0x7, s18;
	s17 =	sadd.s32 $0x1, s18;
	s6 =	sor.u32 $0x380, s15;
	v2 =	vsub.f32 v2, v4;
	v4 =	vnsel vm0, $0x0, v8;
	vm0 =	vge.f32 v16, $1.258291200e+07  }
0x272: {  	[tilespmem:s8+$0x8600] =	vst v10;
	s15 =	sshll.u32 s22, $0x4;
	s18 =	sand.u32 $0x7, s17;
	s17 =	sadd.s32 $0x1, s17;
	v6 =	vnsel vm0, $0x0, v6;
	vm0 =	vge.f32 v11, $1.258291200e+07;
	v4 =	vsub.f32 v4, v12  }
0x273: {  	s8 =	sadd.s32 s15, s19;
	s15 =	sshll.u32 s18, $0x4;
	s19 =	sand.u32 $0x7, s17;
	v8 =	vld [tilespmem:s2+$0x8300];
	[tilespmem:s16+$0x8600] =	vst v2;
	v2 =	vsub.f32 v6, v5;
	v5 =	vnsel vm0, $0x0, v60  }
0x274: {  	s22 =	sor.u32 $0x380, s8;
	s15 =	sadd.s32 s15, s11;
	s16 =	sshll.u32 s19, $0x4;
	v6 =	vld [tilespmem:s6+$0x8300];
	[tilespmem:s7+$0x8600] =	vst v4;
	v4 =	vsub.f32 v5, v9  }
0x275: {  	s8 =	sor.u32 $0x380, s15;
	s11 =	sadd.s32 s16, s13;
	v5 =	vld [tilespmem:s22+$0x8300];
	[tilespmem:s26+$0x8600] =	vst v2  }
0x276: {  	s11 =	sor.u32 $0x380, s11;
	v2 =	vld [tilespmem:s8+$0x8300];
	[tilespmem:s28+$0x8600] =	vst v4  }
0x277: {  	v4 =	vld [tilespmem:s11+$0x8300]  }
0x278: {  	v9 =	vmul.f32 $6.400000000e+01, v8  }
0x279: {  	v10 =	vmul.f32 $6.400000000e+01, v6  }
0x27a: {  	v9 =	vadd.f32 $1.258291200e+07, v9;
	v11 =	vmul.f32 $6.400000000e+01, v5  }
0x27b: {  	v10 =	vadd.f32 $1.258291200e+07, v10;
	v12 =	vmul.f32 $6.400000000e+01, v2  }
0x27c: {  	v13 =	vadd.s32 $0xB4C00100, v9;
	v11 =	vadd.f32 $1.258291200e+07, v11;
	v14 =	vmul.f32 $6.400000000e+01, v4  }
0x27d: {  	v13 =	vmin.u32 v13, $0x1FF;
	v15 =	vadd.s32 $0xB4C00100, v10;
	v12 =	vadd.f32 $1.258291200e+07, v12  }
0x27e: {  	v15 =	vmin.u32 v15, $0x1FF;
	v16 =	vadd.s32 $0xB4C00100, v11;
	v14 =	vadd.f32 $1.258291200e+07, v14  }
0x27f: {  	v16 =	vmin.u32 v16, $0x1FF;
	v17 =	vadd.s32 $0xB4C00100, v12  }
0x280: {  	v17 =	vmin.u32 v17, $0x1FF;
	v18 =	vadd.s32 $0xB4C00100, v14  }
0x281: {  	v18 =	vmin.u32 v18, $0x1FF  }
0x282: {  	v13 =	vld.idx.msk [tilespmem:v13+s21+$0x0], $0xffff  }
0x283: {  	v15 =	vld.idx.msk [tilespmem:v15+s21+$0x0], $0xffff  }
0x284: {  	vm0 =	vge.f32 v3, $1.258291200e+07;
	v3 =	vld.idx.msk [tilespmem:v16+s21+$0x0], $0xffff  }
0x285: {  	v1 =	vnsel vm0, $0x0, v1;
	vm0 =	vge.f32 v9, $1.258291200e+07;
	v9 =	vld.idx.msk [tilespmem:v17+s21+$0x0], $0xffff  }
0x286: {  	v1 =	vsub.f32 v1, v7;
	v7 =	vnsel vm0, $0x0, v8;
	vm0 =	vge.f32 v10, $1.258291200e+07;
	v8 =	vld.idx.msk [tilespmem:v18+s21+$0x0], $0xffff  }
0x287: {  	v6 =	vnsel vm0, $0x0, v6;
	vm0 =	vge.f32 v11, $1.258291200e+07;
	v7 =	vsub.f32 v7, v13  }
0x288: {  	[tilespmem:s14+$0x8300] =	vst v1;
	v5 =	vnsel vm0, $0x0, v5;
	vm0 =	vge.f32 v12, $1.258291200e+07;
	v1 =	vsub.f32 v6, v15  }
0x289: {  	v2 =	vnsel vm0, $0x0, v2;
	vm0 =	vge.f32 v14, $1.258291200e+07;
	[tilespmem:s2+$0x8300] =	vst v7;
	v3 =	vsub.f32 v5, v3  }
0x28a: {  	[tilespmem:s6+$0x8300] =	vst v1;
	v1 =	vsub.f32 v2, v9;
	v2 =	vnsel vm0, $0x0, v4  }
0x28b: {  	[tilespmem:s22+$0x8300] =	vst v3;
	v2 =	vsub.f32 v2, v8  }
0x28c: {  	s17 =	sadd.s32 s10, s4;
	[tilespmem:s8+$0x8300] =	vst v1  }
0x28d: {  	s2 =	sadd.s32 $0x1000, s17;
	s22 =	simm.s32 $0x8300;
	[tilespmem:s11+$0x8300] =	vst v2  }
0x28e: {  	[hbm4b:s2+s5] =	stream.linear.scatter [tilespmem:s22], [sflag:$0x7], $0x4000, $0x38;
	[tilespmem:$0x10300] =	vst v63  }
0x28f: {  	s2 =	simm.s32 @!p0 $0x6  }
0x290: {  	_ =	swait.ge @!p0 [sflag:s2], $0x4000  }
0x291: {  	[sflag:s2] =	ssyncset.done @!p0 $0x0  }
0x292: {  	[sflag:s2] =	ssyncadd.s32 @!p0 $0xFFFFC000;
	s2 =	rddreg [dreg:$0x5]  }
0x293: {  	s6 =	simm.s32 @!p0 $0x4300;
	s1 =	sadd.s32 @!p0 s1, s2;
	s2 =	simm.s32 @!p0 $0x0  }
0x294: {  	[tilespmem:s6], [sflag:$0x2] =	stream.linear.gather @!p0 [hbm4b:s1+s2], $0x4000, $0x38;
	[tilespmem:$0x10300] =	vst v63  }
0x295: {  	s13 =	simm.s32 $0x0;
	_ =	swait.ge [sflag:s25], $0x4000  }
0x296: {  	s18 =	sand.u32 $0x70, s13;
	s19 =	sand.u32 $0x3C00, s13;
	[sflag:s25] =	ssyncset.done $0x0  }
0x297: {  	s6 =	sor.u32 s18, s19;
	[sflag:s25] =	ssyncadd.s32 $0xFFFFC000  }
0x298: {  	v1 =	vld [tilespmem:s6+$0xC300];
	_ =	sdelay $0x4  }
0x299: {  	v2 =	vmul.f32 $6.400000000e+01, v1;
	_ =	sdelay $0x1  }
0x29a: {  	v2 =	vadd.f32 $1.258291200e+07, v2  }
0x29b: {  	v3 =	vld [tilespmem:s6+$0xC380]  }
0x29c: {  	v4 =	vadd.s32 $0xB4C00100, v2  }
0x29d: {  	v4 =	vmin.u32 v4, $0x1FF  }
0x29e: {  	s26 =	simm.s32 $0x10;
	s8 =	simm.s32 $0x80  }
0x29f: {  	s28 =	sand.u32 $0x3C00, s8;
	s1 =	sand.u32 $0x70, s26  }
0x2a0: {  	s1 =	sor.u32 s1, s28;
	v6 =	vld [tilespmem:s6+$0xC400];
	v5 =	vmul.f32 $6.400000000e+01, v3  }
0x2a1: {  	v7 =	vld [tilespmem:s1+$0xC300]  }
0x2a2: {  	v5 =	vadd.f32 $1.258291200e+07, v5;
	v4 =	vld.idx.msk [tilespmem:v4+s21+$0x0], $0xffff;
	_ =	sdelay $0x1  }
0x2a3: {  	v8 =	vadd.s32 $0xB4C00100, v5  }
0x2a4: {  	vm0 =	vge.f32 v2, $1.258291200e+07;
	v2 =	vmin.u32 v8, $0x1FF  }
0x2a5: {  	v1 =	vnsel vm0, $0x0, v1  }
0x2a6: {  	v8 =	vmul.f32 $6.400000000e+01, v7;
	v1 =	vsub.f32 v1, v4;
	v4 =	vmul.f32 $6.400000000e+01, v6;
	_ =	sdelay $0x1  }
0x2a7: {  	[tilespmem:s6+$0xC300] =	vst v1;
	v1 =	vadd.f32 $1.258291200e+07, v4;
	v4 =	vadd.f32 $1.258291200e+07, v8  }
0x2a8: {  	v2 =	vld.idx.msk [tilespmem:v2+s21+$0x0], $0xffff  }
0x2a9: {  	vm0 =	vge.f32 v5, $1.258291200e+07;
	v8 =	vld [tilespmem:s6+$0xC480];
	v5 =	vadd.s32 $0xB4C00100, v4  }
0x2aa: {  	v10 =	vld [tilespmem:s1+$0xC380];
	v9 =	vadd.s32 $0xB4C00100, v1;
	v5 =	vmin.u32 v5, $0x1FF  }
0x2ab: {  	s15 =	simm.s32 $0x100;
	s7 =	simm.s32 $0x20;
	v9 =	vmin.u32 v9, $0x1FF  }
0x2ac: {  	s10 =	sand.u32 $0x3C00, s15;
	s2 =	sand.u32 $0x70, s7;
	v3 =	vnsel vm0, $0x0, v3  }
0x2ad: {  	s10 =	sor.u32 s2, s10;
	v2 =	vsub.f32 v3, v2  }
0x2ae: {  	v14 =	vld [tilespmem:s10+$0xC300];
	v3 =	vmul.f32 $6.400000000e+01, v8  }
0x2af: {  	v11 =	vmul.f32 $6.400000000e+01, v10;
	[tilespmem:s6+$0xC380] =	vst v2;
	v5 =	vld.idx.msk [tilespmem:v5+s21+$0x0], $0xffff  }
0x2b0: {  	v3 =	vadd.f32 $1.258291200e+07, v3;
	v2 =	vld.idx.msk [tilespmem:v9+s21+$0x0], $0xffff  }
0x2b1: {  	v9 =	vadd.f32 $1.258291200e+07, v11;
	v11 =	vld [tilespmem:s6+$0xC500]  }
0x2b2: {  	v13 =	vld [tilespmem:s1+$0xC400];
	vm0 =	vge.f32 v1, $1.258291200e+07;
	vm1 =	vge.f32 v4, $1.258291200e+07;
	v12 =	vadd.s32 $0xB4C00100, v3  }
0x2b3: {  	v4 =	vnsel vm0, $0x0, v6;
	v1 =	vadd.s32 $0xB4C00100, v9;
	v12 =	vmin.u32 v12, $0x1FF  }
0x2b4: {  	v6 =	vnsel vm1, $0x0, v7;
	v7 =	vmul.f32 $6.400000000e+01, v14;
	v1 =	vmin.u32 v1, $0x1FF  }
0x2b5: {  	v2 =	vsub.f32 v4, v2  }
0x2b6: {  	v7 =	vadd.f32 $1.258291200e+07, v7;
	v4 =	vsub.f32 v6, v5;
	v5 =	vmul.f32 $6.400000000e+01, v11  }
0x2b7: {  	v6 =	vld [tilespmem:s6+$0xC580];
	[tilespmem:s6+$0xC400] =	vst v2;
	v2 =	vmul.f32 $6.400000000e+01, v13  }
0x2b8: {  	v16 =	vadd.s32 $0xB4C00100, v7;
	[tilespmem:s1+$0xC300] =	vst v4;
	v5 =	vadd.f32 $1.258291200e+07, v5;
	v4 =	vld.idx.msk [tilespmem:v12+s21+$0x0], $0xffff  }
0x2b9: {  	v16 =	vmin.u32 v16, $0x1FF;
	v1 =	vld.idx.msk [tilespmem:v1+s21+$0x0], $0xffff;
	v2 =	vadd.f32 $1.258291200e+07, v2  }
0x2ba: {  	vm0 =	vge.f32 v3, $1.258291200e+07;
	v12 =	vld [tilespmem:s1+$0xC480];
	v3 =	vadd.s32 $0xB4C00100, v5  }
0x2bb: {  	v15 =	vld [tilespmem:s10+$0xC380];
	vm1 =	vge.f32 v9, $1.258291200e+07;
	v3 =	vmin.u32 v3, $0x1FF;
	v9 =	vadd.s32 $0xB4C00100, v2  }
0x2bc: {  	v8 =	vnsel vm0, $0x0, v8;
	v9 =	vmin.u32 v9, $0x1FF  }
0x2bd: {  	v17 =	vld [tilespmem:s6+$0xC600];
	v10 =	vnsel vm1, $0x0, v10;
	v4 =	vsub.f32 v8, v4  }
0x2be: {  	v16 =	vld.idx.msk [tilespmem:v16+s21+$0x0], $0xffff;
	v1 =	vsub.f32 v10, v1;
	v8 =	vmul.f32 $6.400000000e+01, v6  }
0x2bf: {  	v10 =	vld [tilespmem:s1+$0xC500];
	v19 =	vmul.f32 $6.400000000e+01, v12;
	[tilespmem:s6+$0xC480] =	vst v4  }
0x2c0: {  	s16 =	simm.s32 $0x180;
	s11 =	simm.s32 $0x30;
	v18 =	vmul.f32 $6.400000000e+01, v15;
	[tilespmem:s1+$0xC380] =	vst v1;
	v1 =	vld.idx.msk [tilespmem:v3+s21+$0x0], $0xffff;
	v3 =	vadd.f32 $1.258291200e+07, v8  }
0x2c1: {  	s14 =	sand.u32 $0x3C00, s16;
	s2 =	sand.u32 $0x70, s11;
	vm1 =	vge.f32 v7, $1.258291200e+07;
	v8 =	vld.idx.msk [tilespmem:v9+s21+$0x0], $0xffff;
	v9 =	vadd.f32 $1.258291200e+07, v19  }
0x2c2: {  	s7 =	sor.u32 s2, s14;
	vm0 =	vge.f32 v5, $1.258291200e+07;
	v4 =	vadd.f32 $1.258291200e+07, v18;
	v18 =	vld [tilespmem:s10+$0xC400];
	v5 =	vadd.s32 $0xB4C00100, v3  }
0x2c3: {  	vm2 =	vge.f32 v2, $1.258291200e+07;
	v19 =	vld [tilespmem:s7+$0xC300];
	v2 =	vadd.s32 $0xB4C00100, v9;
	v5 =	vmin.u32 v5, $0x1FF  }
0x2c4: {  	v11 =	vnsel vm0, $0x0, v11;
	v7 =	vadd.s32 $0xB4C00100, v4;
	v2 =	vmin.u32 v2, $0x1FF  }
0x2c5: {  	v13 =	vnsel vm2, $0x0, v13;
	v20 =	vmin.u32 v7, $0x1FF;
	v1 =	vsub.f32 v11, v1  }
0x2c6: {  	v11 =	vnsel vm1, $0x0, v14;
	v8 =	vsub.f32 v13, v8;
	v13 =	vmul.f32 $6.400000000e+01, v17  }
0x2c7: {  	v14 =	vld [tilespmem:s1+$0xC580];
	v11 =	vsub.f32 v11, v16;
	v16 =	vmul.f32 $6.400000000e+01, v18;
	[tilespmem:s6+$0xC500] =	vst v1  }
0x2c8: {  	v1 =	vmul.f32 $6.400000000e+01, v10;
	[tilespmem:s1+$0xC400] =	vst v8;
	v5 =	vld.idx.msk [tilespmem:v5+s21+$0x0], $0xffff;
	v8 =	vmul.f32 $6.400000000e+01, v19;
	v13 =	vadd.f32 $1.258291200e+07, v13  }
0x2c9: {  	vm2 =	vge.f32 v4, $1.258291200e+07;
	[tilespmem:s10+$0xC300] =	vst v11;
	v11 =	vadd.f32 $1.258291200e+07, v16;
	v2 =	vld.idx.msk [tilespmem:v2+s21+$0x0], $0xffff  }
0x2ca: {  	v1 =	vadd.f32 $1.258291200e+07, v1;
	v16 =	vld.idx.msk [tilespmem:v20+s21+$0x0], $0xffff;
	v20 =	vadd.f32 $1.258291200e+07, v8;
	v8 =	vadd.s32 $0xB4C00100, v13  }
0x2cb: {  	v21 =	vld [tilespmem:s7+$0xC380];
	vm0 =	vge.f32 v9, $1.258291200e+07;
	vm1 =	vge.f32 v3, $1.258291200e+07;
	v23 =	vmin.u32 v8, $0x1FF  }
0x2cc: {  	v3 =	vld [tilespmem:s10+$0xC480];
	v6 =	vnsel vm1, $0x0, v6;
	v9 =	vadd.s32 $0xB4C00100, v11;
	v4 =	vadd.s32 $0xB4C00100, v1  }
0x2cd: {  	v8 =	vnsel vm0, $0x0, v12;
	v12 =	vmin.u32 v4, $0x1FF;
	v5 =	vsub.f32 v6, v5  }
0x2ce: {  	v7 =	vld [tilespmem:s1+$0xC600];
	v9 =	vmin.u32 v9, $0x1FF;
	v2 =	vsub.f32 v8, v2  }
0x2cf: {  	v15 =	vnsel vm2, $0x0, v15;
	v24 =	vmul.f32 $6.400000000e+01, v14;
	v22 =	vadd.s32 $0xB4C00100, v20;
	v4 =	vld [tilespmem:s10+$0xC500];
	[tilespmem:s6+$0xC580] =	vst v5  }
0x2d0: {  	vm1 =	vge.f32 v13, $1.258291200e+07;
	v22 =	vmin.u32 v22, $0x1FF;
	v15 =	vsub.f32 v15, v16;
	[tilespmem:s1+$0xC480] =	vst v2;
	v2 =	vld.idx.msk [tilespmem:v23+s21+$0x0], $0xffff  }
0x2d1: {  	s17 =	simm.s32 $0x40;
	s11 =	simm.s32 $0x200;
	v6 =	vld [tilespmem:s7+$0xC400];
	v16 =	vmul.f32 $6.400000000e+01, v3;
	v5 =	vmul.f32 $6.400000000e+01, v21;
	v23 =	vadd.f32 $1.258291200e+07, v24  }
0x2d2: {  	s2 =	sand.u32 $0x70, s17;
	s18 =	sand.u32 $0x3C00, s11;
	vm3 =	vge.f32 v11, $1.258291200e+07;
	vm0 =	vge.f32 v1, $1.258291200e+07;
	vm2 =	vge.f32 v20, $1.258291200e+07;
	[tilespmem:s10+$0xC380] =	vst v15;
	v12 =	vld.idx.msk [tilespmem:v12+s21+$0x0], $0xffff  }
0x2d3: {  	s17 =	sor.u32 s2, s18;
	v16 =	vadd.f32 $1.258291200e+07, v16;
	v24 =	vadd.f32 $1.258291200e+07, v5;
	v5 =	vld.idx.msk [tilespmem:v9+s21+$0x0], $0xffff;
	v1 =	vadd.s32 $0xB4C00100, v23  }
0x2d4: {  	s19 =	sand.u32 $0x7, s13;
	v8 =	vld [tilespmem:s17+$0xC300];
	v15 =	vmul.f32 $6.400000000e+01, v7;
	v20 =	vmin.u32 v1, $0x1FF;
	v1 =	vnsel vm1, $0x0, v17  }
0x2d5: {  	s2 =	sshll.u32 s19, $0x4;
	v10 =	vnsel vm0, $0x0, v10;
	v9 =	vld.idx.msk [tilespmem:v22+s21+$0x0], $0xffff;
	v11 =	vadd.s32 $0xB4C00100, v16;
	v1 =	vsub.f32 v1, v2  }
0x2d6: {  	s2 =	sadd.s32 $0x0, s2;
	v25 =	vadd.f32 $1.258291200e+07, v15;
	v13 =	vadd.s32 $0xB4C00100, v24;
	v11 =	vmin.u32 v11, $0x1FF  }
0x2d7: {  	s14 =	sor.u32 $0x380, s2;
	v17 =	vnsel vm3, $0x0, v18;
	v18 =	vnsel vm2, $0x0, v19;
	v10 =	vsub.f32 v10, v12;
	[tilespmem:s6+$0xC600] =	vst v1  }
0x2d8: {  	v19 =	vmul.f32 $6.400000000e+01, v4;
	v13 =	vmin.u32 v13, $0x1FF;
	v17 =	vsub.f32 v17, v5;
	v1 =	vld [tilespmem:s14+$0xC300]  }
0x2d9: {  	vm0 =	vge.f32 v16, $1.258291200e+07;
	v22 =	vmul.f32 $6.400000000e+01, v8;
	v12 =	vmul.f32 $6.400000000e+01, v6;
	v5 =	vld [tilespmem:s10+$0xC580];
	[tilespmem:s1+$0xC500] =	vst v10  }
0x2da: {  	vm1 =	vge.f32 v23, $1.258291200e+07;
	vm2 =	vge.f32 v24, $1.258291200e+07;
	v9 =	vsub.f32 v18, v9;
	[tilespmem:s10+$0xC400] =	vst v17;
	v10 =	vld.idx.msk [tilespmem:v20+s21+$0x0], $0xffff  }
0x2db: {  	vm3 =	vge.f32 v25, $1.258291200e+07;
	v27 =	vadd.f32 $1.258291200e+07, v19;
	v26 =	vadd.f32 $1.258291200e+07, v12;
	v12 =	vld.idx.msk [tilespmem:v11+s21+$0x0], $0xffff  }
0x2dc: {  	v28 =	vadd.f32 $1.258291200e+07, v22;
	v22 =	vnsel vm0, $0x0, v3;
	v3 =	vnsel vm1, $0x0, v14;
	[tilespmem:s7+$0xC300] =	vst v9;
	v9 =	vld [tilespmem:s7+$0xC480]  }
0x2dd: {  	v17 =	vadd.s32 $0xB4C00100, v27;
	v11 =	vadd.s32 $0xB4C00100, v25;
	v15 =	vld.idx.msk [tilespmem:v13+s21+$0x0], $0xffff;
	v20 =	vmul.f32 $6.400000000e+01, v1  }
0x2de: {  	v18 =	vadd.s32 $0xB4C00100, v28;
	v23 =	vmin.u32 v17, $0x1FF;
	v13 =	vld [tilespmem:s17+$0xC380];
	v19 =	vmin.u32 v11, $0x1FF  }
0x2df: {  	s26 =	simm.s32 $0x50;
	s13 =	simm.s32 $0x280;
	v17 =	vld [tilespmem:s17+$0xC400];
	v16 =	vadd.s32 $0xB4C00100, v26;
	v10 =	vsub.f32 v3, v10;
	v3 =	vadd.f32 $1.258291200e+07, v20  }
0x2e0: {  	s28 =	sand.u32 $0x3C00, s13;
	s2 =	sand.u32 $0x70, s26;
	v11 =	vld [tilespmem:s7+$0xC500];
	v14 =	vmin.u32 v16, $0x1FF;
	v16 =	vmin.u32 v18, $0x1FF;
	v18 =	vnsel vm2, $0x0, v21  }
0x2e1: {  	s19 =	sor.u32 s2, s28;
	v2 =	vld [tilespmem:s10+$0xC600];
	v12 =	vsub.f32 v22, v12;
	v29 =	vmul.f32 $6.400000000e+01, v9;
	v20 =	vadd.s32 $0xB4C00100, v3  }
0x2e2: {  	v22 =	vld [tilespmem:s19+$0xC300];
	v18 =	vsub.f32 v18, v15;
	v15 =	vmul.f32 $6.400000000e+01, v5;
	[tilespmem:s1+$0xC580] =	vst v10;
	v63 =	vmin.u32 v20, $0x1FF  }
0x2e3: {  	vm0 =	vge.f32 v27, $1.258291200e+07;
	vm1 =	vge.f32 v26, $1.258291200e+07;
	v21 =	vmul.f32 $6.400000000e+01, v13;
	[tilespmem:s10+$0xC480] =	vst v12;
	v10 =	vld.idx.msk [tilespmem:v19+s21+$0x0], $0xffff  }
0x2e4: {  	vm2 =	vge.f32 v28, $1.258291200e+07;
	v12 =	vadd.f32 $1.258291200e+07, v15;
	[tilespmem:s7+$0xC380] =	vst v18;
	v18 =	vadd.f32 $1.258291200e+07, v29;
	v20 =	vld.idx.msk [tilespmem:v23+s21+$0x0], $0xffff  }
0x2e5: {  	v24 =	vmul.f32 $6.400000000e+01, v17;
	v19 =	vmul.f32 $6.400000000e+01, v11;
	v21 =	vadd.f32 $1.258291200e+07, v21;
	v23 =	vld.idx.msk [tilespmem:v14+s21+$0x0], $0xffff  }
0x2e6: {  	s6 =	simm.s32 $0x1;
	v25 =	vld.idx.msk [tilespmem:v16+s21+$0x0], $0xffff;
	v15 =	vmul.f32 $6.400000000e+01, v2;
	v14 =	vadd.s32 $0xB4C00100, v12;
	v26 =	vadd.s32 $0xB4C00100, v18  }
0x2e7: {  	s2 =	simm.s32 $0x60;
	s18 =	sand.u32 $0x7, s6;
	v27 =	vadd.s32 $0xB4C00100, v21;
	v16 =	vmin.u32 v14, $0x1FF;
	v14 =	vnsel vm3, $0x0, v7;
	v7 =	vld.idx.msk [tilespmem:v63+s21+$0x0], $0xffff  }
.LBB2_23:
0x2e8: {  	p1 =	sne.s32 s2, $0x7F0;
	v26 =	vmin.u32 v26, $0x1FF;
	v28 =	vnsel vm0, $0x0, v4;
	s18 =	sshll.u32 s18, $0x4;
	v10 =	vsub.f32 v14, v10;
	v4 =	vmovc v11  }
0x2e9: {  	v11 =	vmin.u32 v27, $0x1FF;
	v14 =	vnsel vm1, $0x0, v6;
	v6 =	vmovc v17;
	v29 =	vld [tilespmem:s7+$0xC600];
	v20 =	vsub.f32 v28, v20;
	s18 =	sadd.s32 s18, s8;
	s8 =	smov.u32 s15;
	s15 =	smov.u32 s16  }
0x2ea: {  	v17 =	vmul.f32 $6.400000000e+01, v22;
	v27 =	vnsel vm2, $0x0, v8;
	v8 =	vmovc v22;
	v14 =	vsub.f32 v14, v23;
	s16 =	smov.u32 s11;
	s11 =	smov.u32 s13;
	v23 =	vld [tilespmem:s7+$0xC580];
	[tilespmem:s1+$0xC600] =	vst v10;
	s18 =	sor.u32 $0x380, s18  }
0x2eb: {  	vm0 =	vge.f32 v3, $1.258291200e+07;
	v10 =	vsub.f32 v27, v25;
	v27 =	vadd.f32 $1.258291200e+07, v15;
	s1 =	smov.u32 s10;
	[tilespmem:s10+$0xC500] =	vst v20;
	v15 =	vld [tilespmem:s18+$0xC300];
	s10 =	smov.u32 s7;
	s7 =	smov.u32 s17  }
0x2ec: {  	v28 =	vadd.f32 $1.258291200e+07, v24;
	v1 =	vnsel vm0, $0x0, v1;
	s17 =	smov.u32 s19;
	[tilespmem:s10+$0xC400] =	vst v14;
	v14 =	vadd.f32 $1.258291200e+07, v19;
	v3 =	vld.idx.msk [tilespmem:v16+s21+$0x0], $0xffff  }
0x2ed: {  	v16 =	vadd.f32 $1.258291200e+07, v17;
	v24 =	vsub.f32 v1, v7;
	[tilespmem:s7+$0xC300] =	vst v10;
	v10 =	vld.idx.msk [tilespmem:v26+s21+$0x0], $0xffff  }
0x2ee: {  	vm1 =	vge.f32 v12, $1.258291200e+07;
	vm0 =	vge.f32 v18, $1.258291200e+07;
	v7 =	vld.idx.msk [tilespmem:v11+s21+$0x0], $0xffff;
	v11 =	vadd.s32 $0xB4C00100, v27  }
0x2ef: {  	vm2 =	vge.f32 v21, $1.258291200e+07;
	v12 =	vadd.s32 $0xB4C00100, v28;
	v17 =	vadd.s32 $0xB4C00100, v14;
	v18 =	vld [tilespmem:s7+$0xC480];
	[tilespmem:s14+$0xC300] =	vst v24;
	s14 =	smov.u32 s18  }
0x2f0: {  	v19 =	vadd.s32 $0xB4C00100, v16;
	v21 =	vmin.u32 v11, $0x1FF;
	v20 =	vld [tilespmem:s17+$0xC380];
	v22 =	vmul.f32 $6.400000000e+01, v15;
	v1 =	vmovc v15  }
0x2f1: {  	s13 =	sadd.s32 $0x80, s13;
	v9 =	vnsel vm0, $0x0, v9;
	v24 =	vnsel vm1, $0x0, v5;
	v5 =	vmovc v23;
	v15 =	vmin.u32 v17, $0x1FF;
	v11 =	vld [tilespmem:s7+$0xC500]  }
0x2f2: {  	s19 =	sand.u32 $0x3C00, s13;
	s18 =	sand.u32 $0x70, s2;
	v23 =	vmin.u32 v12, $0x1FF;
	v12 =	vsub.f32 v24, v3;
	v17 =	vld [tilespmem:s17+$0xC400];
	v3 =	vadd.f32 $1.258291200e+07, v22  }
0x2f3: {  	v25 =	vmin.u32 v19, $0x1FF;
	v19 =	vnsel vm2, $0x0, v13;
	s19 =	sor.u32 s18, s19;
	v10 =	vsub.f32 v9, v10  }
0x2f4: {  	v24 =	vmul.f32 $6.400000000e+01, v5;
	v7 =	vsub.f32 v19, v7;
	v22 =	vld [tilespmem:s19+$0xC300];
	[tilespmem:s1+$0xC580] =	vst v12;
	v12 =	vadd.s32 $0xB4C00100, v3;
	v9 =	vmovc v18  }
0x2f5: {  	v18 =	vmul.f32 $6.400000000e+01, v20;
	v26 =	vmul.f32 $6.400000000e+01, v9;
	[tilespmem:s10+$0xC480] =	vst v10;
	v10 =	vld.idx.msk [tilespmem:v21+s21+$0x0], $0xffff;
	v30 =	vmin.u32 v12, $0x1FF;
	v13 =	vmovc v20  }
.Ltmp12:
0x2f6: {  	v12 =	vadd.f32 $1.258291200e+07, v24;
	[tilespmem:s7+$0xC380] =	vst v7;
	v19 =	vmul.f32 $6.400000000e+01, v11;
	v20 =	vld.idx.msk [tilespmem:v15+s21+$0x0], $0xffff;
	v15 =	vmul.f32 $6.400000000e+01, v29;
	(pc) =	sbr.rel @p1 .LBB2_23-.Ltmp12, $4  }
0x2f7: {  	v21 =	vadd.f32 $1.258291200e+07, v18;
	v24 =	vmul.f32 $6.400000000e+01, v17;
	v23 =	vld.idx.msk [tilespmem:v23+s21+$0x0], $0xffff;
	v18 =	vadd.f32 $1.258291200e+07, v26  }
0x2f8: {  	vm3 =	vge.f32 v27, $1.258291200e+07;
	vm0 =	vge.f32 v14, $1.258291200e+07;
	v7 =	vadd.s32 $0xB4C00100, v12;
	v25 =	vld.idx.msk [tilespmem:v25+s21+$0x0], $0xffff  }
0x2f9: {  	s6 =	sadd.s32 $0x1, s6;
	vm2 =	vge.f32 v16, $1.258291200e+07;
	vm1 =	vge.f32 v28, $1.258291200e+07;
	v26 =	vadd.s32 $0xB4C00100, v18  }
0x2fa: {  	v14 =	vnsel vm3, $0x0, v2;
	v2 =	vmovc v29;
	s2 =	sadd.s32 $0x10, s2;
	s18 =	sand.u32 $0x7, s6;
	v16 =	vmin.u32 v7, $0x1FF;
	v27 =	vadd.s32 $0xB4C00100, v21;
	v7 =	vld.idx.msk [tilespmem:v30+s21+$0x0], $0xffff  }
0x2fb: {  	v28 =	vmul.f32 $6.400000000e+01, v22;
	_ =	sdelay $0x1  }
0x2fc: {  	v28 =	vadd.f32 $1.258291200e+07, v28  }
0x2fd: {  	v29 =	vld [tilespmem:s19+$0xC380]  }
0x2fe: {  	v30 =	vadd.s32 $0xB4C00100, v28  }
0x2ff: {  	v30 =	vmin.u32 v30, $0x1FF;
	_ =	sdelay $0x2  }
0x300: {  	v31 =	vmul.f32 $6.400000000e+01, v29;
	_ =	sdelay $0x1  }
0x301: {  	v31 =	vadd.f32 $1.258291200e+07, v31;
	v30 =	vld.idx.msk [tilespmem:v30+s21+$0x0], $0xffff  }
0x302: {  	v52 =	vld [tilespmem:s19+$0xC400]  }
0x303: {  	v27 =	vmin.u32 v27, $0x1FF;
	v32 =	vadd.s32 $0xB4C00100, v31  }
0x304: {  	v8 =	vnsel vm2, $0x0, v8;
	vm15 =	vge.f32 v28, $1.258291200e+07;
	v53 =	vmin.u32 v32, $0x1FF  }
0x305: {  	v8 =	vsub.f32 v8, v25;
	v54 =	vnsel vm15, $0x0, v22  }
0x306: {  	v22 =	vsub.f32 v54, v30  }
0x307: {  	v55 =	vld [tilespmem:s17+$0xC480];
	[tilespmem:s17+$0xC300] =	vst v8;
	v57 =	vmul.f32 $6.400000000e+01, v52  }
0x308: {  	v24 =	vadd.f32 $1.258291200e+07, v24;
	v27 =	vld.idx.msk [tilespmem:v27+s21+$0x0], $0xffff;
	[tilespmem:s19+$0xC300] =	vst v22  }
0x309: {  	v59 =	vadd.f32 $1.258291200e+07, v57;
	v60 =	vld.idx.msk [tilespmem:v53+s21+$0x0], $0xffff  }
0x30a: {  	v62 =	vld [tilespmem:s19+$0xC480];
	v56 =	vadd.s32 $0xB4C00100, v24  }
0x30b: {  	vm4 =	vge.f32 v21, $1.258291200e+07;
	v58 =	vmin.u32 v56, $0x1FF;
	v33 =	vadd.s32 $0xB4C00100, v59  }
0x30c: {  	v13 =	vnsel vm4, $0x0, v13;
	vm5 =	vge.f32 v31, $1.258291200e+07;
	v36 =	vmin.u32 v33, $0x1FF  }
0x30d: {  	v61 =	vsub.f32 v13, v27;
	v29 =	vnsel vm5, $0x0, v29  }
0x30e: {  	v63 =	vmul.f32 $6.400000000e+01, v55;
	v29 =	vsub.f32 v29, v60  }
0x30f: {  	v34 =	vmul.f32 $6.400000000e+01, v62;
	v27 =	vld [tilespmem:s17+$0xC500];
	[tilespmem:s17+$0xC380] =	vst v61  }
0x310: {  	v26 =	vmin.u32 v26, $0x1FF;
	v32 =	vadd.f32 $1.258291200e+07, v63;
	v21 =	vld.idx.msk [tilespmem:v58+s21+$0x0], $0xffff;
	[tilespmem:s19+$0xC380] =	vst v29  }
0x311: {  	v6 =	vnsel vm1, $0x0, v6;
	v40 =	vadd.f32 $1.258291200e+07, v34;
	v29 =	vld.idx.msk [tilespmem:v36+s21+$0x0], $0xffff  }
0x312: {  	v38 =	vld [tilespmem:s19+$0xC500];
	v23 =	vsub.f32 v6, v23;
	v37 =	vadd.s32 $0xB4C00100, v32  }
0x313: {  	vm6 =	vge.f32 v24, $1.258291200e+07;
	v42 =	vadd.s32 $0xB4C00100, v40;
	v30 =	vmin.u32 v37, $0x1FF  }
0x314: {  	v17 =	vnsel vm6, $0x0, v17;
	[tilespmem:s7+$0xC400] =	vst v23;
	vm7 =	vge.f32 v59, $1.258291200e+07;
	v43 =	vmin.u32 v42, $0x1FF  }
0x315: {  	v19 =	vadd.f32 $1.258291200e+07, v19;
	v26 =	vld.idx.msk [tilespmem:v26+s21+$0x0], $0xffff;
	v45 =	vnsel vm7, $0x0, v52;
	v17 =	vsub.f32 v17, v21  }
0x316: {  	v39 =	vld [tilespmem:s7+$0xC580];
	v46 =	vmul.f32 $6.400000000e+01, v27;
	v23 =	vsub.f32 v45, v29  }
0x317: {  	v41 =	vld [tilespmem:s17+$0xC580];
	v47 =	vadd.s32 $0xB4C00100, v19;
	v48 =	vmul.f32 $6.400000000e+01, v38;
	[tilespmem:s17+$0xC400] =	vst v17  }
0x318: {  	vm8 =	vge.f32 v18, $1.258291200e+07;
	v18 =	vmin.u32 v47, $0x1FF;
	v25 =	vadd.f32 $1.258291200e+07, v46;
	v44 =	vld.idx.msk [tilespmem:v30+s21+$0x0], $0xffff;
	[tilespmem:s19+$0xC400] =	vst v23  }
0x319: {  	v4 =	vnsel vm0, $0x0, v4;
	v9 =	vnsel vm8, $0x0, v9;
	v50 =	vadd.f32 $1.258291200e+07, v48;
	v17 =	vld.idx.msk [tilespmem:v43+s21+$0x0], $0xffff  }
0x31a: {  	v49 =	vld [tilespmem:s19+$0xC580];
	v4 =	vsub.f32 v4, v20;
	v9 =	vsub.f32 v9, v26;
	v52 =	vadd.s32 $0xB4C00100, v25  }
0x31b: {  	vm9 =	vge.f32 v32, $1.258291200e+07;
	v53 =	vadd.s32 $0xB4C00100, v50;
	v29 =	vmin.u32 v52, $0x1FF  }
0x31c: {  	v6 =	vld [tilespmem:s17+$0xC600];
	vm10 =	vge.f32 v40, $1.258291200e+07;
	[tilespmem:s7+$0xC480] =	vst v9;
	v28 =	vnsel vm9, $0x0, v55;
	v55 =	vmin.u32 v53, $0x1FF  }
0x31d: {  	v51 =	vmul.f32 $6.400000000e+01, v39;
	v13 =	vnsel vm10, $0x0, v62;
	v18 =	vld.idx.msk [tilespmem:v18+s21+$0x0], $0xffff;
	v54 =	vsub.f32 v28, v44  }
0x31e: {  	vm12 =	vge.f32 v12, $1.258291200e+07;
	[tilespmem:s10+$0xC500] =	vst v4;
	v8 =	vld [tilespmem:s7+$0xC600];
	v56 =	vmul.f32 $6.400000000e+01, v41;
	v13 =	vsub.f32 v13, v17  }
0x31f: {  	vm11 =	vge.f32 v19, $1.258291200e+07;
	v16 =	vld.idx.msk [tilespmem:v16+s21+$0x0], $0xffff;
	v26 =	vadd.f32 $1.258291200e+07, v51;
	v58 =	vmul.f32 $6.400000000e+01, v49;
	[tilespmem:s17+$0xC480] =	vst v54  }
0x320: {  	v5 =	vnsel vm12, $0x0, v5;
	v11 =	vnsel vm11, $0x0, v11;
	v61 =	vld.idx.msk [tilespmem:v29+s21+$0x0], $0xffff;
	v17 =	vadd.f32 $1.258291200e+07, v56;
	[tilespmem:s19+$0xC480] =	vst v13  }
0x321: {  	v59 =	vadd.f32 $1.258291200e+07, v15;
	v57 =	vadd.s32 $0xB4C00100, v26;
	v9 =	vadd.f32 $1.258291200e+07, v58;
	v62 =	vld.idx.msk [tilespmem:v55+s21+$0x0], $0xffff  }
0x322: {  	v11 =	vsub.f32 v11, v18;
	v30 =	vld [tilespmem:s19+$0xC600];
	v60 =	vmin.u32 v57, $0x1FF;
	v22 =	vadd.s32 $0xB4C00100, v17  }
0x323: {  	vm13 =	vge.f32 v25, $1.258291200e+07;
	v25 =	vadd.s32 $0xB4C00100, v9;
	v18 =	vmin.u32 v22, $0x1FF  }
0x324: {  	vm14 =	vge.f32 v50, $1.258291200e+07;
	v27 =	vnsel vm13, $0x0, v27;
	v20 =	vmin.u32 v25, $0x1FF  }
0x325: {  	[tilespmem:s7+$0xC500] =	vst v11;
	v28 =	vmul.f32 $6.400000000e+01, v8;
	v29 =	vnsel vm14, $0x0, v38;
	v11 =	vsub.f32 v27, v61  }
0x326: {  	v31 =	vmul.f32 $6.400000000e+01, v6;
	v5 =	vsub.f32 v5, v16;
	v12 =	vsub.f32 v29, v62  }
0x327: {  	v63 =	vadd.s32 $0xB4C00100, v59;
	v33 =	vmul.f32 $6.400000000e+01, v30;
	v15 =	vld.idx.msk [tilespmem:v60+s21+$0x0], $0xffff;
	v32 =	vadd.f32 $1.258291200e+07, v28;
	[tilespmem:s17+$0xC500] =	vst v11  }
0x328: {  	v35 =	vadd.f32 $1.258291200e+07, v31;
	v4 =	vmin.u32 v63, $0x1FF;
	vm15 =	vge.f32 v26, $1.258291200e+07;
	v18 =	vld.idx.msk [tilespmem:v18+s21+$0x0], $0xffff;
	[tilespmem:s19+$0xC500] =	vst v12  }
0x329: {  	v37 =	vnsel vm15, $0x0, v39;
	v36 =	vadd.s32 $0xB4C00100, v32;
	v11 =	vadd.f32 $1.258291200e+07, v33;
	v20 =	vld.idx.msk [tilespmem:v20+s21+$0x0], $0xffff  }
0x32a: {  	vm5 =	vge.f32 v9, $1.258291200e+07;
	v38 =	vadd.s32 $0xB4C00100, v35;
	v12 =	vmin.u32 v36, $0x1FF  }
0x32b: {  	v39 =	vmin.u32 v38, $0x1FF;
	vm4 =	vge.f32 v17, $1.258291200e+07;
	v40 =	vadd.s32 $0xB4C00100, v11  }
0x32c: {  	[tilespmem:s10+$0xC580] =	vst v5;
	v15 =	vsub.f32 v37, v15;
	v21 =	vnsel vm4, $0x0, v41;
	v41 =	vmin.u32 v40, $0x1FF  }
0x32d: {  	v4 =	vld.idx.msk [tilespmem:v4+s21+$0x0], $0xffff;
	v43 =	vnsel vm5, $0x0, v49;
	v42 =	vsub.f32 v21, v18  }
0x32e: {  	[tilespmem:s7+$0xC580] =	vst v15;
	v44 =	vsub.f32 v43, v20  }
0x32f: {  	s6 =	sadd.s32 $0x1, s6;
	v12 =	vld.idx.msk [tilespmem:v12+s21+$0x0], $0xffff;
	[tilespmem:s17+$0xC580] =	vst v42  }
0x330: {  	s2 =	sshll.u32 s18, $0x4;
	s28 =	sand.u32 $0x7, s6;
	vm6 =	vge.f32 v59, $1.258291200e+07;
	v5 =	vld.idx.msk [tilespmem:v39+s21+$0x0], $0xffff;
	[tilespmem:s19+$0xC580] =	vst v44  }
0x331: {  	s2 =	sadd.s32 s2, s8;
	s26 =	sshll.u32 s28, $0x4;
	v2 =	vnsel vm6, $0x0, v2;
	v9 =	vld.idx.msk [tilespmem:v41+s21+$0x0], $0xffff  }
0x332: {  	s2 =	sor.u32 $0x380, s2;
	s28 =	sadd.s32 $0x1, s6;
	s8 =	sadd.s32 s26, s15;
	v2 =	vsub.f32 v2, v4;
	vm7 =	vge.f32 v32, $1.258291200e+07  }
0x333: {  	v10 =	vsub.f32 v14, v10;
	s18 =	sand.u32 $0x7, s28;
	s15 =	sadd.s32 $0x1, s28;
	s6 =	sor.u32 $0x380, s8;
	vm8 =	vge.f32 v35, $1.258291200e+07;
	v45 =	vnsel vm7, $0x0, v8  }
0x334: {  	s26 =	sshll.u32 s18, $0x4;
	s28 =	sand.u32 $0x7, s15;
	s15 =	sadd.s32 $0x1, s15;
	v6 =	vnsel vm8, $0x0, v6;
	[tilespmem:s10+$0xC600] =	vst v2;
	vm9 =	vge.f32 v11, $1.258291200e+07;
	v4 =	vsub.f32 v45, v12  }
0x335: {  	[tilespmem:s1+$0xC600] =	vst v10;
	s1 =	sadd.s32 s26, s16;
	s8 =	sshll.u32 s28, $0x4;
	s16 =	sand.u32 $0x7, s15;
	v48 =	vld [tilespmem:s6+$0xC300];
	v47 =	vnsel vm9, $0x0, v30;
	v2 =	vsub.f32 v6, v5  }
0x336: {  	s1 =	sor.u32 $0x380, s1;
	s18 =	sadd.s32 s8, s11;
	s26 =	sshll.u32 s16, $0x4;
	v46 =	vld [tilespmem:s2+$0xC300];
	[tilespmem:s7+$0xC600] =	vst v4;
	v49 =	vsub.f32 v47, v9  }
0x337: {  	s8 =	sadd.s32 s26, s13;
	s7 =	sor.u32 $0x380, s18;
	v50 =	vld [tilespmem:s1+$0xC300];
	[tilespmem:s17+$0xC600] =	vst v2  }
0x338: {  	s8 =	sor.u32 $0x380, s8;
	v2 =	vld [tilespmem:s7+$0xC300];
	[tilespmem:s19+$0xC600] =	vst v49  }
0x339: {  	v4 =	vld [tilespmem:s8+$0xC300]  }
0x33a: {  	v52 =	vmul.f32 $6.400000000e+01, v48  }
0x33b: {  	v51 =	vmul.f32 $6.400000000e+01, v46  }
0x33c: {  	v10 =	vadd.f32 $1.258291200e+07, v52;
	v53 =	vmul.f32 $6.400000000e+01, v50  }
0x33d: {  	v9 =	vadd.f32 $1.258291200e+07, v51;
	v54 =	vmul.f32 $6.400000000e+01, v2  }
0x33e: {  	v57 =	vadd.s32 $0xB4C00100, v10;
	v11 =	vadd.f32 $1.258291200e+07, v53;
	v56 =	vmul.f32 $6.400000000e+01, v4  }
0x33f: {  	v15 =	vmin.u32 v57, $0x1FF;
	v55 =	vadd.s32 $0xB4C00100, v9;
	v12 =	vadd.f32 $1.258291200e+07, v54  }
0x340: {  	v13 =	vmin.u32 v55, $0x1FF;
	v58 =	vadd.s32 $0xB4C00100, v11;
	v14 =	vadd.f32 $1.258291200e+07, v56  }
0x341: {  	v16 =	vmin.u32 v58, $0x1FF;
	v59 =	vadd.s32 $0xB4C00100, v12  }
0x342: {  	v17 =	vmin.u32 v59, $0x1FF;
	v60 =	vadd.s32 $0xB4C00100, v14  }
0x343: {  	v18 =	vmin.u32 v60, $0x1FF  }
0x344: {  	v15 =	vld.idx.msk [tilespmem:v15+s21+$0x0], $0xffff  }
0x345: {  	vm10 =	vge.f32 v3, $1.258291200e+07;
	v13 =	vld.idx.msk [tilespmem:v13+s21+$0x0], $0xffff  }
0x346: {  	v1 =	vnsel vm10, $0x0, v1;
	v3 =	vld.idx.msk [tilespmem:v16+s21+$0x0], $0xffff  }
0x347: {  	v1 =	vsub.f32 v1, v7;
	vm12 =	vge.f32 v10, $1.258291200e+07;
	v61 =	vld.idx.msk [tilespmem:v17+s21+$0x0], $0xffff  }
0x348: {  	v6 =	vnsel vm12, $0x0, v48;
	vm11 =	vge.f32 v9, $1.258291200e+07;
	v63 =	vld.idx.msk [tilespmem:v18+s21+$0x0], $0xffff  }
0x349: {  	[tilespmem:s14+$0xC300] =	vst v1;
	v1 =	vsub.f32 v6, v15;
	v62 =	vnsel vm11, $0x0, v46;
	vm13 =	vge.f32 v11, $1.258291200e+07  }
0x34a: {  	v5 =	vnsel vm13, $0x0, v50;
	vm14 =	vge.f32 v12, $1.258291200e+07;
	v7 =	vsub.f32 v62, v13  }
0x34b: {  	[tilespmem:s6+$0xC300] =	vst v1;
	v2 =	vnsel vm14, $0x0, v2;
	vm15 =	vge.f32 v14, $1.258291200e+07;
	v3 =	vsub.f32 v5, v3  }
.Ltmp13:
0x34c: {  	[tilespmem:s2+$0xC300] =	vst v7;
	v1 =	vsub.f32 v2, v61;
	v2 =	vnsel vm15, $0x0, v4;
	(pc) =	sbr.rel @p0 .LBB2_26-.Ltmp13, $4  }
0x34d: {  	[tilespmem:s1+$0xC300] =	vst v3;
	v2 =	vsub.f32 v2, v63  }
0x34e: {  	[tilespmem:s7+$0xC300] =	vst v1  }
0x34f: {  	s28 =	sadd.s32 s4, s9;
	[tilespmem:s8+$0xC300] =	vst v2  }
0x350: {  	[hbm4b:s28+s5] =	stream.linear.scatter [tilespmem:s31], [sflag:$0x8], $0x4000, $0x38;
	[tilespmem:$0x10300] =	vst v63  }
0x351: {  	_ =	swait.ge [sflag:s29], $0x4000  }
.Ltmp14:
0x352: {  	s1 =	rddreg [dreg:$0xc];
	(pc) =	sbr.rel .LBB2_4-.Ltmp14, $4  }
0x353: {  	s1 =	sadd.s32 s3, s1  }
0x354: {  	[sflag:s29] =	ssyncset.done $0x0;
	s1 =	sshrl.u32 s1, $0x3  }
0x355: {  	s0 =	sadd.s32 $0x1, s0;
	[sflag:s29] =	ssyncadd.s32 $0xFFFFC000;
	s1 =	sadd.s32 s30, s1  }
0x356: {  	[tilespmem:s22], [sflag:$0x3] =	stream.linear.gather [hbm4b:s1+s5], $0x4000, $0x38;
	[tilespmem:$0x10300] =	vst v63  }
.LBB2_5:
.Ltmp15:
0x357: {  	_ = 	snop;
	(pc) =	sbr.rel .LBB2_18-.Ltmp15, $2  }
0x358: {  	_ =	sdelay $0x2  }
0x359: {  	s18 =	smov.u32 s10;
	s9 =	smov.u32 s12;
	s14 =	smov.u32 s12;
	v41 =	vmov v3  }
.LBB2_7:
.Ltmp16:
0x35a: {  	(pc) =	sbr.rel .LBB2_18-.Ltmp16, $3  }
0x35b: {  	_ =	sdelay $0x1  }
0x35c: {  	s22 =	smov.u32 s10;
	s18 =	smov.u32 s17  }
0x35d: {  	v2 =	vmovc v44;
	s1 =	smov.u32 s12;
	s9 =	simm.s32 $0x80;
	v42 =	vmov v1;
	s14 =	smov.u32 s12;
	v41 =	vmov v37;
	v37 =	vmov v3  }
.LBB2_9:
.Ltmp17:
0x35e: {  	(pc) =	sbr.rel .LBB2_18-.Ltmp17, $4  }
0x35f: {  	_ = 	snop  }
0x360: {  	s2 =	smov.u32 s10  }
0x361: {  	s13 =	simm.s32 $0x0;
	s22 =	smov.u32 s17;
	s18 =	smov.u32 s7  }
0x362: {  	v22 =	vmov v3;
	s1 =	simm.s32 $0x80;
	s9 =	simm.s32 $0x100;
	s14 =	simm.s32 $0x0;
	v41 =	vmov v4  }
.LBB2_11:
.Ltmp18:
0x363: {  	(pc) =	sbr.rel .LBB2_18-.Ltmp18, $4  }
0x364: {  	_ = 	snop  }
0x365: {  	v44 =	vmovc v2;
	v22 =	vmovc v8;
	s2 =	smov.u32 s17;
	v2 =	vmov v17;
	vm5 =	vmmov vm0;
	v38 =	vmov v3  }
0x366: {  	s16 =	simm.s32 $0x0;
	s22 =	smov.u32 s7;
	s13 =	simm.s32 $0x80;
	v49 =	vmovc v11;
	v50 =	vmovc v14;
	v48 =	vmov v9;
	v30 =	vmov v10;
	v40 =	vmov v5  }
0x367: {  	s1 =	simm.s32 $0x100;
	s30 =	smov.u32 s10;
	v42 =	vmovc v7;
	s14 =	simm.s32 $0x0;
	v16 =	vmovc v1;
	v41 =	vmov v37;
	v37 =	vmov v4;
	v47 =	vmov v12  }
.LBB2_13:
.Ltmp19:
0x368: {  	(pc) =	sbr.rel .LBB2_18-.Ltmp19, $4  }
0x369: {  	s16 =	simm.s32 $0x80;
	s22 =	smov.u32 s18;
	v46 =	vmovc v29;
	vm5 =	vmmov vm1;
	v38 =	vmov v8;
	s31 =	smov.u32 s11;
	v23 =	vmov v10  }
0x36a: {  	v22 =	vmovc v20;
	vm4 =	vmmov vm2;
	v44 =	vmovc v17;
	s2 =	smov.u32 s7;
	s28 =	smov.u32 s12;
	s13 =	simm.s32 $0x100;
	v41 =	vmov v51;
	v49 =	vmov v26  }
0x36b: {  	s19 =	smov.u32 s10;
	s1 =	simm.s32 $0x180;
	s9 =	simm.s32 $0x200;
	v35 =	vmovc v32;
	v50 =	vmovc v31;
	v39 =	vmov v33;
	v48 =	vmov v28;
	v30 =	vmov v27  }
0x36c: {  	s30 =	smov.u32 s17;
	s18 =	smov.u32 s3;
	v40 =	vmovc v21;
	s14 =	smov.u32 s12;
	v16 =	vmovc v13;
	v18 =	vmov v7;
	v47 =	vmov v25;
	v43 =	vmov v34  }
.LBB2_15:
.Ltmp20:
0x36d: {  	(pc) =	sbr.rel .LBB2_18-.Ltmp20, $4  }
0x36e: {  	_ = 	snop  }
0x36f: {  	s2 =	smov.u32 s18;
	s28 =	simm.s32 $0x80;
	s16 =	simm.s32 $0x100  }
0x370: {  	s13 =	simm.s32 $0x180;
	s19 =	smov.u32 s17;
	s9 =	simm.s32 $0x280  }
0x371: {  	v44 =	vmovc v2;
	v38 =	vmovc v20;
	v2 =	vmov v37;
	v37 =	vmov v51;
	s30 =	smov.u32 s7;
	s22 =	smov.u32 s3;
	s18 =	smov.u32 s6;
	v42 =	vmov v52  }
.LBB2_27:
0x372: {  	_ =	sfence.sel $0x180000  }
0x373: {  	[bflag:$0x0] =	sbarrier.arrive $0xFFFF  }
0x374: {  	_ =	strace $0x90000047  }
0x375: {  	s0 =	stileid.u32;
	[bflag:$0x2] =	sbarrier.arrive $0xFFFF  }
0x376: {  	p0 =	sne.s32 s0, $0x0;
	s0 =	rddreg [dreg:$0x3]  }
0x377: {  	s0 =	sadd.s32 @!p0 $0x100000, s0  }
0x378: {  	[sflag:s0] =	ssyncadd.tile.s32 @!p0 $0x1;
	_ =	shalt  }
.Lfunc_end2:
_tile_overlayer_lowered:
.L_overlay_start_2:
0x379: {  	(tag) =	ssettag $0x2  }
0x37a: {  	s0 =	rddreg [dreg:$0x0];
	s2 =	stileid.u32  }
0x37b: {  	s1 =	rddreg [dreg:$0x1];
	p0 =	sne.s32 s2, $0x0  }
0x37c: {  	s3 =	rddreg [dreg:$0x2];
	[bflag:$0x3] =	sbarrier.arrive $0xFFFF;
	s2 =	simm.s32 @!p0 $0x1C09  }
0x37d: {  	[timem:s3], [sflag:s2] =	dma.local @!p0 [hbm:s0], s1  }
0x37e: {  	s0 =	simm.s32 @!p0 $0x9  }
0x37f: {  	_ =	swait.ge @!p0 [sflag:s0], s1  }
0x380: {  	s1 =	ssub.s32 @!p0 $0x0, s1;
	[sflag:s0] =	ssyncset.done @!p0 $0x0  }
0x381: {  	[sflag:s0] =	ssyncadd.s32 @!p0 s1  }
0x382: {  	[bflag:$0x3] =	sbarrier.arrive $0xFFFF  }
0x383: {  	_ =	shalt  }

</sc_bundles>
